<compile_context>
chip_gen: v7x
topology: tpu7x:2x2x1
jax: 0.10.2.dev20260603
libtpu: 0.0.44.dev20260713+nightly
codegen_flags: <defaults>
</compile_context>

<pallas_src>
import functools

import jax
import jax.numpy as jnp
from jax import lax
from jax.experimental import pallas as pl
from jax.experimental.pallas import tpu as pltpu
from jax.experimental.pallas import tpu_sc as plsc

N = 5000
NP = 5120
L = 16
NT = 16
SEG = NP // NT
SCHUNK = SEG // L
NCHUNK = NP // L
CAP = 416
CONF_T = 0.3
CONF_BITS = 0x3E99999A
IOU_T = 0.25
IMG = 640.0


def _conf_body(scores_ref, cls_ref, out_ref):
    out_ref[...] = scores_ref[...] * jnp.max(cls_ref[...], axis=1, keepdims=True)


def _conf(scores2d, cls2d):
    return pl.pallas_call(
        _conf_body,
        out_shape=jax.ShapeDtypeStruct((NP, 1), jnp.float32),
    )(scores2d, cls2d)


_sc_mesh = plsc.VectorSubcoreMesh(
    core_axis_name="c", subcore_axis_name="s", num_cores=2, num_subcores=16)


@functools.partial(
    pl.kernel,
    out_type=[jax.ShapeDtypeStruct((NP,), jnp.float32),
              jax.ShapeDtypeStruct((NP,), jnp.float32),
              jax.ShapeDtypeStruct((L,), jnp.int32)],
    mesh=_sc_mesh,
    scratch_types=[
        pltpu.VMEM((NP,), jnp.float32),
        pltpu.VMEM((NP,), jnp.float32),
        pltpu.VMEM((NP,), jnp.float32),
        pltpu.VMEM((NP,), jnp.float32),
        pltpu.VMEM((SEG,), jnp.float32),
        pltpu.VMEM((SEG,), jnp.float32),
        pltpu.VMEM((L,), jnp.int32),
        pltpu.VMEM((2, NT, L), jnp.int32),
        pltpu.VMEM_SHARED((2, NT, L), jnp.int32),
        pltpu.SMEM((1,), jnp.int32),
    ],
    compiler_params=pltpu.CompilerParams(needs_layout_passes=False),
)
def _nms_sc(cx_h, cy_h, w_h, h_h, conf_h, keep_h,
            conf_o, keep_o, stat_o,
            x1_v, y1_v, x2_v, y2_v, conf_v, keep_v, row_v, all_v, sh_x,
            cnt_s):
    cid = lax.axis_index("c")
    sid = lax.axis_index("s")

    @pl.when(cid == 0)
    def _():
        base = sid * SEG
        lane = jnp.arange(L, dtype=jnp.int32)

        pltpu.sync_copy(cx_h, x1_v)
        pltpu.sync_copy(cy_h, y1_v)
        pltpu.sync_copy(w_h, x2_v)
        pltpu.sync_copy(h_h, y2_v)
        pltpu.sync_copy(conf_h.at[pl.ds(base, SEG)], conf_v)
        pltpu.sync_copy(keep_h.at[pl.ds(base, SEG)], keep_v)

        @pl.when(sid == 0)
        def _():
            cnt_s[0] = jnp.int32(0)
        plsc.subcore_barrier()

        def prep(k, _):
            s = pl.ds(k * L, L)
            cx = x1_v[s] * IMG
            cy = y1_v[s] * IMG
            w = x2_v[s] * IMG
            h = y2_v[s] * IMG
            x1_v[s] = cx - w / 2.0
            y1_v[s] = cy - h / 2.0
            x2_v[s] = cx + w / 2.0
            y2_v[s] = cy + h / 2.0
            return 0
        lax.fori_loop(0, NCHUNK, prep, 0)

        def exchange(rnd, m, ci):
            keys = jnp.where(m >= 0.0, plsc.bitcast(m, jnp.int32),
                             jnp.int32(-1))
            lk = jnp.max(keys)
            gidx = base + ci * L + lane
            li = jnp.min(jnp.where(keys == lk, gidx, jnp.int32(NP)))
            slot = lax.rem(rnd, jnp.int32(2))
            row_v[...] = jnp.where(lane == 0, lk,
                                   jnp.where(lane == 1, li, jnp.int32(0)))
            pltpu.sync_copy(row_v, sh_x.at[slot, sid])
            plsc.fetch_and_add(cnt_s.at[0], jnp.int32(1), subcore_id=0)
            c = lax.while_loop(
                lambda c: c < rnd * NT,
                lambda c: plsc.fetch_and_add(cnt_s.at[0], jnp.int32(0),
                                             subcore_id=0),
                jnp.int32(0))
            j = lax.rem(c, jnp.int32(2))
            pltpu.sync_copy(sh_x.at[slot], all_v.at[j])
            jv = jnp.full((L,), j, jnp.int32)
            tv = plsc.load_gather(all_v, [jv, lane,
                                          jnp.zeros((L,), jnp.int32)])
            ti = plsc.load_gather(all_v, [jv, lane,
                                          jnp.ones((L,), jnp.int32)])
            gk = jnp.max(tv)
            gi = jnp.min(jnp.where(tv == gk, ti, jnp.int32(NP)))
            return gk, gi

        def init_pass():
            m = jnp.full((L,), -3.0, jnp.float32)
            ci = jnp.zeros((L,), jnp.int32)
            for k in range(SCHUNK):
                v = conf_v[pl.ds(k * L, L)]
                upd = v > m
                m = jnp.where(upd, v, m)
                ci = jnp.where(upd, k, ci)
            return exchange(jnp.int32(1), m, ci)

        def body(t, state):
            gk, gi = state
            live = gk > CONF_BITS
            gi = jnp.minimum(gi, jnp.int32(NP - 1))
            giv = jnp.full((L,), gi, jnp.int32)
            inseg = (gi >= base) & (gi < base + SEG) & live
            plsc.store_scatter(
                keep_v, [jnp.full((L,), jnp.clip(gi - base, 0, SEG - 1),
                                  jnp.int32)],
                jnp.ones((L,), jnp.float32), mask=(lane == 0) & inseg)
            px1 = plsc.load_gather(x1_v, [giv])
            py1 = plsc.load_gather(y1_v, [giv])
            px2 = plsc.load_gather(x2_v, [giv])
            py2 = plsc.load_gather(y2_v, [giv])
            parea = (px2 - px1) * (py2 - py1)

            m = jnp.full((L,), -3.0, jnp.float32)
            ci = jnp.zeros((L,), jnp.int32)
            for k in range(SCHUNK):
                s = pl.ds(k * L, L)
                g = pl.ds(base + k * L, L)
                x1 = x1_v[g]
                y1 = y1_v[g]
                x2 = x2_v[g]
                y2 = y2_v[g]
                area = (x2 - x1) * (y2 - y1)
                iw = jnp.maximum(jnp.minimum(x2, px2) - jnp.maximum(x1, px1),
                                 0.0)
                ih = jnp.maximum(jnp.minimum(y2, py2) - jnp.maximum(y1, py1),
                                 0.0)
                inter = iw * ih
                iou = inter / (area + parea - inter + 1e-9)
                sup = ((iou > IOU_T) | (base + k * L + lane == gi)) & live
                v = jnp.where(sup, -1.0, conf_v[s])
                conf_v[s] = v
                upd = v > m
                m = jnp.where(upd, v, m)
                ci = jnp.where(upd, k, ci)
            return exchange(t + jnp.int32(2), m, ci)

        gk, _ = lax.fori_loop(0, CAP, body, init_pass())

        pltpu.sync_copy(conf_v, conf_o.at[pl.ds(base, SEG)])
        pltpu.sync_copy(keep_v, keep_o.at[pl.ds(base, SEG)])

        @pl.when(sid == 0)
        def _():
            row_v[...] = jnp.full((L,), gk, jnp.int32)
            pltpu.sync_copy(row_v, stat_o)


def _asm_body(boxes_ref, conf_ref, keep_ref, out_ref):
    xywh_norm = (boxes_ref[...] * IMG) / IMG
    k = keep_ref[...]
    out_ref[...] = jnp.concatenate([xywh_norm * k, conf_ref[...] * k], axis=1)


def _assemble(boxes, conf, keep):
    return pl.pallas_call(
        _asm_body,
        out_shape=jax.ShapeDtypeStruct((N, 5), jnp.float32),
    )(boxes, conf, keep)


def kernel(boxes, scores, cls_probs):
    scores2d = jnp.pad(scores, (0, NP - N)).reshape(NP, 1)
    cls_p = jnp.pad(cls_probs, ((0, NP - N), (0, 0)))
    conf_col = _conf(scores2d, cls_p)
    bp = jnp.pad(boxes, ((0, NP - N), (0, 0)))
    cx, cy, w, h = bp[:, 0], bp[:, 1], bp[:, 2], bp[:, 3]

    st = _nms_sc(cx, cy, w, h, conf_col.reshape(NP),
                 jnp.zeros((NP,), jnp.float32))
    st = lax.while_loop(
        lambda c: c[2][0] > CONF_BITS,
        lambda c: _nms_sc(cx, cy, w, h, c[0], c[1]),
        st)
    keep = st[1]
    out = _assemble(boxes, conf_col[:N], keep[:N].reshape(N, 1))
    return out

# --- scband reference (transcript-rebuilt; emitter-appended) ---
"""Pipeline reference for scband-yolodetector-47562467836365 (READ-ONLY COPY).

The authoritative reference and input builder live on the scoring server;
editing this copy changes nothing except your own understanding.
"""

import jax, jax.numpy as jnp
import numpy as np

N = 5000
N_CLASSES = 80
CONF_THRES = 0.3
IOU_THRES = 0.25
IMG_SIZE = 640.0


def xywh2xyxy(b):
    cx, cy, w, h = b[:, 0], b[:, 1], b[:, 2], b[:, 3]
    return jnp.stack([cx - w / 2.0, cy - h / 2.0, cx + w / 2.0, cy + h / 2.0], axis=1)


def pairwise_iou(boxes):
    x1, y1, x2, y2 = boxes[:, 0], boxes[:, 1], boxes[:, 2], boxes[:, 3]
    area = (x2 - x1) * (y2 - y1)
    ix1 = jnp.maximum(x1[:, None], x1[None, :])
    iy1 = jnp.maximum(y1[:, None], y1[None, :])
    ix2 = jnp.minimum(x2[:, None], x2[None, :])
    iy2 = jnp.minimum(y2[:, None], y2[None, :])
    iw = jnp.maximum(ix2 - ix1, 0.0)
    ih = jnp.maximum(iy2 - iy1, 0.0)
    inter = iw * ih
    union = area[:, None] + area[None, :] - inter
    return inter / (union + 1e-9)


def nms_keep(xyxy, conf):
    n = conf.shape[0]
    valid = conf > CONF_THRES
    order = jnp.argsort(-jnp.where(valid, conf, -1.0))
    b = xyxy[order]
    v = valid[order]
    iou = pairwise_iou(b)
    idx = jnp.arange(n)

    def body(i, suppressed):
        keep_i = v[i] & jnp.logical_not(suppressed[i])
        new_sup = keep_i & (iou[i] > IOU_THRES) & (idx > i)
        return jnp.logical_or(suppressed, new_sup)

    suppressed = jax.lax.fori_loop(0, n, body, jnp.zeros((n,), dtype=bool))
    keep_ord = v & jnp.logical_not(suppressed)
    return jnp.zeros((n,), dtype=bool).at[order].set(keep_ord)


def setup_inputs(seed: int = 0):
    key = jax.random.key(seed)
    k1, k2, k3 = jax.random.split(key, 3)
    boxes = jax.random.uniform(k1, (N, 4), dtype=jnp.float32)
    scores = jax.random.uniform(k2, (N,), dtype=jnp.float32)
    cls_probs = jax.random.uniform(k3, (N, N_CLASSES), dtype=jnp.float32)
    return {"boxes": boxes, "scores": scores, "cls_probs": cls_probs}


def reference(boxes, scores, cls_probs):
    # YOLO-style postprocess: xywh (normalized) -> pixel xyxy, conf = obj * max cls prob,
    # conf threshold 0.3, class-agnostic greedy NMS at iou 0.25 (matches original call).
    xywh = boxes * IMG_SIZE
    xyxy = xywh2xyxy(xywh)
    conf = scores * jnp.max(cls_probs, axis=1)
    keep = nms_keep(jax.lax.stop_gradient(xyxy), jax.lax.stop_gradient(conf))
    keepf = keep.astype(jnp.float32)
    xywh_norm = xywh / IMG_SIZE
    out = jnp.concatenate([xywh_norm * keepf[:, None], (conf * keepf)[:, None]], axis=1)
    return out

if __name__ == "__main__":
    import jax
    _d = setup_inputs()
    print(jax.jit(kernel)(*tuple(_d.values())))

</pallas_src>

<mosaic_0001>
#map = affine_map<(d0, d1) -> (0)>
module attributes {stable_mosaic.version = 14 : i64} {
  func.func @_nms_sc(%arg0: i32, %arg1: i32, %arg2: memref<5120xf32, #tpu.memory_space<hbm>>, %arg3: memref<5120xf32, #tpu.memory_space<hbm>>, %arg4: memref<5120xf32, #tpu.memory_space<hbm>>, %arg5: memref<5120xf32, #tpu.memory_space<hbm>>, %arg6: memref<5120xf32, #tpu.memory_space<hbm>>, %arg7: memref<5120xf32, #tpu.memory_space<hbm>>, %arg8: memref<5120xf32, #tpu.memory_space<hbm>>, %arg9: memref<5120xf32, #tpu.memory_space<hbm>>, %arg10: memref<16xi32, #tpu.memory_space<hbm>>, %arg11: memref<5120xf32, #tpu.memory_space<vmem>>, %arg12: memref<5120xf32, #tpu.memory_space<vmem>>, %arg13: memref<5120xf32, #tpu.memory_space<vmem>>, %arg14: memref<5120xf32, #tpu.memory_space<vmem>>, %arg15: memref<320xf32, #tpu.memory_space<vmem>>, %arg16: memref<320xf32, #tpu.memory_space<vmem>>, %arg17: memref<16xi32, #tpu.memory_space<vmem>>, %arg18: memref<2x16x16xi32, #tpu.memory_space<vmem>>, %arg19: memref<2x16x16xi32, #tpu.memory_space<vmem_shared>>, %arg20: memref<1xi32, #tpu.memory_space<smem>>) attributes {dimension_semantics = [#tpu.dimension_semantics<core_parallel>, #tpu.dimension_semantics<subcore_parallel>], iteration_bounds = array<i64: 2, 16>, scalar_prefetch = 0 : i64, scratch_operands = 10 : i64, tpu.core_type = #tpu.core_type<sc_vector_subcore>, window_params = [{transform_indices = #map}, {transform_indices = #map}, {transform_indices = #map}, {transform_indices = #map}, {transform_indices = #map}, {transform_indices = #map}, {transform_indices = #map}, {transform_indices = #map}, {transform_indices = #map}]} {
    %eq3A = arith.constant 0 : i32
    %eq3A_0 = arith.cmpi eq, %arg0, %eq3A : i32
    %convert_element_type3A = arith.extui %eq3A_0 : i1 to i32
    %cond3A = arith.constant 0 : i32
    %cond3A_1 = arith.cmpi ne, %convert_element_type3A, %cond3A : i32
    scf.if %cond3A_1 {
      %mul3A = arith.constant 320 : i32
      %mul3A_2 = arith.muli %arg1, %mul3A : i32
      %iota3A = tpu.iota {dimensions = array<i32: 0>} : vector<16xi32>
      "tpu.region"() ({
        %run_scoped3A = tpu.sem_alloc : memref<!tpu.dma_semaphore, #tpu.memory_space<semaphore_mem>>
        tpu.enqueue_dma source(%arg2 : memref<5120xf32, #tpu.memory_space<hbm>>) target(%arg11 : memref<5120xf32, #tpu.memory_space<vmem>>) target_semaphore(%run_scoped3A : memref<!tpu.dma_semaphore, #tpu.memory_space<semaphore_mem>>)
        tpu.wait_dma2 semaphore(%run_scoped3A : memref<!tpu.dma_semaphore, #tpu.memory_space<semaphore_mem>>) src(%arg2 : memref<5120xf32, #tpu.memory_space<hbm>>) dst(%arg11 : memref<5120xf32, #tpu.memory_space<vmem>>)
        tpu.yield
      }) : () -> ()
      "tpu.region"() ({
        %run_scoped3A = tpu.sem_alloc : memref<!tpu.dma_semaphore, #tpu.memory_space<semaphore_mem>>
        tpu.enqueue_dma source(%arg3 : memref<5120xf32, #tpu.memory_space<hbm>>) target(%arg12 : memref<5120xf32, #tpu.memory_space<vmem>>) target_semaphore(%run_scoped3A : memref<!tpu.dma_semaphore, #tpu.memory_space<semaphore_mem>>)
        tpu.wait_dma2 semaphore(%run_scoped3A : memref<!tpu.dma_semaphore, #tpu.memory_space<semaphore_mem>>) src(%arg3 : memref<5120xf32, #tpu.memory_space<hbm>>) dst(%arg12 : memref<5120xf32, #tpu.memory_space<vmem>>)
        tpu.yield
      }) : () -> ()
      "tpu.region"() ({
        %run_scoped3A = tpu.sem_alloc : memref<!tpu.dma_semaphore, #tpu.memory_space<semaphore_mem>>
        tpu.enqueue_dma source(%arg4 : memref<5120xf32, #tpu.memory_space<hbm>>) target(%arg13 : memref<5120xf32, #tpu.memory_space<vmem>>) target_semaphore(%run_scoped3A : memref<!tpu.dma_semaphore, #tpu.memory_space<semaphore_mem>>)
        tpu.wait_dma2 semaphore(%run_scoped3A : memref<!tpu.dma_semaphore, #tpu.memory_space<semaphore_mem>>) src(%arg4 : memref<5120xf32, #tpu.memory_space<hbm>>) dst(%arg13 : memref<5120xf32, #tpu.memory_space<vmem>>)
        tpu.yield
      }) : () -> ()
      "tpu.region"() ({
        %run_scoped3A = tpu.sem_alloc : memref<!tpu.dma_semaphore, #tpu.memory_space<semaphore_mem>>
        tpu.enqueue_dma source(%arg5 : memref<5120xf32, #tpu.memory_space<hbm>>) target(%arg14 : memref<5120xf32, #tpu.memory_space<vmem>>) target_semaphore(%run_scoped3A : memref<!tpu.dma_semaphore, #tpu.memory_space<semaphore_mem>>)
        tpu.wait_dma2 semaphore(%run_scoped3A : memref<!tpu.dma_semaphore, #tpu.memory_space<semaphore_mem>>) src(%arg5 : memref<5120xf32, #tpu.memory_space<hbm>>) dst(%arg14 : memref<5120xf32, #tpu.memory_space<vmem>>)
        tpu.yield
      }) : () -> ()
      "tpu.region"() ({
        %run_scoped3A = tpu.sem_alloc : memref<!tpu.dma_semaphore, #tpu.memory_space<semaphore_mem>>
        %dma_start3A = tpu.memref_slice %arg6[%mul3A_2] : memref<5120xf32, #tpu.memory_space<hbm>> -> memref<320xf32, #tpu.memory_space<hbm>>
        %dma_start3A_242 = tpu.memref_slice %arg6[%mul3A_2] : memref<5120xf32, #tpu.memory_space<hbm>> -> memref<320xf32, #tpu.memory_space<hbm>>
        tpu.enqueue_dma source(%dma_start3A_242 : memref<320xf32, #tpu.memory_space<hbm>>) target(%arg15 : memref<320xf32, #tpu.memory_space<vmem>>) target_semaphore(%run_scoped3A : memref<!tpu.dma_semaphore, #tpu.memory_space<semaphore_mem>>)
        %dma_wait3A = tpu.memref_slice %arg6[%mul3A_2] : memref<5120xf32, #tpu.memory_space<hbm>> -> memref<320xf32, #tpu.memory_space<hbm>>
        %dma_wait3A_243 = tpu.memref_slice %arg6[%mul3A_2] : memref<5120xf32, #tpu.memory_space<hbm>> -> memref<320xf32, #tpu.memory_space<hbm>>
        tpu.wait_dma2 semaphore(%run_scoped3A : memref<!tpu.dma_semaphore, #tpu.memory_space<semaphore_mem>>) src(%dma_wait3A_243 : memref<320xf32, #tpu.memory_space<hbm>>) dst(%arg15 : memref<320xf32, #tpu.memory_space<vmem>>)
        tpu.yield
      }) : () -> ()
      "tpu.region"() ({
        %run_scoped3A = tpu.sem_alloc : memref<!tpu.dma_semaphore, #tpu.memory_space<semaphore_mem>>
        %dma_start3A = tpu.memref_slice %arg7[%mul3A_2] : memref<5120xf32, #tpu.memory_space<hbm>> -> memref<320xf32, #tpu.memory_space<hbm>>
        %dma_start3A_242 = tpu.memref_slice %arg7[%mul3A_2] : memref<5120xf32, #tpu.memory_space<hbm>> -> memref<320xf32, #tpu.memory_space<hbm>>
        tpu.enqueue_dma source(%dma_start3A_242 : memref<320xf32, #tpu.memory_space<hbm>>) target(%arg16 : memref<320xf32, #tpu.memory_space<vmem>>) target_semaphore(%run_scoped3A : memref<!tpu.dma_semaphore, #tpu.memory_space<semaphore_mem>>)
        %dma_wait3A = tpu.memref_slice %arg7[%mul3A_2] : memref<5120xf32, #tpu.memory_space<hbm>> -> memref<320xf32, #tpu.memory_space<hbm>>
        %dma_wait3A_243 = tpu.memref_slice %arg7[%mul3A_2] : memref<5120xf32, #tpu.memory_space<hbm>> -> memref<320xf32, #tpu.memory_space<hbm>>
        tpu.wait_dma2 semaphore(%run_scoped3A : memref<!tpu.dma_semaphore, #tpu.memory_space<semaphore_mem>>) src(%dma_wait3A_243 : memref<320xf32, #tpu.memory_space<hbm>>) dst(%arg16 : memref<320xf32, #tpu.memory_space<vmem>>)
        tpu.yield
      }) : () -> ()
      %eq3A_3 = arith.constant 0 : i32
      %eq3A_4 = arith.cmpi eq, %arg1, %eq3A_3 : i32
      %convert_element_type3A_5 = arith.extui %eq3A_4 : i1 to i32
      %cond3A_6 = arith.constant 0 : i32
      %cond3A_7 = arith.cmpi ne, %convert_element_type3A_5, %cond3A_6 : i32
      scf.if %cond3A_7 {
        %swap3A_242 = arith.constant 0 : i32
        %swap3A_243 = arith.constant 0 : i32
        %swap3A_244 = arith.index_cast %swap3A_243 : i32 to index
        %swap3A_245 = memref.load %arg20[%swap3A_244] : memref<1xi32, #tpu.memory_space<smem>>
        memref.store %swap3A_242, %arg20[%swap3A_244] : memref<1xi32, #tpu.memory_space<smem>>
      } else {
      }
      %barrier3A = arith.constant 0 : index
      tpu.barrier barrier_id(%barrier3A)
      %scan3A = arith.constant 0 : i32
      %scan3A_8 = arith.constant 0 : i32
      %scan3A_9 = arith.constant 320 : i32
      %scan3A_10 = arith.addi %scan3A_8, %scan3A_9 : i32
      %scan3A_11 = arith.constant 1 : i32
      %scan3A_12 = scf.for %scan3A_242 = %scan3A_8 to %scan3A_10 step %scan3A_11 iter_args(%scan3A_243 = %scan3A) -> (i32)  : i32 {
        %mul3A_244 = arith.constant 16 : i32
        %mul3A_245 = arith.muli %scan3A_242, %mul3A_244 : i32
        %get3A_246 = arith.index_cast %mul3A_245 : i32 to index
        %get3A_247 = tpu.vector_load %arg11[%get3A_246] {strides = array<i32>} : memref<5120xf32, #tpu.memory_space<vmem>>, vector<16xf32>,
        %mul3A_248 = arith.constant 6.400000e+02 : f32
        %mul3A_249 = vector.broadcast %mul3A_248 : f32 to vector<16xf32>
        %mul3A_250 = arith.mulf %get3A_247, %mul3A_249 : vector<16xf32>
        %get3A_251 = arith.index_cast %mul3A_245 : i32 to index
        %get3A_252 = tpu.vector_load %arg12[%get3A_251] {strides = array<i32>} : memref<5120xf32, #tpu.memory_space<vmem>>, vector<16xf32>,
        %mul3A_253 = arith.constant 6.400000e+02 : f32
        %mul3A_254 = vector.broadcast %mul3A_253 : f32 to vector<16xf32>
        %mul3A_255 = arith.mulf %get3A_252, %mul3A_254 : vector<16xf32>
        %get3A_256 = arith.index_cast %mul3A_245 : i32 to index
        %get3A_257 = tpu.vector_load %arg13[%get3A_256] {strides = array<i32>} : memref<5120xf32, #tpu.memory_space<vmem>>, vector<16xf32>,
        %mul3A_258 = arith.constant 6.400000e+02 : f32
        %mul3A_259 = vector.broadcast %mul3A_258 : f32 to vector<16xf32>
        %mul3A_260 = arith.mulf %get3A_257, %mul3A_259 : vector<16xf32>
        %get3A_261 = arith.index_cast %mul3A_245 : i32 to index
        %get3A_262 = tpu.vector_load %arg14[%get3A_261] {strides = array<i32>} : memref<5120xf32, #tpu.memory_space<vmem>>, vector<16xf32>,
        %mul3A_263 = arith.constant 6.400000e+02 : f32
        %mul3A_264 = vector.broadcast %mul3A_263 : f32 to vector<16xf32>
        %mul3A_265 = arith.mulf %get3A_262, %mul3A_264 : vector<16xf32>
        %div3A = arith.constant 2.000000e+00 : f32
        %div3A_266 = vector.broadcast %div3A : f32 to vector<16xf32>
        %div3A_267 = arith.divf %mul3A_260, %div3A_266 : vector<16xf32>
        %sub3A = arith.subf %mul3A_250, %div3A_267 : vector<16xf32>
        %swap3A_268 = arith.index_cast %mul3A_245 : i32 to index
        %swap3A_269 = tpu.vector_load %arg11[%swap3A_268] {strides = array<i32>} : memref<5120xf32, #tpu.memory_space<vmem>>, vector<16xf32>,
        tpu.vector_store %arg11[%swap3A_268], %sub3A {strides = array<i32>} : memref<5120xf32, #tpu.memory_space<vmem>>, vector<16xf32>,
        %div3A_270 = arith.constant 2.000000e+00 : f32
        %div3A_271 = vector.broadcast %div3A_270 : f32 to vector<16xf32>
        %div3A_272 = arith.divf %mul3A_265, %div3A_271 : vector<16xf32>
        %sub3A_273 = arith.subf %mul3A_255, %div3A_272 : vector<16xf32>
        %swap3A_274 = arith.index_cast %mul3A_245 : i32 to index
        %swap3A_275 = tpu.vector_load %arg12[%swap3A_274] {strides = array<i32>} : memref<5120xf32, #tpu.memory_space<vmem>>, vector<16xf32>,
        tpu.vector_store %arg12[%swap3A_274], %sub3A_273 {strides = array<i32>} : memref<5120xf32, #tpu.memory_space<vmem>>, vector<16xf32>,
        %div3A_276 = arith.constant 2.000000e+00 : f32
        %div3A_277 = vector.broadcast %div3A_276 : f32 to vector<16xf32>
        %div3A_278 = arith.divf %mul3A_260, %div3A_277 : vector<16xf32>
        %add3A_279 = arith.addf %mul3A_250, %div3A_278 : vector<16xf32>
        %swap3A_280 = arith.index_cast %mul3A_245 : i32 to index
        %swap3A_281 = tpu.vector_load %arg13[%swap3A_280] {strides = array<i32>} : memref<5120xf32, #tpu.memory_space<vmem>>, vector<16xf32>,
        tpu.vector_store %arg13[%swap3A_280], %add3A_279 {strides = array<i32>} : memref<5120xf32, #tpu.memory_space<vmem>>, vector<16xf32>,
        %div3A_282 = arith.constant 2.000000e+00 : f32
        %div3A_283 = vector.broadcast %div3A_282 : f32 to vector<16xf32>
        %div3A_284 = arith.divf %mul3A_265, %div3A_283 : vector<16xf32>
        %add3A_285 = arith.addf %mul3A_255, %div3A_284 : vector<16xf32>
        %swap3A_286 = arith.index_cast %mul3A_245 : i32 to index
        %swap3A_287 = tpu.vector_load %arg14[%swap3A_286] {strides = array<i32>} : memref<5120xf32, #tpu.memory_space<vmem>>, vector<16xf32>,
        tpu.vector_store %arg14[%swap3A_286], %add3A_285 {strides = array<i32>} : memref<5120xf32, #tpu.memory_space<vmem>>, vector<16xf32>,
        %scan3A_288 = arith.constant 0 : i32
        scf.yield %scan3A_288 : i32
      }
      %scan3A_13 = arith.constant 320 : i32
      %broadcast_in_dim3A = arith.constant -3.000000e+00 : f32
      %broadcast_in_dim3A_14 = vector.broadcast %broadcast_in_dim3A : f32 to vector<16xf32>
      %broadcast_in_dim3A_15 = arith.constant 0 : i32
      %broadcast_in_dim3A_16 = vector.broadcast %broadcast_in_dim3A_15 : i32 to vector<16xi32>
      %get3A = arith.constant 0 : index
      %get3A_17 = tpu.vector_load %arg15[%get3A] {strides = array<i32>} : memref<320xf32, #tpu.memory_space<vmem>>, vector<16xf32>,
      %gt3A = arith.cmpf ogt, %get3A_17, %broadcast_in_dim3A_14 : vector<16xf32>
      %select_n3A = arith.select %gt3A, %get3A_17, %broadcast_in_dim3A_14 : vector<16xi1>, vector<16xf32>
      %jit3A = arith.constant 0 : i32
      %broadcast_in_dim3A_18 = vector.broadcast %jit3A : i32 to vector<16xi32>
      %select_n3A_19 = arith.select %gt3A, %broadcast_in_dim3A_18, %broadcast_in_dim3A_16 : vector<16xi1>, vector<16xi32>
      %get3A_20 = arith.constant 16 : index
      %get3A_21 = tpu.vector_load %arg15[%get3A_20] {strides = array<i32>} : memref<320xf32, #tpu.memory_space<vmem>>, vector<16xf32>,
      %gt3A_22 = arith.cmpf ogt, %get3A_21, %select_n3A : vector<16xf32>
      %select_n3A_23 = arith.select %gt3A_22, %get3A_21, %select_n3A : vector<16xi1>, vector<16xf32>
      %jit3A_24 = arith.constant 1 : i32
      %broadcast_in_dim3A_25 = vector.broadcast %jit3A_24 : i32 to vector<16xi32>
      %select_n3A_26 = arith.select %gt3A_22, %broadcast_in_dim3A_25, %select_n3A_19 : vector<16xi1>, vector<16xi32>
      %get3A_27 = arith.constant 32 : index
      %get3A_28 = tpu.vector_load %arg15[%get3A_27] {strides = array<i32>} : memref<320xf32, #tpu.memory_space<vmem>>, vector<16xf32>,
      %gt3A_29 = arith.cmpf ogt, %get3A_28, %select_n3A_23 : vector<16xf32>
      %select_n3A_30 = arith.select %gt3A_29, %get3A_28, %select_n3A_23 : vector<16xi1>, vector<16xf32>
      %jit3A_31 = arith.constant 2 : i32
      %broadcast_in_dim3A_32 = vector.broadcast %jit3A_31 : i32 to vector<16xi32>
      %select_n3A_33 = arith.select %gt3A_29, %broadcast_in_dim3A_32, %select_n3A_26 : vector<16xi1>, vector<16xi32>
      %get3A_34 = arith.constant 48 : index
      %get3A_35 = tpu.vector_load %arg15[%get3A_34] {strides = array<i32>} : memref<320xf32, #tpu.memory_space<vmem>>, vector<16xf32>,
      %gt3A_36 = arith.cmpf ogt, %get3A_35, %select_n3A_30 : vector<16xf32>
      %select_n3A_37 = arith.select %gt3A_36, %get3A_35, %select_n3A_30 : vector<16xi1>, vector<16xf32>
      %jit3A_38 = arith.constant 3 : i32
      %broadcast_in_dim3A_39 = vector.broadcast %jit3A_38 : i32 to vector<16xi32>
      %select_n3A_40 = arith.select %gt3A_36, %broadcast_in_dim3A_39, %select_n3A_33 : vector<16xi1>, vector<16xi32>
      %get3A_41 = arith.constant 64 : index
      %get3A_42 = tpu.vector_load %arg15[%get3A_41] {strides = array<i32>} : memref<320xf32, #tpu.memory_space<vmem>>, vector<16xf32>,
      %gt3A_43 = arith.cmpf ogt, %get3A_42, %select_n3A_37 : vector<16xf32>
      %select_n3A_44 = arith.select %gt3A_43, %get3A_42, %select_n3A_37 : vector<16xi1>, vector<16xf32>
      %jit3A_45 = arith.constant 4 : i32
      %broadcast_in_dim3A_46 = vector.broadcast %jit3A_45 : i32 to vector<16xi32>
      %select_n3A_47 = arith.select %gt3A_43, %broadcast_in_dim3A_46, %select_n3A_40 : vector<16xi1>, vector<16xi32>
      %get3A_48 = arith.constant 80 : index
      %get3A_49 = tpu.vector_load %arg15[%get3A_48] {strides = array<i32>} : memref<320xf32, #tpu.memory_space<vmem>>, vector<16xf32>,
      %gt3A_50 = arith.cmpf ogt, %get3A_49, %select_n3A_44 : vector<16xf32>
      %select_n3A_51 = arith.select %gt3A_50, %get3A_49, %select_n3A_44 : vector<16xi1>, vector<16xf32>
      %jit3A_52 = arith.constant 5 : i32
      %broadcast_in_dim3A_53 = vector.broadcast %jit3A_52 : i32 to vector<16xi32>
      %select_n3A_54 = arith.select %gt3A_50, %broadcast_in_dim3A_53, %select_n3A_47 : vector<16xi1>, vector<16xi32>
      %get3A_55 = arith.constant 96 : index
      %get3A_56 = tpu.vector_load %arg15[%get3A_55] {strides = array<i32>} : memref<320xf32, #tpu.memory_space<vmem>>, vector<16xf32>,
      %gt3A_57 = arith.cmpf ogt, %get3A_56, %select_n3A_51 : vector<16xf32>
      %select_n3A_58 = arith.select %gt3A_57, %get3A_56, %select_n3A_51 : vector<16xi1>, vector<16xf32>
      %jit3A_59 = arith.constant 6 : i32
      %broadcast_in_dim3A_60 = vector.broadcast %jit3A_59 : i32 to vector<16xi32>
      %select_n3A_61 = arith.select %gt3A_57, %broadcast_in_dim3A_60, %select_n3A_54 : vector<16xi1>, vector<16xi32>
      %get3A_62 = arith.constant 112 : index
      %get3A_63 = tpu.vector_load %arg15[%get3A_62] {strides = array<i32>} : memref<320xf32, #tpu.memory_space<vmem>>, vector<16xf32>,
      %gt3A_64 = arith.cmpf ogt, %get3A_63, %select_n3A_58 : vector<16xf32>
      %select_n3A_65 = arith.select %gt3A_64, %get3A_63, %select_n3A_58 : vector<16xi1>, vector<16xf32>
      %jit3A_66 = arith.constant 7 : i32
      %broadcast_in_dim3A_67 = vector.broadcast %jit3A_66 : i32 to vector<16xi32>
      %select_n3A_68 = arith.select %gt3A_64, %broadcast_in_dim3A_67, %select_n3A_61 : vector<16xi1>, vector<16xi32>
      %get3A_69 = arith.constant 128 : index
      %get3A_70 = tpu.vector_load %arg15[%get3A_69] {strides = array<i32>} : memref<320xf32, #tpu.memory_space<vmem>>, vector<16xf32>,
      %gt3A_71 = arith.cmpf ogt, %get3A_70, %select_n3A_65 : vector<16xf32>
      %select_n3A_72 = arith.select %gt3A_71, %get3A_70, %select_n3A_65 : vector<16xi1>, vector<16xf32>
      %jit3A_73 = arith.constant 8 : i32
      %broadcast_in_dim3A_74 = vector.broadcast %jit3A_73 : i32 to vector<16xi32>
      %select_n3A_75 = arith.select %gt3A_71, %broadcast_in_dim3A_74, %select_n3A_68 : vector<16xi1>, vector<16xi32>
      %get3A_76 = arith.constant 144 : index
      %get3A_77 = tpu.vector_load %arg15[%get3A_76] {strides = array<i32>} : memref<320xf32, #tpu.memory_space<vmem>>, vector<16xf32>,
      %gt3A_78 = arith.cmpf ogt, %get3A_77, %select_n3A_72 : vector<16xf32>
      %select_n3A_79 = arith.select %gt3A_78, %get3A_77, %select_n3A_72 : vector<16xi1>, vector<16xf32>
      %jit3A_80 = arith.constant 9 : i32
      %broadcast_in_dim3A_81 = vector.broadcast %jit3A_80 : i32 to vector<16xi32>
      %select_n3A_82 = arith.select %gt3A_78, %broadcast_in_dim3A_81, %select_n3A_75 : vector<16xi1>, vector<16xi32>
      %get3A_83 = arith.constant 160 : index
      %get3A_84 = tpu.vector_load %arg15[%get3A_83] {strides = array<i32>} : memref<320xf32, #tpu.memory_space<vmem>>, vector<16xf32>,
      %gt3A_85 = arith.cmpf ogt, %get3A_84, %select_n3A_79 : vector<16xf32>
      %select_n3A_86 = arith.select %gt3A_85, %get3A_84, %select_n3A_79 : vector<16xi1>, vector<16xf32>
      %jit3A_87 = arith.constant 10 : i32
      %broadcast_in_dim3A_88 = vector.broadcast %jit3A_87 : i32 to vector<16xi32>
      %select_n3A_89 = arith.select %gt3A_85, %broadcast_in_dim3A_88, %select_n3A_82 : vector<16xi1>, vector<16xi32>
      %get3A_90 = arith.constant 176 : index
      %get3A_91 = tpu.vector_load %arg15[%get3A_90] {strides = array<i32>} : memref<320xf32, #tpu.memory_space<vmem>>, vector<16xf32>,
      %gt3A_92 = arith.cmpf ogt, %get3A_91, %select_n3A_86 : vector<16xf32>
      %select_n3A_93 = arith.select %gt3A_92, %get3A_91, %select_n3A_86 : vector<16xi1>, vector<16xf32>
      %jit3A_94 = arith.constant 11 : i32
      %broadcast_in_dim3A_95 = vector.broadcast %jit3A_94 : i32 to vector<16xi32>
      %select_n3A_96 = arith.select %gt3A_92, %broadcast_in_dim3A_95, %select_n3A_89 : vector<16xi1>, vector<16xi32>
      %get3A_97 = arith.constant 192 : index
      %get3A_98 = tpu.vector_load %arg15[%get3A_97] {strides = array<i32>} : memref<320xf32, #tpu.memory_space<vmem>>, vector<16xf32>,
      %gt3A_99 = arith.cmpf ogt, %get3A_98, %select_n3A_93 : vector<16xf32>
      %select_n3A_100 = arith.select %gt3A_99, %get3A_98, %select_n3A_93 : vector<16xi1>, vector<16xf32>
      %jit3A_101 = arith.constant 12 : i32
      %broadcast_in_dim3A_102 = vector.broadcast %jit3A_101 : i32 to vector<16xi32>
      %select_n3A_103 = arith.select %gt3A_99, %broadcast_in_dim3A_102, %select_n3A_96 : vector<16xi1>, vector<16xi32>
      %get3A_104 = arith.constant 208 : index
      %get3A_105 = tpu.vector_load %arg15[%get3A_104] {strides = array<i32>} : memref<320xf32, #tpu.memory_space<vmem>>, vector<16xf32>,
      %gt3A_106 = arith.cmpf ogt, %get3A_105, %select_n3A_100 : vector<16xf32>
      %select_n3A_107 = arith.select %gt3A_106, %get3A_105, %select_n3A_100 : vector<16xi1>, vector<16xf32>
      %jit3A_108 = arith.constant 13 : i32
      %broadcast_in_dim3A_109 = vector.broadcast %jit3A_108 : i32 to vector<16xi32>
      %select_n3A_110 = arith.select %gt3A_106, %broadcast_in_dim3A_109, %select_n3A_103 : vector<16xi1>, vector<16xi32>
      %get3A_111 = arith.constant 224 : index
      %get3A_112 = tpu.vector_load %arg15[%get3A_111] {strides = array<i32>} : memref<320xf32, #tpu.memory_space<vmem>>, vector<16xf32>,
      %gt3A_113 = arith.cmpf ogt, %get3A_112, %select_n3A_107 : vector<16xf32>
      %select_n3A_114 = arith.select %gt3A_113, %get3A_112, %select_n3A_107 : vector<16xi1>, vector<16xf32>
      %jit3A_115 = arith.constant 14 : i32
      %broadcast_in_dim3A_116 = vector.broadcast %jit3A_115 : i32 to vector<16xi32>
      %select_n3A_117 = arith.select %gt3A_113, %broadcast_in_dim3A_116, %select_n3A_110 : vector<16xi1>, vector<16xi32>
      %get3A_118 = arith.constant 240 : index
      %get3A_119 = tpu.vector_load %arg15[%get3A_118] {strides = array<i32>} : memref<320xf32, #tpu.memory_space<vmem>>, vector<16xf32>,
      %gt3A_120 = arith.cmpf ogt, %get3A_119, %select_n3A_114 : vector<16xf32>
      %select_n3A_121 = arith.select %gt3A_120, %get3A_119, %select_n3A_114 : vector<16xi1>, vector<16xf32>
      %jit3A_122 = arith.constant 15 : i32
      %broadcast_in_dim3A_123 = vector.broadcast %jit3A_122 : i32 to vector<16xi32>
      %select_n3A_124 = arith.select %gt3A_120, %broadcast_in_dim3A_123, %select_n3A_117 : vector<16xi1>, vector<16xi32>
      %get3A_125 = arith.constant 256 : index
      %get3A_126 = tpu.vector_load %arg15[%get3A_125] {strides = array<i32>} : memref<320xf32, #tpu.memory_space<vmem>>, vector<16xf32>,
      %gt3A_127 = arith.cmpf ogt, %get3A_126, %select_n3A_121 : vector<16xf32>
      %select_n3A_128 = arith.select %gt3A_127, %get3A_126, %select_n3A_121 : vector<16xi1>, vector<16xf32>
      %jit3A_129 = arith.constant 16 : i32
      %broadcast_in_dim3A_130 = vector.broadcast %jit3A_129 : i32 to vector<16xi32>
      %select_n3A_131 = arith.select %gt3A_127, %broadcast_in_dim3A_130, %select_n3A_124 : vector<16xi1>, vector<16xi32>
      %get3A_132 = arith.constant 272 : index
      %get3A_133 = tpu.vector_load %arg15[%get3A_132] {strides = array<i32>} : memref<320xf32, #tpu.memory_space<vmem>>, vector<16xf32>,
      %gt3A_134 = arith.cmpf ogt, %get3A_133, %select_n3A_128 : vector<16xf32>
      %select_n3A_135 = arith.select %gt3A_134, %get3A_133, %select_n3A_128 : vector<16xi1>, vector<16xf32>
      %jit3A_136 = arith.constant 17 : i32
      %broadcast_in_dim3A_137 = vector.broadcast %jit3A_136 : i32 to vector<16xi32>
      %select_n3A_138 = arith.select %gt3A_134, %broadcast_in_dim3A_137, %select_n3A_131 : vector<16xi1>, vector<16xi32>
      %get3A_139 = arith.constant 288 : index
      %get3A_140 = tpu.vector_load %arg15[%get3A_139] {strides = array<i32>} : memref<320xf32, #tpu.memory_space<vmem>>, vector<16xf32>,
      %gt3A_141 = arith.cmpf ogt, %get3A_140, %select_n3A_135 : vector<16xf32>
      %select_n3A_142 = arith.select %gt3A_141, %get3A_140, %select_n3A_135 : vector<16xi1>, vector<16xf32>
      %jit3A_143 = arith.constant 18 : i32
      %broadcast_in_dim3A_144 = vector.broadcast %jit3A_143 : i32 to vector<16xi32>
      %select_n3A_145 = arith.select %gt3A_141, %broadcast_in_dim3A_144, %select_n3A_138 : vector<16xi1>, vector<16xi32>
      %get3A_146 = arith.constant 304 : index
      %get3A_147 = tpu.vector_load %arg15[%get3A_146] {strides = array<i32>} : memref<320xf32, #tpu.memory_space<vmem>>, vector<16xf32>,
      %gt3A_148 = arith.cmpf ogt, %get3A_147, %select_n3A_142 : vector<16xf32>
      %select_n3A_149 = arith.select %gt3A_148, %get3A_147, %select_n3A_142 : vector<16xi1>, vector<16xf32>
      %jit3A_150 = arith.constant 19 : i32
      %broadcast_in_dim3A_151 = vector.broadcast %jit3A_150 : i32 to vector<16xi32>
      %select_n3A_152 = arith.select %gt3A_148, %broadcast_in_dim3A_151, %select_n3A_145 : vector<16xi1>, vector<16xi32>
      %ge3A = arith.constant 0.000000e+00 : f32
      %ge3A_153 = vector.broadcast %ge3A : f32 to vector<16xf32>
      %ge3A_154 = arith.cmpf oge, %select_n3A_149, %ge3A_153 : vector<16xf32>
      %bitcast3A = vector.bitcast %select_n3A_149 : vector<16xf32> to vector<16xi32>
      %jit3A_155 = arith.constant -1 : i32
      %broadcast_in_dim3A_156 = vector.broadcast %jit3A_155 : i32 to vector<16xi32>
      %select_n3A_157 = arith.select %ge3A_154, %bitcast3A, %broadcast_in_dim3A_156 : vector<16xi1>, vector<16xi32>
      %reduce_max3A = arith.constant true
      %reduce_max3A_158 = vector.broadcast %reduce_max3A : i1 to vector<16xi1>
      %reduce_max3A_159 = arith.constant -2147483648 : i32
      %reduce_max3A_160 = vector.broadcast %reduce_max3A_159 : i32 to vector<16xi32>
      %reduce_max3A_161 = arith.xori %select_n3A_157, %reduce_max3A_160 : vector<16xi32>
      %reduce_max3A_162 = tpu.scan <max>, %reduce_max3A_161 masked %reduce_max3A_158 : vector<16xi32>, vector<16xi1> -> vector<16xi32>
      %reduce_max3A_163 = arith.xori %reduce_max3A_162, %reduce_max3A_160 : vector<16xi32>
      %reduce_max3A_164 = vector.extract %reduce_max3A_163[15] : i32 from vector<16xi32>
      %mul3A_165 = arith.constant 16 : i32
      %mul3A_166 = vector.broadcast %mul3A_165 : i32 to vector<16xi32>
      %mul3A_167 = arith.muli %select_n3A_152, %mul3A_166 : vector<16xi32>
      %add3A = vector.broadcast %mul3A_2 : i32 to vector<16xi32>
      %add3A_168 = arith.addi %add3A, %mul3A_167 : vector<16xi32>
      %add3A_169 = arith.addi %add3A_168, %iota3A : vector<16xi32>
      %eq3A_170 = vector.broadcast %reduce_max3A_164 : i32 to vector<16xi32>
      %eq3A_171 = arith.cmpi eq, %select_n3A_157, %eq3A_170 : vector<16xi32>
      %jit3A_172 = arith.constant 5120 : i32
      %broadcast_in_dim3A_173 = vector.broadcast %jit3A_172 : i32 to vector<16xi32>
      %select_n3A_174 = arith.select %eq3A_171, %add3A_169, %broadcast_in_dim3A_173 : vector<16xi1>, vector<16xi32>
      %reduce_min3A = arith.constant true
      %reduce_min3A_175 = vector.broadcast %reduce_min3A : i1 to vector<16xi1>
      %reduce_min3A_176 = arith.constant -2147483648 : i32
      %reduce_min3A_177 = vector.broadcast %reduce_min3A_176 : i32 to vector<16xi32>
      %reduce_min3A_178 = arith.xori %select_n3A_174, %reduce_min3A_177 : vector<16xi32>
      %reduce_min3A_179 = tpu.scan <min>, %reduce_min3A_178 masked %reduce_min3A_175 : vector<16xi32>, vector<16xi1> -> vector<16xi32>
      %reduce_min3A_180 = arith.xori %reduce_min3A_179, %reduce_min3A_177 : vector<16xi32>
      %reduce_min3A_181 = vector.extract %reduce_min3A_180[15] : i32 from vector<16xi32>
      %rem3A = arith.constant 1 : i32
      %rem3A_182 = arith.constant 2 : i32
      %rem3A_183 = arith.remsi %rem3A, %rem3A_182 : i32
      %eq3A_184 = arith.constant 0 : i32
      %eq3A_185 = vector.broadcast %eq3A_184 : i32 to vector<16xi32>
      %eq3A_186 = arith.cmpi eq, %iota3A, %eq3A_185 : vector<16xi32>
      %eq3A_187 = arith.constant 1 : i32
      %eq3A_188 = vector.broadcast %eq3A_187 : i32 to vector<16xi32>
      %eq3A_189 = arith.cmpi eq, %iota3A, %eq3A_188 : vector<16xi32>
      %jit3A_190 = arith.constant 0 : i32
      %broadcast_in_dim3A_191 = vector.broadcast %reduce_min3A_181 : i32 to vector<16xi32>
      %broadcast_in_dim3A_192 = vector.broadcast %jit3A_190 : i32 to vector<16xi32>
      %select_n3A_193 = arith.select %eq3A_189, %broadcast_in_dim3A_191, %broadcast_in_dim3A_192 : vector<16xi1>, vector<16xi32>
      %broadcast_in_dim3A_194 = vector.broadcast %reduce_max3A_164 : i32 to vector<16xi32>
      %select_n3A_195 = arith.select %eq3A_186, %broadcast_in_dim3A_194, %select_n3A_193 : vector<16xi1>, vector<16xi32>
      %swap3A = arith.constant 0 : index
      %swap3A_196 = tpu.vector_load %arg17[%swap3A] {strides = array<i32>} : memref<16xi32, #tpu.memory_space<vmem>>, vector<16xi32>,
      tpu.vector_store %arg17[%swap3A], %select_n3A_195 {strides = array<i32>} : memref<16xi32, #tpu.memory_space<vmem>>, vector<16xi32>,
      "tpu.region"() ({
        %run_scoped3A = tpu.sem_alloc : memref<!tpu.dma_semaphore, #tpu.memory_space<semaphore_mem>>
        %dma_start3A = arith.constant 0 : i32
        %dma_start3A_242 = tpu.memref_slice %arg19[%rem3A_183, %arg1, %dma_start3A] : memref<2x16x16xi32, #tpu.memory_space<vmem_shared>> -> memref<1x1x16xi32, #tpu.memory_space<vmem_shared>>
        %dma_start3A_243 = tpu.memref_squeeze %dma_start3A_242 : memref<1x1x16xi32, #tpu.memory_space<vmem_shared>> -> memref<16xi32, #tpu.memory_space<vmem_shared>>
        %dma_start3A_244 = arith.constant 0 : i32
        %dma_start3A_245 = tpu.memref_slice %arg19[%rem3A_183, %arg1, %dma_start3A_244] : memref<2x16x16xi32, #tpu.memory_space<vmem_shared>> -> memref<1x1x16xi32, #tpu.memory_space<vmem_shared>>
        %dma_start3A_246 = tpu.memref_squeeze %dma_start3A_245 : memref<1x1x16xi32, #tpu.memory_space<vmem_shared>> -> memref<16xi32, #tpu.memory_space<vmem_shared>>
        tpu.enqueue_dma source(%arg17 : memref<16xi32, #tpu.memory_space<vmem>>) target(%dma_start3A_246 : memref<16xi32, #tpu.memory_space<vmem_shared>>) target_semaphore(%run_scoped3A : memref<!tpu.dma_semaphore, #tpu.memory_space<semaphore_mem>>)
        %dma_wait3A = arith.constant 0 : i32
        %dma_wait3A_247 = tpu.memref_slice %arg19[%rem3A_183, %arg1, %dma_wait3A] : memref<2x16x16xi32, #tpu.memory_space<vmem_shared>> -> memref<1x1x16xi32, #tpu.memory_space<vmem_shared>>
        %dma_wait3A_248 = tpu.memref_squeeze %dma_wait3A_247 : memref<1x1x16xi32, #tpu.memory_space<vmem_shared>> -> memref<16xi32, #tpu.memory_space<vmem_shared>>
        %dma_wait3A_249 = arith.constant 0 : i32
        %dma_wait3A_250 = tpu.memref_slice %arg19[%rem3A_183, %arg1, %dma_wait3A_249] : memref<2x16x16xi32, #tpu.memory_space<vmem_shared>> -> memref<1x1x16xi32, #tpu.memory_space<vmem_shared>>
        %dma_wait3A_251 = tpu.memref_squeeze %dma_wait3A_250 : memref<1x1x16xi32, #tpu.memory_space<vmem_shared>> -> memref<16xi32, #tpu.memory_space<vmem_shared>>
        tpu.wait_dma2 semaphore(%run_scoped3A : memref<!tpu.dma_semaphore, #tpu.memory_space<semaphore_mem>>) src(%arg17 : memref<16xi32, #tpu.memory_space<vmem>>) dst(%dma_wait3A_251 : memref<16xi32, #tpu.memory_space<vmem_shared>>)
        tpu.yield
      }) : () -> ()
      %sc_fetch_and_add3A = arith.constant 1 : i32
      %sc_fetch_and_add3A_197 = arith.constant 0 : i32
      %sc_fetch_and_add3A_198 = arith.constant 0 : i32
      %sc_fetch_and_add3A_199 = tpu.fetch_and_add_sync %arg20[%sc_fetch_and_add3A_197], %sc_fetch_and_add3A, %sc_fetch_and_add3A_198 : memref<1xi32, #tpu.memory_space<smem>>, i32 -> i32
      %while3A = arith.constant 1 : i32
      %while3A_200 = arith.constant 0 : i32
      %while3A_201 = scf.while (%while3A_242 = %while3A_200) : (i32) -> i32 {
        %mul3A_243 = arith.constant 16 : i32
        %mul3A_244 = arith.muli %while3A, %mul3A_243 : i32
        %lt3A = arith.cmpi slt, %while3A_242, %mul3A_244 : i32
        scf.condition(%lt3A) %while3A_242 : i32
      } do {
      ^bb0(%while3A_242: i32):
        %sc_fetch_and_add3A_243 = arith.constant 0 : i32
        %sc_fetch_and_add3A_244 = arith.constant 0 : i32
        %sc_fetch_and_add3A_245 = arith.constant 0 : i32
        %sc_fetch_and_add3A_246 = tpu.fetch_and_add_sync %arg20[%sc_fetch_and_add3A_244], %sc_fetch_and_add3A_243, %sc_fetch_and_add3A_245 : memref<1xi32, #tpu.memory_space<smem>>, i32 -> i32
        scf.yield %sc_fetch_and_add3A_246 : i32
      }
      %rem3A_202 = arith.constant 2 : i32
      %rem3A_203 = arith.remsi %while3A_201, %rem3A_202 : i32
      "tpu.region"() ({
        %run_scoped3A = tpu.sem_alloc : memref<!tpu.dma_semaphore, #tpu.memory_space<semaphore_mem>>
        %dma_start3A = arith.constant 0 : i32
        %dma_start3A_242 = arith.constant 0 : i32
        %dma_start3A_243 = tpu.memref_slice %arg18[%rem3A_203, %dma_start3A, %dma_start3A_242] : memref<2x16x16xi32, #tpu.memory_space<vmem>> -> memref<1x16x16xi32, #tpu.memory_space<vmem>>
        %dma_start3A_244 = tpu.memref_squeeze %dma_start3A_243 : memref<1x16x16xi32, #tpu.memory_space<vmem>> -> memref<16x16xi32, #tpu.memory_space<vmem>>
        %dma_start3A_245 = arith.constant 0 : i32
        %dma_start3A_246 = arith.constant 0 : i32
        %dma_start3A_247 = tpu.memref_slice %arg19[%rem3A_183, %dma_start3A_245, %dma_start3A_246] : memref<2x16x16xi32, #tpu.memory_space<vmem_shared>> -> memref<1x16x16xi32, #tpu.memory_space<vmem_shared>>
        %dma_start3A_248 = tpu.memref_squeeze %dma_start3A_247 : memref<1x16x16xi32, #tpu.memory_space<vmem_shared>> -> memref<16x16xi32, #tpu.memory_space<vmem_shared>>
        %dma_start3A_249 = arith.constant 0 : i32
        %dma_start3A_250 = arith.constant 0 : i32
        %dma_start3A_251 = tpu.memref_slice %arg18[%rem3A_203, %dma_start3A_249, %dma_start3A_250] : memref<2x16x16xi32, #tpu.memory_space<vmem>> -> memref<1x16x16xi32, #tpu.memory_space<vmem>>
        %dma_start3A_252 = tpu.memref_squeeze %dma_start3A_251 : memref<1x16x16xi32, #tpu.memory_space<vmem>> -> memref<16x16xi32, #tpu.memory_space<vmem>>
        %dma_start3A_253 = arith.constant 0 : i32
        %dma_start3A_254 = arith.constant 0 : i32
        %dma_start3A_255 = tpu.memref_slice %arg19[%rem3A_183, %dma_start3A_253, %dma_start3A_254] : memref<2x16x16xi32, #tpu.memory_space<vmem_shared>> -> memref<1x16x16xi32, #tpu.memory_space<vmem_shared>>
        %dma_start3A_256 = tpu.memref_squeeze %dma_start3A_255 : memref<1x16x16xi32, #tpu.memory_space<vmem_shared>> -> memref<16x16xi32, #tpu.memory_space<vmem_shared>>
        tpu.enqueue_dma source(%dma_start3A_256 : memref<16x16xi32, #tpu.memory_space<vmem_shared>>) target(%dma_start3A_252 : memref<16x16xi32, #tpu.memory_space<vmem>>) target_semaphore(%run_scoped3A : memref<!tpu.dma_semaphore, #tpu.memory_space<semaphore_mem>>)
        %dma_wait3A = arith.constant 0 : i32
        %dma_wait3A_257 = arith.constant 0 : i32
        %dma_wait3A_258 = tpu.memref_slice %arg18[%rem3A_203, %dma_wait3A, %dma_wait3A_257] : memref<2x16x16xi32, #tpu.memory_space<vmem>> -> memref<1x16x16xi32, #tpu.memory_space<vmem>>
        %dma_wait3A_259 = tpu.memref_squeeze %dma_wait3A_258 : memref<1x16x16xi32, #tpu.memory_space<vmem>> -> memref<16x16xi32, #tpu.memory_space<vmem>>
        %dma_wait3A_260 = arith.constant 0 : i32
        %dma_wait3A_261 = arith.constant 0 : i32
        %dma_wait3A_262 = tpu.memref_slice %arg19[%rem3A_183, %dma_wait3A_260, %dma_wait3A_261] : memref<2x16x16xi32, #tpu.memory_space<vmem_shared>> -> memref<1x16x16xi32, #tpu.memory_space<vmem_shared>>
        %dma_wait3A_263 = tpu.memref_squeeze %dma_wait3A_262 : memref<1x16x16xi32, #tpu.memory_space<vmem_shared>> -> memref<16x16xi32, #tpu.memory_space<vmem_shared>>
        %dma_wait3A_264 = arith.constant 0 : i32
        %dma_wait3A_265 = arith.constant 0 : i32
        %dma_wait3A_266 = tpu.memref_slice %arg18[%rem3A_203, %dma_wait3A_264, %dma_wait3A_265] : memref<2x16x16xi32, #tpu.memory_space<vmem>> -> memref<1x16x16xi32, #tpu.memory_space<vmem>>
        %dma_wait3A_267 = tpu.memref_squeeze %dma_wait3A_266 : memref<1x16x16xi32, #tpu.memory_space<vmem>> -> memref<16x16xi32, #tpu.memory_space<vmem>>
        %dma_wait3A_268 = arith.constant 0 : i32
        %dma_wait3A_269 = arith.constant 0 : i32
        %dma_wait3A_270 = tpu.memref_slice %arg19[%rem3A_183, %dma_wait3A_268, %dma_wait3A_269] : memref<2x16x16xi32, #tpu.memory_space<vmem_shared>> -> memref<1x16x16xi32, #tpu.memory_space<vmem_shared>>
        %dma_wait3A_271 = tpu.memref_squeeze %dma_wait3A_270 : memref<1x16x16xi32, #tpu.memory_space<vmem_shared>> -> memref<16x16xi32, #tpu.memory_space<vmem_shared>>
        tpu.wait_dma2 semaphore(%run_scoped3A : memref<!tpu.dma_semaphore, #tpu.memory_space<semaphore_mem>>) src(%dma_wait3A_271 : memref<16x16xi32, #tpu.memory_space<vmem_shared>>) dst(%dma_wait3A_267 : memref<16x16xi32, #tpu.memory_space<vmem>>)
        tpu.yield
      }) : () -> ()
      %broadcast_in_dim3A_204 = vector.broadcast %rem3A_203 : i32 to vector<16xi32>
      %broadcast_in_dim3A_205 = arith.constant 0 : i32
      %broadcast_in_dim3A_206 = vector.broadcast %broadcast_in_dim3A_205 : i32 to vector<16xi32>
      %gather3A = tpu.vector_load_idx %arg18[%broadcast_in_dim3A_204, %iota3A, %broadcast_in_dim3A_206] : memref<2x16x16xi32, #tpu.memory_space<vmem>>[vector<16xi32>, vector<16xi32>, vector<16xi32>], vector<16xi32>,
      %broadcast_in_dim3A_207 = arith.constant 1 : i32
      %broadcast_in_dim3A_208 = vector.broadcast %broadcast_in_dim3A_207 : i32 to vector<16xi32>
      %gather3A_209 = tpu.vector_load_idx %arg18[%broadcast_in_dim3A_204, %iota3A, %broadcast_in_dim3A_208] : memref<2x16x16xi32, #tpu.memory_space<vmem>>[vector<16xi32>, vector<16xi32>, vector<16xi32>], vector<16xi32>,
      %reduce_max3A_210 = arith.constant true
      %reduce_max3A_211 = vector.broadcast %reduce_max3A_210 : i1 to vector<16xi1>
      %reduce_max3A_212 = arith.constant -2147483648 : i32
      %reduce_max3A_213 = vector.broadcast %reduce_max3A_212 : i32 to vector<16xi32>
      %reduce_max3A_214 = arith.xori %gather3A, %reduce_max3A_213 : vector<16xi32>
      %reduce_max3A_215 = tpu.scan <max>, %reduce_max3A_214 masked %reduce_max3A_211 : vector<16xi32>, vector<16xi1> -> vector<16xi32>
      %reduce_max3A_216 = arith.xori %reduce_max3A_215, %reduce_max3A_213 : vector<16xi32>
      %reduce_max3A_217 = vector.extract %reduce_max3A_216[15] : i32 from vector<16xi32>
      %eq3A_218 = vector.broadcast %reduce_max3A_217 : i32 to vector<16xi32>
      %eq3A_219 = arith.cmpi eq, %gather3A, %eq3A_218 : vector<16xi32>
      %jit3A_220 = arith.constant 5120 : i32
      %broadcast_in_dim3A_221 = vector.broadcast %jit3A_220 : i32 to vector<16xi32>
      %select_n3A_222 = arith.select %eq3A_219, %gather3A_209, %broadcast_in_dim3A_221 : vector<16xi1>, vector<16xi32>
      %reduce_min3A_223 = arith.constant true
      %reduce_min3A_224 = vector.broadcast %reduce_min3A_223 : i1 to vector<16xi1>
      %reduce_min3A_225 = arith.constant -2147483648 : i32
      %reduce_min3A_226 = vector.broadcast %reduce_min3A_225 : i32 to vector<16xi32>
      %reduce_min3A_227 = arith.xori %select_n3A_222, %reduce_min3A_226 : vector<16xi32>
      %reduce_min3A_228 = tpu.scan <min>, %reduce_min3A_227 masked %reduce_min3A_224 : vector<16xi32>, vector<16xi1> -> vector<16xi32>
      %reduce_min3A_229 = arith.xori %reduce_min3A_228, %reduce_min3A_226 : vector<16xi32>
      %reduce_min3A_230 = vector.extract %reduce_min3A_229[15] : i32 from vector<16xi32>
      %scan3A_231 = arith.constant 0 : i32
      %scan3A_232 = arith.constant 416 : i32
      %scan3A_233 = arith.addi %scan3A_231, %scan3A_232 : i32
      %scan3A_234 = arith.constant 1 : i32
      %scan3A_235:2 = scf.for %scan3A_242 = %scan3A_231 to %scan3A_233 step %scan3A_234 iter_args(%scan3A_243 = %reduce_max3A_217, %scan3A_244 = %reduce_min3A_230) -> (i32, i32)  : i32 {
        %gt3A_245 = arith.constant 1050253722 : i32
        %gt3A_246 = arith.cmpi sgt, %scan3A_243, %gt3A_245 : i32
        %min3A = arith.constant 5119 : i32
        %min3A_247 = arith.minsi %scan3A_244, %min3A : i32
        %broadcast_in_dim3A_248 = vector.broadcast %min3A_247 : i32 to vector<16xi32>
        %ge3A_249 = arith.cmpi sge, %min3A_247, %mul3A_2 : i32
        %add3A_250 = arith.constant 320 : i32
        %add3A_251 = arith.addi %mul3A_2, %add3A_250 : i32
        %lt3A = arith.cmpi slt, %min3A_247, %add3A_251 : i32
        %and3A = arith.andi %ge3A_249, %lt3A : i1
        %and3A_252 = arith.andi %and3A, %gt3A_246 : i1
        %sub3A = arith.subi %min3A_247, %mul3A_2 : i32
        %jit3A_253 = arith.constant 0 : i32
        %jit3A_254 = arith.constant 319 : i32
        %max3A = arith.maxsi %jit3A_253, %sub3A : i32
        %min3A_255 = arith.minsi %jit3A_254, %max3A : i32
        %broadcast_in_dim3A_256 = vector.broadcast %min3A_255 : i32 to vector<16xi32>
        %broadcast_in_dim3A_257 = arith.constant 1.000000e+00 : f32
        %broadcast_in_dim3A_258 = vector.broadcast %broadcast_in_dim3A_257 : f32 to vector<16xf32>
        %eq3A_259 = arith.constant 0 : i32
        %eq3A_260 = vector.broadcast %eq3A_259 : i32 to vector<16xi32>
        %eq3A_261 = arith.cmpi eq, %iota3A, %eq3A_260 : vector<16xi32>
        %and3A_262 = vector.broadcast %and3A_252 : i1 to vector<16xi1>
        %and3A_263 = arith.andi %eq3A_261, %and3A_262 : vector<16xi1>
        tpu.vector_store_idx %arg16[%broadcast_in_dim3A_256], %broadcast_in_dim3A_258 masked %and3A_263 : memref<320xf32, #tpu.memory_space<vmem>>[vector<16xi32>], vector<16xf32>, vector<16xi1>
        %gather3A_264 = tpu.vector_load_idx %arg11[%broadcast_in_dim3A_248] : memref<5120xf32, #tpu.memory_space<vmem>>[vector<16xi32>], vector<16xf32>,
        %gather3A_265 = tpu.vector_load_idx %arg12[%broadcast_in_dim3A_248] : memref<5120xf32, #tpu.memory_space<vmem>>[vector<16xi32>], vector<16xf32>,
        %gather3A_266 = tpu.vector_load_idx %arg13[%broadcast_in_dim3A_248] : memref<5120xf32, #tpu.memory_space<vmem>>[vector<16xi32>], vector<16xf32>,
        %gather3A_267 = tpu.vector_load_idx %arg14[%broadcast_in_dim3A_248] : memref<5120xf32, #tpu.memory_space<vmem>>[vector<16xi32>], vector<16xf32>,
        %sub3A_268 = arith.subf %gather3A_266, %gather3A_264 : vector<16xf32>
        %sub3A_269 = arith.subf %gather3A_267, %gather3A_265 : vector<16xf32>
        %mul3A_270 = arith.mulf %sub3A_268, %sub3A_269 : vector<16xf32>
        %broadcast_in_dim3A_271 = arith.constant -3.000000e+00 : f32
        %broadcast_in_dim3A_272 = vector.broadcast %broadcast_in_dim3A_271 : f32 to vector<16xf32>
        %broadcast_in_dim3A_273 = arith.constant 0 : i32
        %broadcast_in_dim3A_274 = vector.broadcast %broadcast_in_dim3A_273 : i32 to vector<16xi32>
        %add3A_275 = arith.constant 0 : i32
        %add3A_276 = arith.addi %mul3A_2, %add3A_275 : i32
        %get3A_277 = arith.index_cast %add3A_276 : i32 to index
        %get3A_278 = tpu.vector_load %arg11[%get3A_277] {strides = array<i32>} : memref<5120xf32, #tpu.memory_space<vmem>>, vector<16xf32>,
        %get3A_279 = arith.index_cast %add3A_276 : i32 to index
        %get3A_280 = tpu.vector_load %arg12[%get3A_279] {strides = array<i32>} : memref<5120xf32, #tpu.memory_space<vmem>>, vector<16xf32>,
        %get3A_281 = arith.index_cast %add3A_276 : i32 to index
        %get3A_282 = tpu.vector_load %arg13[%get3A_281] {strides = array<i32>} : memref<5120xf32, #tpu.memory_space<vmem>>, vector<16xf32>,
        %get3A_283 = arith.index_cast %add3A_276 : i32 to index
        %get3A_284 = tpu.vector_load %arg14[%get3A_283] {strides = array<i32>} : memref<5120xf32, #tpu.memory_space<vmem>>, vector<16xf32>,
        %sub3A_285 = arith.subf %get3A_282, %get3A_278 : vector<16xf32>
        %sub3A_286 = arith.subf %get3A_284, %get3A_280 : vector<16xf32>
        %mul3A_287 = arith.mulf %sub3A_285, %sub3A_286 : vector<16xf32>
        %min3A_288 = arith.minimumf %get3A_282, %gather3A_266 : vector<16xf32>
        %max3A_289 = arith.maximumf %get3A_278, %gather3A_264 : vector<16xf32>
        %sub3A_290 = arith.subf %min3A_288, %max3A_289 : vector<16xf32>
        %max3A_291 = arith.constant 0.000000e+00 : f32
        %max3A_292 = vector.broadcast %max3A_291 : f32 to vector<16xf32>
        %max3A_293 = arith.maximumf %sub3A_290, %max3A_292 : vector<16xf32>
        %min3A_294 = arith.minimumf %get3A_284, %gather3A_267 : vector<16xf32>
        %max3A_295 = arith.maximumf %get3A_280, %gather3A_265 : vector<16xf32>
        %sub3A_296 = arith.subf %min3A_294, %max3A_295 : vector<16xf32>
        %max3A_297 = arith.constant 0.000000e+00 : f32
        %max3A_298 = vector.broadcast %max3A_297 : f32 to vector<16xf32>
        %max3A_299 = arith.maximumf %sub3A_296, %max3A_298 : vector<16xf32>
        %mul3A_300 = arith.mulf %max3A_293, %max3A_299 : vector<16xf32>
        %add3A_301 = arith.addf %mul3A_287, %mul3A_270 : vector<16xf32>
        %sub3A_302 = arith.subf %add3A_301, %mul3A_300 : vector<16xf32>
        %add3A_303 = arith.constant 9.99999971E-10 : f32
        %add3A_304 = vector.broadcast %add3A_303 : f32 to vector<16xf32>
        %add3A_305 = arith.addf %sub3A_302, %add3A_304 : vector<16xf32>
        %div3A = arith.divf %mul3A_300, %add3A_305 : vector<16xf32>
        %gt3A_306 = arith.constant 2.500000e-01 : f32
        %gt3A_307 = vector.broadcast %gt3A_306 : f32 to vector<16xf32>
        %gt3A_308 = arith.cmpf ogt, %div3A, %gt3A_307 : vector<16xf32>
        %add3A_309 = arith.constant 0 : i32
        %add3A_310 = arith.addi %mul3A_2, %add3A_309 : i32
        %add3A_311 = vector.broadcast %add3A_310 : i32 to vector<16xi32>
        %add3A_312 = arith.addi %add3A_311, %iota3A : vector<16xi32>
        %eq3A_313 = vector.broadcast %min3A_247 : i32 to vector<16xi32>
        %eq3A_314 = arith.cmpi eq, %add3A_312, %eq3A_313 : vector<16xi32>
        %or3A = arith.ori %gt3A_308, %eq3A_314 : vector<16xi1>
        %and3A_315 = vector.broadcast %gt3A_246 : i1 to vector<16xi1>
        %and3A_316 = arith.andi %or3A, %and3A_315 : vector<16xi1>
        %get3A_317 = arith.constant 0 : index
        %get3A_318 = tpu.vector_load %arg15[%get3A_317] {strides = array<i32>} : memref<320xf32, #tpu.memory_space<vmem>>, vector<16xf32>,
        %jit3A_319 = arith.constant -1.000000e+00 : f32
        %broadcast_in_dim3A_320 = vector.broadcast %jit3A_319 : f32 to vector<16xf32>
        %select_n3A_321 = arith.select %and3A_316, %broadcast_in_dim3A_320, %get3A_318 : vector<16xi1>, vector<16xf32>
        %swap3A_322 = arith.constant 0 : index
        %swap3A_323 = tpu.vector_load %arg15[%swap3A_322] {strides = array<i32>} : memref<320xf32, #tpu.memory_space<vmem>>, vector<16xf32>,
        tpu.vector_store %arg15[%swap3A_322], %select_n3A_321 {strides = array<i32>} : memref<320xf32, #tpu.memory_space<vmem>>, vector<16xf32>,
        %gt3A_324 = arith.cmpf ogt, %select_n3A_321, %broadcast_in_dim3A_272 : vector<16xf32>
        %select_n3A_325 = arith.select %gt3A_324, %select_n3A_321, %broadcast_in_dim3A_272 : vector<16xi1>, vector<16xf32>
        %jit3A_326 = arith.constant 0 : i32
        %broadcast_in_dim3A_327 = vector.broadcast %jit3A_326 : i32 to vector<16xi32>
        %select_n3A_328 = arith.select %gt3A_324, %broadcast_in_dim3A_327, %broadcast_in_dim3A_274 : vector<16xi1>, vector<16xi32>
        %add3A_329 = arith.constant 16 : i32
        %add3A_330 = arith.addi %mul3A_2, %add3A_329 : i32
        %get3A_331 = arith.index_cast %add3A_330 : i32 to index
        %get3A_332 = tpu.vector_load %arg11[%get3A_331] {strides = array<i32>} : memref<5120xf32, #tpu.memory_space<vmem>>, vector<16xf32>,
        %get3A_333 = arith.index_cast %add3A_330 : i32 to index
        %get3A_334 = tpu.vector_load %arg12[%get3A_333] {strides = array<i32>} : memref<5120xf32, #tpu.memory_space<vmem>>, vector<16xf32>,
        %get3A_335 = arith.index_cast %add3A_330 : i32 to index
        %get3A_336 = tpu.vector_load %arg13[%get3A_335] {strides = array<i32>} : memref<5120xf32, #tpu.memory_space<vmem>>, vector<16xf32>,
        %get3A_337 = arith.index_cast %add3A_330 : i32 to index
        %get3A_338 = tpu.vector_load %arg14[%get3A_337] {strides = array<i32>} : memref<5120xf32, #tpu.memory_space<vmem>>, vector<16xf32>,
        %sub3A_339 = arith.subf %get3A_336, %get3A_332 : vector<16xf32>
        %sub3A_340 = arith.subf %get3A_338, %get3A_334 : vector<16xf32>
        %mul3A_341 = arith.mulf %sub3A_339, %sub3A_340 : vector<16xf32>
        %min3A_342 = arith.minimumf %get3A_336, %gather3A_266 : vector<16xf32>
        %max3A_343 = arith.maximumf %get3A_332, %gather3A_264 : vector<16xf32>
        %sub3A_344 = arith.subf %min3A_342, %max3A_343 : vector<16xf32>
        %max3A_345 = arith.constant 0.000000e+00 : f32
        %max3A_346 = vector.broadcast %max3A_345 : f32 to vector<16xf32>
        %max3A_347 = arith.maximumf %sub3A_344, %max3A_346 : vector<16xf32>
        %min3A_348 = arith.minimumf %get3A_338, %gather3A_267 : vector<16xf32>
        %max3A_349 = arith.maximumf %get3A_334, %gather3A_265 : vector<16xf32>
        %sub3A_350 = arith.subf %min3A_348, %max3A_349 : vector<16xf32>
        %max3A_351 = arith.constant 0.000000e+00 : f32
        %max3A_352 = vector.broadcast %max3A_351 : f32 to vector<16xf32>
        %max3A_353 = arith.maximumf %sub3A_350, %max3A_352 : vector<16xf32>
        %mul3A_354 = arith.mulf %max3A_347, %max3A_353 : vector<16xf32>
        %add3A_355 = arith.addf %mul3A_341, %mul3A_270 : vector<16xf32>
        %sub3A_356 = arith.subf %add3A_355, %mul3A_354 : vector<16xf32>
        %add3A_357 = arith.constant 9.99999971E-10 : f32
        %add3A_358 = vector.broadcast %add3A_357 : f32 to vector<16xf32>
        %add3A_359 = arith.addf %sub3A_356, %add3A_358 : vector<16xf32>
        %div3A_360 = arith.divf %mul3A_354, %add3A_359 : vector<16xf32>
        %gt3A_361 = arith.constant 2.500000e-01 : f32
        %gt3A_362 = vector.broadcast %gt3A_361 : f32 to vector<16xf32>
        %gt3A_363 = arith.cmpf ogt, %div3A_360, %gt3A_362 : vector<16xf32>
        %add3A_364 = arith.constant 16 : i32
        %add3A_365 = arith.addi %mul3A_2, %add3A_364 : i32
        %add3A_366 = vector.broadcast %add3A_365 : i32 to vector<16xi32>
        %add3A_367 = arith.addi %add3A_366, %iota3A : vector<16xi32>
        %eq3A_368 = vector.broadcast %min3A_247 : i32 to vector<16xi32>
        %eq3A_369 = arith.cmpi eq, %add3A_367, %eq3A_368 : vector<16xi32>
        %or3A_370 = arith.ori %gt3A_363, %eq3A_369 : vector<16xi1>
        %and3A_371 = vector.broadcast %gt3A_246 : i1 to vector<16xi1>
        %and3A_372 = arith.andi %or3A_370, %and3A_371 : vector<16xi1>
        %get3A_373 = arith.constant 16 : index
        %get3A_374 = tpu.vector_load %arg15[%get3A_373] {strides = array<i32>} : memref<320xf32, #tpu.memory_space<vmem>>, vector<16xf32>,
        %jit3A_375 = arith.constant -1.000000e+00 : f32
        %broadcast_in_dim3A_376 = vector.broadcast %jit3A_375 : f32 to vector<16xf32>
        %select_n3A_377 = arith.select %and3A_372, %broadcast_in_dim3A_376, %get3A_374 : vector<16xi1>, vector<16xf32>
        %swap3A_378 = arith.constant 16 : index
        %swap3A_379 = tpu.vector_load %arg15[%swap3A_378] {strides = array<i32>} : memref<320xf32, #tpu.memory_space<vmem>>, vector<16xf32>,
        tpu.vector_store %arg15[%swap3A_378], %select_n3A_377 {strides = array<i32>} : memref<320xf32, #tpu.memory_space<vmem>>, vector<16xf32>,
        %gt3A_380 = arith.cmpf ogt, %select_n3A_377, %select_n3A_325 : vector<16xf32>
        %select_n3A_381 = arith.select %gt3A_380, %select_n3A_377, %select_n3A_325 : vector<16xi1>, vector<16xf32>
        %jit3A_382 = arith.constant 1 : i32
        %broadcast_in_dim3A_383 = vector.broadcast %jit3A_382 : i32 to vector<16xi32>
        %select_n3A_384 = arith.select %gt3A_380, %broadcast_in_dim3A_383, %select_n3A_328 : vector<16xi1>, vector<16xi32>
        %add3A_385 = arith.constant 32 : i32
        %add3A_386 = arith.addi %mul3A_2, %add3A_385 : i32
        %get3A_387 = arith.index_cast %add3A_386 : i32 to index
        %get3A_388 = tpu.vector_load %arg11[%get3A_387] {strides = array<i32>} : memref<5120xf32, #tpu.memory_space<vmem>>, vector<16xf32>,
        %get3A_389 = arith.index_cast %add3A_386 : i32 to index
        %get3A_390 = tpu.vector_load %arg12[%get3A_389] {strides = array<i32>} : memref<5120xf32, #tpu.memory_space<vmem>>, vector<16xf32>,
        %get3A_391 = arith.index_cast %add3A_386 : i32 to index
        %get3A_392 = tpu.vector_load %arg13[%get3A_391] {strides = array<i32>} : memref<5120xf32, #tpu.memory_space<vmem>>, vector<16xf32>,
        %get3A_393 = arith.index_cast %add3A_386 : i32 to index
        %get3A_394 = tpu.vector_load %arg14[%get3A_393] {strides = array<i32>} : memref<5120xf32, #tpu.memory_space<vmem>>, vector<16xf32>,
        %sub3A_395 = arith.subf %get3A_392, %get3A_388 : vector<16xf32>
        %sub3A_396 = arith.subf %get3A_394, %get3A_390 : vector<16xf32>
        %mul3A_397 = arith.mulf %sub3A_395, %sub3A_396 : vector<16xf32>
        %min3A_398 = arith.minimumf %get3A_392, %gather3A_266 : vector<16xf32>
        %max3A_399 = arith.maximumf %get3A_388, %gather3A_264 : vector<16xf32>
        %sub3A_400 = arith.subf %min3A_398, %max3A_399 : vector<16xf32>
        %max3A_401 = arith.constant 0.000000e+00 : f32
        %max3A_402 = vector.broadcast %max3A_401 : f32 to vector<16xf32>
        %max3A_403 = arith.maximumf %sub3A_400, %max3A_402 : vector<16xf32>
        %min3A_404 = arith.minimumf %get3A_394, %gather3A_267 : vector<16xf32>
        %max3A_405 = arith.maximumf %get3A_390, %gather3A_265 : vector<16xf32>
        %sub3A_406 = arith.subf %min3A_404, %max3A_405 : vector<16xf32>
        %max3A_407 = arith.constant 0.000000e+00 : f32
        %max3A_408 = vector.broadcast %max3A_407 : f32 to vector<16xf32>
        %max3A_409 = arith.maximumf %sub3A_406, %max3A_408 : vector<16xf32>
        %mul3A_410 = arith.mulf %max3A_403, %max3A_409 : vector<16xf32>
        %add3A_411 = arith.addf %mul3A_397, %mul3A_270 : vector<16xf32>
        %sub3A_412 = arith.subf %add3A_411, %mul3A_410 : vector<16xf32>
        %add3A_413 = arith.constant 9.99999971E-10 : f32
        %add3A_414 = vector.broadcast %add3A_413 : f32 to vector<16xf32>
        %add3A_415 = arith.addf %sub3A_412, %add3A_414 : vector<16xf32>
        %div3A_416 = arith.divf %mul3A_410, %add3A_415 : vector<16xf32>
        %gt3A_417 = arith.constant 2.500000e-01 : f32
        %gt3A_418 = vector.broadcast %gt3A_417 : f32 to vector<16xf32>
        %gt3A_419 = arith.cmpf ogt, %div3A_416, %gt3A_418 : vector<16xf32>
        %add3A_420 = arith.constant 32 : i32
        %add3A_421 = arith.addi %mul3A_2, %add3A_420 : i32
        %add3A_422 = vector.broadcast %add3A_421 : i32 to vector<16xi32>
        %add3A_423 = arith.addi %add3A_422, %iota3A : vector<16xi32>
        %eq3A_424 = vector.broadcast %min3A_247 : i32 to vector<16xi32>
        %eq3A_425 = arith.cmpi eq, %add3A_423, %eq3A_424 : vector<16xi32>
        %or3A_426 = arith.ori %gt3A_419, %eq3A_425 : vector<16xi1>
        %and3A_427 = vector.broadcast %gt3A_246 : i1 to vector<16xi1>
        %and3A_428 = arith.andi %or3A_426, %and3A_427 : vector<16xi1>
        %get3A_429 = arith.constant 32 : index
        %get3A_430 = tpu.vector_load %arg15[%get3A_429] {strides = array<i32>} : memref<320xf32, #tpu.memory_space<vmem>>, vector<16xf32>,
        %jit3A_431 = arith.constant -1.000000e+00 : f32
        %broadcast_in_dim3A_432 = vector.broadcast %jit3A_431 : f32 to vector<16xf32>
        %select_n3A_433 = arith.select %and3A_428, %broadcast_in_dim3A_432, %get3A_430 : vector<16xi1>, vector<16xf32>
        %swap3A_434 = arith.constant 32 : index
        %swap3A_435 = tpu.vector_load %arg15[%swap3A_434] {strides = array<i32>} : memref<320xf32, #tpu.memory_space<vmem>>, vector<16xf32>,
        tpu.vector_store %arg15[%swap3A_434], %select_n3A_433 {strides = array<i32>} : memref<320xf32, #tpu.memory_space<vmem>>, vector<16xf32>,
        %gt3A_436 = arith.cmpf ogt, %select_n3A_433, %select_n3A_381 : vector<16xf32>
        %select_n3A_437 = arith.select %gt3A_436, %select_n3A_433, %select_n3A_381 : vector<16xi1>, vector<16xf32>
        %jit3A_438 = arith.constant 2 : i32
        %broadcast_in_dim3A_439 = vector.broadcast %jit3A_438 : i32 to vector<16xi32>
        %select_n3A_440 = arith.select %gt3A_436, %broadcast_in_dim3A_439, %select_n3A_384 : vector<16xi1>, vector<16xi32>
        %add3A_441 = arith.constant 48 : i32
        %add3A_442 = arith.addi %mul3A_2, %add3A_441 : i32
        %get3A_443 = arith.index_cast %add3A_442 : i32 to index
        %get3A_444 = tpu.vector_load %arg11[%get3A_443] {strides = array<i32>} : memref<5120xf32, #tpu.memory_space<vmem>>, vector<16xf32>,
        %get3A_445 = arith.index_cast %add3A_442 : i32 to index
        %get3A_446 = tpu.vector_load %arg12[%get3A_445] {strides = array<i32>} : memref<5120xf32, #tpu.memory_space<vmem>>, vector<16xf32>,
        %get3A_447 = arith.index_cast %add3A_442 : i32 to index
        %get3A_448 = tpu.vector_load %arg13[%get3A_447] {strides = array<i32>} : memref<5120xf32, #tpu.memory_space<vmem>>, vector<16xf32>,
        %get3A_449 = arith.index_cast %add3A_442 : i32 to index
        %get3A_450 = tpu.vector_load %arg14[%get3A_449] {strides = array<i32>} : memref<5120xf32, #tpu.memory_space<vmem>>, vector<16xf32>,
        %sub3A_451 = arith.subf %get3A_448, %get3A_444 : vector<16xf32>
        %sub3A_452 = arith.subf %get3A_450, %get3A_446 : vector<16xf32>
        %mul3A_453 = arith.mulf %sub3A_451, %sub3A_452 : vector<16xf32>
        %min3A_454 = arith.minimumf %get3A_448, %gather3A_266 : vector<16xf32>
        %max3A_455 = arith.maximumf %get3A_444, %gather3A_264 : vector<16xf32>
        %sub3A_456 = arith.subf %min3A_454, %max3A_455 : vector<16xf32>
        %max3A_457 = arith.constant 0.000000e+00 : f32
        %max3A_458 = vector.broadcast %max3A_457 : f32 to vector<16xf32>
        %max3A_459 = arith.maximumf %sub3A_456, %max3A_458 : vector<16xf32>
        %min3A_460 = arith.minimumf %get3A_450, %gather3A_267 : vector<16xf32>
        %max3A_461 = arith.maximumf %get3A_446, %gather3A_265 : vector<16xf32>
        %sub3A_462 = arith.subf %min3A_460, %max3A_461 : vector<16xf32>
        %max3A_463 = arith.constant 0.000000e+00 : f32
        %max3A_464 = vector.broadcast %max3A_463 : f32 to vector<16xf32>
        %max3A_465 = arith.maximumf %sub3A_462, %max3A_464 : vector<16xf32>
        %mul3A_466 = arith.mulf %max3A_459, %max3A_465 : vector<16xf32>
        %add3A_467 = arith.addf %mul3A_453, %mul3A_270 : vector<16xf32>
        %sub3A_468 = arith.subf %add3A_467, %mul3A_466 : vector<16xf32>
        %add3A_469 = arith.constant 9.99999971E-10 : f32
        %add3A_470 = vector.broadcast %add3A_469 : f32 to vector<16xf32>
        %add3A_471 = arith.addf %sub3A_468, %add3A_470 : vector<16xf32>
        %div3A_472 = arith.divf %mul3A_466, %add3A_471 : vector<16xf32>
        %gt3A_473 = arith.constant 2.500000e-01 : f32
        %gt3A_474 = vector.broadcast %gt3A_473 : f32 to vector<16xf32>
        %gt3A_475 = arith.cmpf ogt, %div3A_472, %gt3A_474 : vector<16xf32>
        %add3A_476 = arith.constant 48 : i32
        %add3A_477 = arith.addi %mul3A_2, %add3A_476 : i32
        %add3A_478 = vector.broadcast %add3A_477 : i32 to vector<16xi32>
        %add3A_479 = arith.addi %add3A_478, %iota3A : vector<16xi32>
        %eq3A_480 = vector.broadcast %min3A_247 : i32 to vector<16xi32>
        %eq3A_481 = arith.cmpi eq, %add3A_479, %eq3A_480 : vector<16xi32>
        %or3A_482 = arith.ori %gt3A_475, %eq3A_481 : vector<16xi1>
        %and3A_483 = vector.broadcast %gt3A_246 : i1 to vector<16xi1>
        %and3A_484 = arith.andi %or3A_482, %and3A_483 : vector<16xi1>
        %get3A_485 = arith.constant 48 : index
        %get3A_486 = tpu.vector_load %arg15[%get3A_485] {strides = array<i32>} : memref<320xf32, #tpu.memory_space<vmem>>, vector<16xf32>,
        %jit3A_487 = arith.constant -1.000000e+00 : f32
        %broadcast_in_dim3A_488 = vector.broadcast %jit3A_487 : f32 to vector<16xf32>
        %select_n3A_489 = arith.select %and3A_484, %broadcast_in_dim3A_488, %get3A_486 : vector<16xi1>, vector<16xf32>
        %swap3A_490 = arith.constant 48 : index
        %swap3A_491 = tpu.vector_load %arg15[%swap3A_490] {strides = array<i32>} : memref<320xf32, #tpu.memory_space<vmem>>, vector<16xf32>,
        tpu.vector_store %arg15[%swap3A_490], %select_n3A_489 {strides = array<i32>} : memref<320xf32, #tpu.memory_space<vmem>>, vector<16xf32>,
        %gt3A_492 = arith.cmpf ogt, %select_n3A_489, %select_n3A_437 : vector<16xf32>
        %select_n3A_493 = arith.select %gt3A_492, %select_n3A_489, %select_n3A_437 : vector<16xi1>, vector<16xf32>
        %jit3A_494 = arith.constant 3 : i32
        %broadcast_in_dim3A_495 = vector.broadcast %jit3A_494 : i32 to vector<16xi32>
        %select_n3A_496 = arith.select %gt3A_492, %broadcast_in_dim3A_495, %select_n3A_440 : vector<16xi1>, vector<16xi32>
        %add3A_497 = arith.constant 64 : i32
        %add3A_498 = arith.addi %mul3A_2, %add3A_497 : i32
        %get3A_499 = arith.index_cast %add3A_498 : i32 to index
        %get3A_500 = tpu.vector_load %arg11[%get3A_499] {strides = array<i32>} : memref<5120xf32, #tpu.memory_space<vmem>>, vector<16xf32>,
        %get3A_501 = arith.index_cast %add3A_498 : i32 to index
        %get3A_502 = tpu.vector_load %arg12[%get3A_501] {strides = array<i32>} : memref<5120xf32, #tpu.memory_space<vmem>>, vector<16xf32>,
        %get3A_503 = arith.index_cast %add3A_498 : i32 to index
        %get3A_504 = tpu.vector_load %arg13[%get3A_503] {strides = array<i32>} : memref<5120xf32, #tpu.memory_space<vmem>>, vector<16xf32>,
        %get3A_505 = arith.index_cast %add3A_498 : i32 to index
        %get3A_506 = tpu.vector_load %arg14[%get3A_505] {strides = array<i32>} : memref<5120xf32, #tpu.memory_space<vmem>>, vector<16xf32>,
        %sub3A_507 = arith.subf %get3A_504, %get3A_500 : vector<16xf32>
        %sub3A_508 = arith.subf %get3A_506, %get3A_502 : vector<16xf32>
        %mul3A_509 = arith.mulf %sub3A_507, %sub3A_508 : vector<16xf32>
        %min3A_510 = arith.minimumf %get3A_504, %gather3A_266 : vector<16xf32>
        %max3A_511 = arith.maximumf %get3A_500, %gather3A_264 : vector<16xf32>
        %sub3A_512 = arith.subf %min3A_510, %max3A_511 : vector<16xf32>
        %max3A_513 = arith.constant 0.000000e+00 : f32
        %max3A_514 = vector.broadcast %max3A_513 : f32 to vector<16xf32>
        %max3A_515 = arith.maximumf %sub3A_512, %max3A_514 : vector<16xf32>
        %min3A_516 = arith.minimumf %get3A_506, %gather3A_267 : vector<16xf32>
        %max3A_517 = arith.maximumf %get3A_502, %gather3A_265 : vector<16xf32>
        %sub3A_518 = arith.subf %min3A_516, %max3A_517 : vector<16xf32>
        %max3A_519 = arith.constant 0.000000e+00 : f32
        %max3A_520 = vector.broadcast %max3A_519 : f32 to vector<16xf32>
        %max3A_521 = arith.maximumf %sub3A_518, %max3A_520 : vector<16xf32>
        %mul3A_522 = arith.mulf %max3A_515, %max3A_521 : vector<16xf32>
        %add3A_523 = arith.addf %mul3A_509, %mul3A_270 : vector<16xf32>
        %sub3A_524 = arith.subf %add3A_523, %mul3A_522 : vector<16xf32>
        %add3A_525 = arith.constant 9.99999971E-10 : f32
        %add3A_526 = vector.broadcast %add3A_525 : f32 to vector<16xf32>
        %add3A_527 = arith.addf %sub3A_524, %add3A_526 : vector<16xf32>
        %div3A_528 = arith.divf %mul3A_522, %add3A_527 : vector<16xf32>
        %gt3A_529 = arith.constant 2.500000e-01 : f32
        %gt3A_530 = vector.broadcast %gt3A_529 : f32 to vector<16xf32>
        %gt3A_531 = arith.cmpf ogt, %div3A_528, %gt3A_530 : vector<16xf32>
        %add3A_532 = arith.constant 64 : i32
        %add3A_533 = arith.addi %mul3A_2, %add3A_532 : i32
        %add3A_534 = vector.broadcast %add3A_533 : i32 to vector<16xi32>
        %add3A_535 = arith.addi %add3A_534, %iota3A : vector<16xi32>
        %eq3A_536 = vector.broadcast %min3A_247 : i32 to vector<16xi32>
        %eq3A_537 = arith.cmpi eq, %add3A_535, %eq3A_536 : vector<16xi32>
        %or3A_538 = arith.ori %gt3A_531, %eq3A_537 : vector<16xi1>
        %and3A_539 = vector.broadcast %gt3A_246 : i1 to vector<16xi1>
        %and3A_540 = arith.andi %or3A_538, %and3A_539 : vector<16xi1>
        %get3A_541 = arith.constant 64 : index
        %get3A_542 = tpu.vector_load %arg15[%get3A_541] {strides = array<i32>} : memref<320xf32, #tpu.memory_space<vmem>>, vector<16xf32>,
        %jit3A_543 = arith.constant -1.000000e+00 : f32
        %broadcast_in_dim3A_544 = vector.broadcast %jit3A_543 : f32 to vector<16xf32>
        %select_n3A_545 = arith.select %and3A_540, %broadcast_in_dim3A_544, %get3A_542 : vector<16xi1>, vector<16xf32>
        %swap3A_546 = arith.constant 64 : index
        %swap3A_547 = tpu.vector_load %arg15[%swap3A_546] {strides = array<i32>} : memref<320xf32, #tpu.memory_space<vmem>>, vector<16xf32>,
        tpu.vector_store %arg15[%swap3A_546], %select_n3A_545 {strides = array<i32>} : memref<320xf32, #tpu.memory_space<vmem>>, vector<16xf32>,
        %gt3A_548 = arith.cmpf ogt, %select_n3A_545, %select_n3A_493 : vector<16xf32>
        %select_n3A_549 = arith.select %gt3A_548, %select_n3A_545, %select_n3A_493 : vector<16xi1>, vector<16xf32>
        %jit3A_550 = arith.constant 4 : i32
        %broadcast_in_dim3A_551 = vector.broadcast %jit3A_550 : i32 to vector<16xi32>
        %select_n3A_552 = arith.select %gt3A_548, %broadcast_in_dim3A_551, %select_n3A_496 : vector<16xi1>, vector<16xi32>
        %add3A_553 = arith.constant 80 : i32
        %add3A_554 = arith.addi %mul3A_2, %add3A_553 : i32
        %get3A_555 = arith.index_cast %add3A_554 : i32 to index
        %get3A_556 = tpu.vector_load %arg11[%get3A_555] {strides = array<i32>} : memref<5120xf32, #tpu.memory_space<vmem>>, vector<16xf32>,
        %get3A_557 = arith.index_cast %add3A_554 : i32 to index
        %get3A_558 = tpu.vector_load %arg12[%get3A_557] {strides = array<i32>} : memref<5120xf32, #tpu.memory_space<vmem>>, vector<16xf32>,
        %get3A_559 = arith.index_cast %add3A_554 : i32 to index
        %get3A_560 = tpu.vector_load %arg13[%get3A_559] {strides = array<i32>} : memref<5120xf32, #tpu.memory_space<vmem>>, vector<16xf32>,
        %get3A_561 = arith.index_cast %add3A_554 : i32 to index
        %get3A_562 = tpu.vector_load %arg14[%get3A_561] {strides = array<i32>} : memref<5120xf32, #tpu.memory_space<vmem>>, vector<16xf32>,
        %sub3A_563 = arith.subf %get3A_560, %get3A_556 : vector<16xf32>
        %sub3A_564 = arith.subf %get3A_562, %get3A_558 : vector<16xf32>
        %mul3A_565 = arith.mulf %sub3A_563, %sub3A_564 : vector<16xf32>
        %min3A_566 = arith.minimumf %get3A_560, %gather3A_266 : vector<16xf32>
        %max3A_567 = arith.maximumf %get3A_556, %gather3A_264 : vector<16xf32>
        %sub3A_568 = arith.subf %min3A_566, %max3A_567 : vector<16xf32>
        %max3A_569 = arith.constant 0.000000e+00 : f32
        %max3A_570 = vector.broadcast %max3A_569 : f32 to vector<16xf32>
        %max3A_571 = arith.maximumf %sub3A_568, %max3A_570 : vector<16xf32>
        %min3A_572 = arith.minimumf %get3A_562, %gather3A_267 : vector<16xf32>
        %max3A_573 = arith.maximumf %get3A_558, %gather3A_265 : vector<16xf32>
        %sub3A_574 = arith.subf %min3A_572, %max3A_573 : vector<16xf32>
        %max3A_575 = arith.constant 0.000000e+00 : f32
        %max3A_576 = vector.broadcast %max3A_575 : f32 to vector<16xf32>
        %max3A_577 = arith.maximumf %sub3A_574, %max3A_576 : vector<16xf32>
        %mul3A_578 = arith.mulf %max3A_571, %max3A_577 : vector<16xf32>
        %add3A_579 = arith.addf %mul3A_565, %mul3A_270 : vector<16xf32>
        %sub3A_580 = arith.subf %add3A_579, %mul3A_578 : vector<16xf32>
        %add3A_581 = arith.constant 9.99999971E-10 : f32
        %add3A_582 = vector.broadcast %add3A_581 : f32 to vector<16xf32>
        %add3A_583 = arith.addf %sub3A_580, %add3A_582 : vector<16xf32>
        %div3A_584 = arith.divf %mul3A_578, %add3A_583 : vector<16xf32>
        %gt3A_585 = arith.constant 2.500000e-01 : f32
        %gt3A_586 = vector.broadcast %gt3A_585 : f32 to vector<16xf32>
        %gt3A_587 = arith.cmpf ogt, %div3A_584, %gt3A_586 : vector<16xf32>
        %add3A_588 = arith.constant 80 : i32
        %add3A_589 = arith.addi %mul3A_2, %add3A_588 : i32
        %add3A_590 = vector.broadcast %add3A_589 : i32 to vector<16xi32>
        %add3A_591 = arith.addi %add3A_590, %iota3A : vector<16xi32>
        %eq3A_592 = vector.broadcast %min3A_247 : i32 to vector<16xi32>
        %eq3A_593 = arith.cmpi eq, %add3A_591, %eq3A_592 : vector<16xi32>
        %or3A_594 = arith.ori %gt3A_587, %eq3A_593 : vector<16xi1>
        %and3A_595 = vector.broadcast %gt3A_246 : i1 to vector<16xi1>
        %and3A_596 = arith.andi %or3A_594, %and3A_595 : vector<16xi1>
        %get3A_597 = arith.constant 80 : index
        %get3A_598 = tpu.vector_load %arg15[%get3A_597] {strides = array<i32>} : memref<320xf32, #tpu.memory_space<vmem>>, vector<16xf32>,
        %jit3A_599 = arith.constant -1.000000e+00 : f32
        %broadcast_in_dim3A_600 = vector.broadcast %jit3A_599 : f32 to vector<16xf32>
        %select_n3A_601 = arith.select %and3A_596, %broadcast_in_dim3A_600, %get3A_598 : vector<16xi1>, vector<16xf32>
        %swap3A_602 = arith.constant 80 : index
        %swap3A_603 = tpu.vector_load %arg15[%swap3A_602] {strides = array<i32>} : memref<320xf32, #tpu.memory_space<vmem>>, vector<16xf32>,
        tpu.vector_store %arg15[%swap3A_602], %select_n3A_601 {strides = array<i32>} : memref<320xf32, #tpu.memory_space<vmem>>, vector<16xf32>,
        %gt3A_604 = arith.cmpf ogt, %select_n3A_601, %select_n3A_549 : vector<16xf32>
        %select_n3A_605 = arith.select %gt3A_604, %select_n3A_601, %select_n3A_549 : vector<16xi1>, vector<16xf32>
        %jit3A_606 = arith.constant 5 : i32
        %broadcast_in_dim3A_607 = vector.broadcast %jit3A_606 : i32 to vector<16xi32>
        %select_n3A_608 = arith.select %gt3A_604, %broadcast_in_dim3A_607, %select_n3A_552 : vector<16xi1>, vector<16xi32>
        %add3A_609 = arith.constant 96 : i32
        %add3A_610 = arith.addi %mul3A_2, %add3A_609 : i32
        %get3A_611 = arith.index_cast %add3A_610 : i32 to index
        %get3A_612 = tpu.vector_load %arg11[%get3A_611] {strides = array<i32>} : memref<5120xf32, #tpu.memory_space<vmem>>, vector<16xf32>,
        %get3A_613 = arith.index_cast %add3A_610 : i32 to index
        %get3A_614 = tpu.vector_load %arg12[%get3A_613] {strides = array<i32>} : memref<5120xf32, #tpu.memory_space<vmem>>, vector<16xf32>,
        %get3A_615 = arith.index_cast %add3A_610 : i32 to index
        %get3A_616 = tpu.vector_load %arg13[%get3A_615] {strides = array<i32>} : memref<5120xf32, #tpu.memory_space<vmem>>, vector<16xf32>,
        %get3A_617 = arith.index_cast %add3A_610 : i32 to index
        %get3A_618 = tpu.vector_load %arg14[%get3A_617] {strides = array<i32>} : memref<5120xf32, #tpu.memory_space<vmem>>, vector<16xf32>,
        %sub3A_619 = arith.subf %get3A_616, %get3A_612 : vector<16xf32>
        %sub3A_620 = arith.subf %get3A_618, %get3A_614 : vector<16xf32>
        %mul3A_621 = arith.mulf %sub3A_619, %sub3A_620 : vector<16xf32>
        %min3A_622 = arith.minimumf %get3A_616, %gather3A_266 : vector<16xf32>
        %max3A_623 = arith.maximumf %get3A_612, %gather3A_264 : vector<16xf32>
        %sub3A_624 = arith.subf %min3A_622, %max3A_623 : vector<16xf32>
        %max3A_625 = arith.constant 0.000000e+00 : f32
        %max3A_626 = vector.broadcast %max3A_625 : f32 to vector<16xf32>
        %max3A_627 = arith.maximumf %sub3A_624, %max3A_626 : vector<16xf32>
        %min3A_628 = arith.minimumf %get3A_618, %gather3A_267 : vector<16xf32>
        %max3A_629 = arith.maximumf %get3A_614, %gather3A_265 : vector<16xf32>
        %sub3A_630 = arith.subf %min3A_628, %max3A_629 : vector<16xf32>
        %max3A_631 = arith.constant 0.000000e+00 : f32
        %max3A_632 = vector.broadcast %max3A_631 : f32 to vector<16xf32>
        %max3A_633 = arith.maximumf %sub3A_630, %max3A_632 : vector<16xf32>
        %mul3A_634 = arith.mulf %max3A_627, %max3A_633 : vector<16xf32>
        %add3A_635 = arith.addf %mul3A_621, %mul3A_270 : vector<16xf32>
        %sub3A_636 = arith.subf %add3A_635, %mul3A_634 : vector<16xf32>
        %add3A_637 = arith.constant 9.99999971E-10 : f32
        %add3A_638 = vector.broadcast %add3A_637 : f32 to vector<16xf32>
        %add3A_639 = arith.addf %sub3A_636, %add3A_638 : vector<16xf32>
        %div3A_640 = arith.divf %mul3A_634, %add3A_639 : vector<16xf32>
        %gt3A_641 = arith.constant 2.500000e-01 : f32
        %gt3A_642 = vector.broadcast %gt3A_641 : f32 to vector<16xf32>
        %gt3A_643 = arith.cmpf ogt, %div3A_640, %gt3A_642 : vector<16xf32>
        %add3A_644 = arith.constant 96 : i32
        %add3A_645 = arith.addi %mul3A_2, %add3A_644 : i32
        %add3A_646 = vector.broadcast %add3A_645 : i32 to vector<16xi32>
        %add3A_647 = arith.addi %add3A_646, %iota3A : vector<16xi32>
        %eq3A_648 = vector.broadcast %min3A_247 : i32 to vector<16xi32>
        %eq3A_649 = arith.cmpi eq, %add3A_647, %eq3A_648 : vector<16xi32>
        %or3A_650 = arith.ori %gt3A_643, %eq3A_649 : vector<16xi1>
        %and3A_651 = vector.broadcast %gt3A_246 : i1 to vector<16xi1>
        %and3A_652 = arith.andi %or3A_650, %and3A_651 : vector<16xi1>
        %get3A_653 = arith.constant 96 : index
        %get3A_654 = tpu.vector_load %arg15[%get3A_653] {strides = array<i32>} : memref<320xf32, #tpu.memory_space<vmem>>, vector<16xf32>,
        %jit3A_655 = arith.constant -1.000000e+00 : f32
        %broadcast_in_dim3A_656 = vector.broadcast %jit3A_655 : f32 to vector<16xf32>
        %select_n3A_657 = arith.select %and3A_652, %broadcast_in_dim3A_656, %get3A_654 : vector<16xi1>, vector<16xf32>
        %swap3A_658 = arith.constant 96 : index
        %swap3A_659 = tpu.vector_load %arg15[%swap3A_658] {strides = array<i32>} : memref<320xf32, #tpu.memory_space<vmem>>, vector<16xf32>,
        tpu.vector_store %arg15[%swap3A_658], %select_n3A_657 {strides = array<i32>} : memref<320xf32, #tpu.memory_space<vmem>>, vector<16xf32>,
        %gt3A_660 = arith.cmpf ogt, %select_n3A_657, %select_n3A_605 : vector<16xf32>
        %select_n3A_661 = arith.select %gt3A_660, %select_n3A_657, %select_n3A_605 : vector<16xi1>, vector<16xf32>
        %jit3A_662 = arith.constant 6 : i32
        %broadcast_in_dim3A_663 = vector.broadcast %jit3A_662 : i32 to vector<16xi32>
        %select_n3A_664 = arith.select %gt3A_660, %broadcast_in_dim3A_663, %select_n3A_608 : vector<16xi1>, vector<16xi32>
        %add3A_665 = arith.constant 112 : i32
        %add3A_666 = arith.addi %mul3A_2, %add3A_665 : i32
        %get3A_667 = arith.index_cast %add3A_666 : i32 to index
        %get3A_668 = tpu.vector_load %arg11[%get3A_667] {strides = array<i32>} : memref<5120xf32, #tpu.memory_space<vmem>>, vector<16xf32>,
        %get3A_669 = arith.index_cast %add3A_666 : i32 to index
        %get3A_670 = tpu.vector_load %arg12[%get3A_669] {strides = array<i32>} : memref<5120xf32, #tpu.memory_space<vmem>>, vector<16xf32>,
        %get3A_671 = arith.index_cast %add3A_666 : i32 to index
        %get3A_672 = tpu.vector_load %arg13[%get3A_671] {strides = array<i32>} : memref<5120xf32, #tpu.memory_space<vmem>>, vector<16xf32>,
        %get3A_673 = arith.index_cast %add3A_666 : i32 to index
        %get3A_674 = tpu.vector_load %arg14[%get3A_673] {strides = array<i32>} : memref<5120xf32, #tpu.memory_space<vmem>>, vector<16xf32>,
        %sub3A_675 = arith.subf %get3A_672, %get3A_668 : vector<16xf32>
        %sub3A_676 = arith.subf %get3A_674, %get3A_670 : vector<16xf32>
        %mul3A_677 = arith.mulf %sub3A_675, %sub3A_676 : vector<16xf32>
        %min3A_678 = arith.minimumf %get3A_672, %gather3A_266 : vector<16xf32>
        %max3A_679 = arith.maximumf %get3A_668, %gather3A_264 : vector<16xf32>
        %sub3A_680 = arith.subf %min3A_678, %max3A_679 : vector<16xf32>
        %max3A_681 = arith.constant 0.000000e+00 : f32
        %max3A_682 = vector.broadcast %max3A_681 : f32 to vector<16xf32>
        %max3A_683 = arith.maximumf %sub3A_680, %max3A_682 : vector<16xf32>
        %min3A_684 = arith.minimumf %get3A_674, %gather3A_267 : vector<16xf32>
        %max3A_685 = arith.maximumf %get3A_670, %gather3A_265 : vector<16xf32>
        %sub3A_686 = arith.subf %min3A_684, %max3A_685 : vector<16xf32>
        %max3A_687 = arith.constant 0.000000e+00 : f32
        %max3A_688 = vector.broadcast %max3A_687 : f32 to vector<16xf32>
        %max3A_689 = arith.maximumf %sub3A_686, %max3A_688 : vector<16xf32>
        %mul3A_690 = arith.mulf %max3A_683, %max3A_689 : vector<16xf32>
        %add3A_691 = arith.addf %mul3A_677, %mul3A_270 : vector<16xf32>
        %sub3A_692 = arith.subf %add3A_691, %mul3A_690 : vector<16xf32>
        %add3A_693 = arith.constant 9.99999971E-10 : f32
        %add3A_694 = vector.broadcast %add3A_693 : f32 to vector<16xf32>
        %add3A_695 = arith.addf %sub3A_692, %add3A_694 : vector<16xf32>
        %div3A_696 = arith.divf %mul3A_690, %add3A_695 : vector<16xf32>
        %gt3A_697 = arith.constant 2.500000e-01 : f32
        %gt3A_698 = vector.broadcast %gt3A_697 : f32 to vector<16xf32>
        %gt3A_699 = arith.cmpf ogt, %div3A_696, %gt3A_698 : vector<16xf32>
        %add3A_700 = arith.constant 112 : i32
        %add3A_701 = arith.addi %mul3A_2, %add3A_700 : i32
        %add3A_702 = vector.broadcast %add3A_701 : i32 to vector<16xi32>
        %add3A_703 = arith.addi %add3A_702, %iota3A : vector<16xi32>
        %eq3A_704 = vector.broadcast %min3A_247 : i32 to vector<16xi32>
        %eq3A_705 = arith.cmpi eq, %add3A_703, %eq3A_704 : vector<16xi32>
        %or3A_706 = arith.ori %gt3A_699, %eq3A_705 : vector<16xi1>
        %and3A_707 = vector.broadcast %gt3A_246 : i1 to vector<16xi1>
        %and3A_708 = arith.andi %or3A_706, %and3A_707 : vector<16xi1>
        %get3A_709 = arith.constant 112 : index
        %get3A_710 = tpu.vector_load %arg15[%get3A_709] {strides = array<i32>} : memref<320xf32, #tpu.memory_space<vmem>>, vector<16xf32>,
        %jit3A_711 = arith.constant -1.000000e+00 : f32
        %broadcast_in_dim3A_712 = vector.broadcast %jit3A_711 : f32 to vector<16xf32>
        %select_n3A_713 = arith.select %and3A_708, %broadcast_in_dim3A_712, %get3A_710 : vector<16xi1>, vector<16xf32>
        %swap3A_714 = arith.constant 112 : index
        %swap3A_715 = tpu.vector_load %arg15[%swap3A_714] {strides = array<i32>} : memref<320xf32, #tpu.memory_space<vmem>>, vector<16xf32>,
        tpu.vector_store %arg15[%swap3A_714], %select_n3A_713 {strides = array<i32>} : memref<320xf32, #tpu.memory_space<vmem>>, vector<16xf32>,
        %gt3A_716 = arith.cmpf ogt, %select_n3A_713, %select_n3A_661 : vector<16xf32>
        %select_n3A_717 = arith.select %gt3A_716, %select_n3A_713, %select_n3A_661 : vector<16xi1>, vector<16xf32>
        %jit3A_718 = arith.constant 7 : i32
        %broadcast_in_dim3A_719 = vector.broadcast %jit3A_718 : i32 to vector<16xi32>
        %select_n3A_720 = arith.select %gt3A_716, %broadcast_in_dim3A_719, %select_n3A_664 : vector<16xi1>, vector<16xi32>
        %add3A_721 = arith.constant 128 : i32
        %add3A_722 = arith.addi %mul3A_2, %add3A_721 : i32
        %get3A_723 = arith.index_cast %add3A_722 : i32 to index
        %get3A_724 = tpu.vector_load %arg11[%get3A_723] {strides = array<i32>} : memref<5120xf32, #tpu.memory_space<vmem>>, vector<16xf32>,
        %get3A_725 = arith.index_cast %add3A_722 : i32 to index
        %get3A_726 = tpu.vector_load %arg12[%get3A_725] {strides = array<i32>} : memref<5120xf32, #tpu.memory_space<vmem>>, vector<16xf32>,
        %get3A_727 = arith.index_cast %add3A_722 : i32 to index
        %get3A_728 = tpu.vector_load %arg13[%get3A_727] {strides = array<i32>} : memref<5120xf32, #tpu.memory_space<vmem>>, vector<16xf32>,
        %get3A_729 = arith.index_cast %add3A_722 : i32 to index
        %get3A_730 = tpu.vector_load %arg14[%get3A_729] {strides = array<i32>} : memref<5120xf32, #tpu.memory_space<vmem>>, vector<16xf32>,
        %sub3A_731 = arith.subf %get3A_728, %get3A_724 : vector<16xf32>
        %sub3A_732 = arith.subf %get3A_730, %get3A_726 : vector<16xf32>
        %mul3A_733 = arith.mulf %sub3A_731, %sub3A_732 : vector<16xf32>
        %min3A_734 = arith.minimumf %get3A_728, %gather3A_266 : vector<16xf32>
        %max3A_735 = arith.maximumf %get3A_724, %gather3A_264 : vector<16xf32>
        %sub3A_736 = arith.subf %min3A_734, %max3A_735 : vector<16xf32>
        %max3A_737 = arith.constant 0.000000e+00 : f32
        %max3A_738 = vector.broadcast %max3A_737 : f32 to vector<16xf32>
        %max3A_739 = arith.maximumf %sub3A_736, %max3A_738 : vector<16xf32>
        %min3A_740 = arith.minimumf %get3A_730, %gather3A_267 : vector<16xf32>
        %max3A_741 = arith.maximumf %get3A_726, %gather3A_265 : vector<16xf32>
        %sub3A_742 = arith.subf %min3A_740, %max3A_741 : vector<16xf32>
        %max3A_743 = arith.constant 0.000000e+00 : f32
        %max3A_744 = vector.broadcast %max3A_743 : f32 to vector<16xf32>
        %max3A_745 = arith.maximumf %sub3A_742, %max3A_744 : vector<16xf32>
        %mul3A_746 = arith.mulf %max3A_739, %max3A_745 : vector<16xf32>
        %add3A_747 = arith.addf %mul3A_733, %mul3A_270 : vector<16xf32>
        %sub3A_748 = arith.subf %add3A_747, %mul3A_746 : vector<16xf32>
        %add3A_749 = arith.constant 9.99999971E-10 : f32
        %add3A_750 = vector.broadcast %add3A_749 : f32 to vector<16xf32>
        %add3A_751 = arith.addf %sub3A_748, %add3A_750 : vector<16xf32>
        %div3A_752 = arith.divf %mul3A_746, %add3A_751 : vector<16xf32>
        %gt3A_753 = arith.constant 2.500000e-01 : f32
        %gt3A_754 = vector.broadcast %gt3A_753 : f32 to vector<16xf32>
        %gt3A_755 = arith.cmpf ogt, %div3A_752, %gt3A_754 : vector<16xf32>
        %add3A_756 = arith.constant 128 : i32
        %add3A_757 = arith.addi %mul3A_2, %add3A_756 : i32
        %add3A_758 = vector.broadcast %add3A_757 : i32 to vector<16xi32>
        %add3A_759 = arith.addi %add3A_758, %iota3A : vector<16xi32>
        %eq3A_760 = vector.broadcast %min3A_247 : i32 to vector<16xi32>
        %eq3A_761 = arith.cmpi eq, %add3A_759, %eq3A_760 : vector<16xi32>
        %or3A_762 = arith.ori %gt3A_755, %eq3A_761 : vector<16xi1>
        %and3A_763 = vector.broadcast %gt3A_246 : i1 to vector<16xi1>
        %and3A_764 = arith.andi %or3A_762, %and3A_763 : vector<16xi1>
        %get3A_765 = arith.constant 128 : index
        %get3A_766 = tpu.vector_load %arg15[%get3A_765] {strides = array<i32>} : memref<320xf32, #tpu.memory_space<vmem>>, vector<16xf32>,
        %jit3A_767 = arith.constant -1.000000e+00 : f32
        %broadcast_in_dim3A_768 = vector.broadcast %jit3A_767 : f32 to vector<16xf32>
        %select_n3A_769 = arith.select %and3A_764, %broadcast_in_dim3A_768, %get3A_766 : vector<16xi1>, vector<16xf32>
        %swap3A_770 = arith.constant 128 : index
        %swap3A_771 = tpu.vector_load %arg15[%swap3A_770] {strides = array<i32>} : memref<320xf32, #tpu.memory_space<vmem>>, vector<16xf32>,
        tpu.vector_store %arg15[%swap3A_770], %select_n3A_769 {strides = array<i32>} : memref<320xf32, #tpu.memory_space<vmem>>, vector<16xf32>,
        %gt3A_772 = arith.cmpf ogt, %select_n3A_769, %select_n3A_717 : vector<16xf32>
        %select_n3A_773 = arith.select %gt3A_772, %select_n3A_769, %select_n3A_717 : vector<16xi1>, vector<16xf32>
        %jit3A_774 = arith.constant 8 : i32
        %broadcast_in_dim3A_775 = vector.broadcast %jit3A_774 : i32 to vector<16xi32>
        %select_n3A_776 = arith.select %gt3A_772, %broadcast_in_dim3A_775, %select_n3A_720 : vector<16xi1>, vector<16xi32>
        %add3A_777 = arith.constant 144 : i32
        %add3A_778 = arith.addi %mul3A_2, %add3A_777 : i32
        %get3A_779 = arith.index_cast %add3A_778 : i32 to index
        %get3A_780 = tpu.vector_load %arg11[%get3A_779] {strides = array<i32>} : memref<5120xf32, #tpu.memory_space<vmem>>, vector<16xf32>,
        %get3A_781 = arith.index_cast %add3A_778 : i32 to index
        %get3A_782 = tpu.vector_load %arg12[%get3A_781] {strides = array<i32>} : memref<5120xf32, #tpu.memory_space<vmem>>, vector<16xf32>,
        %get3A_783 = arith.index_cast %add3A_778 : i32 to index
        %get3A_784 = tpu.vector_load %arg13[%get3A_783] {strides = array<i32>} : memref<5120xf32, #tpu.memory_space<vmem>>, vector<16xf32>,
        %get3A_785 = arith.index_cast %add3A_778 : i32 to index
        %get3A_786 = tpu.vector_load %arg14[%get3A_785] {strides = array<i32>} : memref<5120xf32, #tpu.memory_space<vmem>>, vector<16xf32>,
        %sub3A_787 = arith.subf %get3A_784, %get3A_780 : vector<16xf32>
        %sub3A_788 = arith.subf %get3A_786, %get3A_782 : vector<16xf32>
        %mul3A_789 = arith.mulf %sub3A_787, %sub3A_788 : vector<16xf32>
        %min3A_790 = arith.minimumf %get3A_784, %gather3A_266 : vector<16xf32>
        %max3A_791 = arith.maximumf %get3A_780, %gather3A_264 : vector<16xf32>
        %sub3A_792 = arith.subf %min3A_790, %max3A_791 : vector<16xf32>
        %max3A_793 = arith.constant 0.000000e+00 : f32
        %max3A_794 = vector.broadcast %max3A_793 : f32 to vector<16xf32>
        %max3A_795 = arith.maximumf %sub3A_792, %max3A_794 : vector<16xf32>
        %min3A_796 = arith.minimumf %get3A_786, %gather3A_267 : vector<16xf32>
        %max3A_797 = arith.maximumf %get3A_782, %gather3A_265 : vector<16xf32>
        %sub3A_798 = arith.subf %min3A_796, %max3A_797 : vector<16xf32>
        %max3A_799 = arith.constant 0.000000e+00 : f32
        %max3A_800 = vector.broadcast %max3A_799 : f32 to vector<16xf32>
        %max3A_801 = arith.maximumf %sub3A_798, %max3A_800 : vector<16xf32>
        %mul3A_802 = arith.mulf %max3A_795, %max3A_801 : vector<16xf32>
        %add3A_803 = arith.addf %mul3A_789, %mul3A_270 : vector<16xf32>
        %sub3A_804 = arith.subf %add3A_803, %mul3A_802 : vector<16xf32>
        %add3A_805 = arith.constant 9.99999971E-10 : f32
        %add3A_806 = vector.broadcast %add3A_805 : f32 to vector<16xf32>
        %add3A_807 = arith.addf %sub3A_804, %add3A_806 : vector<16xf32>
        %div3A_808 = arith.divf %mul3A_802, %add3A_807 : vector<16xf32>
        %gt3A_809 = arith.constant 2.500000e-01 : f32
        %gt3A_810 = vector.broadcast %gt3A_809 : f32 to vector<16xf32>
        %gt3A_811 = arith.cmpf ogt, %div3A_808, %gt3A_810 : vector<16xf32>
        %add3A_812 = arith.constant 144 : i32
        %add3A_813 = arith.addi %mul3A_2, %add3A_812 : i32
        %add3A_814 = vector.broadcast %add3A_813 : i32 to vector<16xi32>
        %add3A_815 = arith.addi %add3A_814, %iota3A : vector<16xi32>
        %eq3A_816 = vector.broadcast %min3A_247 : i32 to vector<16xi32>
        %eq3A_817 = arith.cmpi eq, %add3A_815, %eq3A_816 : vector<16xi32>
        %or3A_818 = arith.ori %gt3A_811, %eq3A_817 : vector<16xi1>
        %and3A_819 = vector.broadcast %gt3A_246 : i1 to vector<16xi1>
        %and3A_820 = arith.andi %or3A_818, %and3A_819 : vector<16xi1>
        %get3A_821 = arith.constant 144 : index
        %get3A_822 = tpu.vector_load %arg15[%get3A_821] {strides = array<i32>} : memref<320xf32, #tpu.memory_space<vmem>>, vector<16xf32>,
        %jit3A_823 = arith.constant -1.000000e+00 : f32
        %broadcast_in_dim3A_824 = vector.broadcast %jit3A_823 : f32 to vector<16xf32>
        %select_n3A_825 = arith.select %and3A_820, %broadcast_in_dim3A_824, %get3A_822 : vector<16xi1>, vector<16xf32>
        %swap3A_826 = arith.constant 144 : index
        %swap3A_827 = tpu.vector_load %arg15[%swap3A_826] {strides = array<i32>} : memref<320xf32, #tpu.memory_space<vmem>>, vector<16xf32>,
        tpu.vector_store %arg15[%swap3A_826], %select_n3A_825 {strides = array<i32>} : memref<320xf32, #tpu.memory_space<vmem>>, vector<16xf32>,
        %gt3A_828 = arith.cmpf ogt, %select_n3A_825, %select_n3A_773 : vector<16xf32>
        %select_n3A_829 = arith.select %gt3A_828, %select_n3A_825, %select_n3A_773 : vector<16xi1>, vector<16xf32>
        %jit3A_830 = arith.constant 9 : i32
        %broadcast_in_dim3A_831 = vector.broadcast %jit3A_830 : i32 to vector<16xi32>
        %select_n3A_832 = arith.select %gt3A_828, %broadcast_in_dim3A_831, %select_n3A_776 : vector<16xi1>, vector<16xi32>
        %add3A_833 = arith.constant 160 : i32
        %add3A_834 = arith.addi %mul3A_2, %add3A_833 : i32
        %get3A_835 = arith.index_cast %add3A_834 : i32 to index
        %get3A_836 = tpu.vector_load %arg11[%get3A_835] {strides = array<i32>} : memref<5120xf32, #tpu.memory_space<vmem>>, vector<16xf32>,
        %get3A_837 = arith.index_cast %add3A_834 : i32 to index
        %get3A_838 = tpu.vector_load %arg12[%get3A_837] {strides = array<i32>} : memref<5120xf32, #tpu.memory_space<vmem>>, vector<16xf32>,
        %get3A_839 = arith.index_cast %add3A_834 : i32 to index
        %get3A_840 = tpu.vector_load %arg13[%get3A_839] {strides = array<i32>} : memref<5120xf32, #tpu.memory_space<vmem>>, vector<16xf32>,
        %get3A_841 = arith.index_cast %add3A_834 : i32 to index
        %get3A_842 = tpu.vector_load %arg14[%get3A_841] {strides = array<i32>} : memref<5120xf32, #tpu.memory_space<vmem>>, vector<16xf32>,
        %sub3A_843 = arith.subf %get3A_840, %get3A_836 : vector<16xf32>
        %sub3A_844 = arith.subf %get3A_842, %get3A_838 : vector<16xf32>
        %mul3A_845 = arith.mulf %sub3A_843, %sub3A_844 : vector<16xf32>
        %min3A_846 = arith.minimumf %get3A_840, %gather3A_266 : vector<16xf32>
        %max3A_847 = arith.maximumf %get3A_836, %gather3A_264 : vector<16xf32>
        %sub3A_848 = arith.subf %min3A_846, %max3A_847 : vector<16xf32>
        %max3A_849 = arith.constant 0.000000e+00 : f32
        %max3A_850 = vector.broadcast %max3A_849 : f32 to vector<16xf32>
        %max3A_851 = arith.maximumf %sub3A_848, %max3A_850 : vector<16xf32>
        %min3A_852 = arith.minimumf %get3A_842, %gather3A_267 : vector<16xf32>
        %max3A_853 = arith.maximumf %get3A_838, %gather3A_265 : vector<16xf32>
        %sub3A_854 = arith.subf %min3A_852, %max3A_853 : vector<16xf32>
        %max3A_855 = arith.constant 0.000000e+00 : f32
        %max3A_856 = vector.broadcast %max3A_855 : f32 to vector<16xf32>
        %max3A_857 = arith.maximumf %sub3A_854, %max3A_856 : vector<16xf32>
        %mul3A_858 = arith.mulf %max3A_851, %max3A_857 : vector<16xf32>
        %add3A_859 = arith.addf %mul3A_845, %mul3A_270 : vector<16xf32>
        %sub3A_860 = arith.subf %add3A_859, %mul3A_858 : vector<16xf32>
        %add3A_861 = arith.constant 9.99999971E-10 : f32
        %add3A_862 = vector.broadcast %add3A_861 : f32 to vector<16xf32>
        %add3A_863 = arith.addf %sub3A_860, %add3A_862 : vector<16xf32>
        %div3A_864 = arith.divf %mul3A_858, %add3A_863 : vector<16xf32>
        %gt3A_865 = arith.constant 2.500000e-01 : f32
        %gt3A_866 = vector.broadcast %gt3A_865 : f32 to vector<16xf32>
        %gt3A_867 = arith.cmpf ogt, %div3A_864, %gt3A_866 : vector<16xf32>
        %add3A_868 = arith.constant 160 : i32
        %add3A_869 = arith.addi %mul3A_2, %add3A_868 : i32
        %add3A_870 = vector.broadcast %add3A_869 : i32 to vector<16xi32>
        %add3A_871 = arith.addi %add3A_870, %iota3A : vector<16xi32>
        %eq3A_872 = vector.broadcast %min3A_247 : i32 to vector<16xi32>
        %eq3A_873 = arith.cmpi eq, %add3A_871, %eq3A_872 : vector<16xi32>
        %or3A_874 = arith.ori %gt3A_867, %eq3A_873 : vector<16xi1>
        %and3A_875 = vector.broadcast %gt3A_246 : i1 to vector<16xi1>
        %and3A_876 = arith.andi %or3A_874, %and3A_875 : vector<16xi1>
        %get3A_877 = arith.constant 160 : index
        %get3A_878 = tpu.vector_load %arg15[%get3A_877] {strides = array<i32>} : memref<320xf32, #tpu.memory_space<vmem>>, vector<16xf32>,
        %jit3A_879 = arith.constant -1.000000e+00 : f32
        %broadcast_in_dim3A_880 = vector.broadcast %jit3A_879 : f32 to vector<16xf32>
        %select_n3A_881 = arith.select %and3A_876, %broadcast_in_dim3A_880, %get3A_878 : vector<16xi1>, vector<16xf32>
        %swap3A_882 = arith.constant 160 : index
        %swap3A_883 = tpu.vector_load %arg15[%swap3A_882] {strides = array<i32>} : memref<320xf32, #tpu.memory_space<vmem>>, vector<16xf32>,
        tpu.vector_store %arg15[%swap3A_882], %select_n3A_881 {strides = array<i32>} : memref<320xf32, #tpu.memory_space<vmem>>, vector<16xf32>,
        %gt3A_884 = arith.cmpf ogt, %select_n3A_881, %select_n3A_829 : vector<16xf32>
        %select_n3A_885 = arith.select %gt3A_884, %select_n3A_881, %select_n3A_829 : vector<16xi1>, vector<16xf32>
        %jit3A_886 = arith.constant 10 : i32
        %broadcast_in_dim3A_887 = vector.broadcast %jit3A_886 : i32 to vector<16xi32>
        %select_n3A_888 = arith.select %gt3A_884, %broadcast_in_dim3A_887, %select_n3A_832 : vector<16xi1>, vector<16xi32>
        %add3A_889 = arith.constant 176 : i32
        %add3A_890 = arith.addi %mul3A_2, %add3A_889 : i32
        %get3A_891 = arith.index_cast %add3A_890 : i32 to index
        %get3A_892 = tpu.vector_load %arg11[%get3A_891] {strides = array<i32>} : memref<5120xf32, #tpu.memory_space<vmem>>, vector<16xf32>,
        %get3A_893 = arith.index_cast %add3A_890 : i32 to index
        %get3A_894 = tpu.vector_load %arg12[%get3A_893] {strides = array<i32>} : memref<5120xf32, #tpu.memory_space<vmem>>, vector<16xf32>,
        %get3A_895 = arith.index_cast %add3A_890 : i32 to index
        %get3A_896 = tpu.vector_load %arg13[%get3A_895] {strides = array<i32>} : memref<5120xf32, #tpu.memory_space<vmem>>, vector<16xf32>,
        %get3A_897 = arith.index_cast %add3A_890 : i32 to index
        %get3A_898 = tpu.vector_load %arg14[%get3A_897] {strides = array<i32>} : memref<5120xf32, #tpu.memory_space<vmem>>, vector<16xf32>,
        %sub3A_899 = arith.subf %get3A_896, %get3A_892 : vector<16xf32>
        %sub3A_900 = arith.subf %get3A_898, %get3A_894 : vector<16xf32>
        %mul3A_901 = arith.mulf %sub3A_899, %sub3A_900 : vector<16xf32>
        %min3A_902 = arith.minimumf %get3A_896, %gather3A_266 : vector<16xf32>
        %max3A_903 = arith.maximumf %get3A_892, %gather3A_264 : vector<16xf32>
        %sub3A_904 = arith.subf %min3A_902, %max3A_903 : vector<16xf32>
        %max3A_905 = arith.constant 0.000000e+00 : f32
        %max3A_906 = vector.broadcast %max3A_905 : f32 to vector<16xf32>
        %max3A_907 = arith.maximumf %sub3A_904, %max3A_906 : vector<16xf32>
        %min3A_908 = arith.minimumf %get3A_898, %gather3A_267 : vector<16xf32>
        %max3A_909 = arith.maximumf %get3A_894, %gather3A_265 : vector<16xf32>
        %sub3A_910 = arith.subf %min3A_908, %max3A_909 : vector<16xf32>
        %max3A_911 = arith.constant 0.000000e+00 : f32
        %max3A_912 = vector.broadcast %max3A_911 : f32 to vector<16xf32>
        %max3A_913 = arith.maximumf %sub3A_910, %max3A_912 : vector<16xf32>
        %mul3A_914 = arith.mulf %max3A_907, %max3A_913 : vector<16xf32>
        %add3A_915 = arith.addf %mul3A_901, %mul3A_270 : vector<16xf32>
        %sub3A_916 = arith.subf %add3A_915, %mul3A_914 : vector<16xf32>
        %add3A_917 = arith.constant 9.99999971E-10 : f32
        %add3A_918 = vector.broadcast %add3A_917 : f32 to vector<16xf32>
        %add3A_919 = arith.addf %sub3A_916, %add3A_918 : vector<16xf32>
        %div3A_920 = arith.divf %mul3A_914, %add3A_919 : vector<16xf32>
        %gt3A_921 = arith.constant 2.500000e-01 : f32
        %gt3A_922 = vector.broadcast %gt3A_921 : f32 to vector<16xf32>
        %gt3A_923 = arith.cmpf ogt, %div3A_920, %gt3A_922 : vector<16xf32>
        %add3A_924 = arith.constant 176 : i32
        %add3A_925 = arith.addi %mul3A_2, %add3A_924 : i32
        %add3A_926 = vector.broadcast %add3A_925 : i32 to vector<16xi32>
        %add3A_927 = arith.addi %add3A_926, %iota3A : vector<16xi32>
        %eq3A_928 = vector.broadcast %min3A_247 : i32 to vector<16xi32>
        %eq3A_929 = arith.cmpi eq, %add3A_927, %eq3A_928 : vector<16xi32>
        %or3A_930 = arith.ori %gt3A_923, %eq3A_929 : vector<16xi1>
        %and3A_931 = vector.broadcast %gt3A_246 : i1 to vector<16xi1>
        %and3A_932 = arith.andi %or3A_930, %and3A_931 : vector<16xi1>
        %get3A_933 = arith.constant 176 : index
        %get3A_934 = tpu.vector_load %arg15[%get3A_933] {strides = array<i32>} : memref<320xf32, #tpu.memory_space<vmem>>, vector<16xf32>,
        %jit3A_935 = arith.constant -1.000000e+00 : f32
        %broadcast_in_dim3A_936 = vector.broadcast %jit3A_935 : f32 to vector<16xf32>
        %select_n3A_937 = arith.select %and3A_932, %broadcast_in_dim3A_936, %get3A_934 : vector<16xi1>, vector<16xf32>
        %swap3A_938 = arith.constant 176 : index
        %swap3A_939 = tpu.vector_load %arg15[%swap3A_938] {strides = array<i32>} : memref<320xf32, #tpu.memory_space<vmem>>, vector<16xf32>,
        tpu.vector_store %arg15[%swap3A_938], %select_n3A_937 {strides = array<i32>} : memref<320xf32, #tpu.memory_space<vmem>>, vector<16xf32>,
        %gt3A_940 = arith.cmpf ogt, %select_n3A_937, %select_n3A_885 : vector<16xf32>
        %select_n3A_941 = arith.select %gt3A_940, %select_n3A_937, %select_n3A_885 : vector<16xi1>, vector<16xf32>
        %jit3A_942 = arith.constant 11 : i32
        %broadcast_in_dim3A_943 = vector.broadcast %jit3A_942 : i32 to vector<16xi32>
        %select_n3A_944 = arith.select %gt3A_940, %broadcast_in_dim3A_943, %select_n3A_888 : vector<16xi1>, vector<16xi32>
        %add3A_945 = arith.constant 192 : i32
        %add3A_946 = arith.addi %mul3A_2, %add3A_945 : i32
        %get3A_947 = arith.index_cast %add3A_946 : i32 to index
        %get3A_948 = tpu.vector_load %arg11[%get3A_947] {strides = array<i32>} : memref<5120xf32, #tpu.memory_space<vmem>>, vector<16xf32>,
        %get3A_949 = arith.index_cast %add3A_946 : i32 to index
        %get3A_950 = tpu.vector_load %arg12[%get3A_949] {strides = array<i32>} : memref<5120xf32, #tpu.memory_space<vmem>>, vector<16xf32>,
        %get3A_951 = arith.index_cast %add3A_946 : i32 to index
        %get3A_952 = tpu.vector_load %arg13[%get3A_951] {strides = array<i32>} : memref<5120xf32, #tpu.memory_space<vmem>>, vector<16xf32>,
        %get3A_953 = arith.index_cast %add3A_946 : i32 to index
        %get3A_954 = tpu.vector_load %arg14[%get3A_953] {strides = array<i32>} : memref<5120xf32, #tpu.memory_space<vmem>>, vector<16xf32>,
        %sub3A_955 = arith.subf %get3A_952, %get3A_948 : vector<16xf32>
        %sub3A_956 = arith.subf %get3A_954, %get3A_950 : vector<16xf32>
        %mul3A_957 = arith.mulf %sub3A_955, %sub3A_956 : vector<16xf32>
        %min3A_958 = arith.minimumf %get3A_952, %gather3A_266 : vector<16xf32>
        %max3A_959 = arith.maximumf %get3A_948, %gather3A_264 : vector<16xf32>
        %sub3A_960 = arith.subf %min3A_958, %max3A_959 : vector<16xf32>
        %max3A_961 = arith.constant 0.000000e+00 : f32
        %max3A_962 = vector.broadcast %max3A_961 : f32 to vector<16xf32>
        %max3A_963 = arith.maximumf %sub3A_960, %max3A_962 : vector<16xf32>
        %min3A_964 = arith.minimumf %get3A_954, %gather3A_267 : vector<16xf32>
        %max3A_965 = arith.maximumf %get3A_950, %gather3A_265 : vector<16xf32>
        %sub3A_966 = arith.subf %min3A_964, %max3A_965 : vector<16xf32>
        %max3A_967 = arith.constant 0.000000e+00 : f32
        %max3A_968 = vector.broadcast %max3A_967 : f32 to vector<16xf32>
        %max3A_969 = arith.maximumf %sub3A_966, %max3A_968 : vector<16xf32>
        %mul3A_970 = arith.mulf %max3A_963, %max3A_969 : vector<16xf32>
        %add3A_971 = arith.addf %mul3A_957, %mul3A_270 : vector<16xf32>
        %sub3A_972 = arith.subf %add3A_971, %mul3A_970 : vector<16xf32>
        %add3A_973 = arith.constant 9.99999971E-10 : f32
        %add3A_974 = vector.broadcast %add3A_973 : f32 to vector<16xf32>
        %add3A_975 = arith.addf %sub3A_972, %add3A_974 : vector<16xf32>
        %div3A_976 = arith.divf %mul3A_970, %add3A_975 : vector<16xf32>
        %gt3A_977 = arith.constant 2.500000e-01 : f32
        %gt3A_978 = vector.broadcast %gt3A_977 : f32 to vector<16xf32>
        %gt3A_979 = arith.cmpf ogt, %div3A_976, %gt3A_978 : vector<16xf32>
        %add3A_980 = arith.constant 192 : i32
        %add3A_981 = arith.addi %mul3A_2, %add3A_980 : i32
        %add3A_982 = vector.broadcast %add3A_981 : i32 to vector<16xi32>
        %add3A_983 = arith.addi %add3A_982, %iota3A : vector<16xi32>
        %eq3A_984 = vector.broadcast %min3A_247 : i32 to vector<16xi32>
        %eq3A_985 = arith.cmpi eq, %add3A_983, %eq3A_984 : vector<16xi32>
        %or3A_986 = arith.ori %gt3A_979, %eq3A_985 : vector<16xi1>
        %and3A_987 = vector.broadcast %gt3A_246 : i1 to vector<16xi1>
        %and3A_988 = arith.andi %or3A_986, %and3A_987 : vector<16xi1>
        %get3A_989 = arith.constant 192 : index
        %get3A_990 = tpu.vector_load %arg15[%get3A_989] {strides = array<i32>} : memref<320xf32, #tpu.memory_space<vmem>>, vector<16xf32>,
        %jit3A_991 = arith.constant -1.000000e+00 : f32
        %broadcast_in_dim3A_992 = vector.broadcast %jit3A_991 : f32 to vector<16xf32>
        %select_n3A_993 = arith.select %and3A_988, %broadcast_in_dim3A_992, %get3A_990 : vector<16xi1>, vector<16xf32>
        %swap3A_994 = arith.constant 192 : index
        %swap3A_995 = tpu.vector_load %arg15[%swap3A_994] {strides = array<i32>} : memref<320xf32, #tpu.memory_space<vmem>>, vector<16xf32>,
        tpu.vector_store %arg15[%swap3A_994], %select_n3A_993 {strides = array<i32>} : memref<320xf32, #tpu.memory_space<vmem>>, vector<16xf32>,
        %gt3A_996 = arith.cmpf ogt, %select_n3A_993, %select_n3A_941 : vector<16xf32>
        %select_n3A_997 = arith.select %gt3A_996, %select_n3A_993, %select_n3A_941 : vector<16xi1>, vector<16xf32>
        %jit3A_998 = arith.constant 12 : i32
        %broadcast_in_dim3A_999 = vector.broadcast %jit3A_998 : i32 to vector<16xi32>
        %select_n3A_1000 = arith.select %gt3A_996, %broadcast_in_dim3A_999, %select_n3A_944 : vector<16xi1>, vector<16xi32>
        %add3A_1001 = arith.constant 208 : i32
        %add3A_1002 = arith.addi %mul3A_2, %add3A_1001 : i32
        %get3A_1003 = arith.index_cast %add3A_1002 : i32 to index
        %get3A_1004 = tpu.vector_load %arg11[%get3A_1003] {strides = array<i32>} : memref<5120xf32, #tpu.memory_space<vmem>>, vector<16xf32>,
        %get3A_1005 = arith.index_cast %add3A_1002 : i32 to index
        %get3A_1006 = tpu.vector_load %arg12[%get3A_1005] {strides = array<i32>} : memref<5120xf32, #tpu.memory_space<vmem>>, vector<16xf32>,
        %get3A_1007 = arith.index_cast %add3A_1002 : i32 to index
        %get3A_1008 = tpu.vector_load %arg13[%get3A_1007] {strides = array<i32>} : memref<5120xf32, #tpu.memory_space<vmem>>, vector<16xf32>,
        %get3A_1009 = arith.index_cast %add3A_1002 : i32 to index
        %get3A_1010 = tpu.vector_load %arg14[%get3A_1009] {strides = array<i32>} : memref<5120xf32, #tpu.memory_space<vmem>>, vector<16xf32>,
        %sub3A_1011 = arith.subf %get3A_1008, %get3A_1004 : vector<16xf32>
        %sub3A_1012 = arith.subf %get3A_1010, %get3A_1006 : vector<16xf32>
        %mul3A_1013 = arith.mulf %sub3A_1011, %sub3A_1012 : vector<16xf32>
        %min3A_1014 = arith.minimumf %get3A_1008, %gather3A_266 : vector<16xf32>
        %max3A_1015 = arith.maximumf %get3A_1004, %gather3A_264 : vector<16xf32>
        %sub3A_1016 = arith.subf %min3A_1014, %max3A_1015 : vector<16xf32>
        %max3A_1017 = arith.constant 0.000000e+00 : f32
        %max3A_1018 = vector.broadcast %max3A_1017 : f32 to vector<16xf32>
        %max3A_1019 = arith.maximumf %sub3A_1016, %max3A_1018 : vector<16xf32>
        %min3A_1020 = arith.minimumf %get3A_1010, %gather3A_267 : vector<16xf32>
        %max3A_1021 = arith.maximumf %get3A_1006, %gather3A_265 : vector<16xf32>
        %sub3A_1022 = arith.subf %min3A_1020, %max3A_1021 : vector<16xf32>
        %max3A_1023 = arith.constant 0.000000e+00 : f32
        %max3A_1024 = vector.broadcast %max3A_1023 : f32 to vector<16xf32>
        %max3A_1025 = arith.maximumf %sub3A_1022, %max3A_1024 : vector<16xf32>
        %mul3A_1026 = arith.mulf %max3A_1019, %max3A_1025 : vector<16xf32>
        %add3A_1027 = arith.addf %mul3A_1013, %mul3A_270 : vector<16xf32>
        %sub3A_1028 = arith.subf %add3A_1027, %mul3A_1026 : vector<16xf32>
        %add3A_1029 = arith.constant 9.99999971E-10 : f32
        %add3A_1030 = vector.broadcast %add3A_1029 : f32 to vector<16xf32>
        %add3A_1031 = arith.addf %sub3A_1028, %add3A_1030 : vector<16xf32>
        %div3A_1032 = arith.divf %mul3A_1026, %add3A_1031 : vector<16xf32>
        %gt3A_1033 = arith.constant 2.500000e-01 : f32
        %gt3A_1034 = vector.broadcast %gt3A_1033 : f32 to vector<16xf32>
        %gt3A_1035 = arith.cmpf ogt, %div3A_1032, %gt3A_1034 : vector<16xf32>
        %add3A_1036 = arith.constant 208 : i32
        %add3A_1037 = arith.addi %mul3A_2, %add3A_1036 : i32
        %add3A_1038 = vector.broadcast %add3A_1037 : i32 to vector<16xi32>
        %add3A_1039 = arith.addi %add3A_1038, %iota3A : vector<16xi32>
        %eq3A_1040 = vector.broadcast %min3A_247 : i32 to vector<16xi32>
        %eq3A_1041 = arith.cmpi eq, %add3A_1039, %eq3A_1040 : vector<16xi32>
        %or3A_1042 = arith.ori %gt3A_1035, %eq3A_1041 : vector<16xi1>
        %and3A_1043 = vector.broadcast %gt3A_246 : i1 to vector<16xi1>
        %and3A_1044 = arith.andi %or3A_1042, %and3A_1043 : vector<16xi1>
        %get3A_1045 = arith.constant 208 : index
        %get3A_1046 = tpu.vector_load %arg15[%get3A_1045] {strides = array<i32>} : memref<320xf32, #tpu.memory_space<vmem>>, vector<16xf32>,
        %jit3A_1047 = arith.constant -1.000000e+00 : f32
        %broadcast_in_dim3A_1048 = vector.broadcast %jit3A_1047 : f32 to vector<16xf32>
        %select_n3A_1049 = arith.select %and3A_1044, %broadcast_in_dim3A_1048, %get3A_1046 : vector<16xi1>, vector<16xf32>
        %swap3A_1050 = arith.constant 208 : index
        %swap3A_1051 = tpu.vector_load %arg15[%swap3A_1050] {strides = array<i32>} : memref<320xf32, #tpu.memory_space<vmem>>, vector<16xf32>,
        tpu.vector_store %arg15[%swap3A_1050], %select_n3A_1049 {strides = array<i32>} : memref<320xf32, #tpu.memory_space<vmem>>, vector<16xf32>,
        %gt3A_1052 = arith.cmpf ogt, %select_n3A_1049, %select_n3A_997 : vector<16xf32>
        %select_n3A_1053 = arith.select %gt3A_1052, %select_n3A_1049, %select_n3A_997 : vector<16xi1>, vector<16xf32>
        %jit3A_1054 = arith.constant 13 : i32
        %broadcast_in_dim3A_1055 = vector.broadcast %jit3A_1054 : i32 to vector<16xi32>
        %select_n3A_1056 = arith.select %gt3A_1052, %broadcast_in_dim3A_1055, %select_n3A_1000 : vector<16xi1>, vector<16xi32>
        %add3A_1057 = arith.constant 224 : i32
        %add3A_1058 = arith.addi %mul3A_2, %add3A_1057 : i32
        %get3A_1059 = arith.index_cast %add3A_1058 : i32 to index
        %get3A_1060 = tpu.vector_load %arg11[%get3A_1059] {strides = array<i32>} : memref<5120xf32, #tpu.memory_space<vmem>>, vector<16xf32>,
        %get3A_1061 = arith.index_cast %add3A_1058 : i32 to index
        %get3A_1062 = tpu.vector_load %arg12[%get3A_1061] {strides = array<i32>} : memref<5120xf32, #tpu.memory_space<vmem>>, vector<16xf32>,
        %get3A_1063 = arith.index_cast %add3A_1058 : i32 to index
        %get3A_1064 = tpu.vector_load %arg13[%get3A_1063] {strides = array<i32>} : memref<5120xf32, #tpu.memory_space<vmem>>, vector<16xf32>,
        %get3A_1065 = arith.index_cast %add3A_1058 : i32 to index
        %get3A_1066 = tpu.vector_load %arg14[%get3A_1065] {strides = array<i32>} : memref<5120xf32, #tpu.memory_space<vmem>>, vector<16xf32>,
        %sub3A_1067 = arith.subf %get3A_1064, %get3A_1060 : vector<16xf32>
        %sub3A_1068 = arith.subf %get3A_1066, %get3A_1062 : vector<16xf32>
        %mul3A_1069 = arith.mulf %sub3A_1067, %sub3A_1068 : vector<16xf32>
        %min3A_1070 = arith.minimumf %get3A_1064, %gather3A_266 : vector<16xf32>
        %max3A_1071 = arith.maximumf %get3A_1060, %gather3A_264 : vector<16xf32>
        %sub3A_1072 = arith.subf %min3A_1070, %max3A_1071 : vector<16xf32>
        %max3A_1073 = arith.constant 0.000000e+00 : f32
        %max3A_1074 = vector.broadcast %max3A_1073 : f32 to vector<16xf32>
        %max3A_1075 = arith.maximumf %sub3A_1072, %max3A_1074 : vector<16xf32>
        %min3A_1076 = arith.minimumf %get3A_1066, %gather3A_267 : vector<16xf32>
        %max3A_1077 = arith.maximumf %get3A_1062, %gather3A_265 : vector<16xf32>
        %sub3A_1078 = arith.subf %min3A_1076, %max3A_1077 : vector<16xf32>
        %max3A_1079 = arith.constant 0.000000e+00 : f32
        %max3A_1080 = vector.broadcast %max3A_1079 : f32 to vector<16xf32>
        %max3A_1081 = arith.maximumf %sub3A_1078, %max3A_1080 : vector<16xf32>
        %mul3A_1082 = arith.mulf %max3A_1075, %max3A_1081 : vector<16xf32>
        %add3A_1083 = arith.addf %mul3A_1069, %mul3A_270 : vector<16xf32>
        %sub3A_1084 = arith.subf %add3A_1083, %mul3A_1082 : vector<16xf32>
        %add3A_1085 = arith.constant 9.99999971E-10 : f32
        %add3A_1086 = vector.broadcast %add3A_1085 : f32 to vector<16xf32>
        %add3A_1087 = arith.addf %sub3A_1084, %add3A_1086 : vector<16xf32>
        %div3A_1088 = arith.divf %mul3A_1082, %add3A_1087 : vector<16xf32>
        %gt3A_1089 = arith.constant 2.500000e-01 : f32
        %gt3A_1090 = vector.broadcast %gt3A_1089 : f32 to vector<16xf32>
        %gt3A_1091 = arith.cmpf ogt, %div3A_1088, %gt3A_1090 : vector<16xf32>
        %add3A_1092 = arith.constant 224 : i32
        %add3A_1093 = arith.addi %mul3A_2, %add3A_1092 : i32
        %add3A_1094 = vector.broadcast %add3A_1093 : i32 to vector<16xi32>
        %add3A_1095 = arith.addi %add3A_1094, %iota3A : vector<16xi32>
        %eq3A_1096 = vector.broadcast %min3A_247 : i32 to vector<16xi32>
        %eq3A_1097 = arith.cmpi eq, %add3A_1095, %eq3A_1096 : vector<16xi32>
        %or3A_1098 = arith.ori %gt3A_1091, %eq3A_1097 : vector<16xi1>
        %and3A_1099 = vector.broadcast %gt3A_246 : i1 to vector<16xi1>
        %and3A_1100 = arith.andi %or3A_1098, %and3A_1099 : vector<16xi1>
        %get3A_1101 = arith.constant 224 : index
        %get3A_1102 = tpu.vector_load %arg15[%get3A_1101] {strides = array<i32>} : memref<320xf32, #tpu.memory_space<vmem>>, vector<16xf32>,
        %jit3A_1103 = arith.constant -1.000000e+00 : f32
        %broadcast_in_dim3A_1104 = vector.broadcast %jit3A_1103 : f32 to vector<16xf32>
        %select_n3A_1105 = arith.select %and3A_1100, %broadcast_in_dim3A_1104, %get3A_1102 : vector<16xi1>, vector<16xf32>
        %swap3A_1106 = arith.constant 224 : index
        %swap3A_1107 = tpu.vector_load %arg15[%swap3A_1106] {strides = array<i32>} : memref<320xf32, #tpu.memory_space<vmem>>, vector<16xf32>,
        tpu.vector_store %arg15[%swap3A_1106], %select_n3A_1105 {strides = array<i32>} : memref<320xf32, #tpu.memory_space<vmem>>, vector<16xf32>,
        %gt3A_1108 = arith.cmpf ogt, %select_n3A_1105, %select_n3A_1053 : vector<16xf32>
        %select_n3A_1109 = arith.select %gt3A_1108, %select_n3A_1105, %select_n3A_1053 : vector<16xi1>, vector<16xf32>
        %jit3A_1110 = arith.constant 14 : i32
        %broadcast_in_dim3A_1111 = vector.broadcast %jit3A_1110 : i32 to vector<16xi32>
        %select_n3A_1112 = arith.select %gt3A_1108, %broadcast_in_dim3A_1111, %select_n3A_1056 : vector<16xi1>, vector<16xi32>
        %add3A_1113 = arith.constant 240 : i32
        %add3A_1114 = arith.addi %mul3A_2, %add3A_1113 : i32
        %get3A_1115 = arith.index_cast %add3A_1114 : i32 to index
        %get3A_1116 = tpu.vector_load %arg11[%get3A_1115] {strides = array<i32>} : memref<5120xf32, #tpu.memory_space<vmem>>, vector<16xf32>,
        %get3A_1117 = arith.index_cast %add3A_1114 : i32 to index
        %get3A_1118 = tpu.vector_load %arg12[%get3A_1117] {strides = array<i32>} : memref<5120xf32, #tpu.memory_space<vmem>>, vector<16xf32>,
        %get3A_1119 = arith.index_cast %add3A_1114 : i32 to index
        %get3A_1120 = tpu.vector_load %arg13[%get3A_1119] {strides = array<i32>} : memref<5120xf32, #tpu.memory_space<vmem>>, vector<16xf32>,
        %get3A_1121 = arith.index_cast %add3A_1114 : i32 to index
        %get3A_1122 = tpu.vector_load %arg14[%get3A_1121] {strides = array<i32>} : memref<5120xf32, #tpu.memory_space<vmem>>, vector<16xf32>,
        %sub3A_1123 = arith.subf %get3A_1120, %get3A_1116 : vector<16xf32>
        %sub3A_1124 = arith.subf %get3A_1122, %get3A_1118 : vector<16xf32>
        %mul3A_1125 = arith.mulf %sub3A_1123, %sub3A_1124 : vector<16xf32>
        %min3A_1126 = arith.minimumf %get3A_1120, %gather3A_266 : vector<16xf32>
        %max3A_1127 = arith.maximumf %get3A_1116, %gather3A_264 : vector<16xf32>
        %sub3A_1128 = arith.subf %min3A_1126, %max3A_1127 : vector<16xf32>
        %max3A_1129 = arith.constant 0.000000e+00 : f32
        %max3A_1130 = vector.broadcast %max3A_1129 : f32 to vector<16xf32>
        %max3A_1131 = arith.maximumf %sub3A_1128, %max3A_1130 : vector<16xf32>
        %min3A_1132 = arith.minimumf %get3A_1122, %gather3A_267 : vector<16xf32>
        %max3A_1133 = arith.maximumf %get3A_1118, %gather3A_265 : vector<16xf32>
        %sub3A_1134 = arith.subf %min3A_1132, %max3A_1133 : vector<16xf32>
        %max3A_1135 = arith.constant 0.000000e+00 : f32
        %max3A_1136 = vector.broadcast %max3A_1135 : f32 to vector<16xf32>
        %max3A_1137 = arith.maximumf %sub3A_1134, %max3A_1136 : vector<16xf32>
        %mul3A_1138 = arith.mulf %max3A_1131, %max3A_1137 : vector<16xf32>
        %add3A_1139 = arith.addf %mul3A_1125, %mul3A_270 : vector<16xf32>
        %sub3A_1140 = arith.subf %add3A_1139, %mul3A_1138 : vector<16xf32>
        %add3A_1141 = arith.constant 9.99999971E-10 : f32
        %add3A_1142 = vector.broadcast %add3A_1141 : f32 to vector<16xf32>
        %add3A_1143 = arith.addf %sub3A_1140, %add3A_1142 : vector<16xf32>
        %div3A_1144 = arith.divf %mul3A_1138, %add3A_1143 : vector<16xf32>
        %gt3A_1145 = arith.constant 2.500000e-01 : f32
        %gt3A_1146 = vector.broadcast %gt3A_1145 : f32 to vector<16xf32>
        %gt3A_1147 = arith.cmpf ogt, %div3A_1144, %gt3A_1146 : vector<16xf32>
        %add3A_1148 = arith.constant 240 : i32
        %add3A_1149 = arith.addi %mul3A_2, %add3A_1148 : i32
        %add3A_1150 = vector.broadcast %add3A_1149 : i32 to vector<16xi32>
        %add3A_1151 = arith.addi %add3A_1150, %iota3A : vector<16xi32>
        %eq3A_1152 = vector.broadcast %min3A_247 : i32 to vector<16xi32>
        %eq3A_1153 = arith.cmpi eq, %add3A_1151, %eq3A_1152 : vector<16xi32>
        %or3A_1154 = arith.ori %gt3A_1147, %eq3A_1153 : vector<16xi1>
        %and3A_1155 = vector.broadcast %gt3A_246 : i1 to vector<16xi1>
        %and3A_1156 = arith.andi %or3A_1154, %and3A_1155 : vector<16xi1>
        %get3A_1157 = arith.constant 240 : index
        %get3A_1158 = tpu.vector_load %arg15[%get3A_1157] {strides = array<i32>} : memref<320xf32, #tpu.memory_space<vmem>>, vector<16xf32>,
        %jit3A_1159 = arith.constant -1.000000e+00 : f32
        %broadcast_in_dim3A_1160 = vector.broadcast %jit3A_1159 : f32 to vector<16xf32>
        %select_n3A_1161 = arith.select %and3A_1156, %broadcast_in_dim3A_1160, %get3A_1158 : vector<16xi1>, vector<16xf32>
        %swap3A_1162 = arith.constant 240 : index
        %swap3A_1163 = tpu.vector_load %arg15[%swap3A_1162] {strides = array<i32>} : memref<320xf32, #tpu.memory_space<vmem>>, vector<16xf32>,
        tpu.vector_store %arg15[%swap3A_1162], %select_n3A_1161 {strides = array<i32>} : memref<320xf32, #tpu.memory_space<vmem>>, vector<16xf32>,
        %gt3A_1164 = arith.cmpf ogt, %select_n3A_1161, %select_n3A_1109 : vector<16xf32>
        %select_n3A_1165 = arith.select %gt3A_1164, %select_n3A_1161, %select_n3A_1109 : vector<16xi1>, vector<16xf32>
        %jit3A_1166 = arith.constant 15 : i32
        %broadcast_in_dim3A_1167 = vector.broadcast %jit3A_1166 : i32 to vector<16xi32>
        %select_n3A_1168 = arith.select %gt3A_1164, %broadcast_in_dim3A_1167, %select_n3A_1112 : vector<16xi1>, vector<16xi32>
        %add3A_1169 = arith.constant 256 : i32
        %add3A_1170 = arith.addi %mul3A_2, %add3A_1169 : i32
        %get3A_1171 = arith.index_cast %add3A_1170 : i32 to index
        %get3A_1172 = tpu.vector_load %arg11[%get3A_1171] {strides = array<i32>} : memref<5120xf32, #tpu.memory_space<vmem>>, vector<16xf32>,
        %get3A_1173 = arith.index_cast %add3A_1170 : i32 to index
        %get3A_1174 = tpu.vector_load %arg12[%get3A_1173] {strides = array<i32>} : memref<5120xf32, #tpu.memory_space<vmem>>, vector<16xf32>,
        %get3A_1175 = arith.index_cast %add3A_1170 : i32 to index
        %get3A_1176 = tpu.vector_load %arg13[%get3A_1175] {strides = array<i32>} : memref<5120xf32, #tpu.memory_space<vmem>>, vector<16xf32>,
        %get3A_1177 = arith.index_cast %add3A_1170 : i32 to index
        %get3A_1178 = tpu.vector_load %arg14[%get3A_1177] {strides = array<i32>} : memref<5120xf32, #tpu.memory_space<vmem>>, vector<16xf32>,
        %sub3A_1179 = arith.subf %get3A_1176, %get3A_1172 : vector<16xf32>
        %sub3A_1180 = arith.subf %get3A_1178, %get3A_1174 : vector<16xf32>
        %mul3A_1181 = arith.mulf %sub3A_1179, %sub3A_1180 : vector<16xf32>
        %min3A_1182 = arith.minimumf %get3A_1176, %gather3A_266 : vector<16xf32>
        %max3A_1183 = arith.maximumf %get3A_1172, %gather3A_264 : vector<16xf32>
        %sub3A_1184 = arith.subf %min3A_1182, %max3A_1183 : vector<16xf32>
        %max3A_1185 = arith.constant 0.000000e+00 : f32
        %max3A_1186 = vector.broadcast %max3A_1185 : f32 to vector<16xf32>
        %max3A_1187 = arith.maximumf %sub3A_1184, %max3A_1186 : vector<16xf32>
        %min3A_1188 = arith.minimumf %get3A_1178, %gather3A_267 : vector<16xf32>
        %max3A_1189 = arith.maximumf %get3A_1174, %gather3A_265 : vector<16xf32>
        %sub3A_1190 = arith.subf %min3A_1188, %max3A_1189 : vector<16xf32>
        %max3A_1191 = arith.constant 0.000000e+00 : f32
        %max3A_1192 = vector.broadcast %max3A_1191 : f32 to vector<16xf32>
        %max3A_1193 = arith.maximumf %sub3A_1190, %max3A_1192 : vector<16xf32>
        %mul3A_1194 = arith.mulf %max3A_1187, %max3A_1193 : vector<16xf32>
        %add3A_1195 = arith.addf %mul3A_1181, %mul3A_270 : vector<16xf32>
        %sub3A_1196 = arith.subf %add3A_1195, %mul3A_1194 : vector<16xf32>
        %add3A_1197 = arith.constant 9.99999971E-10 : f32
        %add3A_1198 = vector.broadcast %add3A_1197 : f32 to vector<16xf32>
        %add3A_1199 = arith.addf %sub3A_1196, %add3A_1198 : vector<16xf32>
        %div3A_1200 = arith.divf %mul3A_1194, %add3A_1199 : vector<16xf32>
        %gt3A_1201 = arith.constant 2.500000e-01 : f32
        %gt3A_1202 = vector.broadcast %gt3A_1201 : f32 to vector<16xf32>
        %gt3A_1203 = arith.cmpf ogt, %div3A_1200, %gt3A_1202 : vector<16xf32>
        %add3A_1204 = arith.constant 256 : i32
        %add3A_1205 = arith.addi %mul3A_2, %add3A_1204 : i32
        %add3A_1206 = vector.broadcast %add3A_1205 : i32 to vector<16xi32>
        %add3A_1207 = arith.addi %add3A_1206, %iota3A : vector<16xi32>
        %eq3A_1208 = vector.broadcast %min3A_247 : i32 to vector<16xi32>
        %eq3A_1209 = arith.cmpi eq, %add3A_1207, %eq3A_1208 : vector<16xi32>
        %or3A_1210 = arith.ori %gt3A_1203, %eq3A_1209 : vector<16xi1>
        %and3A_1211 = vector.broadcast %gt3A_246 : i1 to vector<16xi1>
        %and3A_1212 = arith.andi %or3A_1210, %and3A_1211 : vector<16xi1>
        %get3A_1213 = arith.constant 256 : index
        %get3A_1214 = tpu.vector_load %arg15[%get3A_1213] {strides = array<i32>} : memref<320xf32, #tpu.memory_space<vmem>>, vector<16xf32>,
        %jit3A_1215 = arith.constant -1.000000e+00 : f32
        %broadcast_in_dim3A_1216 = vector.broadcast %jit3A_1215 : f32 to vector<16xf32>
        %select_n3A_1217 = arith.select %and3A_1212, %broadcast_in_dim3A_1216, %get3A_1214 : vector<16xi1>, vector<16xf32>
        %swap3A_1218 = arith.constant 256 : index
        %swap3A_1219 = tpu.vector_load %arg15[%swap3A_1218] {strides = array<i32>} : memref<320xf32, #tpu.memory_space<vmem>>, vector<16xf32>,
        tpu.vector_store %arg15[%swap3A_1218], %select_n3A_1217 {strides = array<i32>} : memref<320xf32, #tpu.memory_space<vmem>>, vector<16xf32>,
        %gt3A_1220 = arith.cmpf ogt, %select_n3A_1217, %select_n3A_1165 : vector<16xf32>
        %select_n3A_1221 = arith.select %gt3A_1220, %select_n3A_1217, %select_n3A_1165 : vector<16xi1>, vector<16xf32>
        %jit3A_1222 = arith.constant 16 : i32
        %broadcast_in_dim3A_1223 = vector.broadcast %jit3A_1222 : i32 to vector<16xi32>
        %select_n3A_1224 = arith.select %gt3A_1220, %broadcast_in_dim3A_1223, %select_n3A_1168 : vector<16xi1>, vector<16xi32>
        %add3A_1225 = arith.constant 272 : i32
        %add3A_1226 = arith.addi %mul3A_2, %add3A_1225 : i32
        %get3A_1227 = arith.index_cast %add3A_1226 : i32 to index
        %get3A_1228 = tpu.vector_load %arg11[%get3A_1227] {strides = array<i32>} : memref<5120xf32, #tpu.memory_space<vmem>>, vector<16xf32>,
        %get3A_1229 = arith.index_cast %add3A_1226 : i32 to index
        %get3A_1230 = tpu.vector_load %arg12[%get3A_1229] {strides = array<i32>} : memref<5120xf32, #tpu.memory_space<vmem>>, vector<16xf32>,
        %get3A_1231 = arith.index_cast %add3A_1226 : i32 to index
        %get3A_1232 = tpu.vector_load %arg13[%get3A_1231] {strides = array<i32>} : memref<5120xf32, #tpu.memory_space<vmem>>, vector<16xf32>,
        %get3A_1233 = arith.index_cast %add3A_1226 : i32 to index
        %get3A_1234 = tpu.vector_load %arg14[%get3A_1233] {strides = array<i32>} : memref<5120xf32, #tpu.memory_space<vmem>>, vector<16xf32>,
        %sub3A_1235 = arith.subf %get3A_1232, %get3A_1228 : vector<16xf32>
        %sub3A_1236 = arith.subf %get3A_1234, %get3A_1230 : vector<16xf32>
        %mul3A_1237 = arith.mulf %sub3A_1235, %sub3A_1236 : vector<16xf32>
        %min3A_1238 = arith.minimumf %get3A_1232, %gather3A_266 : vector<16xf32>
        %max3A_1239 = arith.maximumf %get3A_1228, %gather3A_264 : vector<16xf32>
        %sub3A_1240 = arith.subf %min3A_1238, %max3A_1239 : vector<16xf32>
        %max3A_1241 = arith.constant 0.000000e+00 : f32
        %max3A_1242 = vector.broadcast %max3A_1241 : f32 to vector<16xf32>
        %max3A_1243 = arith.maximumf %sub3A_1240, %max3A_1242 : vector<16xf32>
        %min3A_1244 = arith.minimumf %get3A_1234, %gather3A_267 : vector<16xf32>
        %max3A_1245 = arith.maximumf %get3A_1230, %gather3A_265 : vector<16xf32>
        %sub3A_1246 = arith.subf %min3A_1244, %max3A_1245 : vector<16xf32>
        %max3A_1247 = arith.constant 0.000000e+00 : f32
        %max3A_1248 = vector.broadcast %max3A_1247 : f32 to vector<16xf32>
        %max3A_1249 = arith.maximumf %sub3A_1246, %max3A_1248 : vector<16xf32>
        %mul3A_1250 = arith.mulf %max3A_1243, %max3A_1249 : vector<16xf32>
        %add3A_1251 = arith.addf %mul3A_1237, %mul3A_270 : vector<16xf32>
        %sub3A_1252 = arith.subf %add3A_1251, %mul3A_1250 : vector<16xf32>
        %add3A_1253 = arith.constant 9.99999971E-10 : f32
        %add3A_1254 = vector.broadcast %add3A_1253 : f32 to vector<16xf32>
        %add3A_1255 = arith.addf %sub3A_1252, %add3A_1254 : vector<16xf32>
        %div3A_1256 = arith.divf %mul3A_1250, %add3A_1255 : vector<16xf32>
        %gt3A_1257 = arith.constant 2.500000e-01 : f32
        %gt3A_1258 = vector.broadcast %gt3A_1257 : f32 to vector<16xf32>
        %gt3A_1259 = arith.cmpf ogt, %div3A_1256, %gt3A_1258 : vector<16xf32>
        %add3A_1260 = arith.constant 272 : i32
        %add3A_1261 = arith.addi %mul3A_2, %add3A_1260 : i32
        %add3A_1262 = vector.broadcast %add3A_1261 : i32 to vector<16xi32>
        %add3A_1263 = arith.addi %add3A_1262, %iota3A : vector<16xi32>
        %eq3A_1264 = vector.broadcast %min3A_247 : i32 to vector<16xi32>
        %eq3A_1265 = arith.cmpi eq, %add3A_1263, %eq3A_1264 : vector<16xi32>
        %or3A_1266 = arith.ori %gt3A_1259, %eq3A_1265 : vector<16xi1>
        %and3A_1267 = vector.broadcast %gt3A_246 : i1 to vector<16xi1>
        %and3A_1268 = arith.andi %or3A_1266, %and3A_1267 : vector<16xi1>
        %get3A_1269 = arith.constant 272 : index
        %get3A_1270 = tpu.vector_load %arg15[%get3A_1269] {strides = array<i32>} : memref<320xf32, #tpu.memory_space<vmem>>, vector<16xf32>,
        %jit3A_1271 = arith.constant -1.000000e+00 : f32
        %broadcast_in_dim3A_1272 = vector.broadcast %jit3A_1271 : f32 to vector<16xf32>
        %select_n3A_1273 = arith.select %and3A_1268, %broadcast_in_dim3A_1272, %get3A_1270 : vector<16xi1>, vector<16xf32>
        %swap3A_1274 = arith.constant 272 : index
        %swap3A_1275 = tpu.vector_load %arg15[%swap3A_1274] {strides = array<i32>} : memref<320xf32, #tpu.memory_space<vmem>>, vector<16xf32>,
        tpu.vector_store %arg15[%swap3A_1274], %select_n3A_1273 {strides = array<i32>} : memref<320xf32, #tpu.memory_space<vmem>>, vector<16xf32>,
        %gt3A_1276 = arith.cmpf ogt, %select_n3A_1273, %select_n3A_1221 : vector<16xf32>
        %select_n3A_1277 = arith.select %gt3A_1276, %select_n3A_1273, %select_n3A_1221 : vector<16xi1>, vector<16xf32>
        %jit3A_1278 = arith.constant 17 : i32
        %broadcast_in_dim3A_1279 = vector.broadcast %jit3A_1278 : i32 to vector<16xi32>
        %select_n3A_1280 = arith.select %gt3A_1276, %broadcast_in_dim3A_1279, %select_n3A_1224 : vector<16xi1>, vector<16xi32>
        %add3A_1281 = arith.constant 288 : i32
        %add3A_1282 = arith.addi %mul3A_2, %add3A_1281 : i32
        %get3A_1283 = arith.index_cast %add3A_1282 : i32 to index
        %get3A_1284 = tpu.vector_load %arg11[%get3A_1283] {strides = array<i32>} : memref<5120xf32, #tpu.memory_space<vmem>>, vector<16xf32>,
        %get3A_1285 = arith.index_cast %add3A_1282 : i32 to index
        %get3A_1286 = tpu.vector_load %arg12[%get3A_1285] {strides = array<i32>} : memref<5120xf32, #tpu.memory_space<vmem>>, vector<16xf32>,
        %get3A_1287 = arith.index_cast %add3A_1282 : i32 to index
        %get3A_1288 = tpu.vector_load %arg13[%get3A_1287] {strides = array<i32>} : memref<5120xf32, #tpu.memory_space<vmem>>, vector<16xf32>,
        %get3A_1289 = arith.index_cast %add3A_1282 : i32 to index
        %get3A_1290 = tpu.vector_load %arg14[%get3A_1289] {strides = array<i32>} : memref<5120xf32, #tpu.memory_space<vmem>>, vector<16xf32>,
        %sub3A_1291 = arith.subf %get3A_1288, %get3A_1284 : vector<16xf32>
        %sub3A_1292 = arith.subf %get3A_1290, %get3A_1286 : vector<16xf32>
        %mul3A_1293 = arith.mulf %sub3A_1291, %sub3A_1292 : vector<16xf32>
        %min3A_1294 = arith.minimumf %get3A_1288, %gather3A_266 : vector<16xf32>
        %max3A_1295 = arith.maximumf %get3A_1284, %gather3A_264 : vector<16xf32>
        %sub3A_1296 = arith.subf %min3A_1294, %max3A_1295 : vector<16xf32>
        %max3A_1297 = arith.constant 0.000000e+00 : f32
        %max3A_1298 = vector.broadcast %max3A_1297 : f32 to vector<16xf32>
        %max3A_1299 = arith.maximumf %sub3A_1296, %max3A_1298 : vector<16xf32>
        %min3A_1300 = arith.minimumf %get3A_1290, %gather3A_267 : vector<16xf32>
        %max3A_1301 = arith.maximumf %get3A_1286, %gather3A_265 : vector<16xf32>
        %sub3A_1302 = arith.subf %min3A_1300, %max3A_1301 : vector<16xf32>
        %max3A_1303 = arith.constant 0.000000e+00 : f32
        %max3A_1304 = vector.broadcast %max3A_1303 : f32 to vector<16xf32>
        %max3A_1305 = arith.maximumf %sub3A_1302, %max3A_1304 : vector<16xf32>
        %mul3A_1306 = arith.mulf %max3A_1299, %max3A_1305 : vector<16xf32>
        %add3A_1307 = arith.addf %mul3A_1293, %mul3A_270 : vector<16xf32>
        %sub3A_1308 = arith.subf %add3A_1307, %mul3A_1306 : vector<16xf32>
        %add3A_1309 = arith.constant 9.99999971E-10 : f32
        %add3A_1310 = vector.broadcast %add3A_1309 : f32 to vector<16xf32>
        %add3A_1311 = arith.addf %sub3A_1308, %add3A_1310 : vector<16xf32>
        %div3A_1312 = arith.divf %mul3A_1306, %add3A_1311 : vector<16xf32>
        %gt3A_1313 = arith.constant 2.500000e-01 : f32
        %gt3A_1314 = vector.broadcast %gt3A_1313 : f32 to vector<16xf32>
        %gt3A_1315 = arith.cmpf ogt, %div3A_1312, %gt3A_1314 : vector<16xf32>
        %add3A_1316 = arith.constant 288 : i32
        %add3A_1317 = arith.addi %mul3A_2, %add3A_1316 : i32
        %add3A_1318 = vector.broadcast %add3A_1317 : i32 to vector<16xi32>
        %add3A_1319 = arith.addi %add3A_1318, %iota3A : vector<16xi32>
        %eq3A_1320 = vector.broadcast %min3A_247 : i32 to vector<16xi32>
        %eq3A_1321 = arith.cmpi eq, %add3A_1319, %eq3A_1320 : vector<16xi32>
        %or3A_1322 = arith.ori %gt3A_1315, %eq3A_1321 : vector<16xi1>
        %and3A_1323 = vector.broadcast %gt3A_246 : i1 to vector<16xi1>
        %and3A_1324 = arith.andi %or3A_1322, %and3A_1323 : vector<16xi1>
        %get3A_1325 = arith.constant 288 : index
        %get3A_1326 = tpu.vector_load %arg15[%get3A_1325] {strides = array<i32>} : memref<320xf32, #tpu.memory_space<vmem>>, vector<16xf32>,
        %jit3A_1327 = arith.constant -1.000000e+00 : f32
        %broadcast_in_dim3A_1328 = vector.broadcast %jit3A_1327 : f32 to vector<16xf32>
        %select_n3A_1329 = arith.select %and3A_1324, %broadcast_in_dim3A_1328, %get3A_1326 : vector<16xi1>, vector<16xf32>
        %swap3A_1330 = arith.constant 288 : index
        %swap3A_1331 = tpu.vector_load %arg15[%swap3A_1330] {strides = array<i32>} : memref<320xf32, #tpu.memory_space<vmem>>, vector<16xf32>,
        tpu.vector_store %arg15[%swap3A_1330], %select_n3A_1329 {strides = array<i32>} : memref<320xf32, #tpu.memory_space<vmem>>, vector<16xf32>,
        %gt3A_1332 = arith.cmpf ogt, %select_n3A_1329, %select_n3A_1277 : vector<16xf32>
        %select_n3A_1333 = arith.select %gt3A_1332, %select_n3A_1329, %select_n3A_1277 : vector<16xi1>, vector<16xf32>
        %jit3A_1334 = arith.constant 18 : i32
        %broadcast_in_dim3A_1335 = vector.broadcast %jit3A_1334 : i32 to vector<16xi32>
        %select_n3A_1336 = arith.select %gt3A_1332, %broadcast_in_dim3A_1335, %select_n3A_1280 : vector<16xi1>, vector<16xi32>
        %add3A_1337 = arith.constant 304 : i32
        %add3A_1338 = arith.addi %mul3A_2, %add3A_1337 : i32
        %get3A_1339 = arith.index_cast %add3A_1338 : i32 to index
        %get3A_1340 = tpu.vector_load %arg11[%get3A_1339] {strides = array<i32>} : memref<5120xf32, #tpu.memory_space<vmem>>, vector<16xf32>,
        %get3A_1341 = arith.index_cast %add3A_1338 : i32 to index
        %get3A_1342 = tpu.vector_load %arg12[%get3A_1341] {strides = array<i32>} : memref<5120xf32, #tpu.memory_space<vmem>>, vector<16xf32>,
        %get3A_1343 = arith.index_cast %add3A_1338 : i32 to index
        %get3A_1344 = tpu.vector_load %arg13[%get3A_1343] {strides = array<i32>} : memref<5120xf32, #tpu.memory_space<vmem>>, vector<16xf32>,
        %get3A_1345 = arith.index_cast %add3A_1338 : i32 to index
        %get3A_1346 = tpu.vector_load %arg14[%get3A_1345] {strides = array<i32>} : memref<5120xf32, #tpu.memory_space<vmem>>, vector<16xf32>,
        %sub3A_1347 = arith.subf %get3A_1344, %get3A_1340 : vector<16xf32>
        %sub3A_1348 = arith.subf %get3A_1346, %get3A_1342 : vector<16xf32>
        %mul3A_1349 = arith.mulf %sub3A_1347, %sub3A_1348 : vector<16xf32>
        %min3A_1350 = arith.minimumf %get3A_1344, %gather3A_266 : vector<16xf32>
        %max3A_1351 = arith.maximumf %get3A_1340, %gather3A_264 : vector<16xf32>
        %sub3A_1352 = arith.subf %min3A_1350, %max3A_1351 : vector<16xf32>
        %max3A_1353 = arith.constant 0.000000e+00 : f32
        %max3A_1354 = vector.broadcast %max3A_1353 : f32 to vector<16xf32>
        %max3A_1355 = arith.maximumf %sub3A_1352, %max3A_1354 : vector<16xf32>
        %min3A_1356 = arith.minimumf %get3A_1346, %gather3A_267 : vector<16xf32>
        %max3A_1357 = arith.maximumf %get3A_1342, %gather3A_265 : vector<16xf32>
        %sub3A_1358 = arith.subf %min3A_1356, %max3A_1357 : vector<16xf32>
        %max3A_1359 = arith.constant 0.000000e+00 : f32
        %max3A_1360 = vector.broadcast %max3A_1359 : f32 to vector<16xf32>
        %max3A_1361 = arith.maximumf %sub3A_1358, %max3A_1360 : vector<16xf32>
        %mul3A_1362 = arith.mulf %max3A_1355, %max3A_1361 : vector<16xf32>
        %add3A_1363 = arith.addf %mul3A_1349, %mul3A_270 : vector<16xf32>
        %sub3A_1364 = arith.subf %add3A_1363, %mul3A_1362 : vector<16xf32>
        %add3A_1365 = arith.constant 9.99999971E-10 : f32
        %add3A_1366 = vector.broadcast %add3A_1365 : f32 to vector<16xf32>
        %add3A_1367 = arith.addf %sub3A_1364, %add3A_1366 : vector<16xf32>
        %div3A_1368 = arith.divf %mul3A_1362, %add3A_1367 : vector<16xf32>
        %gt3A_1369 = arith.constant 2.500000e-01 : f32
        %gt3A_1370 = vector.broadcast %gt3A_1369 : f32 to vector<16xf32>
        %gt3A_1371 = arith.cmpf ogt, %div3A_1368, %gt3A_1370 : vector<16xf32>
        %add3A_1372 = arith.constant 304 : i32
        %add3A_1373 = arith.addi %mul3A_2, %add3A_1372 : i32
        %add3A_1374 = vector.broadcast %add3A_1373 : i32 to vector<16xi32>
        %add3A_1375 = arith.addi %add3A_1374, %iota3A : vector<16xi32>
        %eq3A_1376 = vector.broadcast %min3A_247 : i32 to vector<16xi32>
        %eq3A_1377 = arith.cmpi eq, %add3A_1375, %eq3A_1376 : vector<16xi32>
        %or3A_1378 = arith.ori %gt3A_1371, %eq3A_1377 : vector<16xi1>
        %and3A_1379 = vector.broadcast %gt3A_246 : i1 to vector<16xi1>
        %and3A_1380 = arith.andi %or3A_1378, %and3A_1379 : vector<16xi1>
        %get3A_1381 = arith.constant 304 : index
        %get3A_1382 = tpu.vector_load %arg15[%get3A_1381] {strides = array<i32>} : memref<320xf32, #tpu.memory_space<vmem>>, vector<16xf32>,
        %jit3A_1383 = arith.constant -1.000000e+00 : f32
        %broadcast_in_dim3A_1384 = vector.broadcast %jit3A_1383 : f32 to vector<16xf32>
        %select_n3A_1385 = arith.select %and3A_1380, %broadcast_in_dim3A_1384, %get3A_1382 : vector<16xi1>, vector<16xf32>
        %swap3A_1386 = arith.constant 304 : index
        %swap3A_1387 = tpu.vector_load %arg15[%swap3A_1386] {strides = array<i32>} : memref<320xf32, #tpu.memory_space<vmem>>, vector<16xf32>,
        tpu.vector_store %arg15[%swap3A_1386], %select_n3A_1385 {strides = array<i32>} : memref<320xf32, #tpu.memory_space<vmem>>, vector<16xf32>,
        %gt3A_1388 = arith.cmpf ogt, %select_n3A_1385, %select_n3A_1333 : vector<16xf32>
        %select_n3A_1389 = arith.select %gt3A_1388, %select_n3A_1385, %select_n3A_1333 : vector<16xi1>, vector<16xf32>
        %jit3A_1390 = arith.constant 19 : i32
        %broadcast_in_dim3A_1391 = vector.broadcast %jit3A_1390 : i32 to vector<16xi32>
        %select_n3A_1392 = arith.select %gt3A_1388, %broadcast_in_dim3A_1391, %select_n3A_1336 : vector<16xi1>, vector<16xi32>
        %add3A_1393 = arith.constant 2 : i32
        %add3A_1394 = arith.addi %scan3A_242, %add3A_1393 : i32
        %ge3A_1395 = arith.constant 0.000000e+00 : f32
        %ge3A_1396 = vector.broadcast %ge3A_1395 : f32 to vector<16xf32>
        %ge3A_1397 = arith.cmpf oge, %select_n3A_1389, %ge3A_1396 : vector<16xf32>
        %bitcast3A_1398 = vector.bitcast %select_n3A_1389 : vector<16xf32> to vector<16xi32>
        %jit3A_1399 = arith.constant -1 : i32
        %broadcast_in_dim3A_1400 = vector.broadcast %jit3A_1399 : i32 to vector<16xi32>
        %select_n3A_1401 = arith.select %ge3A_1397, %bitcast3A_1398, %broadcast_in_dim3A_1400 : vector<16xi1>, vector<16xi32>
        %reduce_max3A_1402 = arith.constant true
        %reduce_max3A_1403 = vector.broadcast %reduce_max3A_1402 : i1 to vector<16xi1>
        %reduce_max3A_1404 = arith.constant -2147483648 : i32
        %reduce_max3A_1405 = vector.broadcast %reduce_max3A_1404 : i32 to vector<16xi32>
        %reduce_max3A_1406 = arith.xori %select_n3A_1401, %reduce_max3A_1405 : vector<16xi32>
        %reduce_max3A_1407 = tpu.scan <max>, %reduce_max3A_1406 masked %reduce_max3A_1403 : vector<16xi32>, vector<16xi1> -> vector<16xi32>
        %reduce_max3A_1408 = arith.xori %reduce_max3A_1407, %reduce_max3A_1405 : vector<16xi32>
        %reduce_max3A_1409 = vector.extract %reduce_max3A_1408[15] : i32 from vector<16xi32>
        %mul3A_1410 = arith.constant 16 : i32
        %mul3A_1411 = vector.broadcast %mul3A_1410 : i32 to vector<16xi32>
        %mul3A_1412 = arith.muli %select_n3A_1392, %mul3A_1411 : vector<16xi32>
        %add3A_1413 = vector.broadcast %mul3A_2 : i32 to vector<16xi32>
        %add3A_1414 = arith.addi %add3A_1413, %mul3A_1412 : vector<16xi32>
        %add3A_1415 = arith.addi %add3A_1414, %iota3A : vector<16xi32>
        %eq3A_1416 = vector.broadcast %reduce_max3A_1409 : i32 to vector<16xi32>
        %eq3A_1417 = arith.cmpi eq, %select_n3A_1401, %eq3A_1416 : vector<16xi32>
        %jit3A_1418 = arith.constant 5120 : i32
        %broadcast_in_dim3A_1419 = vector.broadcast %jit3A_1418 : i32 to vector<16xi32>
        %select_n3A_1420 = arith.select %eq3A_1417, %add3A_1415, %broadcast_in_dim3A_1419 : vector<16xi1>, vector<16xi32>
        %reduce_min3A_1421 = arith.constant true
        %reduce_min3A_1422 = vector.broadcast %reduce_min3A_1421 : i1 to vector<16xi1>
        %reduce_min3A_1423 = arith.constant -2147483648 : i32
        %reduce_min3A_1424 = vector.broadcast %reduce_min3A_1423 : i32 to vector<16xi32>
        %reduce_min3A_1425 = arith.xori %select_n3A_1420, %reduce_min3A_1424 : vector<16xi32>
        %reduce_min3A_1426 = tpu.scan <min>, %reduce_min3A_1425 masked %reduce_min3A_1422 : vector<16xi32>, vector<16xi1> -> vector<16xi32>
        %reduce_min3A_1427 = arith.xori %reduce_min3A_1426, %reduce_min3A_1424 : vector<16xi32>
        %reduce_min3A_1428 = vector.extract %reduce_min3A_1427[15] : i32 from vector<16xi32>
        %rem3A_1429 = arith.constant 2 : i32
        %rem3A_1430 = arith.remsi %add3A_1394, %rem3A_1429 : i32
        %eq3A_1431 = arith.constant 0 : i32
        %eq3A_1432 = vector.broadcast %eq3A_1431 : i32 to vector<16xi32>
        %eq3A_1433 = arith.cmpi eq, %iota3A, %eq3A_1432 : vector<16xi32>
        %eq3A_1434 = arith.constant 1 : i32
        %eq3A_1435 = vector.broadcast %eq3A_1434 : i32 to vector<16xi32>
        %eq3A_1436 = arith.cmpi eq, %iota3A, %eq3A_1435 : vector<16xi32>
        %jit3A_1437 = arith.constant 0 : i32
        %broadcast_in_dim3A_1438 = vector.broadcast %reduce_min3A_1428 : i32 to vector<16xi32>
        %broadcast_in_dim3A_1439 = vector.broadcast %jit3A_1437 : i32 to vector<16xi32>
        %select_n3A_1440 = arith.select %eq3A_1436, %broadcast_in_dim3A_1438, %broadcast_in_dim3A_1439 : vector<16xi1>, vector<16xi32>
        %broadcast_in_dim3A_1441 = vector.broadcast %reduce_max3A_1409 : i32 to vector<16xi32>
        %select_n3A_1442 = arith.select %eq3A_1433, %broadcast_in_dim3A_1441, %select_n3A_1440 : vector<16xi1>, vector<16xi32>
        %swap3A_1443 = arith.constant 0 : index
        %swap3A_1444 = tpu.vector_load %arg17[%swap3A_1443] {strides = array<i32>} : memref<16xi32, #tpu.memory_space<vmem>>, vector<16xi32>,
        tpu.vector_store %arg17[%swap3A_1443], %select_n3A_1442 {strides = array<i32>} : memref<16xi32, #tpu.memory_space<vmem>>, vector<16xi32>,
        "tpu.region"() ({
          %run_scoped3A = tpu.sem_alloc : memref<!tpu.dma_semaphore, #tpu.memory_space<semaphore_mem>>
          %dma_start3A = arith.constant 0 : i32
          %dma_start3A_1481 = tpu.memref_slice %arg19[%rem3A_1430, %arg1, %dma_start3A] : memref<2x16x16xi32, #tpu.memory_space<vmem_shared>> -> memref<1x1x16xi32, #tpu.memory_space<vmem_shared>>
          %dma_start3A_1482 = tpu.memref_squeeze %dma_start3A_1481 : memref<1x1x16xi32, #tpu.memory_space<vmem_shared>> -> memref<16xi32, #tpu.memory_space<vmem_shared>>
          %dma_start3A_1483 = arith.constant 0 : i32
          %dma_start3A_1484 = tpu.memref_slice %arg19[%rem3A_1430, %arg1, %dma_start3A_1483] : memref<2x16x16xi32, #tpu.memory_space<vmem_shared>> -> memref<1x1x16xi32, #tpu.memory_space<vmem_shared>>
          %dma_start3A_1485 = tpu.memref_squeeze %dma_start3A_1484 : memref<1x1x16xi32, #tpu.memory_space<vmem_shared>> -> memref<16xi32, #tpu.memory_space<vmem_shared>>
          tpu.enqueue_dma source(%arg17 : memref<16xi32, #tpu.memory_space<vmem>>) target(%dma_start3A_1485 : memref<16xi32, #tpu.memory_space<vmem_shared>>) target_semaphore(%run_scoped3A : memref<!tpu.dma_semaphore, #tpu.memory_space<semaphore_mem>>)
          %dma_wait3A = arith.constant 0 : i32
          %dma_wait3A_1486 = tpu.memref_slice %arg19[%rem3A_1430, %arg1, %dma_wait3A] : memref<2x16x16xi32, #tpu.memory_space<vmem_shared>> -> memref<1x1x16xi32, #tpu.memory_space<vmem_shared>>
          %dma_wait3A_1487 = tpu.memref_squeeze %dma_wait3A_1486 : memref<1x1x16xi32, #tpu.memory_space<vmem_shared>> -> memref<16xi32, #tpu.memory_space<vmem_shared>>
          %dma_wait3A_1488 = arith.constant 0 : i32
          %dma_wait3A_1489 = tpu.memref_slice %arg19[%rem3A_1430, %arg1, %dma_wait3A_1488] : memref<2x16x16xi32, #tpu.memory_space<vmem_shared>> -> memref<1x1x16xi32, #tpu.memory_space<vmem_shared>>
          %dma_wait3A_1490 = tpu.memref_squeeze %dma_wait3A_1489 : memref<1x1x16xi32, #tpu.memory_space<vmem_shared>> -> memref<16xi32, #tpu.memory_space<vmem_shared>>
          tpu.wait_dma2 semaphore(%run_scoped3A : memref<!tpu.dma_semaphore, #tpu.memory_space<semaphore_mem>>) src(%arg17 : memref<16xi32, #tpu.memory_space<vmem>>) dst(%dma_wait3A_1490 : memref<16xi32, #tpu.memory_space<vmem_shared>>)
          tpu.yield
        }) : () -> ()
        %sc_fetch_and_add3A_1445 = arith.constant 1 : i32
        %sc_fetch_and_add3A_1446 = arith.constant 0 : i32
        %sc_fetch_and_add3A_1447 = arith.constant 0 : i32
        %sc_fetch_and_add3A_1448 = tpu.fetch_and_add_sync %arg20[%sc_fetch_and_add3A_1446], %sc_fetch_and_add3A_1445, %sc_fetch_and_add3A_1447 : memref<1xi32, #tpu.memory_space<smem>>, i32 -> i32
        %while3A_1449 = arith.constant 0 : i32
        %while3A_1450 = scf.while (%while3A_1481 = %while3A_1449) : (i32) -> i32 {
          %mul3A_1482 = arith.constant 16 : i32
          %mul3A_1483 = arith.muli %add3A_1394, %mul3A_1482 : i32
          %lt3A_1484 = arith.cmpi slt, %while3A_1481, %mul3A_1483 : i32
          scf.condition(%lt3A_1484) %while3A_1481 : i32
        } do {
        ^bb0(%while3A_1481: i32):
          %sc_fetch_and_add3A_1482 = arith.constant 0 : i32
          %sc_fetch_and_add3A_1483 = arith.constant 0 : i32
          %sc_fetch_and_add3A_1484 = arith.constant 0 : i32
          %sc_fetch_and_add3A_1485 = tpu.fetch_and_add_sync %arg20[%sc_fetch_and_add3A_1483], %sc_fetch_and_add3A_1482, %sc_fetch_and_add3A_1484 : memref<1xi32, #tpu.memory_space<smem>>, i32 -> i32
          scf.yield %sc_fetch_and_add3A_1485 : i32
        }
        %rem3A_1451 = arith.constant 2 : i32
        %rem3A_1452 = arith.remsi %while3A_1450, %rem3A_1451 : i32
        "tpu.region"() ({
          %run_scoped3A = tpu.sem_alloc : memref<!tpu.dma_semaphore, #tpu.memory_space<semaphore_mem>>
          %dma_start3A = arith.constant 0 : i32
          %dma_start3A_1481 = arith.constant 0 : i32
          %dma_start3A_1482 = tpu.memref_slice %arg18[%rem3A_1452, %dma_start3A, %dma_start3A_1481] : memref<2x16x16xi32, #tpu.memory_space<vmem>> -> memref<1x16x16xi32, #tpu.memory_space<vmem>>
          %dma_start3A_1483 = tpu.memref_squeeze %dma_start3A_1482 : memref<1x16x16xi32, #tpu.memory_space<vmem>> -> memref<16x16xi32, #tpu.memory_space<vmem>>
          %dma_start3A_1484 = arith.constant 0 : i32
          %dma_start3A_1485 = arith.constant 0 : i32
          %dma_start3A_1486 = tpu.memref_slice %arg19[%rem3A_1430, %dma_start3A_1484, %dma_start3A_1485] : memref<2x16x16xi32, #tpu.memory_space<vmem_shared>> -> memref<1x16x16xi32, #tpu.memory_space<vmem_shared>>
          %dma_start3A_1487 = tpu.memref_squeeze %dma_start3A_1486 : memref<1x16x16xi32, #tpu.memory_space<vmem_shared>> -> memref<16x16xi32, #tpu.memory_space<vmem_shared>>
          %dma_start3A_1488 = arith.constant 0 : i32
          %dma_start3A_1489 = arith.constant 0 : i32
          %dma_start3A_1490 = tpu.memref_slice %arg18[%rem3A_1452, %dma_start3A_1488, %dma_start3A_1489] : memref<2x16x16xi32, #tpu.memory_space<vmem>> -> memref<1x16x16xi32, #tpu.memory_space<vmem>>
          %dma_start3A_1491 = tpu.memref_squeeze %dma_start3A_1490 : memref<1x16x16xi32, #tpu.memory_space<vmem>> -> memref<16x16xi32, #tpu.memory_space<vmem>>
          %dma_start3A_1492 = arith.constant 0 : i32
          %dma_start3A_1493 = arith.constant 0 : i32
          %dma_start3A_1494 = tpu.memref_slice %arg19[%rem3A_1430, %dma_start3A_1492, %dma_start3A_1493] : memref<2x16x16xi32, #tpu.memory_space<vmem_shared>> -> memref<1x16x16xi32, #tpu.memory_space<vmem_shared>>
          %dma_start3A_1495 = tpu.memref_squeeze %dma_start3A_1494 : memref<1x16x16xi32, #tpu.memory_space<vmem_shared>> -> memref<16x16xi32, #tpu.memory_space<vmem_shared>>
          tpu.enqueue_dma source(%dma_start3A_1495 : memref<16x16xi32, #tpu.memory_space<vmem_shared>>) target(%dma_start3A_1491 : memref<16x16xi32, #tpu.memory_space<vmem>>) target_semaphore(%run_scoped3A : memref<!tpu.dma_semaphore, #tpu.memory_space<semaphore_mem>>)
          %dma_wait3A = arith.constant 0 : i32
          %dma_wait3A_1496 = arith.constant 0 : i32
          %dma_wait3A_1497 = tpu.memref_slice %arg18[%rem3A_1452, %dma_wait3A, %dma_wait3A_1496] : memref<2x16x16xi32, #tpu.memory_space<vmem>> -> memref<1x16x16xi32, #tpu.memory_space<vmem>>
          %dma_wait3A_1498 = tpu.memref_squeeze %dma_wait3A_1497 : memref<1x16x16xi32, #tpu.memory_space<vmem>> -> memref<16x16xi32, #tpu.memory_space<vmem>>
          %dma_wait3A_1499 = arith.constant 0 : i32
          %dma_wait3A_1500 = arith.constant 0 : i32
          %dma_wait3A_1501 = tpu.memref_slice %arg19[%rem3A_1430, %dma_wait3A_1499, %dma_wait3A_1500] : memref<2x16x16xi32, #tpu.memory_space<vmem_shared>> -> memref<1x16x16xi32, #tpu.memory_space<vmem_shared>>
          %dma_wait3A_1502 = tpu.memref_squeeze %dma_wait3A_1501 : memref<1x16x16xi32, #tpu.memory_space<vmem_shared>> -> memref<16x16xi32, #tpu.memory_space<vmem_shared>>
          %dma_wait3A_1503 = arith.constant 0 : i32
          %dma_wait3A_1504 = arith.constant 0 : i32
          %dma_wait3A_1505 = tpu.memref_slice %arg18[%rem3A_1452, %dma_wait3A_1503, %dma_wait3A_1504] : memref<2x16x16xi32, #tpu.memory_space<vmem>> -> memref<1x16x16xi32, #tpu.memory_space<vmem>>
          %dma_wait3A_1506 = tpu.memref_squeeze %dma_wait3A_1505 : memref<1x16x16xi32, #tpu.memory_space<vmem>> -> memref<16x16xi32, #tpu.memory_space<vmem>>
          %dma_wait3A_1507 = arith.constant 0 : i32
          %dma_wait3A_1508 = arith.constant 0 : i32
          %dma_wait3A_1509 = tpu.memref_slice %arg19[%rem3A_1430, %dma_wait3A_1507, %dma_wait3A_1508] : memref<2x16x16xi32, #tpu.memory_space<vmem_shared>> -> memref<1x16x16xi32, #tpu.memory_space<vmem_shared>>
          %dma_wait3A_1510 = tpu.memref_squeeze %dma_wait3A_1509 : memref<1x16x16xi32, #tpu.memory_space<vmem_shared>> -> memref<16x16xi32, #tpu.memory_space<vmem_shared>>
          tpu.wait_dma2 semaphore(%run_scoped3A : memref<!tpu.dma_semaphore, #tpu.memory_space<semaphore_mem>>) src(%dma_wait3A_1510 : memref<16x16xi32, #tpu.memory_space<vmem_shared>>) dst(%dma_wait3A_1506 : memref<16x16xi32, #tpu.memory_space<vmem>>)
          tpu.yield
        }) : () -> ()
        %broadcast_in_dim3A_1453 = vector.broadcast %rem3A_1452 : i32 to vector<16xi32>
        %broadcast_in_dim3A_1454 = arith.constant 0 : i32
        %broadcast_in_dim3A_1455 = vector.broadcast %broadcast_in_dim3A_1454 : i32 to vector<16xi32>
        %gather3A_1456 = tpu.vector_load_idx %arg18[%broadcast_in_dim3A_1453, %iota3A, %broadcast_in_dim3A_1455] : memref<2x16x16xi32, #tpu.memory_space<vmem>>[vector<16xi32>, vector<16xi32>, vector<16xi32>], vector<16xi32>,
        %broadcast_in_dim3A_1457 = arith.constant 1 : i32
        %broadcast_in_dim3A_1458 = vector.broadcast %broadcast_in_dim3A_1457 : i32 to vector<16xi32>
        %gather3A_1459 = tpu.vector_load_idx %arg18[%broadcast_in_dim3A_1453, %iota3A, %broadcast_in_dim3A_1458] : memref<2x16x16xi32, #tpu.memory_space<vmem>>[vector<16xi32>, vector<16xi32>, vector<16xi32>], vector<16xi32>,
        %reduce_max3A_1460 = arith.constant true
        %reduce_max3A_1461 = vector.broadcast %reduce_max3A_1460 : i1 to vector<16xi1>
        %reduce_max3A_1462 = arith.constant -2147483648 : i32
        %reduce_max3A_1463 = vector.broadcast %reduce_max3A_1462 : i32 to vector<16xi32>
        %reduce_max3A_1464 = arith.xori %gather3A_1456, %reduce_max3A_1463 : vector<16xi32>
        %reduce_max3A_1465 = tpu.scan <max>, %reduce_max3A_1464 masked %reduce_max3A_1461 : vector<16xi32>, vector<16xi1> -> vector<16xi32>
        %reduce_max3A_1466 = arith.xori %reduce_max3A_1465, %reduce_max3A_1463 : vector<16xi32>
        %reduce_max3A_1467 = vector.extract %reduce_max3A_1466[15] : i32 from vector<16xi32>
        %eq3A_1468 = vector.broadcast %reduce_max3A_1467 : i32 to vector<16xi32>
        %eq3A_1469 = arith.cmpi eq, %gather3A_1456, %eq3A_1468 : vector<16xi32>
        %jit3A_1470 = arith.constant 5120 : i32
        %broadcast_in_dim3A_1471 = vector.broadcast %jit3A_1470 : i32 to vector<16xi32>
        %select_n3A_1472 = arith.select %eq3A_1469, %gather3A_1459, %broadcast_in_dim3A_1471 : vector<16xi1>, vector<16xi32>
        %reduce_min3A_1473 = arith.constant true
        %reduce_min3A_1474 = vector.broadcast %reduce_min3A_1473 : i1 to vector<16xi1>
        %reduce_min3A_1475 = arith.constant -2147483648 : i32
        %reduce_min3A_1476 = vector.broadcast %reduce_min3A_1475 : i32 to vector<16xi32>
        %reduce_min3A_1477 = arith.xori %select_n3A_1472, %reduce_min3A_1476 : vector<16xi32>
        %reduce_min3A_1478 = tpu.scan <min>, %reduce_min3A_1477 masked %reduce_min3A_1474 : vector<16xi32>, vector<16xi1> -> vector<16xi32>
        %reduce_min3A_1479 = arith.xori %reduce_min3A_1478, %reduce_min3A_1476 : vector<16xi32>
        %reduce_min3A_1480 = vector.extract %reduce_min3A_1479[15] : i32 from vector<16xi32>
        scf.yield %reduce_max3A_1467, %reduce_min3A_1480 : i32, i32
      }
      %scan3A_236 = arith.constant 416 : i32
      "tpu.region"() ({
        %run_scoped3A = tpu.sem_alloc : memref<!tpu.dma_semaphore, #tpu.memory_space<semaphore_mem>>
        %dma_start3A = tpu.memref_slice %arg8[%mul3A_2] : memref<5120xf32, #tpu.memory_space<hbm>> -> memref<320xf32, #tpu.memory_space<hbm>>
        %dma_start3A_242 = tpu.memref_slice %arg8[%mul3A_2] : memref<5120xf32, #tpu.memory_space<hbm>> -> memref<320xf32, #tpu.memory_space<hbm>>
        tpu.enqueue_dma source(%arg15 : memref<320xf32, #tpu.memory_space<vmem>>) target(%dma_start3A_242 : memref<320xf32, #tpu.memory_space<hbm>>) target_semaphore(%run_scoped3A : memref<!tpu.dma_semaphore, #tpu.memory_space<semaphore_mem>>)
        %dma_wait3A = tpu.memref_slice %arg8[%mul3A_2] : memref<5120xf32, #tpu.memory_space<hbm>> -> memref<320xf32, #tpu.memory_space<hbm>>
        %dma_wait3A_243 = tpu.memref_slice %arg8[%mul3A_2] : memref<5120xf32, #tpu.memory_space<hbm>> -> memref<320xf32, #tpu.memory_space<hbm>>
        tpu.wait_dma2 semaphore(%run_scoped3A : memref<!tpu.dma_semaphore, #tpu.memory_space<semaphore_mem>>) src(%arg15 : memref<320xf32, #tpu.memory_space<vmem>>) dst(%dma_wait3A_243 : memref<320xf32, #tpu.memory_space<hbm>>)
        tpu.yield
      }) : () -> ()
      "tpu.region"() ({
        %run_scoped3A = tpu.sem_alloc : memref<!tpu.dma_semaphore, #tpu.memory_space<semaphore_mem>>
        %dma_start3A = tpu.memref_slice %arg9[%mul3A_2] : memref<5120xf32, #tpu.memory_space<hbm>> -> memref<320xf32, #tpu.memory_space<hbm>>
        %dma_start3A_242 = tpu.memref_slice %arg9[%mul3A_2] : memref<5120xf32, #tpu.memory_space<hbm>> -> memref<320xf32, #tpu.memory_space<hbm>>
        tpu.enqueue_dma source(%arg16 : memref<320xf32, #tpu.memory_space<vmem>>) target(%dma_start3A_242 : memref<320xf32, #tpu.memory_space<hbm>>) target_semaphore(%run_scoped3A : memref<!tpu.dma_semaphore, #tpu.memory_space<semaphore_mem>>)
        %dma_wait3A = tpu.memref_slice %arg9[%mul3A_2] : memref<5120xf32, #tpu.memory_space<hbm>> -> memref<320xf32, #tpu.memory_space<hbm>>
        %dma_wait3A_243 = tpu.memref_slice %arg9[%mul3A_2] : memref<5120xf32, #tpu.memory_space<hbm>> -> memref<320xf32, #tpu.memory_space<hbm>>
        tpu.wait_dma2 semaphore(%run_scoped3A : memref<!tpu.dma_semaphore, #tpu.memory_space<semaphore_mem>>) src(%arg16 : memref<320xf32, #tpu.memory_space<vmem>>) dst(%dma_wait3A_243 : memref<320xf32, #tpu.memory_space<hbm>>)
        tpu.yield
      }) : () -> ()
      %eq3A_237 = arith.constant 0 : i32
      %eq3A_238 = arith.cmpi eq, %arg1, %eq3A_237 : i32
      %convert_element_type3A_239 = arith.extui %eq3A_238 : i1 to i32
      %cond3A_240 = arith.constant 0 : i32
      %cond3A_241 = arith.cmpi ne, %convert_element_type3A_239, %cond3A_240 : i32
      scf.if %cond3A_241 {
        %broadcast_in_dim3A_242 = vector.broadcast %scan3A_235#0 : i32 to vector<16xi32>
        %swap3A_243 = arith.constant 0 : index
        %swap3A_244 = tpu.vector_load %arg17[%swap3A_243] {strides = array<i32>} : memref<16xi32, #tpu.memory_space<vmem>>, vector<16xi32>,
        tpu.vector_store %arg17[%swap3A_243], %broadcast_in_dim3A_242 {strides = array<i32>} : memref<16xi32, #tpu.memory_space<vmem>>, vector<16xi32>,
        "tpu.region"() ({
          %run_scoped3A = tpu.sem_alloc : memref<!tpu.dma_semaphore, #tpu.memory_space<semaphore_mem>>
          tpu.enqueue_dma source(%arg17 : memref<16xi32, #tpu.memory_space<vmem>>) target(%arg10 : memref<16xi32, #tpu.memory_space<hbm>>) target_semaphore(%run_scoped3A : memref<!tpu.dma_semaphore, #tpu.memory_space<semaphore_mem>>)
          tpu.wait_dma2 semaphore(%run_scoped3A : memref<!tpu.dma_semaphore, #tpu.memory_space<semaphore_mem>>) src(%arg17 : memref<16xi32, #tpu.memory_space<vmem>>) dst(%arg10 : memref<16xi32, #tpu.memory_space<hbm>>)
          tpu.yield
        }) : () -> ()
      } else {
      }
    } else {
    }
    return
  }
}

#map = affine_map<(d0, d1) -> (0)>
module attributes {stable_mosaic.version = 14 : i64} {
  func.func @_nms_sc(%arg0: i32, %arg1: i32, %arg2: memref<5120xf32, #tpu.memory_space<hbm>>, %arg3: memref<5120xf32, #tpu.memory_space<hbm>>, %arg4: memref<5120xf32, #tpu.memory_space<hbm>>, %arg5: memref<5120xf32, #tpu.memory_space<hbm>>, %arg6: memref<5120xf32, #tpu.memory_space<hbm>>, %arg7: memref<5120xf32, #tpu.memory_space<hbm>>, %arg8: memref<5120xf32, #tpu.memory_space<hbm>>, %arg9: memref<5120xf32, #tpu.memory_space<hbm>>, %arg10: memref<16xi32, #tpu.memory_space<hbm>>, %arg11: memref<5120xf32, #tpu.memory_space<vmem>>, %arg12: memref<5120xf32, #tpu.memory_space<vmem>>, %arg13: memref<5120xf32, #tpu.memory_space<vmem>>, %arg14: memref<5120xf32, #tpu.memory_space<vmem>>, %arg15: memref<320xf32, #tpu.memory_space<vmem>>, %arg16: memref<320xf32, #tpu.memory_space<vmem>>, %arg17: memref<16xi32, #tpu.memory_space<vmem>>, %arg18: memref<2x16x16xi32, #tpu.memory_space<vmem>>, %arg19: memref<2x16x16xi32, #tpu.memory_space<vmem_shared>>, %arg20: memref<1xi32, #tpu.memory_space<smem>>) attributes {dimension_semantics = [#tpu.dimension_semantics<core_parallel>, #tpu.dimension_semantics<subcore_parallel>], iteration_bounds = array<i64: 2, 16>, scalar_prefetch = 0 : i64, scratch_operands = 10 : i64, tpu.core_type = #tpu.core_type<sc_vector_subcore>, window_params = [{transform_indices = #map}, {transform_indices = #map}, {transform_indices = #map}, {transform_indices = #map}, {transform_indices = #map}, {transform_indices = #map}, {transform_indices = #map}, {transform_indices = #map}, {transform_indices = #map}]} {
    %eq3A = arith.constant 0 : i32
    %eq3A_0 = arith.cmpi eq, %arg0, %eq3A : i32
    %convert_element_type3A = arith.extui %eq3A_0 : i1 to i32
    %cond3A = arith.constant 0 : i32
    %cond3A_1 = arith.cmpi ne, %convert_element_type3A, %cond3A : i32
    scf.if %cond3A_1 {
      %mul3A = arith.constant 320 : i32
      %mul3A_2 = arith.muli %arg1, %mul3A : i32
      %iota3A = tpu.iota {dimensions = array<i32: 0>} : vector<16xi32>
      "tpu.region"() ({
        %run_scoped3A = tpu.sem_alloc : memref<!tpu.dma_semaphore, #tpu.memory_space<semaphore_mem>>
        tpu.enqueue_dma source(%arg2 : memref<5120xf32, #tpu.memory_space<hbm>>) target(%arg11 : memref<5120xf32, #tpu.memory_space<vmem>>) target_semaphore(%run_scoped3A : memref<!tpu.dma_semaphore, #tpu.memory_space<semaphore_mem>>)
        tpu.wait_dma2 semaphore(%run_scoped3A : memref<!tpu.dma_semaphore, #tpu.memory_space<semaphore_mem>>) src(%arg2 : memref<5120xf32, #tpu.memory_space<hbm>>) dst(%arg11 : memref<5120xf32, #tpu.memory_space<vmem>>)
        tpu.yield
      }) : () -> ()
      "tpu.region"() ({
        %run_scoped3A = tpu.sem_alloc : memref<!tpu.dma_semaphore, #tpu.memory_space<semaphore_mem>>
        tpu.enqueue_dma source(%arg3 : memref<5120xf32, #tpu.memory_space<hbm>>) target(%arg12 : memref<5120xf32, #tpu.memory_space<vmem>>) target_semaphore(%run_scoped3A : memref<!tpu.dma_semaphore, #tpu.memory_space<semaphore_mem>>)
        tpu.wait_dma2 semaphore(%run_scoped3A : memref<!tpu.dma_semaphore, #tpu.memory_space<semaphore_mem>>) src(%arg3 : memref<5120xf32, #tpu.memory_space<hbm>>) dst(%arg12 : memref<5120xf32, #tpu.memory_space<vmem>>)
        tpu.yield
      }) : () -> ()
      "tpu.region"() ({
        %run_scoped3A = tpu.sem_alloc : memref<!tpu.dma_semaphore, #tpu.memory_space<semaphore_mem>>
        tpu.enqueue_dma source(%arg4 : memref<5120xf32, #tpu.memory_space<hbm>>) target(%arg13 : memref<5120xf32, #tpu.memory_space<vmem>>) target_semaphore(%run_scoped3A : memref<!tpu.dma_semaphore, #tpu.memory_space<semaphore_mem>>)
        tpu.wait_dma2 semaphore(%run_scoped3A : memref<!tpu.dma_semaphore, #tpu.memory_space<semaphore_mem>>) src(%arg4 : memref<5120xf32, #tpu.memory_space<hbm>>) dst(%arg13 : memref<5120xf32, #tpu.memory_space<vmem>>)
        tpu.yield
      }) : () -> ()
      "tpu.region"() ({
        %run_scoped3A = tpu.sem_alloc : memref<!tpu.dma_semaphore, #tpu.memory_space<semaphore_mem>>
        tpu.enqueue_dma source(%arg5 : memref<5120xf32, #tpu.memory_space<hbm>>) target(%arg14 : memref<5120xf32, #tpu.memory_space<vmem>>) target_semaphore(%run_scoped3A : memref<!tpu.dma_semaphore, #tpu.memory_space<semaphore_mem>>)
        tpu.wait_dma2 semaphore(%run_scoped3A : memref<!tpu.dma_semaphore, #tpu.memory_space<semaphore_mem>>) src(%arg5 : memref<5120xf32, #tpu.memory_space<hbm>>) dst(%arg14 : memref<5120xf32, #tpu.memory_space<vmem>>)
        tpu.yield
      }) : () -> ()
      "tpu.region"() ({
        %run_scoped3A = tpu.sem_alloc : memref<!tpu.dma_semaphore, #tpu.memory_space<semaphore_mem>>
        %dma_start3A = tpu.memref_slice %arg6[%mul3A_2] : memref<5120xf32, #tpu.memory_space<hbm>> -> memref<320xf32, #tpu.memory_space<hbm>>
        %dma_start3A_242 = tpu.memref_slice %arg6[%mul3A_2] : memref<5120xf32, #tpu.memory_space<hbm>> -> memref<320xf32, #tpu.memory_space<hbm>>
        tpu.enqueue_dma source(%dma_start3A_242 : memref<320xf32, #tpu.memory_space<hbm>>) target(%arg15 : memref<320xf32, #tpu.memory_space<vmem>>) target_semaphore(%run_scoped3A : memref<!tpu.dma_semaphore, #tpu.memory_space<semaphore_mem>>)
        %dma_wait3A = tpu.memref_slice %arg6[%mul3A_2] : memref<5120xf32, #tpu.memory_space<hbm>> -> memref<320xf32, #tpu.memory_space<hbm>>
        %dma_wait3A_243 = tpu.memref_slice %arg6[%mul3A_2] : memref<5120xf32, #tpu.memory_space<hbm>> -> memref<320xf32, #tpu.memory_space<hbm>>
        tpu.wait_dma2 semaphore(%run_scoped3A : memref<!tpu.dma_semaphore, #tpu.memory_space<semaphore_mem>>) src(%dma_wait3A_243 : memref<320xf32, #tpu.memory_space<hbm>>) dst(%arg15 : memref<320xf32, #tpu.memory_space<vmem>>)
        tpu.yield
      }) : () -> ()
      "tpu.region"() ({
        %run_scoped3A = tpu.sem_alloc : memref<!tpu.dma_semaphore, #tpu.memory_space<semaphore_mem>>
        %dma_start3A = tpu.memref_slice %arg7[%mul3A_2] : memref<5120xf32, #tpu.memory_space<hbm>> -> memref<320xf32, #tpu.memory_space<hbm>>
        %dma_start3A_242 = tpu.memref_slice %arg7[%mul3A_2] : memref<5120xf32, #tpu.memory_space<hbm>> -> memref<320xf32, #tpu.memory_space<hbm>>
        tpu.enqueue_dma source(%dma_start3A_242 : memref<320xf32, #tpu.memory_space<hbm>>) target(%arg16 : memref<320xf32, #tpu.memory_space<vmem>>) target_semaphore(%run_scoped3A : memref<!tpu.dma_semaphore, #tpu.memory_space<semaphore_mem>>)
        %dma_wait3A = tpu.memref_slice %arg7[%mul3A_2] : memref<5120xf32, #tpu.memory_space<hbm>> -> memref<320xf32, #tpu.memory_space<hbm>>
        %dma_wait3A_243 = tpu.memref_slice %arg7[%mul3A_2] : memref<5120xf32, #tpu.memory_space<hbm>> -> memref<320xf32, #tpu.memory_space<hbm>>
        tpu.wait_dma2 semaphore(%run_scoped3A : memref<!tpu.dma_semaphore, #tpu.memory_space<semaphore_mem>>) src(%dma_wait3A_243 : memref<320xf32, #tpu.memory_space<hbm>>) dst(%arg16 : memref<320xf32, #tpu.memory_space<vmem>>)
        tpu.yield
      }) : () -> ()
      %eq3A_3 = arith.constant 0 : i32
      %eq3A_4 = arith.cmpi eq, %arg1, %eq3A_3 : i32
      %convert_element_type3A_5 = arith.extui %eq3A_4 : i1 to i32
      %cond3A_6 = arith.constant 0 : i32
      %cond3A_7 = arith.cmpi ne, %convert_element_type3A_5, %cond3A_6 : i32
      scf.if %cond3A_7 {
        %swap3A_242 = arith.constant 0 : i32
        %swap3A_243 = arith.constant 0 : i32
        %swap3A_244 = arith.index_cast %swap3A_243 : i32 to index
        %swap3A_245 = memref.load %arg20[%swap3A_244] : memref<1xi32, #tpu.memory_space<smem>>
        memref.store %swap3A_242, %arg20[%swap3A_244] : memref<1xi32, #tpu.memory_space<smem>>
      } else {
      }
      %barrier3A = arith.constant 0 : index
      tpu.barrier barrier_id(%barrier3A)
      %scan3A = arith.constant 0 : i32
      %scan3A_8 = arith.constant 0 : i32
      %scan3A_9 = arith.constant 320 : i32
      %scan3A_10 = arith.addi %scan3A_8, %scan3A_9 : i32
      %scan3A_11 = arith.constant 1 : i32
      %scan3A_12 = scf.for %scan3A_242 = %scan3A_8 to %scan3A_10 step %scan3A_11 iter_args(%scan3A_243 = %scan3A) -> (i32)  : i32 {
        %mul3A_244 = arith.constant 16 : i32
        %mul3A_245 = arith.muli %scan3A_242, %mul3A_244 : i32
        %get3A_246 = arith.index_cast %mul3A_245 : i32 to index
        %get3A_247 = tpu.vector_load %arg11[%get3A_246] {strides = array<i32>} : memref<5120xf32, #tpu.memory_space<vmem>>, vector<16xf32>,
        %mul3A_248 = arith.constant 6.400000e+02 : f32
        %mul3A_249 = vector.broadcast %mul3A_248 : f32 to vector<16xf32>
        %mul3A_250 = arith.mulf %get3A_247, %mul3A_249 : vector<16xf32>
        %get3A_251 = arith.index_cast %mul3A_245 : i32 to index
        %get3A_252 = tpu.vector_load %arg12[%get3A_251] {strides = array<i32>} : memref<5120xf32, #tpu.memory_space<vmem>>, vector<16xf32>,
        %mul3A_253 = arith.constant 6.400000e+02 : f32
        %mul3A_254 = vector.broadcast %mul3A_253 : f32 to vector<16xf32>
        %mul3A_255 = arith.mulf %get3A_252, %mul3A_254 : vector<16xf32>
        %get3A_256 = arith.index_cast %mul3A_245 : i32 to index
        %get3A_257 = tpu.vector_load %arg13[%get3A_256] {strides = array<i32>} : memref<5120xf32, #tpu.memory_space<vmem>>, vector<16xf32>,
        %mul3A_258 = arith.constant 6.400000e+02 : f32
        %mul3A_259 = vector.broadcast %mul3A_258 : f32 to vector<16xf32>
        %mul3A_260 = arith.mulf %get3A_257, %mul3A_259 : vector<16xf32>
        %get3A_261 = arith.index_cast %mul3A_245 : i32 to index
        %get3A_262 = tpu.vector_load %arg14[%get3A_261] {strides = array<i32>} : memref<5120xf32, #tpu.memory_space<vmem>>, vector<16xf32>,
        %mul3A_263 = arith.constant 6.400000e+02 : f32
        %mul3A_264 = vector.broadcast %mul3A_263 : f32 to vector<16xf32>
        %mul3A_265 = arith.mulf %get3A_262, %mul3A_264 : vector<16xf32>
        %div3A = arith.constant 2.000000e+00 : f32
        %div3A_266 = vector.broadcast %div3A : f32 to vector<16xf32>
        %div3A_267 = arith.divf %mul3A_260, %div3A_266 : vector<16xf32>
        %sub3A = arith.subf %mul3A_250, %div3A_267 : vector<16xf32>
        %swap3A_268 = arith.index_cast %mul3A_245 : i32 to index
        %swap3A_269 = tpu.vector_load %arg11[%swap3A_268] {strides = array<i32>} : memref<5120xf32, #tpu.memory_space<vmem>>, vector<16xf32>,
        tpu.vector_store %arg11[%swap3A_268], %sub3A {strides = array<i32>} : memref<5120xf32, #tpu.memory_space<vmem>>, vector<16xf32>,
        %div3A_270 = arith.constant 2.000000e+00 : f32
        %div3A_271 = vector.broadcast %div3A_270 : f32 to vector<16xf32>
        %div3A_272 = arith.divf %mul3A_265, %div3A_271 : vector<16xf32>
        %sub3A_273 = arith.subf %mul3A_255, %div3A_272 : vector<16xf32>
        %swap3A_274 = arith.index_cast %mul3A_245 : i32 to index
        %swap3A_275 = tpu.vector_load %arg12[%swap3A_274] {strides = array<i32>} : memref<5120xf32, #tpu.memory_space<vmem>>, vector<16xf32>,
        tpu.vector_store %arg12[%swap3A_274], %sub3A_273 {strides = array<i32>} : memref<5120xf32, #tpu.memory_space<vmem>>, vector<16xf32>,
        %div3A_276 = arith.constant 2.000000e+00 : f32
        %div3A_277 = vector.broadcast %div3A_276 : f32 to vector<16xf32>
        %div3A_278 = arith.divf %mul3A_260, %div3A_277 : vector<16xf32>
        %add3A_279 = arith.addf %mul3A_250, %div3A_278 : vector<16xf32>
        %swap3A_280 = arith.index_cast %mul3A_245 : i32 to index
        %swap3A_281 = tpu.vector_load %arg13[%swap3A_280] {strides = array<i32>} : memref<5120xf32, #tpu.memory_space<vmem>>, vector<16xf32>,
        tpu.vector_store %arg13[%swap3A_280], %add3A_279 {strides = array<i32>} : memref<5120xf32, #tpu.memory_space<vmem>>, vector<16xf32>,
        %div3A_282 = arith.constant 2.000000e+00 : f32
        %div3A_283 = vector.broadcast %div3A_282 : f32 to vector<16xf32>
        %div3A_284 = arith.divf %mul3A_265, %div3A_283 : vector<16xf32>
        %add3A_285 = arith.addf %mul3A_255, %div3A_284 : vector<16xf32>
        %swap3A_286 = arith.index_cast %mul3A_245 : i32 to index
        %swap3A_287 = tpu.vector_load %arg14[%swap3A_286] {strides = array<i32>} : memref<5120xf32, #tpu.memory_space<vmem>>, vector<16xf32>,
        tpu.vector_store %arg14[%swap3A_286], %add3A_285 {strides = array<i32>} : memref<5120xf32, #tpu.memory_space<vmem>>, vector<16xf32>,
        %scan3A_288 = arith.constant 0 : i32
        scf.yield %scan3A_288 : i32
      }
      %scan3A_13 = arith.constant 320 : i32
      %broadcast_in_dim3A = arith.constant -3.000000e+00 : f32
      %broadcast_in_dim3A_14 = vector.broadcast %broadcast_in_dim3A : f32 to vector<16xf32>
      %broadcast_in_dim3A_15 = arith.constant 0 : i32
      %broadcast_in_dim3A_16 = vector.broadcast %broadcast_in_dim3A_15 : i32 to vector<16xi32>
      %get3A = arith.constant 0 : index
      %get3A_17 = tpu.vector_load %arg15[%get3A] {strides = array<i32>} : memref<320xf32, #tpu.memory_space<vmem>>, vector<16xf32>,
      %gt3A = arith.cmpf ogt, %get3A_17, %broadcast_in_dim3A_14 : vector<16xf32>
      %select_n3A = arith.select %gt3A, %get3A_17, %broadcast_in_dim3A_14 : vector<16xi1>, vector<16xf32>
      %jit3A = arith.constant 0 : i32
      %broadcast_in_dim3A_18 = vector.broadcast %jit3A : i32 to vector<16xi32>
      %select_n3A_19 = arith.select %gt3A, %broadcast_in_dim3A_18, %broadcast_in_dim3A_16 : vector<16xi1>, vector<16xi32>
      %get3A_20 = arith.constant 16 : index
      %get3A_21 = tpu.vector_load %arg15[%get3A_20] {strides = array<i32>} : memref<320xf32, #tpu.memory_space<vmem>>, vector<16xf32>,
      %gt3A_22 = arith.cmpf ogt, %get3A_21, %select_n3A : vector<16xf32>
      %select_n3A_23 = arith.select %gt3A_22, %get3A_21, %select_n3A : vector<16xi1>, vector<16xf32>
      %jit3A_24 = arith.constant 1 : i32
      %broadcast_in_dim3A_25 = vector.broadcast %jit3A_24 : i32 to vector<16xi32>
      %select_n3A_26 = arith.select %gt3A_22, %broadcast_in_dim3A_25, %select_n3A_19 : vector<16xi1>, vector<16xi32>
      %get3A_27 = arith.constant 32 : index
      %get3A_28 = tpu.vector_load %arg15[%get3A_27] {strides = array<i32>} : memref<320xf32, #tpu.memory_space<vmem>>, vector<16xf32>,
      %gt3A_29 = arith.cmpf ogt, %get3A_28, %select_n3A_23 : vector<16xf32>
      %select_n3A_30 = arith.select %gt3A_29, %get3A_28, %select_n3A_23 : vector<16xi1>, vector<16xf32>
      %jit3A_31 = arith.constant 2 : i32
      %broadcast_in_dim3A_32 = vector.broadcast %jit3A_31 : i32 to vector<16xi32>
      %select_n3A_33 = arith.select %gt3A_29, %broadcast_in_dim3A_32, %select_n3A_26 : vector<16xi1>, vector<16xi32>
      %get3A_34 = arith.constant 48 : index
      %get3A_35 = tpu.vector_load %arg15[%get3A_34] {strides = array<i32>} : memref<320xf32, #tpu.memory_space<vmem>>, vector<16xf32>,
      %gt3A_36 = arith.cmpf ogt, %get3A_35, %select_n3A_30 : vector<16xf32>
      %select_n3A_37 = arith.select %gt3A_36, %get3A_35, %select_n3A_30 : vector<16xi1>, vector<16xf32>
      %jit3A_38 = arith.constant 3 : i32
      %broadcast_in_dim3A_39 = vector.broadcast %jit3A_38 : i32 to vector<16xi32>
      %select_n3A_40 = arith.select %gt3A_36, %broadcast_in_dim3A_39, %select_n3A_33 : vector<16xi1>, vector<16xi32>
      %get3A_41 = arith.constant 64 : index
      %get3A_42 = tpu.vector_load %arg15[%get3A_41] {strides = array<i32>} : memref<320xf32, #tpu.memory_space<vmem>>, vector<16xf32>,
      %gt3A_43 = arith.cmpf ogt, %get3A_42, %select_n3A_37 : vector<16xf32>
      %select_n3A_44 = arith.select %gt3A_43, %get3A_42, %select_n3A_37 : vector<16xi1>, vector<16xf32>
      %jit3A_45 = arith.constant 4 : i32
      %broadcast_in_dim3A_46 = vector.broadcast %jit3A_45 : i32 to vector<16xi32>
      %select_n3A_47 = arith.select %gt3A_43, %broadcast_in_dim3A_46, %select_n3A_40 : vector<16xi1>, vector<16xi32>
      %get3A_48 = arith.constant 80 : index
      %get3A_49 = tpu.vector_load %arg15[%get3A_48] {strides = array<i32>} : memref<320xf32, #tpu.memory_space<vmem>>, vector<16xf32>,
      %gt3A_50 = arith.cmpf ogt, %get3A_49, %select_n3A_44 : vector<16xf32>
      %select_n3A_51 = arith.select %gt3A_50, %get3A_49, %select_n3A_44 : vector<16xi1>, vector<16xf32>
      %jit3A_52 = arith.constant 5 : i32
      %broadcast_in_dim3A_53 = vector.broadcast %jit3A_52 : i32 to vector<16xi32>
      %select_n3A_54 = arith.select %gt3A_50, %broadcast_in_dim3A_53, %select_n3A_47 : vector<16xi1>, vector<16xi32>
      %get3A_55 = arith.constant 96 : index
      %get3A_56 = tpu.vector_load %arg15[%get3A_55] {strides = array<i32>} : memref<320xf32, #tpu.memory_space<vmem>>, vector<16xf32>,
      %gt3A_57 = arith.cmpf ogt, %get3A_56, %select_n3A_51 : vector<16xf32>
      %select_n3A_58 = arith.select %gt3A_57, %get3A_56, %select_n3A_51 : vector<16xi1>, vector<16xf32>
      %jit3A_59 = arith.constant 6 : i32
      %broadcast_in_dim3A_60 = vector.broadcast %jit3A_59 : i32 to vector<16xi32>
      %select_n3A_61 = arith.select %gt3A_57, %broadcast_in_dim3A_60, %select_n3A_54 : vector<16xi1>, vector<16xi32>
      %get3A_62 = arith.constant 112 : index
      %get3A_63 = tpu.vector_load %arg15[%get3A_62] {strides = array<i32>} : memref<320xf32, #tpu.memory_space<vmem>>, vector<16xf32>,
      %gt3A_64 = arith.cmpf ogt, %get3A_63, %select_n3A_58 : vector<16xf32>
      %select_n3A_65 = arith.select %gt3A_64, %get3A_63, %select_n3A_58 : vector<16xi1>, vector<16xf32>
      %jit3A_66 = arith.constant 7 : i32
      %broadcast_in_dim3A_67 = vector.broadcast %jit3A_66 : i32 to vector<16xi32>
      %select_n3A_68 = arith.select %gt3A_64, %broadcast_in_dim3A_67, %select_n3A_61 : vector<16xi1>, vector<16xi32>
      %get3A_69 = arith.constant 128 : index
      %get3A_70 = tpu.vector_load %arg15[%get3A_69] {strides = array<i32>} : memref<320xf32, #tpu.memory_space<vmem>>, vector<16xf32>,
      %gt3A_71 = arith.cmpf ogt, %get3A_70, %select_n3A_65 : vector<16xf32>
      %select_n3A_72 = arith.select %gt3A_71, %get3A_70, %select_n3A_65 : vector<16xi1>, vector<16xf32>
      %jit3A_73 = arith.constant 8 : i32
      %broadcast_in_dim3A_74 = vector.broadcast %jit3A_73 : i32 to vector<16xi32>
      %select_n3A_75 = arith.select %gt3A_71, %broadcast_in_dim3A_74, %select_n3A_68 : vector<16xi1>, vector<16xi32>
      %get3A_76 = arith.constant 144 : index
      %get3A_77 = tpu.vector_load %arg15[%get3A_76] {strides = array<i32>} : memref<320xf32, #tpu.memory_space<vmem>>, vector<16xf32>,
      %gt3A_78 = arith.cmpf ogt, %get3A_77, %select_n3A_72 : vector<16xf32>
      %select_n3A_79 = arith.select %gt3A_78, %get3A_77, %select_n3A_72 : vector<16xi1>, vector<16xf32>
      %jit3A_80 = arith.constant 9 : i32
      %broadcast_in_dim3A_81 = vector.broadcast %jit3A_80 : i32 to vector<16xi32>
      %select_n3A_82 = arith.select %gt3A_78, %broadcast_in_dim3A_81, %select_n3A_75 : vector<16xi1>, vector<16xi32>
      %get3A_83 = arith.constant 160 : index
      %get3A_84 = tpu.vector_load %arg15[%get3A_83] {strides = array<i32>} : memref<320xf32, #tpu.memory_space<vmem>>, vector<16xf32>,
      %gt3A_85 = arith.cmpf ogt, %get3A_84, %select_n3A_79 : vector<16xf32>
      %select_n3A_86 = arith.select %gt3A_85, %get3A_84, %select_n3A_79 : vector<16xi1>, vector<16xf32>
      %jit3A_87 = arith.constant 10 : i32
      %broadcast_in_dim3A_88 = vector.broadcast %jit3A_87 : i32 to vector<16xi32>
      %select_n3A_89 = arith.select %gt3A_85, %broadcast_in_dim3A_88, %select_n3A_82 : vector<16xi1>, vector<16xi32>
      %get3A_90 = arith.constant 176 : index
      %get3A_91 = tpu.vector_load %arg15[%get3A_90] {strides = array<i32>} : memref<320xf32, #tpu.memory_space<vmem>>, vector<16xf32>,
      %gt3A_92 = arith.cmpf ogt, %get3A_91, %select_n3A_86 : vector<16xf32>
      %select_n3A_93 = arith.select %gt3A_92, %get3A_91, %select_n3A_86 : vector<16xi1>, vector<16xf32>
      %jit3A_94 = arith.constant 11 : i32
      %broadcast_in_dim3A_95 = vector.broadcast %jit3A_94 : i32 to vector<16xi32>
      %select_n3A_96 = arith.select %gt3A_92, %broadcast_in_dim3A_95, %select_n3A_89 : vector<16xi1>, vector<16xi32>
      %get3A_97 = arith.constant 192 : index
      %get3A_98 = tpu.vector_load %arg15[%get3A_97] {strides = array<i32>} : memref<320xf32, #tpu.memory_space<vmem>>, vector<16xf32>,
      %gt3A_99 = arith.cmpf ogt, %get3A_98, %select_n3A_93 : vector<16xf32>
      %select_n3A_100 = arith.select %gt3A_99, %get3A_98, %select_n3A_93 : vector<16xi1>, vector<16xf32>
      %jit3A_101 = arith.constant 12 : i32
      %broadcast_in_dim3A_102 = vector.broadcast %jit3A_101 : i32 to vector<16xi32>
      %select_n3A_103 = arith.select %gt3A_99, %broadcast_in_dim3A_102, %select_n3A_96 : vector<16xi1>, vector<16xi32>
      %get3A_104 = arith.constant 208 : index
      %get3A_105 = tpu.vector_load %arg15[%get3A_104] {strides = array<i32>} : memref<320xf32, #tpu.memory_space<vmem>>, vector<16xf32>,
      %gt3A_106 = arith.cmpf ogt, %get3A_105, %select_n3A_100 : vector<16xf32>
      %select_n3A_107 = arith.select %gt3A_106, %get3A_105, %select_n3A_100 : vector<16xi1>, vector<16xf32>
      %jit3A_108 = arith.constant 13 : i32
      %broadcast_in_dim3A_109 = vector.broadcast %jit3A_108 : i32 to vector<16xi32>
      %select_n3A_110 = arith.select %gt3A_106, %broadcast_in_dim3A_109, %select_n3A_103 : vector<16xi1>, vector<16xi32>
      %get3A_111 = arith.constant 224 : index
      %get3A_112 = tpu.vector_load %arg15[%get3A_111] {strides = array<i32>} : memref<320xf32, #tpu.memory_space<vmem>>, vector<16xf32>,
      %gt3A_113 = arith.cmpf ogt, %get3A_112, %select_n3A_107 : vector<16xf32>
      %select_n3A_114 = arith.select %gt3A_113, %get3A_112, %select_n3A_107 : vector<16xi1>, vector<16xf32>
      %jit3A_115 = arith.constant 14 : i32
      %broadcast_in_dim3A_116 = vector.broadcast %jit3A_115 : i32 to vector<16xi32>
      %select_n3A_117 = arith.select %gt3A_113, %broadcast_in_dim3A_116, %select_n3A_110 : vector<16xi1>, vector<16xi32>
      %get3A_118 = arith.constant 240 : index
      %get3A_119 = tpu.vector_load %arg15[%get3A_118] {strides = array<i32>} : memref<320xf32, #tpu.memory_space<vmem>>, vector<16xf32>,
      %gt3A_120 = arith.cmpf ogt, %get3A_119, %select_n3A_114 : vector<16xf32>
      %select_n3A_121 = arith.select %gt3A_120, %get3A_119, %select_n3A_114 : vector<16xi1>, vector<16xf32>
      %jit3A_122 = arith.constant 15 : i32
      %broadcast_in_dim3A_123 = vector.broadcast %jit3A_122 : i32 to vector<16xi32>
      %select_n3A_124 = arith.select %gt3A_120, %broadcast_in_dim3A_123, %select_n3A_117 : vector<16xi1>, vector<16xi32>
      %get3A_125 = arith.constant 256 : index
      %get3A_126 = tpu.vector_load %arg15[%get3A_125] {strides = array<i32>} : memref<320xf32, #tpu.memory_space<vmem>>, vector<16xf32>,
      %gt3A_127 = arith.cmpf ogt, %get3A_126, %select_n3A_121 : vector<16xf32>
      %select_n3A_128 = arith.select %gt3A_127, %get3A_126, %select_n3A_121 : vector<16xi1>, vector<16xf32>
      %jit3A_129 = arith.constant 16 : i32
      %broadcast_in_dim3A_130 = vector.broadcast %jit3A_129 : i32 to vector<16xi32>
      %select_n3A_131 = arith.select %gt3A_127, %broadcast_in_dim3A_130, %select_n3A_124 : vector<16xi1>, vector<16xi32>
      %get3A_132 = arith.constant 272 : index
      %get3A_133 = tpu.vector_load %arg15[%get3A_132] {strides = array<i32>} : memref<320xf32, #tpu.memory_space<vmem>>, vector<16xf32>,
      %gt3A_134 = arith.cmpf ogt, %get3A_133, %select_n3A_128 : vector<16xf32>
      %select_n3A_135 = arith.select %gt3A_134, %get3A_133, %select_n3A_128 : vector<16xi1>, vector<16xf32>
      %jit3A_136 = arith.constant 17 : i32
      %broadcast_in_dim3A_137 = vector.broadcast %jit3A_136 : i32 to vector<16xi32>
      %select_n3A_138 = arith.select %gt3A_134, %broadcast_in_dim3A_137, %select_n3A_131 : vector<16xi1>, vector<16xi32>
      %get3A_139 = arith.constant 288 : index
      %get3A_140 = tpu.vector_load %arg15[%get3A_139] {strides = array<i32>} : memref<320xf32, #tpu.memory_space<vmem>>, vector<16xf32>,
      %gt3A_141 = arith.cmpf ogt, %get3A_140, %select_n3A_135 : vector<16xf32>
      %select_n3A_142 = arith.select %gt3A_141, %get3A_140, %select_n3A_135 : vector<16xi1>, vector<16xf32>
      %jit3A_143 = arith.constant 18 : i32
      %broadcast_in_dim3A_144 = vector.broadcast %jit3A_143 : i32 to vector<16xi32>
      %select_n3A_145 = arith.select %gt3A_141, %broadcast_in_dim3A_144, %select_n3A_138 : vector<16xi1>, vector<16xi32>
      %get3A_146 = arith.constant 304 : index
      %get3A_147 = tpu.vector_load %arg15[%get3A_146] {strides = array<i32>} : memref<320xf32, #tpu.memory_space<vmem>>, vector<16xf32>,
      %gt3A_148 = arith.cmpf ogt, %get3A_147, %select_n3A_142 : vector<16xf32>
      %select_n3A_149 = arith.select %gt3A_148, %get3A_147, %select_n3A_142 : vector<16xi1>, vector<16xf32>
      %jit3A_150 = arith.constant 19 : i32
      %broadcast_in_dim3A_151 = vector.broadcast %jit3A_150 : i32 to vector<16xi32>
      %select_n3A_152 = arith.select %gt3A_148, %broadcast_in_dim3A_151, %select_n3A_145 : vector<16xi1>, vector<16xi32>
      %ge3A = arith.constant 0.000000e+00 : f32
      %ge3A_153 = vector.broadcast %ge3A : f32 to vector<16xf32>
      %ge3A_154 = arith.cmpf oge, %select_n3A_149, %ge3A_153 : vector<16xf32>
      %bitcast3A = vector.bitcast %select_n3A_149 : vector<16xf32> to vector<16xi32>
      %jit3A_155 = arith.constant -1 : i32
      %broadcast_in_dim3A_156 = vector.broadcast %jit3A_155 : i32 to vector<16xi32>
      %select_n3A_157 = arith.select %ge3A_154, %bitcast3A, %broadcast_in_dim3A_156 : vector<16xi1>, vector<16xi32>
      %reduce_max3A = arith.constant true
      %reduce_max3A_158 = vector.broadcast %reduce_max3A : i1 to vector<16xi1>
      %reduce_max3A_159 = arith.constant -2147483648 : i32
      %reduce_max3A_160 = vector.broadcast %reduce_max3A_159 : i32 to vector<16xi32>
      %reduce_max3A_161 = arith.xori %select_n3A_157, %reduce_max3A_160 : vector<16xi32>
      %reduce_max3A_162 = tpu.scan <max>, %reduce_max3A_161 masked %reduce_max3A_158 : vector<16xi32>, vector<16xi1> -> vector<16xi32>
      %reduce_max3A_163 = arith.xori %reduce_max3A_162, %reduce_max3A_160 : vector<16xi32>
      %reduce_max3A_164 = vector.extract %reduce_max3A_163[15] : i32 from vector<16xi32>
      %mul3A_165 = arith.constant 16 : i32
      %mul3A_166 = vector.broadcast %mul3A_165 : i32 to vector<16xi32>
      %mul3A_167 = arith.muli %select_n3A_152, %mul3A_166 : vector<16xi32>
      %add3A = vector.broadcast %mul3A_2 : i32 to vector<16xi32>
      %add3A_168 = arith.addi %add3A, %mul3A_167 : vector<16xi32>
      %add3A_169 = arith.addi %add3A_168, %iota3A : vector<16xi32>
      %eq3A_170 = vector.broadcast %reduce_max3A_164 : i32 to vector<16xi32>
      %eq3A_171 = arith.cmpi eq, %select_n3A_157, %eq3A_170 : vector<16xi32>
      %jit3A_172 = arith.constant 5120 : i32
      %broadcast_in_dim3A_173 = vector.broadcast %jit3A_172 : i32 to vector<16xi32>
      %select_n3A_174 = arith.select %eq3A_171, %add3A_169, %broadcast_in_dim3A_173 : vector<16xi1>, vector<16xi32>
      %reduce_min3A = arith.constant true
      %reduce_min3A_175 = vector.broadcast %reduce_min3A : i1 to vector<16xi1>
      %reduce_min3A_176 = arith.constant -2147483648 : i32
      %reduce_min3A_177 = vector.broadcast %reduce_min3A_176 : i32 to vector<16xi32>
      %reduce_min3A_178 = arith.xori %select_n3A_174, %reduce_min3A_177 : vector<16xi32>
      %reduce_min3A_179 = tpu.scan <min>, %reduce_min3A_178 masked %reduce_min3A_175 : vector<16xi32>, vector<16xi1> -> vector<16xi32>
      %reduce_min3A_180 = arith.xori %reduce_min3A_179, %reduce_min3A_177 : vector<16xi32>
      %reduce_min3A_181 = vector.extract %reduce_min3A_180[15] : i32 from vector<16xi32>
      %rem3A = arith.constant 1 : i32
      %rem3A_182 = arith.constant 2 : i32
      %rem3A_183 = arith.remsi %rem3A, %rem3A_182 : i32
      %eq3A_184 = arith.constant 0 : i32
      %eq3A_185 = vector.broadcast %eq3A_184 : i32 to vector<16xi32>
      %eq3A_186 = arith.cmpi eq, %iota3A, %eq3A_185 : vector<16xi32>
      %eq3A_187 = arith.constant 1 : i32
      %eq3A_188 = vector.broadcast %eq3A_187 : i32 to vector<16xi32>
      %eq3A_189 = arith.cmpi eq, %iota3A, %eq3A_188 : vector<16xi32>
      %jit3A_190 = arith.constant 0 : i32
      %broadcast_in_dim3A_191 = vector.broadcast %reduce_min3A_181 : i32 to vector<16xi32>
      %broadcast_in_dim3A_192 = vector.broadcast %jit3A_190 : i32 to vector<16xi32>
      %select_n3A_193 = arith.select %eq3A_189, %broadcast_in_dim3A_191, %broadcast_in_dim3A_192 : vector<16xi1>, vector<16xi32>
      %broadcast_in_dim3A_194 = vector.broadcast %reduce_max3A_164 : i32 to vector<16xi32>
      %select_n3A_195 = arith.select %eq3A_186, %broadcast_in_dim3A_194, %select_n3A_193 : vector<16xi1>, vector<16xi32>
      %swap3A = arith.constant 0 : index
      %swap3A_196 = tpu.vector_load %arg17[%swap3A] {strides = array<i32>} : memref<16xi32, #tpu.memory_space<vmem>>, vector<16xi32>,
      tpu.vector_store %arg17[%swap3A], %select_n3A_195 {strides = array<i32>} : memref<16xi32, #tpu.memory_space<vmem>>, vector<16xi32>,
      "tpu.region"() ({
        %run_scoped3A = tpu.sem_alloc : memref<!tpu.dma_semaphore, #tpu.memory_space<semaphore_mem>>
        %dma_start3A = arith.constant 0 : i32
        %dma_start3A_242 = tpu.memref_slice %arg19[%rem3A_183, %arg1, %dma_start3A] : memref<2x16x16xi32, #tpu.memory_space<vmem_shared>> -> memref<1x1x16xi32, #tpu.memory_space<vmem_shared>>
        %dma_start3A_243 = tpu.memref_squeeze %dma_start3A_242 : memref<1x1x16xi32, #tpu.memory_space<vmem_shared>> -> memref<16xi32, #tpu.memory_space<vmem_shared>>
        %dma_start3A_244 = arith.constant 0 : i32
        %dma_start3A_245 = tpu.memref_slice %arg19[%rem3A_183, %arg1, %dma_start3A_244] : memref<2x16x16xi32, #tpu.memory_space<vmem_shared>> -> memref<1x1x16xi32, #tpu.memory_space<vmem_shared>>
        %dma_start3A_246 = tpu.memref_squeeze %dma_start3A_245 : memref<1x1x16xi32, #tpu.memory_space<vmem_shared>> -> memref<16xi32, #tpu.memory_space<vmem_shared>>
        tpu.enqueue_dma source(%arg17 : memref<16xi32, #tpu.memory_space<vmem>>) target(%dma_start3A_246 : memref<16xi32, #tpu.memory_space<vmem_shared>>) target_semaphore(%run_scoped3A : memref<!tpu.dma_semaphore, #tpu.memory_space<semaphore_mem>>)
        %dma_wait3A = arith.constant 0 : i32
        %dma_wait3A_247 = tpu.memref_slice %arg19[%rem3A_183, %arg1, %dma_wait3A] : memref<2x16x16xi32, #tpu.memory_space<vmem_shared>> -> memref<1x1x16xi32, #tpu.memory_space<vmem_shared>>
        %dma_wait3A_248 = tpu.memref_squeeze %dma_wait3A_247 : memref<1x1x16xi32, #tpu.memory_space<vmem_shared>> -> memref<16xi32, #tpu.memory_space<vmem_shared>>
        %dma_wait3A_249 = arith.constant 0 : i32
        %dma_wait3A_250 = tpu.memref_slice %arg19[%rem3A_183, %arg1, %dma_wait3A_249] : memref<2x16x16xi32, #tpu.memory_space<vmem_shared>> -> memref<1x1x16xi32, #tpu.memory_space<vmem_shared>>
        %dma_wait3A_251 = tpu.memref_squeeze %dma_wait3A_250 : memref<1x1x16xi32, #tpu.memory_space<vmem_shared>> -> memref<16xi32, #tpu.memory_space<vmem_shared>>
        tpu.wait_dma2 semaphore(%run_scoped3A : memref<!tpu.dma_semaphore, #tpu.memory_space<semaphore_mem>>) src(%arg17 : memref<16xi32, #tpu.memory_space<vmem>>) dst(%dma_wait3A_251 : memref<16xi32, #tpu.memory_space<vmem_shared>>)
        tpu.yield
      }) : () -> ()
      %sc_fetch_and_add3A = arith.constant 1 : i32
      %sc_fetch_and_add3A_197 = arith.constant 0 : i32
      %sc_fetch_and_add3A_198 = arith.constant 0 : i32
      %sc_fetch_and_add3A_199 = tpu.fetch_and_add_sync %arg20[%sc_fetch_and_add3A_197], %sc_fetch_and_add3A, %sc_fetch_and_add3A_198 : memref<1xi32, #tpu.memory_space<smem>>, i32 -> i32
      %while3A = arith.constant 1 : i32
      %while3A_200 = arith.constant 0 : i32
      %while3A_201 = scf.while (%while3A_242 = %while3A_200) : (i32) -> i32 {
        %mul3A_243 = arith.constant 16 : i32
        %mul3A_244 = arith.muli %while3A, %mul3A_243 : i32
        %lt3A = arith.cmpi slt, %while3A_242, %mul3A_244 : i32
        scf.condition(%lt3A) %while3A_242 : i32
      } do {
      ^bb0(%while3A_242: i32):
        %sc_fetch_and_add3A_243 = arith.constant 0 : i32
        %sc_fetch_and_add3A_244 = arith.constant 0 : i32
        %sc_fetch_and_add3A_245 = arith.constant 0 : i32
        %sc_fetch_and_add3A_246 = tpu.fetch_and_add_sync %arg20[%sc_fetch_and_add3A_244], %sc_fetch_and_add3A_243, %sc_fetch_and_add3A_245 : memref<1xi32, #tpu.memory_space<smem>>, i32 -> i32
        scf.yield %sc_fetch_and_add3A_246 : i32
      }
      %rem3A_202 = arith.constant 2 : i32
      %rem3A_203 = arith.remsi %while3A_201, %rem3A_202 : i32
      "tpu.region"() ({
        %run_scoped3A = tpu.sem_alloc : memref<!tpu.dma_semaphore, #tpu.memory_space<semaphore_mem>>
        %dma_start3A = arith.constant 0 : i32
        %dma_start3A_242 = arith.constant 0 : i32
        %dma_start3A_243 = tpu.memref_slice %arg18[%rem3A_203, %dma_start3A, %dma_start3A_242] : memref<2x16x16xi32, #tpu.memory_space<vmem>> -> memref<1x16x16xi32, #tpu.memory_space<vmem>>
        %dma_start3A_244 = tpu.memref_squeeze %dma_start3A_243 : memref<1x16x16xi32, #tpu.memory_space<vmem>> -> memref<16x16xi32, #tpu.memory_space<vmem>>
        %dma_start3A_245 = arith.constant 0 : i32
        %dma_start3A_246 = arith.constant 0 : i32
        %dma_start3A_247 = tpu.memref_slice %arg19[%rem3A_183, %dma_start3A_245, %dma_start3A_246] : memref<2x16x16xi32, #tpu.memory_space<vmem_shared>> -> memref<1x16x16xi32, #tpu.memory_space<vmem_shared>>
        %dma_start3A_248 = tpu.memref_squeeze %dma_start3A_247 : memref<1x16x16xi32, #tpu.memory_space<vmem_shared>> -> memref<16x16xi32, #tpu.memory_space<vmem_shared>>
        %dma_start3A_249 = arith.constant 0 : i32
        %dma_start3A_250 = arith.constant 0 : i32
        %dma_start3A_251 = tpu.memref_slice %arg18[%rem3A_203, %dma_start3A_249, %dma_start3A_250] : memref<2x16x16xi32, #tpu.memory_space<vmem>> -> memref<1x16x16xi32, #tpu.memory_space<vmem>>
        %dma_start3A_252 = tpu.memref_squeeze %dma_start3A_251 : memref<1x16x16xi32, #tpu.memory_space<vmem>> -> memref<16x16xi32, #tpu.memory_space<vmem>>
        %dma_start3A_253 = arith.constant 0 : i32
        %dma_start3A_254 = arith.constant 0 : i32
        %dma_start3A_255 = tpu.memref_slice %arg19[%rem3A_183, %dma_start3A_253, %dma_start3A_254] : memref<2x16x16xi32, #tpu.memory_space<vmem_shared>> -> memref<1x16x16xi32, #tpu.memory_space<vmem_shared>>
        %dma_start3A_256 = tpu.memref_squeeze %dma_start3A_255 : memref<1x16x16xi32, #tpu.memory_space<vmem_shared>> -> memref<16x16xi32, #tpu.memory_space<vmem_shared>>
        tpu.enqueue_dma source(%dma_start3A_256 : memref<16x16xi32, #tpu.memory_space<vmem_shared>>) target(%dma_start3A_252 : memref<16x16xi32, #tpu.memory_space<vmem>>) target_semaphore(%run_scoped3A : memref<!tpu.dma_semaphore, #tpu.memory_space<semaphore_mem>>)
        %dma_wait3A = arith.constant 0 : i32
        %dma_wait3A_257 = arith.constant 0 : i32
        %dma_wait3A_258 = tpu.memref_slice %arg18[%rem3A_203, %dma_wait3A, %dma_wait3A_257] : memref<2x16x16xi32, #tpu.memory_space<vmem>> -> memref<1x16x16xi32, #tpu.memory_space<vmem>>
        %dma_wait3A_259 = tpu.memref_squeeze %dma_wait3A_258 : memref<1x16x16xi32, #tpu.memory_space<vmem>> -> memref<16x16xi32, #tpu.memory_space<vmem>>
        %dma_wait3A_260 = arith.constant 0 : i32
        %dma_wait3A_261 = arith.constant 0 : i32
        %dma_wait3A_262 = tpu.memref_slice %arg19[%rem3A_183, %dma_wait3A_260, %dma_wait3A_261] : memref<2x16x16xi32, #tpu.memory_space<vmem_shared>> -> memref<1x16x16xi32, #tpu.memory_space<vmem_shared>>
        %dma_wait3A_263 = tpu.memref_squeeze %dma_wait3A_262 : memref<1x16x16xi32, #tpu.memory_space<vmem_shared>> -> memref<16x16xi32, #tpu.memory_space<vmem_shared>>
        %dma_wait3A_264 = arith.constant 0 : i32
        %dma_wait3A_265 = arith.constant 0 : i32
        %dma_wait3A_266 = tpu.memref_slice %arg18[%rem3A_203, %dma_wait3A_264, %dma_wait3A_265] : memref<2x16x16xi32, #tpu.memory_space<vmem>> -> memref<1x16x16xi32, #tpu.memory_space<vmem>>
        %dma_wait3A_267 = tpu.memref_squeeze %dma_wait3A_266 : memref<1x16x16xi32, #tpu.memory_space<vmem>> -> memref<16x16xi32, #tpu.memory_space<vmem>>
        %dma_wait3A_268 = arith.constant 0 : i32
        %dma_wait3A_269 = arith.constant 0 : i32
        %dma_wait3A_270 = tpu.memref_slice %arg19[%rem3A_183, %dma_wait3A_268, %dma_wait3A_269] : memref<2x16x16xi32, #tpu.memory_space<vmem_shared>> -> memref<1x16x16xi32, #tpu.memory_space<vmem_shared>>
        %dma_wait3A_271 = tpu.memref_squeeze %dma_wait3A_270 : memref<1x16x16xi32, #tpu.memory_space<vmem_shared>> -> memref<16x16xi32, #tpu.memory_space<vmem_shared>>
        tpu.wait_dma2 semaphore(%run_scoped3A : memref<!tpu.dma_semaphore, #tpu.memory_space<semaphore_mem>>) src(%dma_wait3A_271 : memref<16x16xi32, #tpu.memory_space<vmem_shared>>) dst(%dma_wait3A_267 : memref<16x16xi32, #tpu.memory_space<vmem>>)
        tpu.yield
      }) : () -> ()
      %broadcast_in_dim3A_204 = vector.broadcast %rem3A_203 : i32 to vector<16xi32>
      %broadcast_in_dim3A_205 = arith.constant 0 : i32
      %broadcast_in_dim3A_206 = vector.broadcast %broadcast_in_dim3A_205 : i32 to vector<16xi32>
      %gather3A = tpu.vector_load_idx %arg18[%broadcast_in_dim3A_204, %iota3A, %broadcast_in_dim3A_206] : memref<2x16x16xi32, #tpu.memory_space<vmem>>[vector<16xi32>, vector<16xi32>, vector<16xi32>], vector<16xi32>,
      %broadcast_in_dim3A_207 = arith.constant 1 : i32
      %broadcast_in_dim3A_208 = vector.broadcast %broadcast_in_dim3A_207 : i32 to vector<16xi32>
      %gather3A_209 = tpu.vector_load_idx %arg18[%broadcast_in_dim3A_204, %iota3A, %broadcast_in_dim3A_208] : memref<2x16x16xi32, #tpu.memory_space<vmem>>[vector<16xi32>, vector<16xi32>, vector<16xi32>], vector<16xi32>,
      %reduce_max3A_210 = arith.constant true
      %reduce_max3A_211 = vector.broadcast %reduce_max3A_210 : i1 to vector<16xi1>
      %reduce_max3A_212 = arith.constant -2147483648 : i32
      %reduce_max3A_213 = vector.broadcast %reduce_max3A_212 : i32 to vector<16xi32>
      %reduce_max3A_214 = arith.xori %gather3A, %reduce_max3A_213 : vector<16xi32>
      %reduce_max3A_215 = tpu.scan <max>, %reduce_max3A_214 masked %reduce_max3A_211 : vector<16xi32>, vector<16xi1> -> vector<16xi32>
      %reduce_max3A_216 = arith.xori %reduce_max3A_215, %reduce_max3A_213 : vector<16xi32>
      %reduce_max3A_217 = vector.extract %reduce_max3A_216[15] : i32 from vector<16xi32>
      %eq3A_218 = vector.broadcast %reduce_max3A_217 : i32 to vector<16xi32>
      %eq3A_219 = arith.cmpi eq, %gather3A, %eq3A_218 : vector<16xi32>
      %jit3A_220 = arith.constant 5120 : i32
      %broadcast_in_dim3A_221 = vector.broadcast %jit3A_220 : i32 to vector<16xi32>
      %select_n3A_222 = arith.select %eq3A_219, %gather3A_209, %broadcast_in_dim3A_221 : vector<16xi1>, vector<16xi32>
      %reduce_min3A_223 = arith.constant true
      %reduce_min3A_224 = vector.broadcast %reduce_min3A_223 : i1 to vector<16xi1>
      %reduce_min3A_225 = arith.constant -2147483648 : i32
      %reduce_min3A_226 = vector.broadcast %reduce_min3A_225 : i32 to vector<16xi32>
      %reduce_min3A_227 = arith.xori %select_n3A_222, %reduce_min3A_226 : vector<16xi32>
      %reduce_min3A_228 = tpu.scan <min>, %reduce_min3A_227 masked %reduce_min3A_224 : vector<16xi32>, vector<16xi1> -> vector<16xi32>
      %reduce_min3A_229 = arith.xori %reduce_min3A_228, %reduce_min3A_226 : vector<16xi32>
      %reduce_min3A_230 = vector.extract %reduce_min3A_229[15] : i32 from vector<16xi32>
      %scan3A_231 = arith.constant 0 : i32
      %scan3A_232 = arith.constant 416 : i32
      %scan3A_233 = arith.addi %scan3A_231, %scan3A_232 : i32
      %scan3A_234 = arith.constant 1 : i32
      %scan3A_235:2 = scf.for %scan3A_242 = %scan3A_231 to %scan3A_233 step %scan3A_234 iter_args(%scan3A_243 = %reduce_max3A_217, %scan3A_244 = %reduce_min3A_230) -> (i32, i32)  : i32 {
        %gt3A_245 = arith.constant 1050253722 : i32
        %gt3A_246 = arith.cmpi sgt, %scan3A_243, %gt3A_245 : i32
        %min3A = arith.constant 5119 : i32
        %min3A_247 = arith.minsi %scan3A_244, %min3A : i32
        %broadcast_in_dim3A_248 = vector.broadcast %min3A_247 : i32 to vector<16xi32>
        %ge3A_249 = arith.cmpi sge, %min3A_247, %mul3A_2 : i32
        %add3A_250 = arith.constant 320 : i32
        %add3A_251 = arith.addi %mul3A_2, %add3A_250 : i32
        %lt3A = arith.cmpi slt, %min3A_247, %add3A_251 : i32
        %and3A = arith.andi %ge3A_249, %lt3A : i1
        %and3A_252 = arith.andi %and3A, %gt3A_246 : i1
        %sub3A = arith.subi %min3A_247, %mul3A_2 : i32
        %jit3A_253 = arith.constant 0 : i32
        %jit3A_254 = arith.constant 319 : i32
        %max3A = arith.maxsi %jit3A_253, %sub3A : i32
        %min3A_255 = arith.minsi %jit3A_254, %max3A : i32
        %broadcast_in_dim3A_256 = vector.broadcast %min3A_255 : i32 to vector<16xi32>
        %broadcast_in_dim3A_257 = arith.constant 1.000000e+00 : f32
        %broadcast_in_dim3A_258 = vector.broadcast %broadcast_in_dim3A_257 : f32 to vector<16xf32>
        %eq3A_259 = arith.constant 0 : i32
        %eq3A_260 = vector.broadcast %eq3A_259 : i32 to vector<16xi32>
        %eq3A_261 = arith.cmpi eq, %iota3A, %eq3A_260 : vector<16xi32>
        %and3A_262 = vector.broadcast %and3A_252 : i1 to vector<16xi1>
        %and3A_263 = arith.andi %eq3A_261, %and3A_262 : vector<16xi1>
        tpu.vector_store_idx %arg16[%broadcast_in_dim3A_256], %broadcast_in_dim3A_258 masked %and3A_263 : memref<320xf32, #tpu.memory_space<vmem>>[vector<16xi32>], vector<16xf32>, vector<16xi1>
        %gather3A_264 = tpu.vector_load_idx %arg11[%broadcast_in_dim3A_248] : memref<5120xf32, #tpu.memory_space<vmem>>[vector<16xi32>], vector<16xf32>,
        %gather3A_265 = tpu.vector_load_idx %arg12[%broadcast_in_dim3A_248] : memref<5120xf32, #tpu.memory_space<vmem>>[vector<16xi32>], vector<16xf32>,
        %gather3A_266 = tpu.vector_load_idx %arg13[%broadcast_in_dim3A_248] : memref<5120xf32, #tpu.memory_space<vmem>>[vector<16xi32>], vector<16xf32>,
        %gather3A_267 = tpu.vector_load_idx %arg14[%broadcast_in_dim3A_248] : memref<5120xf32, #tpu.memory_space<vmem>>[vector<16xi32>], vector<16xf32>,
        %sub3A_268 = arith.subf %gather3A_266, %gather3A_264 : vector<16xf32>
        %sub3A_269 = arith.subf %gather3A_267, %gather3A_265 : vector<16xf32>
        %mul3A_270 = arith.mulf %sub3A_268, %sub3A_269 : vector<16xf32>
        %broadcast_in_dim3A_271 = arith.constant -3.000000e+00 : f32
        %broadcast_in_dim3A_272 = vector.broadcast %broadcast_in_dim3A_271 : f32 to vector<16xf32>
        %broadcast_in_dim3A_273 = arith.constant 0 : i32
        %broadcast_in_dim3A_274 = vector.broadcast %broadcast_in_dim3A_273 : i32 to vector<16xi32>
        %add3A_275 = arith.constant 0 : i32
        %add3A_276 = arith.addi %mul3A_2, %add3A_275 : i32
        %get3A_277 = arith.index_cast %add3A_276 : i32 to index
        %get3A_278 = tpu.vector_load %arg11[%get3A_277] {strides = array<i32>} : memref<5120xf32, #tpu.memory_space<vmem>>, vector<16xf32>,
        %get3A_279 = arith.index_cast %add3A_276 : i32 to index
        %get3A_280 = tpu.vector_load %arg12[%get3A_279] {strides = array<i32>} : memref<5120xf32, #tpu.memory_space<vmem>>, vector<16xf32>,
        %get3A_281 = arith.index_cast %add3A_276 : i32 to index
        %get3A_282 = tpu.vector_load %arg13[%get3A_281] {strides = array<i32>} : memref<5120xf32, #tpu.memory_space<vmem>>, vector<16xf32>,
        %get3A_283 = arith.index_cast %add3A_276 : i32 to index
        %get3A_284 = tpu.vector_load %arg14[%get3A_283] {strides = array<i32>} : memref<5120xf32, #tpu.memory_space<vmem>>, vector<16xf32>,
        %sub3A_285 = arith.subf %get3A_282, %get3A_278 : vector<16xf32>
        %sub3A_286 = arith.subf %get3A_284, %get3A_280 : vector<16xf32>
        %mul3A_287 = arith.mulf %sub3A_285, %sub3A_286 : vector<16xf32>
        %min3A_288 = arith.minimumf %get3A_282, %gather3A_266 : vector<16xf32>
        %max3A_289 = arith.maximumf %get3A_278, %gather3A_264 : vector<16xf32>
        %sub3A_290 = arith.subf %min3A_288, %max3A_289 : vector<16xf32>
        %max3A_291 = arith.constant 0.000000e+00 : f32
        %max3A_292 = vector.broadcast %max3A_291 : f32 to vector<16xf32>
        %max3A_293 = arith.maximumf %sub3A_290, %max3A_292 : vector<16xf32>
        %min3A_294 = arith.minimumf %get3A_284, %gather3A_267 : vector<16xf32>
        %max3A_295 = arith.maximumf %get3A_280, %gather3A_265 : vector<16xf32>
        %sub3A_296 = arith.subf %min3A_294, %max3A_295 : vector<16xf32>
        %max3A_297 = arith.constant 0.000000e+00 : f32
        %max3A_298 = vector.broadcast %max3A_297 : f32 to vector<16xf32>
        %max3A_299 = arith.maximumf %sub3A_296, %max3A_298 : vector<16xf32>
        %mul3A_300 = arith.mulf %max3A_293, %max3A_299 : vector<16xf32>
        %add3A_301 = arith.addf %mul3A_287, %mul3A_270 : vector<16xf32>
        %sub3A_302 = arith.subf %add3A_301, %mul3A_300 : vector<16xf32>
        %add3A_303 = arith.constant 9.99999971E-10 : f32
        %add3A_304 = vector.broadcast %add3A_303 : f32 to vector<16xf32>
        %add3A_305 = arith.addf %sub3A_302, %add3A_304 : vector<16xf32>
        %div3A = arith.divf %mul3A_300, %add3A_305 : vector<16xf32>
        %gt3A_306 = arith.constant 2.500000e-01 : f32
        %gt3A_307 = vector.broadcast %gt3A_306 : f32 to vector<16xf32>
        %gt3A_308 = arith.cmpf ogt, %div3A, %gt3A_307 : vector<16xf32>
        %add3A_309 = arith.constant 0 : i32
        %add3A_310 = arith.addi %mul3A_2, %add3A_309 : i32
        %add3A_311 = vector.broadcast %add3A_310 : i32 to vector<16xi32>
        %add3A_312 = arith.addi %add3A_311, %iota3A : vector<16xi32>
        %eq3A_313 = vector.broadcast %min3A_247 : i32 to vector<16xi32>
        %eq3A_314 = arith.cmpi eq, %add3A_312, %eq3A_313 : vector<16xi32>
        %or3A = arith.ori %gt3A_308, %eq3A_314 : vector<16xi1>
        %and3A_315 = vector.broadcast %gt3A_246 : i1 to vector<16xi1>
        %and3A_316 = arith.andi %or3A, %and3A_315 : vector<16xi1>
        %get3A_317 = arith.constant 0 : index
        %get3A_318 = tpu.vector_load %arg15[%get3A_317] {strides = array<i32>} : memref<320xf32, #tpu.memory_space<vmem>>, vector<16xf32>,
        %jit3A_319 = arith.constant -1.000000e+00 : f32
        %broadcast_in_dim3A_320 = vector.broadcast %jit3A_319 : f32 to vector<16xf32>
        %select_n3A_321 = arith.select %and3A_316, %broadcast_in_dim3A_320, %get3A_318 : vector<16xi1>, vector<16xf32>
        %swap3A_322 = arith.constant 0 : index
        %swap3A_323 = tpu.vector_load %arg15[%swap3A_322] {strides = array<i32>} : memref<320xf32, #tpu.memory_space<vmem>>, vector<16xf32>,
        tpu.vector_store %arg15[%swap3A_322], %select_n3A_321 {strides = array<i32>} : memref<320xf32, #tpu.memory_space<vmem>>, vector<16xf32>,
        %gt3A_324 = arith.cmpf ogt, %select_n3A_321, %broadcast_in_dim3A_272 : vector<16xf32>
        %select_n3A_325 = arith.select %gt3A_324, %select_n3A_321, %broadcast_in_dim3A_272 : vector<16xi1>, vector<16xf32>
        %jit3A_326 = arith.constant 0 : i32
        %broadcast_in_dim3A_327 = vector.broadcast %jit3A_326 : i32 to vector<16xi32>
        %select_n3A_328 = arith.select %gt3A_324, %broadcast_in_dim3A_327, %broadcast_in_dim3A_274 : vector<16xi1>, vector<16xi32>
        %add3A_329 = arith.constant 16 : i32
        %add3A_330 = arith.addi %mul3A_2, %add3A_329 : i32
        %get3A_331 = arith.index_cast %add3A_330 : i32 to index
        %get3A_332 = tpu.vector_load %arg11[%get3A_331] {strides = array<i32>} : memref<5120xf32, #tpu.memory_space<vmem>>, vector<16xf32>,
        %get3A_333 = arith.index_cast %add3A_330 : i32 to index
        %get3A_334 = tpu.vector_load %arg12[%get3A_333] {strides = array<i32>} : memref<5120xf32, #tpu.memory_space<vmem>>, vector<16xf32>,
        %get3A_335 = arith.index_cast %add3A_330 : i32 to index
        %get3A_336 = tpu.vector_load %arg13[%get3A_335] {strides = array<i32>} : memref<5120xf32, #tpu.memory_space<vmem>>, vector<16xf32>,
        %get3A_337 = arith.index_cast %add3A_330 : i32 to index
        %get3A_338 = tpu.vector_load %arg14[%get3A_337] {strides = array<i32>} : memref<5120xf32, #tpu.memory_space<vmem>>, vector<16xf32>,
        %sub3A_339 = arith.subf %get3A_336, %get3A_332 : vector<16xf32>
        %sub3A_340 = arith.subf %get3A_338, %get3A_334 : vector<16xf32>
        %mul3A_341 = arith.mulf %sub3A_339, %sub3A_340 : vector<16xf32>
        %min3A_342 = arith.minimumf %get3A_336, %gather3A_266 : vector<16xf32>
        %max3A_343 = arith.maximumf %get3A_332, %gather3A_264 : vector<16xf32>
        %sub3A_344 = arith.subf %min3A_342, %max3A_343 : vector<16xf32>
        %max3A_345 = arith.constant 0.000000e+00 : f32
        %max3A_346 = vector.broadcast %max3A_345 : f32 to vector<16xf32>
        %max3A_347 = arith.maximumf %sub3A_344, %max3A_346 : vector<16xf32>
        %min3A_348 = arith.minimumf %get3A_338, %gather3A_267 : vector<16xf32>
        %max3A_349 = arith.maximumf %get3A_334, %gather3A_265 : vector<16xf32>
        %sub3A_350 = arith.subf %min3A_348, %max3A_349 : vector<16xf32>
        %max3A_351 = arith.constant 0.000000e+00 : f32
        %max3A_352 = vector.broadcast %max3A_351 : f32 to vector<16xf32>
        %max3A_353 = arith.maximumf %sub3A_350, %max3A_352 : vector<16xf32>
        %mul3A_354 = arith.mulf %max3A_347, %max3A_353 : vector<16xf32>
        %add3A_355 = arith.addf %mul3A_341, %mul3A_270 : vector<16xf32>
        %sub3A_356 = arith.subf %add3A_355, %mul3A_354 : vector<16xf32>
        %add3A_357 = arith.constant 9.99999971E-10 : f32
        %add3A_358 = vector.broadcast %add3A_357 : f32 to vector<16xf32>
        %add3A_359 = arith.addf %sub3A_356, %add3A_358 : vector<16xf32>
        %div3A_360 = arith.divf %mul3A_354, %add3A_359 : vector<16xf32>
        %gt3A_361 = arith.constant 2.500000e-01 : f32
        %gt3A_362 = vector.broadcast %gt3A_361 : f32 to vector<16xf32>
        %gt3A_363 = arith.cmpf ogt, %div3A_360, %gt3A_362 : vector<16xf32>
        %add3A_364 = arith.constant 16 : i32
        %add3A_365 = arith.addi %mul3A_2, %add3A_364 : i32
        %add3A_366 = vector.broadcast %add3A_365 : i32 to vector<16xi32>
        %add3A_367 = arith.addi %add3A_366, %iota3A : vector<16xi32>
        %eq3A_368 = vector.broadcast %min3A_247 : i32 to vector<16xi32>
        %eq3A_369 = arith.cmpi eq, %add3A_367, %eq3A_368 : vector<16xi32>
        %or3A_370 = arith.ori %gt3A_363, %eq3A_369 : vector<16xi1>
        %and3A_371 = vector.broadcast %gt3A_246 : i1 to vector<16xi1>
        %and3A_372 = arith.andi %or3A_370, %and3A_371 : vector<16xi1>
        %get3A_373 = arith.constant 16 : index
        %get3A_374 = tpu.vector_load %arg15[%get3A_373] {strides = array<i32>} : memref<320xf32, #tpu.memory_space<vmem>>, vector<16xf32>,
        %jit3A_375 = arith.constant -1.000000e+00 : f32
        %broadcast_in_dim3A_376 = vector.broadcast %jit3A_375 : f32 to vector<16xf32>
        %select_n3A_377 = arith.select %and3A_372, %broadcast_in_dim3A_376, %get3A_374 : vector<16xi1>, vector<16xf32>
        %swap3A_378 = arith.constant 16 : index
        %swap3A_379 = tpu.vector_load %arg15[%swap3A_378] {strides = array<i32>} : memref<320xf32, #tpu.memory_space<vmem>>, vector<16xf32>,
        tpu.vector_store %arg15[%swap3A_378], %select_n3A_377 {strides = array<i32>} : memref<320xf32, #tpu.memory_space<vmem>>, vector<16xf32>,
        %gt3A_380 = arith.cmpf ogt, %select_n3A_377, %select_n3A_325 : vector<16xf32>
        %select_n3A_381 = arith.select %gt3A_380, %select_n3A_377, %select_n3A_325 : vector<16xi1>, vector<16xf32>
        %jit3A_382 = arith.constant 1 : i32
        %broadcast_in_dim3A_383 = vector.broadcast %jit3A_382 : i32 to vector<16xi32>
        %select_n3A_384 = arith.select %gt3A_380, %broadcast_in_dim3A_383, %select_n3A_328 : vector<16xi1>, vector<16xi32>
        %add3A_385 = arith.constant 32 : i32
        %add3A_386 = arith.addi %mul3A_2, %add3A_385 : i32
        %get3A_387 = arith.index_cast %add3A_386 : i32 to index
        %get3A_388 = tpu.vector_load %arg11[%get3A_387] {strides = array<i32>} : memref<5120xf32, #tpu.memory_space<vmem>>, vector<16xf32>,
        %get3A_389 = arith.index_cast %add3A_386 : i32 to index
        %get3A_390 = tpu.vector_load %arg12[%get3A_389] {strides = array<i32>} : memref<5120xf32, #tpu.memory_space<vmem>>, vector<16xf32>,
        %get3A_391 = arith.index_cast %add3A_386 : i32 to index
        %get3A_392 = tpu.vector_load %arg13[%get3A_391] {strides = array<i32>} : memref<5120xf32, #tpu.memory_space<vmem>>, vector<16xf32>,
        %get3A_393 = arith.index_cast %add3A_386 : i32 to index
        %get3A_394 = tpu.vector_load %arg14[%get3A_393] {strides = array<i32>} : memref<5120xf32, #tpu.memory_space<vmem>>, vector<16xf32>,
        %sub3A_395 = arith.subf %get3A_392, %get3A_388 : vector<16xf32>
        %sub3A_396 = arith.subf %get3A_394, %get3A_390 : vector<16xf32>
        %mul3A_397 = arith.mulf %sub3A_395, %sub3A_396 : vector<16xf32>
        %min3A_398 = arith.minimumf %get3A_392, %gather3A_266 : vector<16xf32>
        %max3A_399 = arith.maximumf %get3A_388, %gather3A_264 : vector<16xf32>
        %sub3A_400 = arith.subf %min3A_398, %max3A_399 : vector<16xf32>
        %max3A_401 = arith.constant 0.000000e+00 : f32
        %max3A_402 = vector.broadcast %max3A_401 : f32 to vector<16xf32>
        %max3A_403 = arith.maximumf %sub3A_400, %max3A_402 : vector<16xf32>
        %min3A_404 = arith.minimumf %get3A_394, %gather3A_267 : vector<16xf32>
        %max3A_405 = arith.maximumf %get3A_390, %gather3A_265 : vector<16xf32>
        %sub3A_406 = arith.subf %min3A_404, %max3A_405 : vector<16xf32>
        %max3A_407 = arith.constant 0.000000e+00 : f32
        %max3A_408 = vector.broadcast %max3A_407 : f32 to vector<16xf32>
        %max3A_409 = arith.maximumf %sub3A_406, %max3A_408 : vector<16xf32>
        %mul3A_410 = arith.mulf %max3A_403, %max3A_409 : vector<16xf32>
        %add3A_411 = arith.addf %mul3A_397, %mul3A_270 : vector<16xf32>
        %sub3A_412 = arith.subf %add3A_411, %mul3A_410 : vector<16xf32>
        %add3A_413 = arith.constant 9.99999971E-10 : f32
        %add3A_414 = vector.broadcast %add3A_413 : f32 to vector<16xf32>
        %add3A_415 = arith.addf %sub3A_412, %add3A_414 : vector<16xf32>
        %div3A_416 = arith.divf %mul3A_410, %add3A_415 : vector<16xf32>
        %gt3A_417 = arith.constant 2.500000e-01 : f32
        %gt3A_418 = vector.broadcast %gt3A_417 : f32 to vector<16xf32>
        %gt3A_419 = arith.cmpf ogt, %div3A_416, %gt3A_418 : vector<16xf32>
        %add3A_420 = arith.constant 32 : i32
        %add3A_421 = arith.addi %mul3A_2, %add3A_420 : i32
        %add3A_422 = vector.broadcast %add3A_421 : i32 to vector<16xi32>
        %add3A_423 = arith.addi %add3A_422, %iota3A : vector<16xi32>
        %eq3A_424 = vector.broadcast %min3A_247 : i32 to vector<16xi32>
        %eq3A_425 = arith.cmpi eq, %add3A_423, %eq3A_424 : vector<16xi32>
        %or3A_426 = arith.ori %gt3A_419, %eq3A_425 : vector<16xi1>
        %and3A_427 = vector.broadcast %gt3A_246 : i1 to vector<16xi1>
        %and3A_428 = arith.andi %or3A_426, %and3A_427 : vector<16xi1>
        %get3A_429 = arith.constant 32 : index
        %get3A_430 = tpu.vector_load %arg15[%get3A_429] {strides = array<i32>} : memref<320xf32, #tpu.memory_space<vmem>>, vector<16xf32>,
        %jit3A_431 = arith.constant -1.000000e+00 : f32
        %broadcast_in_dim3A_432 = vector.broadcast %jit3A_431 : f32 to vector<16xf32>
        %select_n3A_433 = arith.select %and3A_428, %broadcast_in_dim3A_432, %get3A_430 : vector<16xi1>, vector<16xf32>
        %swap3A_434 = arith.constant 32 : index
        %swap3A_435 = tpu.vector_load %arg15[%swap3A_434] {strides = array<i32>} : memref<320xf32, #tpu.memory_space<vmem>>, vector<16xf32>,
        tpu.vector_store %arg15[%swap3A_434], %select_n3A_433 {strides = array<i32>} : memref<320xf32, #tpu.memory_space<vmem>>, vector<16xf32>,
        %gt3A_436 = arith.cmpf ogt, %select_n3A_433, %select_n3A_381 : vector<16xf32>
        %select_n3A_437 = arith.select %gt3A_436, %select_n3A_433, %select_n3A_381 : vector<16xi1>, vector<16xf32>
        %jit3A_438 = arith.constant 2 : i32
        %broadcast_in_dim3A_439 = vector.broadcast %jit3A_438 : i32 to vector<16xi32>
        %select_n3A_440 = arith.select %gt3A_436, %broadcast_in_dim3A_439, %select_n3A_384 : vector<16xi1>, vector<16xi32>
        %add3A_441 = arith.constant 48 : i32
        %add3A_442 = arith.addi %mul3A_2, %add3A_441 : i32
        %get3A_443 = arith.index_cast %add3A_442 : i32 to index
        %get3A_444 = tpu.vector_load %arg11[%get3A_443] {strides = array<i32>} : memref<5120xf32, #tpu.memory_space<vmem>>, vector<16xf32>,
        %get3A_445 = arith.index_cast %add3A_442 : i32 to index
        %get3A_446 = tpu.vector_load %arg12[%get3A_445] {strides = array<i32>} : memref<5120xf32, #tpu.memory_space<vmem>>, vector<16xf32>,
        %get3A_447 = arith.index_cast %add3A_442 : i32 to index
        %get3A_448 = tpu.vector_load %arg13[%get3A_447] {strides = array<i32>} : memref<5120xf32, #tpu.memory_space<vmem>>, vector<16xf32>,
        %get3A_449 = arith.index_cast %add3A_442 : i32 to index
        %get3A_450 = tpu.vector_load %arg14[%get3A_449] {strides = array<i32>} : memref<5120xf32, #tpu.memory_space<vmem>>, vector<16xf32>,
        %sub3A_451 = arith.subf %get3A_448, %get3A_444 : vector<16xf32>
        %sub3A_452 = arith.subf %get3A_450, %get3A_446 : vector<16xf32>
        %mul3A_453 = arith.mulf %sub3A_451, %sub3A_452 : vector<16xf32>
        %min3A_454 = arith.minimumf %get3A_448, %gather3A_266 : vector<16xf32>
        %max3A_455 = arith.maximumf %get3A_444, %gather3A_264 : vector<16xf32>
        %sub3A_456 = arith.subf %min3A_454, %max3A_455 : vector<16xf32>
        %max3A_457 = arith.constant 0.000000e+00 : f32
        %max3A_458 = vector.broadcast %max3A_457 : f32 to vector<16xf32>
        %max3A_459 = arith.maximumf %sub3A_456, %max3A_458 : vector<16xf32>
        %min3A_460 = arith.minimumf %get3A_450, %gather3A_267 : vector<16xf32>
        %max3A_461 = arith.maximumf %get3A_446, %gather3A_265 : vector<16xf32>
        %sub3A_462 = arith.subf %min3A_460, %max3A_461 : vector<16xf32>
        %max3A_463 = arith.constant 0.000000e+00 : f32
        %max3A_464 = vector.broadcast %max3A_463 : f32 to vector<16xf32>
        %max3A_465 = arith.maximumf %sub3A_462, %max3A_464 : vector<16xf32>
        %mul3A_466 = arith.mulf %max3A_459, %max3A_465 : vector<16xf32>
        %add3A_467 = arith.addf %mul3A_453, %mul3A_270 : vector<16xf32>
        %sub3A_468 = arith.subf %add3A_467, %mul3A_466 : vector<16xf32>
        %add3A_469 = arith.constant 9.99999971E-10 : f32
        %add3A_470 = vector.broadcast %add3A_469 : f32 to vector<16xf32>
        %add3A_471 = arith.addf %sub3A_468, %add3A_470 : vector<16xf32>
        %div3A_472 = arith.divf %mul3A_466, %add3A_471 : vector<16xf32>
        %gt3A_473 = arith.constant 2.500000e-01 : f32
        %gt3A_474 = vector.broadcast %gt3A_473 : f32 to vector<16xf32>
        %gt3A_475 = arith.cmpf ogt, %div3A_472, %gt3A_474 : vector<16xf32>
        %add3A_476 = arith.constant 48 : i32
        %add3A_477 = arith.addi %mul3A_2, %add3A_476 : i32
        %add3A_478 = vector.broadcast %add3A_477 : i32 to vector<16xi32>
        %add3A_479 = arith.addi %add3A_478, %iota3A : vector<16xi32>
        %eq3A_480 = vector.broadcast %min3A_247 : i32 to vector<16xi32>
        %eq3A_481 = arith.cmpi eq, %add3A_479, %eq3A_480 : vector<16xi32>
        %or3A_482 = arith.ori %gt3A_475, %eq3A_481 : vector<16xi1>
        %and3A_483 = vector.broadcast %gt3A_246 : i1 to vector<16xi1>
        %and3A_484 = arith.andi %or3A_482, %and3A_483 : vector<16xi1>
        %get3A_485 = arith.constant 48 : index
        %get3A_486 = tpu.vector_load %arg15[%get3A_485] {strides = array<i32>} : memref<320xf32, #tpu.memory_space<vmem>>, vector<16xf32>,
        %jit3A_487 = arith.constant -1.000000e+00 : f32
        %broadcast_in_dim3A_488 = vector.broadcast %jit3A_487 : f32 to vector<16xf32>
        %select_n3A_489 = arith.select %and3A_484, %broadcast_in_dim3A_488, %get3A_486 : vector<16xi1>, vector<16xf32>
        %swap3A_490 = arith.constant 48 : index
        %swap3A_491 = tpu.vector_load %arg15[%swap3A_490] {strides = array<i32>} : memref<320xf32, #tpu.memory_space<vmem>>, vector<16xf32>,
        tpu.vector_store %arg15[%swap3A_490], %select_n3A_489 {strides = array<i32>} : memref<320xf32, #tpu.memory_space<vmem>>, vector<16xf32>,
        %gt3A_492 = arith.cmpf ogt, %select_n3A_489, %select_n3A_437 : vector<16xf32>
        %select_n3A_493 = arith.select %gt3A_492, %select_n3A_489, %select_n3A_437 : vector<16xi1>, vector<16xf32>
        %jit3A_494 = arith.constant 3 : i32
        %broadcast_in_dim3A_495 = vector.broadcast %jit3A_494 : i32 to vector<16xi32>
        %select_n3A_496 = arith.select %gt3A_492, %broadcast_in_dim3A_495, %select_n3A_440 : vector<16xi1>, vector<16xi32>
        %add3A_497 = arith.constant 64 : i32
        %add3A_498 = arith.addi %mul3A_2, %add3A_497 : i32
        %get3A_499 = arith.index_cast %add3A_498 : i32 to index
        %get3A_500 = tpu.vector_load %arg11[%get3A_499] {strides = array<i32>} : memref<5120xf32, #tpu.memory_space<vmem>>, vector<16xf32>,
        %get3A_501 = arith.index_cast %add3A_498 : i32 to index
        %get3A_502 = tpu.vector_load %arg12[%get3A_501] {strides = array<i32>} : memref<5120xf32, #tpu.memory_space<vmem>>, vector<16xf32>,
        %get3A_503 = arith.index_cast %add3A_498 : i32 to index
        %get3A_504 = tpu.vector_load %arg13[%get3A_503] {strides = array<i32>} : memref<5120xf32, #tpu.memory_space<vmem>>, vector<16xf32>,
        %get3A_505 = arith.index_cast %add3A_498 : i32 to index
        %get3A_506 = tpu.vector_load %arg14[%get3A_505] {strides = array<i32>} : memref<5120xf32, #tpu.memory_space<vmem>>, vector<16xf32>,
        %sub3A_507 = arith.subf %get3A_504, %get3A_500 : vector<16xf32>
        %sub3A_508 = arith.subf %get3A_506, %get3A_502 : vector<16xf32>
        %mul3A_509 = arith.mulf %sub3A_507, %sub3A_508 : vector<16xf32>
        %min3A_510 = arith.minimumf %get3A_504, %gather3A_266 : vector<16xf32>
        %max3A_511 = arith.maximumf %get3A_500, %gather3A_264 : vector<16xf32>
        %sub3A_512 = arith.subf %min3A_510, %max3A_511 : vector<16xf32>
        %max3A_513 = arith.constant 0.000000e+00 : f32
        %max3A_514 = vector.broadcast %max3A_513 : f32 to vector<16xf32>
        %max3A_515 = arith.maximumf %sub3A_512, %max3A_514 : vector<16xf32>
        %min3A_516 = arith.minimumf %get3A_506, %gather3A_267 : vector<16xf32>
        %max3A_517 = arith.maximumf %get3A_502, %gather3A_265 : vector<16xf32>
        %sub3A_518 = arith.subf %min3A_516, %max3A_517 : vector<16xf32>
        %max3A_519 = arith.constant 0.000000e+00 : f32
        %max3A_520 = vector.broadcast %max3A_519 : f32 to vector<16xf32>
        %max3A_521 = arith.maximumf %sub3A_518, %max3A_520 : vector<16xf32>
        %mul3A_522 = arith.mulf %max3A_515, %max3A_521 : vector<16xf32>
        %add3A_523 = arith.addf %mul3A_509, %mul3A_270 : vector<16xf32>
        %sub3A_524 = arith.subf %add3A_523, %mul3A_522 : vector<16xf32>
        %add3A_525 = arith.constant 9.99999971E-10 : f32
        %add3A_526 = vector.broadcast %add3A_525 : f32 to vector<16xf32>
        %add3A_527 = arith.addf %sub3A_524, %add3A_526 : vector<16xf32>
        %div3A_528 = arith.divf %mul3A_522, %add3A_527 : vector<16xf32>
        %gt3A_529 = arith.constant 2.500000e-01 : f32
        %gt3A_530 = vector.broadcast %gt3A_529 : f32 to vector<16xf32>
        %gt3A_531 = arith.cmpf ogt, %div3A_528, %gt3A_530 : vector<16xf32>
        %add3A_532 = arith.constant 64 : i32
        %add3A_533 = arith.addi %mul3A_2, %add3A_532 : i32
        %add3A_534 = vector.broadcast %add3A_533 : i32 to vector<16xi32>
        %add3A_535 = arith.addi %add3A_534, %iota3A : vector<16xi32>
        %eq3A_536 = vector.broadcast %min3A_247 : i32 to vector<16xi32>
        %eq3A_537 = arith.cmpi eq, %add3A_535, %eq3A_536 : vector<16xi32>
        %or3A_538 = arith.ori %gt3A_531, %eq3A_537 : vector<16xi1>
        %and3A_539 = vector.broadcast %gt3A_246 : i1 to vector<16xi1>
        %and3A_540 = arith.andi %or3A_538, %and3A_539 : vector<16xi1>
        %get3A_541 = arith.constant 64 : index
        %get3A_542 = tpu.vector_load %arg15[%get3A_541] {strides = array<i32>} : memref<320xf32, #tpu.memory_space<vmem>>, vector<16xf32>,
        %jit3A_543 = arith.constant -1.000000e+00 : f32
        %broadcast_in_dim3A_544 = vector.broadcast %jit3A_543 : f32 to vector<16xf32>
        %select_n3A_545 = arith.select %and3A_540, %broadcast_in_dim3A_544, %get3A_542 : vector<16xi1>, vector<16xf32>
        %swap3A_546 = arith.constant 64 : index
        %swap3A_547 = tpu.vector_load %arg15[%swap3A_546] {strides = array<i32>} : memref<320xf32, #tpu.memory_space<vmem>>, vector<16xf32>,
        tpu.vector_store %arg15[%swap3A_546], %select_n3A_545 {strides = array<i32>} : memref<320xf32, #tpu.memory_space<vmem>>, vector<16xf32>,
        %gt3A_548 = arith.cmpf ogt, %select_n3A_545, %select_n3A_493 : vector<16xf32>
        %select_n3A_549 = arith.select %gt3A_548, %select_n3A_545, %select_n3A_493 : vector<16xi1>, vector<16xf32>
        %jit3A_550 = arith.constant 4 : i32
        %broadcast_in_dim3A_551 = vector.broadcast %jit3A_550 : i32 to vector<16xi32>
        %select_n3A_552 = arith.select %gt3A_548, %broadcast_in_dim3A_551, %select_n3A_496 : vector<16xi1>, vector<16xi32>
        %add3A_553 = arith.constant 80 : i32
        %add3A_554 = arith.addi %mul3A_2, %add3A_553 : i32
        %get3A_555 = arith.index_cast %add3A_554 : i32 to index
        %get3A_556 = tpu.vector_load %arg11[%get3A_555] {strides = array<i32>} : memref<5120xf32, #tpu.memory_space<vmem>>, vector<16xf32>,
        %get3A_557 = arith.index_cast %add3A_554 : i32 to index
        %get3A_558 = tpu.vector_load %arg12[%get3A_557] {strides = array<i32>} : memref<5120xf32, #tpu.memory_space<vmem>>, vector<16xf32>,
        %get3A_559 = arith.index_cast %add3A_554 : i32 to index
        %get3A_560 = tpu.vector_load %arg13[%get3A_559] {strides = array<i32>} : memref<5120xf32, #tpu.memory_space<vmem>>, vector<16xf32>,
        %get3A_561 = arith.index_cast %add3A_554 : i32 to index
        %get3A_562 = tpu.vector_load %arg14[%get3A_561] {strides = array<i32>} : memref<5120xf32, #tpu.memory_space<vmem>>, vector<16xf32>,
        %sub3A_563 = arith.subf %get3A_560, %get3A_556 : vector<16xf32>
        %sub3A_564 = arith.subf %get3A_562, %get3A_558 : vector<16xf32>
        %mul3A_565 = arith.mulf %sub3A_563, %sub3A_564 : vector<16xf32>
        %min3A_566 = arith.minimumf %get3A_560, %gather3A_266 : vector<16xf32>
        %max3A_567 = arith.maximumf %get3A_556, %gather3A_264 : vector<16xf32>
        %sub3A_568 = arith.subf %min3A_566, %max3A_567 : vector<16xf32>
        %max3A_569 = arith.constant 0.000000e+00 : f32
        %max3A_570 = vector.broadcast %max3A_569 : f32 to vector<16xf32>
        %max3A_571 = arith.maximumf %sub3A_568, %max3A_570 : vector<16xf32>
        %min3A_572 = arith.minimumf %get3A_562, %gather3A_267 : vector<16xf32>
        %max3A_573 = arith.maximumf %get3A_558, %gather3A_265 : vector<16xf32>
        %sub3A_574 = arith.subf %min3A_572, %max3A_573 : vector<16xf32>
        %max3A_575 = arith.constant 0.000000e+00 : f32
        %max3A_576 = vector.broadcast %max3A_575 : f32 to vector<16xf32>
        %max3A_577 = arith.maximumf %sub3A_574, %max3A_576 : vector<16xf32>
        %mul3A_578 = arith.mulf %max3A_571, %max3A_577 : vector<16xf32>
        %add3A_579 = arith.addf %mul3A_565, %mul3A_270 : vector<16xf32>
        %sub3A_580 = arith.subf %add3A_579, %mul3A_578 : vector<16xf32>
        %add3A_581 = arith.constant 9.99999971E-10 : f32
        %add3A_582 = vector.broadcast %add3A_581 : f32 to vector<16xf32>
        %add3A_583 = arith.addf %sub3A_580, %add3A_582 : vector<16xf32>
        %div3A_584 = arith.divf %mul3A_578, %add3A_583 : vector<16xf32>
        %gt3A_585 = arith.constant 2.500000e-01 : f32
        %gt3A_586 = vector.broadcast %gt3A_585 : f32 to vector<16xf32>
        %gt3A_587 = arith.cmpf ogt, %div3A_584, %gt3A_586 : vector<16xf32>
        %add3A_588 = arith.constant 80 : i32
        %add3A_589 = arith.addi %mul3A_2, %add3A_588 : i32
        %add3A_590 = vector.broadcast %add3A_589 : i32 to vector<16xi32>
        %add3A_591 = arith.addi %add3A_590, %iota3A : vector<16xi32>
        %eq3A_592 = vector.broadcast %min3A_247 : i32 to vector<16xi32>
        %eq3A_593 = arith.cmpi eq, %add3A_591, %eq3A_592 : vector<16xi32>
        %or3A_594 = arith.ori %gt3A_587, %eq3A_593 : vector<16xi1>
        %and3A_595 = vector.broadcast %gt3A_246 : i1 to vector<16xi1>
        %and3A_596 = arith.andi %or3A_594, %and3A_595 : vector<16xi1>
        %get3A_597 = arith.constant 80 : index
        %get3A_598 = tpu.vector_load %arg15[%get3A_597] {strides = array<i32>} : memref<320xf32, #tpu.memory_space<vmem>>, vector<16xf32>,
        %jit3A_599 = arith.constant -1.000000e+00 : f32
        %broadcast_in_dim3A_600 = vector.broadcast %jit3A_599 : f32 to vector<16xf32>
        %select_n3A_601 = arith.select %and3A_596, %broadcast_in_dim3A_600, %get3A_598 : vector<16xi1>, vector<16xf32>
        %swap3A_602 = arith.constant 80 : index
        %swap3A_603 = tpu.vector_load %arg15[%swap3A_602] {strides = array<i32>} : memref<320xf32, #tpu.memory_space<vmem>>, vector<16xf32>,
        tpu.vector_store %arg15[%swap3A_602], %select_n3A_601 {strides = array<i32>} : memref<320xf32, #tpu.memory_space<vmem>>, vector<16xf32>,
        %gt3A_604 = arith.cmpf ogt, %select_n3A_601, %select_n3A_549 : vector<16xf32>
        %select_n3A_605 = arith.select %gt3A_604, %select_n3A_601, %select_n3A_549 : vector<16xi1>, vector<16xf32>
        %jit3A_606 = arith.constant 5 : i32
        %broadcast_in_dim3A_607 = vector.broadcast %jit3A_606 : i32 to vector<16xi32>
        %select_n3A_608 = arith.select %gt3A_604, %broadcast_in_dim3A_607, %select_n3A_552 : vector<16xi1>, vector<16xi32>
        %add3A_609 = arith.constant 96 : i32
        %add3A_610 = arith.addi %mul3A_2, %add3A_609 : i32
        %get3A_611 = arith.index_cast %add3A_610 : i32 to index
        %get3A_612 = tpu.vector_load %arg11[%get3A_611] {strides = array<i32>} : memref<5120xf32, #tpu.memory_space<vmem>>, vector<16xf32>,
        %get3A_613 = arith.index_cast %add3A_610 : i32 to index
        %get3A_614 = tpu.vector_load %arg12[%get3A_613] {strides = array<i32>} : memref<5120xf32, #tpu.memory_space<vmem>>, vector<16xf32>,
        %get3A_615 = arith.index_cast %add3A_610 : i32 to index
        %get3A_616 = tpu.vector_load %arg13[%get3A_615] {strides = array<i32>} : memref<5120xf32, #tpu.memory_space<vmem>>, vector<16xf32>,
        %get3A_617 = arith.index_cast %add3A_610 : i32 to index
        %get3A_618 = tpu.vector_load %arg14[%get3A_617] {strides = array<i32>} : memref<5120xf32, #tpu.memory_space<vmem>>, vector<16xf32>,
        %sub3A_619 = arith.subf %get3A_616, %get3A_612 : vector<16xf32>
        %sub3A_620 = arith.subf %get3A_618, %get3A_614 : vector<16xf32>
        %mul3A_621 = arith.mulf %sub3A_619, %sub3A_620 : vector<16xf32>
        %min3A_622 = arith.minimumf %get3A_616, %gather3A_266 : vector<16xf32>
        %max3A_623 = arith.maximumf %get3A_612, %gather3A_264 : vector<16xf32>
        %sub3A_624 = arith.subf %min3A_622, %max3A_623 : vector<16xf32>
        %max3A_625 = arith.constant 0.000000e+00 : f32
        %max3A_626 = vector.broadcast %max3A_625 : f32 to vector<16xf32>
        %max3A_627 = arith.maximumf %sub3A_624, %max3A_626 : vector<16xf32>
        %min3A_628 = arith.minimumf %get3A_618, %gather3A_267 : vector<16xf32>
        %max3A_629 = arith.maximumf %get3A_614, %gather3A_265 : vector<16xf32>
        %sub3A_630 = arith.subf %min3A_628, %max3A_629 : vector<16xf32>
        %max3A_631 = arith.constant 0.000000e+00 : f32
        %max3A_632 = vector.broadcast %max3A_631 : f32 to vector<16xf32>
        %max3A_633 = arith.maximumf %sub3A_630, %max3A_632 : vector<16xf32>
        %mul3A_634 = arith.mulf %max3A_627, %max3A_633 : vector<16xf32>
        %add3A_635 = arith.addf %mul3A_621, %mul3A_270 : vector<16xf32>
        %sub3A_636 = arith.subf %add3A_635, %mul3A_634 : vector<16xf32>
        %add3A_637 = arith.constant 9.99999971E-10 : f32
        %add3A_638 = vector.broadcast %add3A_637 : f32 to vector<16xf32>
        %add3A_639 = arith.addf %sub3A_636, %add3A_638 : vector<16xf32>
        %div3A_640 = arith.divf %mul3A_634, %add3A_639 : vector<16xf32>
        %gt3A_641 = arith.constant 2.500000e-01 : f32
        %gt3A_642 = vector.broadcast %gt3A_641 : f32 to vector<16xf32>
        %gt3A_643 = arith.cmpf ogt, %div3A_640, %gt3A_642 : vector<16xf32>
        %add3A_644 = arith.constant 96 : i32
        %add3A_645 = arith.addi %mul3A_2, %add3A_644 : i32
        %add3A_646 = vector.broadcast %add3A_645 : i32 to vector<16xi32>
        %add3A_647 = arith.addi %add3A_646, %iota3A : vector<16xi32>
        %eq3A_648 = vector.broadcast %min3A_247 : i32 to vector<16xi32>
        %eq3A_649 = arith.cmpi eq, %add3A_647, %eq3A_648 : vector<16xi32>
        %or3A_650 = arith.ori %gt3A_643, %eq3A_649 : vector<16xi1>
        %and3A_651 = vector.broadcast %gt3A_246 : i1 to vector<16xi1>
        %and3A_652 = arith.andi %or3A_650, %and3A_651 : vector<16xi1>
        %get3A_653 = arith.constant 96 : index
        %get3A_654 = tpu.vector_load %arg15[%get3A_653] {strides = array<i32>} : memref<320xf32, #tpu.memory_space<vmem>>, vector<16xf32>,
        %jit3A_655 = arith.constant -1.000000e+00 : f32
        %broadcast_in_dim3A_656 = vector.broadcast %jit3A_655 : f32 to vector<16xf32>
        %select_n3A_657 = arith.select %and3A_652, %broadcast_in_dim3A_656, %get3A_654 : vector<16xi1>, vector<16xf32>
        %swap3A_658 = arith.constant 96 : index
        %swap3A_659 = tpu.vector_load %arg15[%swap3A_658] {strides = array<i32>} : memref<320xf32, #tpu.memory_space<vmem>>, vector<16xf32>,
        tpu.vector_store %arg15[%swap3A_658], %select_n3A_657 {strides = array<i32>} : memref<320xf32, #tpu.memory_space<vmem>>, vector<16xf32>,
        %gt3A_660 = arith.cmpf ogt, %select_n3A_657, %select_n3A_605 : vector<16xf32>
        %select_n3A_661 = arith.select %gt3A_660, %select_n3A_657, %select_n3A_605 : vector<16xi1>, vector<16xf32>
        %jit3A_662 = arith.constant 6 : i32
        %broadcast_in_dim3A_663 = vector.broadcast %jit3A_662 : i32 to vector<16xi32>
        %select_n3A_664 = arith.select %gt3A_660, %broadcast_in_dim3A_663, %select_n3A_608 : vector<16xi1>, vector<16xi32>
        %add3A_665 = arith.constant 112 : i32
        %add3A_666 = arith.addi %mul3A_2, %add3A_665 : i32
        %get3A_667 = arith.index_cast %add3A_666 : i32 to index
        %get3A_668 = tpu.vector_load %arg11[%get3A_667] {strides = array<i32>} : memref<5120xf32, #tpu.memory_space<vmem>>, vector<16xf32>,
        %get3A_669 = arith.index_cast %add3A_666 : i32 to index
        %get3A_670 = tpu.vector_load %arg12[%get3A_669] {strides = array<i32>} : memref<5120xf32, #tpu.memory_space<vmem>>, vector<16xf32>,
        %get3A_671 = arith.index_cast %add3A_666 : i32 to index
        %get3A_672 = tpu.vector_load %arg13[%get3A_671] {strides = array<i32>} : memref<5120xf32, #tpu.memory_space<vmem>>, vector<16xf32>,
        %get3A_673 = arith.index_cast %add3A_666 : i32 to index
        %get3A_674 = tpu.vector_load %arg14[%get3A_673] {strides = array<i32>} : memref<5120xf32, #tpu.memory_space<vmem>>, vector<16xf32>,
        %sub3A_675 = arith.subf %get3A_672, %get3A_668 : vector<16xf32>
        %sub3A_676 = arith.subf %get3A_674, %get3A_670 : vector<16xf32>
        %mul3A_677 = arith.mulf %sub3A_675, %sub3A_676 : vector<16xf32>
        %min3A_678 = arith.minimumf %get3A_672, %gather3A_266 : vector<16xf32>
        %max3A_679 = arith.maximumf %get3A_668, %gather3A_264 : vector<16xf32>
        %sub3A_680 = arith.subf %min3A_678, %max3A_679 : vector<16xf32>
        %max3A_681 = arith.constant 0.000000e+00 : f32
        %max3A_682 = vector.broadcast %max3A_681 : f32 to vector<16xf32>
        %max3A_683 = arith.maximumf %sub3A_680, %max3A_682 : vector<16xf32>
        %min3A_684 = arith.minimumf %get3A_674, %gather3A_267 : vector<16xf32>
        %max3A_685 = arith.maximumf %get3A_670, %gather3A_265 : vector<16xf32>
        %sub3A_686 = arith.subf %min3A_684, %max3A_685 : vector<16xf32>
        %max3A_687 = arith.constant 0.000000e+00 : f32
        %max3A_688 = vector.broadcast %max3A_687 : f32 to vector<16xf32>
        %max3A_689 = arith.maximumf %sub3A_686, %max3A_688 : vector<16xf32>
        %mul3A_690 = arith.mulf %max3A_683, %max3A_689 : vector<16xf32>
        %add3A_691 = arith.addf %mul3A_677, %mul3A_270 : vector<16xf32>
        %sub3A_692 = arith.subf %add3A_691, %mul3A_690 : vector<16xf32>
        %add3A_693 = arith.constant 9.99999971E-10 : f32
        %add3A_694 = vector.broadcast %add3A_693 : f32 to vector<16xf32>
        %add3A_695 = arith.addf %sub3A_692, %add3A_694 : vector<16xf32>
        %div3A_696 = arith.divf %mul3A_690, %add3A_695 : vector<16xf32>
        %gt3A_697 = arith.constant 2.500000e-01 : f32
        %gt3A_698 = vector.broadcast %gt3A_697 : f32 to vector<16xf32>
        %gt3A_699 = arith.cmpf ogt, %div3A_696, %gt3A_698 : vector<16xf32>
        %add3A_700 = arith.constant 112 : i32
        %add3A_701 = arith.addi %mul3A_2, %add3A_700 : i32
        %add3A_702 = vector.broadcast %add3A_701 : i32 to vector<16xi32>
        %add3A_703 = arith.addi %add3A_702, %iota3A : vector<16xi32>
        %eq3A_704 = vector.broadcast %min3A_247 : i32 to vector<16xi32>
        %eq3A_705 = arith.cmpi eq, %add3A_703, %eq3A_704 : vector<16xi32>
        %or3A_706 = arith.ori %gt3A_699, %eq3A_705 : vector<16xi1>
        %and3A_707 = vector.broadcast %gt3A_246 : i1 to vector<16xi1>
        %and3A_708 = arith.andi %or3A_706, %and3A_707 : vector<16xi1>
        %get3A_709 = arith.constant 112 : index
        %get3A_710 = tpu.vector_load %arg15[%get3A_709] {strides = array<i32>} : memref<320xf32, #tpu.memory_space<vmem>>, vector<16xf32>,
        %jit3A_711 = arith.constant -1.000000e+00 : f32
        %broadcast_in_dim3A_712 = vector.broadcast %jit3A_711 : f32 to vector<16xf32>
        %select_n3A_713 = arith.select %and3A_708, %broadcast_in_dim3A_712, %get3A_710 : vector<16xi1>, vector<16xf32>
        %swap3A_714 = arith.constant 112 : index
        %swap3A_715 = tpu.vector_load %arg15[%swap3A_714] {strides = array<i32>} : memref<320xf32, #tpu.memory_space<vmem>>, vector<16xf32>,
        tpu.vector_store %arg15[%swap3A_714], %select_n3A_713 {strides = array<i32>} : memref<320xf32, #tpu.memory_space<vmem>>, vector<16xf32>,
        %gt3A_716 = arith.cmpf ogt, %select_n3A_713, %select_n3A_661 : vector<16xf32>
        %select_n3A_717 = arith.select %gt3A_716, %select_n3A_713, %select_n3A_661 : vector<16xi1>, vector<16xf32>
        %jit3A_718 = arith.constant 7 : i32
        %broadcast_in_dim3A_719 = vector.broadcast %jit3A_718 : i32 to vector<16xi32>
        %select_n3A_720 = arith.select %gt3A_716, %broadcast_in_dim3A_719, %select_n3A_664 : vector<16xi1>, vector<16xi32>
        %add3A_721 = arith.constant 128 : i32
        %add3A_722 = arith.addi %mul3A_2, %add3A_721 : i32
        %get3A_723 = arith.index_cast %add3A_722 : i32 to index
        %get3A_724 = tpu.vector_load %arg11[%get3A_723] {strides = array<i32>} : memref<5120xf32, #tpu.memory_space<vmem>>, vector<16xf32>,
        %get3A_725 = arith.index_cast %add3A_722 : i32 to index
        %get3A_726 = tpu.vector_load %arg12[%get3A_725] {strides = array<i32>} : memref<5120xf32, #tpu.memory_space<vmem>>, vector<16xf32>,
        %get3A_727 = arith.index_cast %add3A_722 : i32 to index
        %get3A_728 = tpu.vector_load %arg13[%get3A_727] {strides = array<i32>} : memref<5120xf32, #tpu.memory_space<vmem>>, vector<16xf32>,
        %get3A_729 = arith.index_cast %add3A_722 : i32 to index
        %get3A_730 = tpu.vector_load %arg14[%get3A_729] {strides = array<i32>} : memref<5120xf32, #tpu.memory_space<vmem>>, vector<16xf32>,
        %sub3A_731 = arith.subf %get3A_728, %get3A_724 : vector<16xf32>
        %sub3A_732 = arith.subf %get3A_730, %get3A_726 : vector<16xf32>
        %mul3A_733 = arith.mulf %sub3A_731, %sub3A_732 : vector<16xf32>
        %min3A_734 = arith.minimumf %get3A_728, %gather3A_266 : vector<16xf32>
        %max3A_735 = arith.maximumf %get3A_724, %gather3A_264 : vector<16xf32>
        %sub3A_736 = arith.subf %min3A_734, %max3A_735 : vector<16xf32>
        %max3A_737 = arith.constant 0.000000e+00 : f32
        %max3A_738 = vector.broadcast %max3A_737 : f32 to vector<16xf32>
        %max3A_739 = arith.maximumf %sub3A_736, %max3A_738 : vector<16xf32>
        %min3A_740 = arith.minimumf %get3A_730, %gather3A_267 : vector<16xf32>
        %max3A_741 = arith.maximumf %get3A_726, %gather3A_265 : vector<16xf32>
        %sub3A_742 = arith.subf %min3A_740, %max3A_741 : vector<16xf32>
        %max3A_743 = arith.constant 0.000000e+00 : f32
        %max3A_744 = vector.broadcast %max3A_743 : f32 to vector<16xf32>
        %max3A_745 = arith.maximumf %sub3A_742, %max3A_744 : vector<16xf32>
        %mul3A_746 = arith.mulf %max3A_739, %max3A_745 : vector<16xf32>
        %add3A_747 = arith.addf %mul3A_733, %mul3A_270 : vector<16xf32>
        %sub3A_748 = arith.subf %add3A_747, %mul3A_746 : vector<16xf32>
        %add3A_749 = arith.constant 9.99999971E-10 : f32
        %add3A_750 = vector.broadcast %add3A_749 : f32 to vector<16xf32>
        %add3A_751 = arith.addf %sub3A_748, %add3A_750 : vector<16xf32>
        %div3A_752 = arith.divf %mul3A_746, %add3A_751 : vector<16xf32>
        %gt3A_753 = arith.constant 2.500000e-01 : f32
        %gt3A_754 = vector.broadcast %gt3A_753 : f32 to vector<16xf32>
        %gt3A_755 = arith.cmpf ogt, %div3A_752, %gt3A_754 : vector<16xf32>
        %add3A_756 = arith.constant 128 : i32
        %add3A_757 = arith.addi %mul3A_2, %add3A_756 : i32
        %add3A_758 = vector.broadcast %add3A_757 : i32 to vector<16xi32>
        %add3A_759 = arith.addi %add3A_758, %iota3A : vector<16xi32>
        %eq3A_760 = vector.broadcast %min3A_247 : i32 to vector<16xi32>
        %eq3A_761 = arith.cmpi eq, %add3A_759, %eq3A_760 : vector<16xi32>
        %or3A_762 = arith.ori %gt3A_755, %eq3A_761 : vector<16xi1>
        %and3A_763 = vector.broadcast %gt3A_246 : i1 to vector<16xi1>
        %and3A_764 = arith.andi %or3A_762, %and3A_763 : vector<16xi1>
        %get3A_765 = arith.constant 128 : index
        %get3A_766 = tpu.vector_load %arg15[%get3A_765] {strides = array<i32>} : memref<320xf32, #tpu.memory_space<vmem>>, vector<16xf32>,
        %jit3A_767 = arith.constant -1.000000e+00 : f32
        %broadcast_in_dim3A_768 = vector.broadcast %jit3A_767 : f32 to vector<16xf32>
        %select_n3A_769 = arith.select %and3A_764, %broadcast_in_dim3A_768, %get3A_766 : vector<16xi1>, vector<16xf32>
        %swap3A_770 = arith.constant 128 : index
        %swap3A_771 = tpu.vector_load %arg15[%swap3A_770] {strides = array<i32>} : memref<320xf32, #tpu.memory_space<vmem>>, vector<16xf32>,
        tpu.vector_store %arg15[%swap3A_770], %select_n3A_769 {strides = array<i32>} : memref<320xf32, #tpu.memory_space<vmem>>, vector<16xf32>,
        %gt3A_772 = arith.cmpf ogt, %select_n3A_769, %select_n3A_717 : vector<16xf32>
        %select_n3A_773 = arith.select %gt3A_772, %select_n3A_769, %select_n3A_717 : vector<16xi1>, vector<16xf32>
        %jit3A_774 = arith.constant 8 : i32
        %broadcast_in_dim3A_775 = vector.broadcast %jit3A_774 : i32 to vector<16xi32>
        %select_n3A_776 = arith.select %gt3A_772, %broadcast_in_dim3A_775, %select_n3A_720 : vector<16xi1>, vector<16xi32>
        %add3A_777 = arith.constant 144 : i32
        %add3A_778 = arith.addi %mul3A_2, %add3A_777 : i32
        %get3A_779 = arith.index_cast %add3A_778 : i32 to index
        %get3A_780 = tpu.vector_load %arg11[%get3A_779] {strides = array<i32>} : memref<5120xf32, #tpu.memory_space<vmem>>, vector<16xf32>,
        %get3A_781 = arith.index_cast %add3A_778 : i32 to index
        %get3A_782 = tpu.vector_load %arg12[%get3A_781] {strides = array<i32>} : memref<5120xf32, #tpu.memory_space<vmem>>, vector<16xf32>,
        %get3A_783 = arith.index_cast %add3A_778 : i32 to index
        %get3A_784 = tpu.vector_load %arg13[%get3A_783] {strides = array<i32>} : memref<5120xf32, #tpu.memory_space<vmem>>, vector<16xf32>,
        %get3A_785 = arith.index_cast %add3A_778 : i32 to index
        %get3A_786 = tpu.vector_load %arg14[%get3A_785] {strides = array<i32>} : memref<5120xf32, #tpu.memory_space<vmem>>, vector<16xf32>,
        %sub3A_787 = arith.subf %get3A_784, %get3A_780 : vector<16xf32>
        %sub3A_788 = arith.subf %get3A_786, %get3A_782 : vector<16xf32>
        %mul3A_789 = arith.mulf %sub3A_787, %sub3A_788 : vector<16xf32>
        %min3A_790 = arith.minimumf %get3A_784, %gather3A_266 : vector<16xf32>
        %max3A_791 = arith.maximumf %get3A_780, %gather3A_264 : vector<16xf32>
        %sub3A_792 = arith.subf %min3A_790, %max3A_791 : vector<16xf32>
        %max3A_793 = arith.constant 0.000000e+00 : f32
        %max3A_794 = vector.broadcast %max3A_793 : f32 to vector<16xf32>
        %max3A_795 = arith.maximumf %sub3A_792, %max3A_794 : vector<16xf32>
        %min3A_796 = arith.minimumf %get3A_786, %gather3A_267 : vector<16xf32>
        %max3A_797 = arith.maximumf %get3A_782, %gather3A_265 : vector<16xf32>
        %sub3A_798 = arith.subf %min3A_796, %max3A_797 : vector<16xf32>
        %max3A_799 = arith.constant 0.000000e+00 : f32
        %max3A_800 = vector.broadcast %max3A_799 : f32 to vector<16xf32>
        %max3A_801 = arith.maximumf %sub3A_798, %max3A_800 : vector<16xf32>
        %mul3A_802 = arith.mulf %max3A_795, %max3A_801 : vector<16xf32>
        %add3A_803 = arith.addf %mul3A_789, %mul3A_270 : vector<16xf32>
        %sub3A_804 = arith.subf %add3A_803, %mul3A_802 : vector<16xf32>
        %add3A_805 = arith.constant 9.99999971E-10 : f32
        %add3A_806 = vector.broadcast %add3A_805 : f32 to vector<16xf32>
        %add3A_807 = arith.addf %sub3A_804, %add3A_806 : vector<16xf32>
        %div3A_808 = arith.divf %mul3A_802, %add3A_807 : vector<16xf32>
        %gt3A_809 = arith.constant 2.500000e-01 : f32
        %gt3A_810 = vector.broadcast %gt3A_809 : f32 to vector<16xf32>
        %gt3A_811 = arith.cmpf ogt, %div3A_808, %gt3A_810 : vector<16xf32>
        %add3A_812 = arith.constant 144 : i32
        %add3A_813 = arith.addi %mul3A_2, %add3A_812 : i32
        %add3A_814 = vector.broadcast %add3A_813 : i32 to vector<16xi32>
        %add3A_815 = arith.addi %add3A_814, %iota3A : vector<16xi32>
        %eq3A_816 = vector.broadcast %min3A_247 : i32 to vector<16xi32>
        %eq3A_817 = arith.cmpi eq, %add3A_815, %eq3A_816 : vector<16xi32>
        %or3A_818 = arith.ori %gt3A_811, %eq3A_817 : vector<16xi1>
        %and3A_819 = vector.broadcast %gt3A_246 : i1 to vector<16xi1>
        %and3A_820 = arith.andi %or3A_818, %and3A_819 : vector<16xi1>
        %get3A_821 = arith.constant 144 : index
        %get3A_822 = tpu.vector_load %arg15[%get3A_821] {strides = array<i32>} : memref<320xf32, #tpu.memory_space<vmem>>, vector<16xf32>,
        %jit3A_823 = arith.constant -1.000000e+00 : f32
        %broadcast_in_dim3A_824 = vector.broadcast %jit3A_823 : f32 to vector<16xf32>
        %select_n3A_825 = arith.select %and3A_820, %broadcast_in_dim3A_824, %get3A_822 : vector<16xi1>, vector<16xf32>
        %swap3A_826 = arith.constant 144 : index
        %swap3A_827 = tpu.vector_load %arg15[%swap3A_826] {strides = array<i32>} : memref<320xf32, #tpu.memory_space<vmem>>, vector<16xf32>,
        tpu.vector_store %arg15[%swap3A_826], %select_n3A_825 {strides = array<i32>} : memref<320xf32, #tpu.memory_space<vmem>>, vector<16xf32>,
        %gt3A_828 = arith.cmpf ogt, %select_n3A_825, %select_n3A_773 : vector<16xf32>
        %select_n3A_829 = arith.select %gt3A_828, %select_n3A_825, %select_n3A_773 : vector<16xi1>, vector<16xf32>
        %jit3A_830 = arith.constant 9 : i32
        %broadcast_in_dim3A_831 = vector.broadcast %jit3A_830 : i32 to vector<16xi32>
        %select_n3A_832 = arith.select %gt3A_828, %broadcast_in_dim3A_831, %select_n3A_776 : vector<16xi1>, vector<16xi32>
        %add3A_833 = arith.constant 160 : i32
        %add3A_834 = arith.addi %mul3A_2, %add3A_833 : i32
        %get3A_835 = arith.index_cast %add3A_834 : i32 to index
        %get3A_836 = tpu.vector_load %arg11[%get3A_835] {strides = array<i32>} : memref<5120xf32, #tpu.memory_space<vmem>>, vector<16xf32>,
        %get3A_837 = arith.index_cast %add3A_834 : i32 to index
        %get3A_838 = tpu.vector_load %arg12[%get3A_837] {strides = array<i32>} : memref<5120xf32, #tpu.memory_space<vmem>>, vector<16xf32>,
        %get3A_839 = arith.index_cast %add3A_834 : i32 to index
        %get3A_840 = tpu.vector_load %arg13[%get3A_839] {strides = array<i32>} : memref<5120xf32, #tpu.memory_space<vmem>>, vector<16xf32>,
        %get3A_841 = arith.index_cast %add3A_834 : i32 to index
        %get3A_842 = tpu.vector_load %arg14[%get3A_841] {strides = array<i32>} : memref<5120xf32, #tpu.memory_space<vmem>>, vector<16xf32>,
        %sub3A_843 = arith.subf %get3A_840, %get3A_836 : vector<16xf32>
        %sub3A_844 = arith.subf %get3A_842, %get3A_838 : vector<16xf32>
        %mul3A_845 = arith.mulf %sub3A_843, %sub3A_844 : vector<16xf32>
        %min3A_846 = arith.minimumf %get3A_840, %gather3A_266 : vector<16xf32>
        %max3A_847 = arith.maximumf %get3A_836, %gather3A_264 : vector<16xf32>
        %sub3A_848 = arith.subf %min3A_846, %max3A_847 : vector<16xf32>
        %max3A_849 = arith.constant 0.000000e+00 : f32
        %max3A_850 = vector.broadcast %max3A_849 : f32 to vector<16xf32>
        %max3A_851 = arith.maximumf %sub3A_848, %max3A_850 : vector<16xf32>
        %min3A_852 = arith.minimumf %get3A_842, %gather3A_267 : vector<16xf32>
        %max3A_853 = arith.maximumf %get3A_838, %gather3A_265 : vector<16xf32>
        %sub3A_854 = arith.subf %min3A_852, %max3A_853 : vector<16xf32>
        %max3A_855 = arith.constant 0.000000e+00 : f32
        %max3A_856 = vector.broadcast %max3A_855 : f32 to vector<16xf32>
        %max3A_857 = arith.maximumf %sub3A_854, %max3A_856 : vector<16xf32>
        %mul3A_858 = arith.mulf %max3A_851, %max3A_857 : vector<16xf32>
        %add3A_859 = arith.addf %mul3A_845, %mul3A_270 : vector<16xf32>
        %sub3A_860 = arith.subf %add3A_859, %mul3A_858 : vector<16xf32>
        %add3A_861 = arith.constant 9.99999971E-10 : f32
        %add3A_862 = vector.broadcast %add3A_861 : f32 to vector<16xf32>
        %add3A_863 = arith.addf %sub3A_860, %add3A_862 : vector<16xf32>
        %div3A_864 = arith.divf %mul3A_858, %add3A_863 : vector<16xf32>
        %gt3A_865 = arith.constant 2.500000e-01 : f32
        %gt3A_866 = vector.broadcast %gt3A_865 : f32 to vector<16xf32>
        %gt3A_867 = arith.cmpf ogt, %div3A_864, %gt3A_866 : vector<16xf32>
        %add3A_868 = arith.constant 160 : i32
        %add3A_869 = arith.addi %mul3A_2, %add3A_868 : i32
        %add3A_870 = vector.broadcast %add3A_869 : i32 to vector<16xi32>
        %add3A_871 = arith.addi %add3A_870, %iota3A : vector<16xi32>
        %eq3A_872 = vector.broadcast %min3A_247 : i32 to vector<16xi32>
        %eq3A_873 = arith.cmpi eq, %add3A_871, %eq3A_872 : vector<16xi32>
        %or3A_874 = arith.ori %gt3A_867, %eq3A_873 : vector<16xi1>
        %and3A_875 = vector.broadcast %gt3A_246 : i1 to vector<16xi1>
        %and3A_876 = arith.andi %or3A_874, %and3A_875 : vector<16xi1>
        %get3A_877 = arith.constant 160 : index
        %get3A_878 = tpu.vector_load %arg15[%get3A_877] {strides = array<i32>} : memref<320xf32, #tpu.memory_space<vmem>>, vector<16xf32>,
        %jit3A_879 = arith.constant -1.000000e+00 : f32
        %broadcast_in_dim3A_880 = vector.broadcast %jit3A_879 : f32 to vector<16xf32>
        %select_n3A_881 = arith.select %and3A_876, %broadcast_in_dim3A_880, %get3A_878 : vector<16xi1>, vector<16xf32>
        %swap3A_882 = arith.constant 160 : index
        %swap3A_883 = tpu.vector_load %arg15[%swap3A_882] {strides = array<i32>} : memref<320xf32, #tpu.memory_space<vmem>>, vector<16xf32>,
        tpu.vector_store %arg15[%swap3A_882], %select_n3A_881 {strides = array<i32>} : memref<320xf32, #tpu.memory_space<vmem>>, vector<16xf32>,
        %gt3A_884 = arith.cmpf ogt, %select_n3A_881, %select_n3A_829 : vector<16xf32>
        %select_n3A_885 = arith.select %gt3A_884, %select_n3A_881, %select_n3A_829 : vector<16xi1>, vector<16xf32>
        %jit3A_886 = arith.constant 10 : i32
        %broadcast_in_dim3A_887 = vector.broadcast %jit3A_886 : i32 to vector<16xi32>
        %select_n3A_888 = arith.select %gt3A_884, %broadcast_in_dim3A_887, %select_n3A_832 : vector<16xi1>, vector<16xi32>
        %add3A_889 = arith.constant 176 : i32
        %add3A_890 = arith.addi %mul3A_2, %add3A_889 : i32
        %get3A_891 = arith.index_cast %add3A_890 : i32 to index
        %get3A_892 = tpu.vector_load %arg11[%get3A_891] {strides = array<i32>} : memref<5120xf32, #tpu.memory_space<vmem>>, vector<16xf32>,
        %get3A_893 = arith.index_cast %add3A_890 : i32 to index
        %get3A_894 = tpu.vector_load %arg12[%get3A_893] {strides = array<i32>} : memref<5120xf32, #tpu.memory_space<vmem>>, vector<16xf32>,
        %get3A_895 = arith.index_cast %add3A_890 : i32 to index
        %get3A_896 = tpu.vector_load %arg13[%get3A_895] {strides = array<i32>} : memref<5120xf32, #tpu.memory_space<vmem>>, vector<16xf32>,
        %get3A_897 = arith.index_cast %add3A_890 : i32 to index
        %get3A_898 = tpu.vector_load %arg14[%get3A_897] {strides = array<i32>} : memref<5120xf32, #tpu.memory_space<vmem>>, vector<16xf32>,
        %sub3A_899 = arith.subf %get3A_896, %get3A_892 : vector<16xf32>
        %sub3A_900 = arith.subf %get3A_898, %get3A_894 : vector<16xf32>
        %mul3A_901 = arith.mulf %sub3A_899, %sub3A_900 : vector<16xf32>
        %min3A_902 = arith.minimumf %get3A_896, %gather3A_266 : vector<16xf32>
        %max3A_903 = arith.maximumf %get3A_892, %gather3A_264 : vector<16xf32>
        %sub3A_904 = arith.subf %min3A_902, %max3A_903 : vector<16xf32>
        %max3A_905 = arith.constant 0.000000e+00 : f32
        %max3A_906 = vector.broadcast %max3A_905 : f32 to vector<16xf32>
        %max3A_907 = arith.maximumf %sub3A_904, %max3A_906 : vector<16xf32>
        %min3A_908 = arith.minimumf %get3A_898, %gather3A_267 : vector<16xf32>
        %max3A_909 = arith.maximumf %get3A_894, %gather3A_265 : vector<16xf32>
        %sub3A_910 = arith.subf %min3A_908, %max3A_909 : vector<16xf32>
        %max3A_911 = arith.constant 0.000000e+00 : f32
        %max3A_912 = vector.broadcast %max3A_911 : f32 to vector<16xf32>
        %max3A_913 = arith.maximumf %sub3A_910, %max3A_912 : vector<16xf32>
        %mul3A_914 = arith.mulf %max3A_907, %max3A_913 : vector<16xf32>
        %add3A_915 = arith.addf %mul3A_901, %mul3A_270 : vector<16xf32>
        %sub3A_916 = arith.subf %add3A_915, %mul3A_914 : vector<16xf32>
        %add3A_917 = arith.constant 9.99999971E-10 : f32
        %add3A_918 = vector.broadcast %add3A_917 : f32 to vector<16xf32>
        %add3A_919 = arith.addf %sub3A_916, %add3A_918 : vector<16xf32>
        %div3A_920 = arith.divf %mul3A_914, %add3A_919 : vector<16xf32>
        %gt3A_921 = arith.constant 2.500000e-01 : f32
        %gt3A_922 = vector.broadcast %gt3A_921 : f32 to vector<16xf32>
        %gt3A_923 = arith.cmpf ogt, %div3A_920, %gt3A_922 : vector<16xf32>
        %add3A_924 = arith.constant 176 : i32
        %add3A_925 = arith.addi %mul3A_2, %add3A_924 : i32
        %add3A_926 = vector.broadcast %add3A_925 : i32 to vector<16xi32>
        %add3A_927 = arith.addi %add3A_926, %iota3A : vector<16xi32>
        %eq3A_928 = vector.broadcast %min3A_247 : i32 to vector<16xi32>
        %eq3A_929 = arith.cmpi eq, %add3A_927, %eq3A_928 : vector<16xi32>
        %or3A_930 = arith.ori %gt3A_923, %eq3A_929 : vector<16xi1>
        %and3A_931 = vector.broadcast %gt3A_246 : i1 to vector<16xi1>
        %and3A_932 = arith.andi %or3A_930, %and3A_931 : vector<16xi1>
        %get3A_933 = arith.constant 176 : index
        %get3A_934 = tpu.vector_load %arg15[%get3A_933] {strides = array<i32>} : memref<320xf32, #tpu.memory_space<vmem>>, vector<16xf32>,
        %jit3A_935 = arith.constant -1.000000e+00 : f32
        %broadcast_in_dim3A_936 = vector.broadcast %jit3A_935 : f32 to vector<16xf32>
        %select_n3A_937 = arith.select %and3A_932, %broadcast_in_dim3A_936, %get3A_934 : vector<16xi1>, vector<16xf32>
        %swap3A_938 = arith.constant 176 : index
        %swap3A_939 = tpu.vector_load %arg15[%swap3A_938] {strides = array<i32>} : memref<320xf32, #tpu.memory_space<vmem>>, vector<16xf32>,
        tpu.vector_store %arg15[%swap3A_938], %select_n3A_937 {strides = array<i32>} : memref<320xf32, #tpu.memory_space<vmem>>, vector<16xf32>,
        %gt3A_940 = arith.cmpf ogt, %select_n3A_937, %select_n3A_885 : vector<16xf32>
        %select_n3A_941 = arith.select %gt3A_940, %select_n3A_937, %select_n3A_885 : vector<16xi1>, vector<16xf32>
        %jit3A_942 = arith.constant 11 : i32
        %broadcast_in_dim3A_943 = vector.broadcast %jit3A_942 : i32 to vector<16xi32>
        %select_n3A_944 = arith.select %gt3A_940, %broadcast_in_dim3A_943, %select_n3A_888 : vector<16xi1>, vector<16xi32>
        %add3A_945 = arith.constant 192 : i32
        %add3A_946 = arith.addi %mul3A_2, %add3A_945 : i32
        %get3A_947 = arith.index_cast %add3A_946 : i32 to index
        %get3A_948 = tpu.vector_load %arg11[%get3A_947] {strides = array<i32>} : memref<5120xf32, #tpu.memory_space<vmem>>, vector<16xf32>,
        %get3A_949 = arith.index_cast %add3A_946 : i32 to index
        %get3A_950 = tpu.vector_load %arg12[%get3A_949] {strides = array<i32>} : memref<5120xf32, #tpu.memory_space<vmem>>, vector<16xf32>,
        %get3A_951 = arith.index_cast %add3A_946 : i32 to index
        %get3A_952 = tpu.vector_load %arg13[%get3A_951] {strides = array<i32>} : memref<5120xf32, #tpu.memory_space<vmem>>, vector<16xf32>,
        %get3A_953 = arith.index_cast %add3A_946 : i32 to index
        %get3A_954 = tpu.vector_load %arg14[%get3A_953] {strides = array<i32>} : memref<5120xf32, #tpu.memory_space<vmem>>, vector<16xf32>,
        %sub3A_955 = arith.subf %get3A_952, %get3A_948 : vector<16xf32>
        %sub3A_956 = arith.subf %get3A_954, %get3A_950 : vector<16xf32>
        %mul3A_957 = arith.mulf %sub3A_955, %sub3A_956 : vector<16xf32>
        %min3A_958 = arith.minimumf %get3A_952, %gather3A_266 : vector<16xf32>
        %max3A_959 = arith.maximumf %get3A_948, %gather3A_264 : vector<16xf32>
        %sub3A_960 = arith.subf %min3A_958, %max3A_959 : vector<16xf32>
        %max3A_961 = arith.constant 0.000000e+00 : f32
        %max3A_962 = vector.broadcast %max3A_961 : f32 to vector<16xf32>
        %max3A_963 = arith.maximumf %sub3A_960, %max3A_962 : vector<16xf32>
        %min3A_964 = arith.minimumf %get3A_954, %gather3A_267 : vector<16xf32>
        %max3A_965 = arith.maximumf %get3A_950, %gather3A_265 : vector<16xf32>
        %sub3A_966 = arith.subf %min3A_964, %max3A_965 : vector<16xf32>
        %max3A_967 = arith.constant 0.000000e+00 : f32
        %max3A_968 = vector.broadcast %max3A_967 : f32 to vector<16xf32>
        %max3A_969 = arith.maximumf %sub3A_966, %max3A_968 : vector<16xf32>
        %mul3A_970 = arith.mulf %max3A_963, %max3A_969 : vector<16xf32>
        %add3A_971 = arith.addf %mul3A_957, %mul3A_270 : vector<16xf32>
        %sub3A_972 = arith.subf %add3A_971, %mul3A_970 : vector<16xf32>
        %add3A_973 = arith.constant 9.99999971E-10 : f32
        %add3A_974 = vector.broadcast %add3A_973 : f32 to vector<16xf32>
        %add3A_975 = arith.addf %sub3A_972, %add3A_974 : vector<16xf32>
        %div3A_976 = arith.divf %mul3A_970, %add3A_975 : vector<16xf32>
        %gt3A_977 = arith.constant 2.500000e-01 : f32
        %gt3A_978 = vector.broadcast %gt3A_977 : f32 to vector<16xf32>
        %gt3A_979 = arith.cmpf ogt, %div3A_976, %gt3A_978 : vector<16xf32>
        %add3A_980 = arith.constant 192 : i32
        %add3A_981 = arith.addi %mul3A_2, %add3A_980 : i32
        %add3A_982 = vector.broadcast %add3A_981 : i32 to vector<16xi32>
        %add3A_983 = arith.addi %add3A_982, %iota3A : vector<16xi32>
        %eq3A_984 = vector.broadcast %min3A_247 : i32 to vector<16xi32>
        %eq3A_985 = arith.cmpi eq, %add3A_983, %eq3A_984 : vector<16xi32>
        %or3A_986 = arith.ori %gt3A_979, %eq3A_985 : vector<16xi1>
        %and3A_987 = vector.broadcast %gt3A_246 : i1 to vector<16xi1>
        %and3A_988 = arith.andi %or3A_986, %and3A_987 : vector<16xi1>
        %get3A_989 = arith.constant 192 : index
        %get3A_990 = tpu.vector_load %arg15[%get3A_989] {strides = array<i32>} : memref<320xf32, #tpu.memory_space<vmem>>, vector<16xf32>,
        %jit3A_991 = arith.constant -1.000000e+00 : f32
        %broadcast_in_dim3A_992 = vector.broadcast %jit3A_991 : f32 to vector<16xf32>
        %select_n3A_993 = arith.select %and3A_988, %broadcast_in_dim3A_992, %get3A_990 : vector<16xi1>, vector<16xf32>
        %swap3A_994 = arith.constant 192 : index
        %swap3A_995 = tpu.vector_load %arg15[%swap3A_994] {strides = array<i32>} : memref<320xf32, #tpu.memory_space<vmem>>, vector<16xf32>,
        tpu.vector_store %arg15[%swap3A_994], %select_n3A_993 {strides = array<i32>} : memref<320xf32, #tpu.memory_space<vmem>>, vector<16xf32>,
        %gt3A_996 = arith.cmpf ogt, %select_n3A_993, %select_n3A_941 : vector<16xf32>
        %select_n3A_997 = arith.select %gt3A_996, %select_n3A_993, %select_n3A_941 : vector<16xi1>, vector<16xf32>
        %jit3A_998 = arith.constant 12 : i32
        %broadcast_in_dim3A_999 = vector.broadcast %jit3A_998 : i32 to vector<16xi32>
        %select_n3A_1000 = arith.select %gt3A_996, %broadcast_in_dim3A_999, %select_n3A_944 : vector<16xi1>, vector<16xi32>
        %add3A_1001 = arith.constant 208 : i32
        %add3A_1002 = arith.addi %mul3A_2, %add3A_1001 : i32
        %get3A_1003 = arith.index_cast %add3A_1002 : i32 to index
        %get3A_1004 = tpu.vector_load %arg11[%get3A_1003] {strides = array<i32>} : memref<5120xf32, #tpu.memory_space<vmem>>, vector<16xf32>,
        %get3A_1005 = arith.index_cast %add3A_1002 : i32 to index
        %get3A_1006 = tpu.vector_load %arg12[%get3A_1005] {strides = array<i32>} : memref<5120xf32, #tpu.memory_space<vmem>>, vector<16xf32>,
        %get3A_1007 = arith.index_cast %add3A_1002 : i32 to index
        %get3A_1008 = tpu.vector_load %arg13[%get3A_1007] {strides = array<i32>} : memref<5120xf32, #tpu.memory_space<vmem>>, vector<16xf32>,
        %get3A_1009 = arith.index_cast %add3A_1002 : i32 to index
        %get3A_1010 = tpu.vector_load %arg14[%get3A_1009] {strides = array<i32>} : memref<5120xf32, #tpu.memory_space<vmem>>, vector<16xf32>,
        %sub3A_1011 = arith.subf %get3A_1008, %get3A_1004 : vector<16xf32>
        %sub3A_1012 = arith.subf %get3A_1010, %get3A_1006 : vector<16xf32>
        %mul3A_1013 = arith.mulf %sub3A_1011, %sub3A_1012 : vector<16xf32>
        %min3A_1014 = arith.minimumf %get3A_1008, %gather3A_266 : vector<16xf32>
        %max3A_1015 = arith.maximumf %get3A_1004, %gather3A_264 : vector<16xf32>
        %sub3A_1016 = arith.subf %min3A_1014, %max3A_1015 : vector<16xf32>
        %max3A_1017 = arith.constant 0.000000e+00 : f32
        %max3A_1018 = vector.broadcast %max3A_1017 : f32 to vector<16xf32>
        %max3A_1019 = arith.maximumf %sub3A_1016, %max3A_1018 : vector<16xf32>
        %min3A_1020 = arith.minimumf %get3A_1010, %gather3A_267 : vector<16xf32>
        %max3A_1021 = arith.maximumf %get3A_1006, %gather3A_265 : vector<16xf32>
        %sub3A_1022 = arith.subf %min3A_1020, %max3A_1021 : vector<16xf32>
        %max3A_1023 = arith.constant 0.000000e+00 : f32
        %max3A_1024 = vector.broadcast %max3A_1023 : f32 to vector<16xf32>
        %max3A_1025 = arith.maximumf %sub3A_1022, %max3A_1024 : vector<16xf32>
        %mul3A_1026 = arith.mulf %max3A_1019, %max3A_1025 : vector<16xf32>
        %add3A_1027 = arith.addf %mul3A_1013, %mul3A_270 : vector<16xf32>
        %sub3A_1028 = arith.subf %add3A_1027, %mul3A_1026 : vector<16xf32>
        %add3A_1029 = arith.constant 9.99999971E-10 : f32
        %add3A_1030 = vector.broadcast %add3A_1029 : f32 to vector<16xf32>
        %add3A_1031 = arith.addf %sub3A_1028, %add3A_1030 : vector<16xf32>
        %div3A_1032 = arith.divf %mul3A_1026, %add3A_1031 : vector<16xf32>
        %gt3A_1033 = arith.constant 2.500000e-01 : f32
        %gt3A_1034 = vector.broadcast %gt3A_1033 : f32 to vector<16xf32>
        %gt3A_1035 = arith.cmpf ogt, %div3A_1032, %gt3A_1034 : vector<16xf32>
        %add3A_1036 = arith.constant 208 : i32
        %add3A_1037 = arith.addi %mul3A_2, %add3A_1036 : i32
        %add3A_1038 = vector.broadcast %add3A_1037 : i32 to vector<16xi32>
        %add3A_1039 = arith.addi %add3A_1038, %iota3A : vector<16xi32>
        %eq3A_1040 = vector.broadcast %min3A_247 : i32 to vector<16xi32>
        %eq3A_1041 = arith.cmpi eq, %add3A_1039, %eq3A_1040 : vector<16xi32>
        %or3A_1042 = arith.ori %gt3A_1035, %eq3A_1041 : vector<16xi1>
        %and3A_1043 = vector.broadcast %gt3A_246 : i1 to vector<16xi1>
        %and3A_1044 = arith.andi %or3A_1042, %and3A_1043 : vector<16xi1>
        %get3A_1045 = arith.constant 208 : index
        %get3A_1046 = tpu.vector_load %arg15[%get3A_1045] {strides = array<i32>} : memref<320xf32, #tpu.memory_space<vmem>>, vector<16xf32>,
        %jit3A_1047 = arith.constant -1.000000e+00 : f32
        %broadcast_in_dim3A_1048 = vector.broadcast %jit3A_1047 : f32 to vector<16xf32>
        %select_n3A_1049 = arith.select %and3A_1044, %broadcast_in_dim3A_1048, %get3A_1046 : vector<16xi1>, vector<16xf32>
        %swap3A_1050 = arith.constant 208 : index
        %swap3A_1051 = tpu.vector_load %arg15[%swap3A_1050] {strides = array<i32>} : memref<320xf32, #tpu.memory_space<vmem>>, vector<16xf32>,
        tpu.vector_store %arg15[%swap3A_1050], %select_n3A_1049 {strides = array<i32>} : memref<320xf32, #tpu.memory_space<vmem>>, vector<16xf32>,
        %gt3A_1052 = arith.cmpf ogt, %select_n3A_1049, %select_n3A_997 : vector<16xf32>
        %select_n3A_1053 = arith.select %gt3A_1052, %select_n3A_1049, %select_n3A_997 : vector<16xi1>, vector<16xf32>
        %jit3A_1054 = arith.constant 13 : i32
        %broadcast_in_dim3A_1055 = vector.broadcast %jit3A_1054 : i32 to vector<16xi32>
        %select_n3A_1056 = arith.select %gt3A_1052, %broadcast_in_dim3A_1055, %select_n3A_1000 : vector<16xi1>, vector<16xi32>
        %add3A_1057 = arith.constant 224 : i32
        %add3A_1058 = arith.addi %mul3A_2, %add3A_1057 : i32
        %get3A_1059 = arith.index_cast %add3A_1058 : i32 to index
        %get3A_1060 = tpu.vector_load %arg11[%get3A_1059] {strides = array<i32>} : memref<5120xf32, #tpu.memory_space<vmem>>, vector<16xf32>,
        %get3A_1061 = arith.index_cast %add3A_1058 : i32 to index
        %get3A_1062 = tpu.vector_load %arg12[%get3A_1061] {strides = array<i32>} : memref<5120xf32, #tpu.memory_space<vmem>>, vector<16xf32>,
        %get3A_1063 = arith.index_cast %add3A_1058 : i32 to index
        %get3A_1064 = tpu.vector_load %arg13[%get3A_1063] {strides = array<i32>} : memref<5120xf32, #tpu.memory_space<vmem>>, vector<16xf32>,
        %get3A_1065 = arith.index_cast %add3A_1058 : i32 to index
        %get3A_1066 = tpu.vector_load %arg14[%get3A_1065] {strides = array<i32>} : memref<5120xf32, #tpu.memory_space<vmem>>, vector<16xf32>,
        %sub3A_1067 = arith.subf %get3A_1064, %get3A_1060 : vector<16xf32>
        %sub3A_1068 = arith.subf %get3A_1066, %get3A_1062 : vector<16xf32>
        %mul3A_1069 = arith.mulf %sub3A_1067, %sub3A_1068 : vector<16xf32>
        %min3A_1070 = arith.minimumf %get3A_1064, %gather3A_266 : vector<16xf32>
        %max3A_1071 = arith.maximumf %get3A_1060, %gather3A_264 : vector<16xf32>
        %sub3A_1072 = arith.subf %min3A_1070, %max3A_1071 : vector<16xf32>
        %max3A_1073 = arith.constant 0.000000e+00 : f32
        %max3A_1074 = vector.broadcast %max3A_1073 : f32 to vector<16xf32>
        %max3A_1075 = arith.maximumf %sub3A_1072, %max3A_1074 : vector<16xf32>
        %min3A_1076 = arith.minimumf %get3A_1066, %gather3A_267 : vector<16xf32>
        %max3A_1077 = arith.maximumf %get3A_1062, %gather3A_265 : vector<16xf32>
        %sub3A_1078 = arith.subf %min3A_1076, %max3A_1077 : vector<16xf32>
        %max3A_1079 = arith.constant 0.000000e+00 : f32
        %max3A_1080 = vector.broadcast %max3A_1079 : f32 to vector<16xf32>
        %max3A_1081 = arith.maximumf %sub3A_1078, %max3A_1080 : vector<16xf32>
        %mul3A_1082 = arith.mulf %max3A_1075, %max3A_1081 : vector<16xf32>
        %add3A_1083 = arith.addf %mul3A_1069, %mul3A_270 : vector<16xf32>
        %sub3A_1084 = arith.subf %add3A_1083, %mul3A_1082 : vector<16xf32>
        %add3A_1085 = arith.constant 9.99999971E-10 : f32
        %add3A_1086 = vector.broadcast %add3A_1085 : f32 to vector<16xf32>
        %add3A_1087 = arith.addf %sub3A_1084, %add3A_1086 : vector<16xf32>
        %div3A_1088 = arith.divf %mul3A_1082, %add3A_1087 : vector<16xf32>
        %gt3A_1089 = arith.constant 2.500000e-01 : f32
        %gt3A_1090 = vector.broadcast %gt3A_1089 : f32 to vector<16xf32>
        %gt3A_1091 = arith.cmpf ogt, %div3A_1088, %gt3A_1090 : vector<16xf32>
        %add3A_1092 = arith.constant 224 : i32
        %add3A_1093 = arith.addi %mul3A_2, %add3A_1092 : i32
        %add3A_1094 = vector.broadcast %add3A_1093 : i32 to vector<16xi32>
        %add3A_1095 = arith.addi %add3A_1094, %iota3A : vector<16xi32>
        %eq3A_1096 = vector.broadcast %min3A_247 : i32 to vector<16xi32>
        %eq3A_1097 = arith.cmpi eq, %add3A_1095, %eq3A_1096 : vector<16xi32>
        %or3A_1098 = arith.ori %gt3A_1091, %eq3A_1097 : vector<16xi1>
        %and3A_1099 = vector.broadcast %gt3A_246 : i1 to vector<16xi1>
        %and3A_1100 = arith.andi %or3A_1098, %and3A_1099 : vector<16xi1>
        %get3A_1101 = arith.constant 224 : index
        %get3A_1102 = tpu.vector_load %arg15[%get3A_1101] {strides = array<i32>} : memref<320xf32, #tpu.memory_space<vmem>>, vector<16xf32>,
        %jit3A_1103 = arith.constant -1.000000e+00 : f32
        %broadcast_in_dim3A_1104 = vector.broadcast %jit3A_1103 : f32 to vector<16xf32>
        %select_n3A_1105 = arith.select %and3A_1100, %broadcast_in_dim3A_1104, %get3A_1102 : vector<16xi1>, vector<16xf32>
        %swap3A_1106 = arith.constant 224 : index
        %swap3A_1107 = tpu.vector_load %arg15[%swap3A_1106] {strides = array<i32>} : memref<320xf32, #tpu.memory_space<vmem>>, vector<16xf32>,
        tpu.vector_store %arg15[%swap3A_1106], %select_n3A_1105 {strides = array<i32>} : memref<320xf32, #tpu.memory_space<vmem>>, vector<16xf32>,
        %gt3A_1108 = arith.cmpf ogt, %select_n3A_1105, %select_n3A_1053 : vector<16xf32>
        %select_n3A_1109 = arith.select %gt3A_1108, %select_n3A_1105, %select_n3A_1053 : vector<16xi1>, vector<16xf32>
        %jit3A_1110 = arith.constant 14 : i32
        %broadcast_in_dim3A_1111 = vector.broadcast %jit3A_1110 : i32 to vector<16xi32>
        %select_n3A_1112 = arith.select %gt3A_1108, %broadcast_in_dim3A_1111, %select_n3A_1056 : vector<16xi1>, vector<16xi32>
        %add3A_1113 = arith.constant 240 : i32
        %add3A_1114 = arith.addi %mul3A_2, %add3A_1113 : i32
        %get3A_1115 = arith.index_cast %add3A_1114 : i32 to index
        %get3A_1116 = tpu.vector_load %arg11[%get3A_1115] {strides = array<i32>} : memref<5120xf32, #tpu.memory_space<vmem>>, vector<16xf32>,
        %get3A_1117 = arith.index_cast %add3A_1114 : i32 to index
        %get3A_1118 = tpu.vector_load %arg12[%get3A_1117] {strides = array<i32>} : memref<5120xf32, #tpu.memory_space<vmem>>, vector<16xf32>,
        %get3A_1119 = arith.index_cast %add3A_1114 : i32 to index
        %get3A_1120 = tpu.vector_load %arg13[%get3A_1119] {strides = array<i32>} : memref<5120xf32, #tpu.memory_space<vmem>>, vector<16xf32>,
        %get3A_1121 = arith.index_cast %add3A_1114 : i32 to index
        %get3A_1122 = tpu.vector_load %arg14[%get3A_1121] {strides = array<i32>} : memref<5120xf32, #tpu.memory_space<vmem>>, vector<16xf32>,
        %sub3A_1123 = arith.subf %get3A_1120, %get3A_1116 : vector<16xf32>
        %sub3A_1124 = arith.subf %get3A_1122, %get3A_1118 : vector<16xf32>
        %mul3A_1125 = arith.mulf %sub3A_1123, %sub3A_1124 : vector<16xf32>
        %min3A_1126 = arith.minimumf %get3A_1120, %gather3A_266 : vector<16xf32>
        %max3A_1127 = arith.maximumf %get3A_1116, %gather3A_264 : vector<16xf32>
        %sub3A_1128 = arith.subf %min3A_1126, %max3A_1127 : vector<16xf32>
        %max3A_1129 = arith.constant 0.000000e+00 : f32
        %max3A_1130 = vector.broadcast %max3A_1129 : f32 to vector<16xf32>
        %max3A_1131 = arith.maximumf %sub3A_1128, %max3A_1130 : vector<16xf32>
        %min3A_1132 = arith.minimumf %get3A_1122, %gather3A_267 : vector<16xf32>
        %max3A_1133 = arith.maximumf %get3A_1118, %gather3A_265 : vector<16xf32>
        %sub3A_1134 = arith.subf %min3A_1132, %max3A_1133 : vector<16xf32>
        %max3A_1135 = arith.constant 0.000000e+00 : f32
        %max3A_1136 = vector.broadcast %max3A_1135 : f32 to vector<16xf32>
        %max3A_1137 = arith.maximumf %sub3A_1134, %max3A_1136 : vector<16xf32>
        %mul3A_1138 = arith.mulf %max3A_1131, %max3A_1137 : vector<16xf32>
        %add3A_1139 = arith.addf %mul3A_1125, %mul3A_270 : vector<16xf32>
        %sub3A_1140 = arith.subf %add3A_1139, %mul3A_1138 : vector<16xf32>
        %add3A_1141 = arith.constant 9.99999971E-10 : f32
        %add3A_1142 = vector.broadcast %add3A_1141 : f32 to vector<16xf32>
        %add3A_1143 = arith.addf %sub3A_1140, %add3A_1142 : vector<16xf32>
        %div3A_1144 = arith.divf %mul3A_1138, %add3A_1143 : vector<16xf32>
        %gt3A_1145 = arith.constant 2.500000e-01 : f32
        %gt3A_1146 = vector.broadcast %gt3A_1145 : f32 to vector<16xf32>
        %gt3A_1147 = arith.cmpf ogt, %div3A_1144, %gt3A_1146 : vector<16xf32>
        %add3A_1148 = arith.constant 240 : i32
        %add3A_1149 = arith.addi %mul3A_2, %add3A_1148 : i32
        %add3A_1150 = vector.broadcast %add3A_1149 : i32 to vector<16xi32>
        %add3A_1151 = arith.addi %add3A_1150, %iota3A : vector<16xi32>
        %eq3A_1152 = vector.broadcast %min3A_247 : i32 to vector<16xi32>
        %eq3A_1153 = arith.cmpi eq, %add3A_1151, %eq3A_1152 : vector<16xi32>
        %or3A_1154 = arith.ori %gt3A_1147, %eq3A_1153 : vector<16xi1>
        %and3A_1155 = vector.broadcast %gt3A_246 : i1 to vector<16xi1>
        %and3A_1156 = arith.andi %or3A_1154, %and3A_1155 : vector<16xi1>
        %get3A_1157 = arith.constant 240 : index
        %get3A_1158 = tpu.vector_load %arg15[%get3A_1157] {strides = array<i32>} : memref<320xf32, #tpu.memory_space<vmem>>, vector<16xf32>,
        %jit3A_1159 = arith.constant -1.000000e+00 : f32
        %broadcast_in_dim3A_1160 = vector.broadcast %jit3A_1159 : f32 to vector<16xf32>
        %select_n3A_1161 = arith.select %and3A_1156, %broadcast_in_dim3A_1160, %get3A_1158 : vector<16xi1>, vector<16xf32>
        %swap3A_1162 = arith.constant 240 : index
        %swap3A_1163 = tpu.vector_load %arg15[%swap3A_1162] {strides = array<i32>} : memref<320xf32, #tpu.memory_space<vmem>>, vector<16xf32>,
        tpu.vector_store %arg15[%swap3A_1162], %select_n3A_1161 {strides = array<i32>} : memref<320xf32, #tpu.memory_space<vmem>>, vector<16xf32>,
        %gt3A_1164 = arith.cmpf ogt, %select_n3A_1161, %select_n3A_1109 : vector<16xf32>
        %select_n3A_1165 = arith.select %gt3A_1164, %select_n3A_1161, %select_n3A_1109 : vector<16xi1>, vector<16xf32>
        %jit3A_1166 = arith.constant 15 : i32
        %broadcast_in_dim3A_1167 = vector.broadcast %jit3A_1166 : i32 to vector<16xi32>
        %select_n3A_1168 = arith.select %gt3A_1164, %broadcast_in_dim3A_1167, %select_n3A_1112 : vector<16xi1>, vector<16xi32>
        %add3A_1169 = arith.constant 256 : i32
        %add3A_1170 = arith.addi %mul3A_2, %add3A_1169 : i32
        %get3A_1171 = arith.index_cast %add3A_1170 : i32 to index
        %get3A_1172 = tpu.vector_load %arg11[%get3A_1171] {strides = array<i32>} : memref<5120xf32, #tpu.memory_space<vmem>>, vector<16xf32>,
        %get3A_1173 = arith.index_cast %add3A_1170 : i32 to index
        %get3A_1174 = tpu.vector_load %arg12[%get3A_1173] {strides = array<i32>} : memref<5120xf32, #tpu.memory_space<vmem>>, vector<16xf32>,
        %get3A_1175 = arith.index_cast %add3A_1170 : i32 to index
        %get3A_1176 = tpu.vector_load %arg13[%get3A_1175] {strides = array<i32>} : memref<5120xf32, #tpu.memory_space<vmem>>, vector<16xf32>,
        %get3A_1177 = arith.index_cast %add3A_1170 : i32 to index
        %get3A_1178 = tpu.vector_load %arg14[%get3A_1177] {strides = array<i32>} : memref<5120xf32, #tpu.memory_space<vmem>>, vector<16xf32>,
        %sub3A_1179 = arith.subf %get3A_1176, %get3A_1172 : vector<16xf32>
        %sub3A_1180 = arith.subf %get3A_1178, %get3A_1174 : vector<16xf32>
        %mul3A_1181 = arith.mulf %sub3A_1179, %sub3A_1180 : vector<16xf32>
        %min3A_1182 = arith.minimumf %get3A_1176, %gather3A_266 : vector<16xf32>
        %max3A_1183 = arith.maximumf %get3A_1172, %gather3A_264 : vector<16xf32>
        %sub3A_1184 = arith.subf %min3A_1182, %max3A_1183 : vector<16xf32>
        %max3A_1185 = arith.constant 0.000000e+00 : f32
        %max3A_1186 = vector.broadcast %max3A_1185 : f32 to vector<16xf32>
        %max3A_1187 = arith.maximumf %sub3A_1184, %max3A_1186 : vector<16xf32>
        %min3A_1188 = arith.minimumf %get3A_1178, %gather3A_267 : vector<16xf32>
        %max3A_1189 = arith.maximumf %get3A_1174, %gather3A_265 : vector<16xf32>
        %sub3A_1190 = arith.subf %min3A_1188, %max3A_1189 : vector<16xf32>
        %max3A_1191 = arith.constant 0.000000e+00 : f32
        %max3A_1192 = vector.broadcast %max3A_1191 : f32 to vector<16xf32>
        %max3A_1193 = arith.maximumf %sub3A_1190, %max3A_1192 : vector<16xf32>
        %mul3A_1194 = arith.mulf %max3A_1187, %max3A_1193 : vector<16xf32>
        %add3A_1195 = arith.addf %mul3A_1181, %mul3A_270 : vector<16xf32>
        %sub3A_1196 = arith.subf %add3A_1195, %mul3A_1194 : vector<16xf32>
        %add3A_1197 = arith.constant 9.99999971E-10 : f32
        %add3A_1198 = vector.broadcast %add3A_1197 : f32 to vector<16xf32>
        %add3A_1199 = arith.addf %sub3A_1196, %add3A_1198 : vector<16xf32>
        %div3A_1200 = arith.divf %mul3A_1194, %add3A_1199 : vector<16xf32>
        %gt3A_1201 = arith.constant 2.500000e-01 : f32
        %gt3A_1202 = vector.broadcast %gt3A_1201 : f32 to vector<16xf32>
        %gt3A_1203 = arith.cmpf ogt, %div3A_1200, %gt3A_1202 : vector<16xf32>
        %add3A_1204 = arith.constant 256 : i32
        %add3A_1205 = arith.addi %mul3A_2, %add3A_1204 : i32
        %add3A_1206 = vector.broadcast %add3A_1205 : i32 to vector<16xi32>
        %add3A_1207 = arith.addi %add3A_1206, %iota3A : vector<16xi32>
        %eq3A_1208 = vector.broadcast %min3A_247 : i32 to vector<16xi32>
        %eq3A_1209 = arith.cmpi eq, %add3A_1207, %eq3A_1208 : vector<16xi32>
        %or3A_1210 = arith.ori %gt3A_1203, %eq3A_1209 : vector<16xi1>
        %and3A_1211 = vector.broadcast %gt3A_246 : i1 to vector<16xi1>
        %and3A_1212 = arith.andi %or3A_1210, %and3A_1211 : vector<16xi1>
        %get3A_1213 = arith.constant 256 : index
        %get3A_1214 = tpu.vector_load %arg15[%get3A_1213] {strides = array<i32>} : memref<320xf32, #tpu.memory_space<vmem>>, vector<16xf32>,
        %jit3A_1215 = arith.constant -1.000000e+00 : f32
        %broadcast_in_dim3A_1216 = vector.broadcast %jit3A_1215 : f32 to vector<16xf32>
        %select_n3A_1217 = arith.select %and3A_1212, %broadcast_in_dim3A_1216, %get3A_1214 : vector<16xi1>, vector<16xf32>
        %swap3A_1218 = arith.constant 256 : index
        %swap3A_1219 = tpu.vector_load %arg15[%swap3A_1218] {strides = array<i32>} : memref<320xf32, #tpu.memory_space<vmem>>, vector<16xf32>,
        tpu.vector_store %arg15[%swap3A_1218], %select_n3A_1217 {strides = array<i32>} : memref<320xf32, #tpu.memory_space<vmem>>, vector<16xf32>,
        %gt3A_1220 = arith.cmpf ogt, %select_n3A_1217, %select_n3A_1165 : vector<16xf32>
        %select_n3A_1221 = arith.select %gt3A_1220, %select_n3A_1217, %select_n3A_1165 : vector<16xi1>, vector<16xf32>
        %jit3A_1222 = arith.constant 16 : i32
        %broadcast_in_dim3A_1223 = vector.broadcast %jit3A_1222 : i32 to vector<16xi32>
        %select_n3A_1224 = arith.select %gt3A_1220, %broadcast_in_dim3A_1223, %select_n3A_1168 : vector<16xi1>, vector<16xi32>
        %add3A_1225 = arith.constant 272 : i32
        %add3A_1226 = arith.addi %mul3A_2, %add3A_1225 : i32
        %get3A_1227 = arith.index_cast %add3A_1226 : i32 to index
        %get3A_1228 = tpu.vector_load %arg11[%get3A_1227] {strides = array<i32>} : memref<5120xf32, #tpu.memory_space<vmem>>, vector<16xf32>,
        %get3A_1229 = arith.index_cast %add3A_1226 : i32 to index
        %get3A_1230 = tpu.vector_load %arg12[%get3A_1229] {strides = array<i32>} : memref<5120xf32, #tpu.memory_space<vmem>>, vector<16xf32>,
        %get3A_1231 = arith.index_cast %add3A_1226 : i32 to index
        %get3A_1232 = tpu.vector_load %arg13[%get3A_1231] {strides = array<i32>} : memref<5120xf32, #tpu.memory_space<vmem>>, vector<16xf32>,
        %get3A_1233 = arith.index_cast %add3A_1226 : i32 to index
        %get3A_1234 = tpu.vector_load %arg14[%get3A_1233] {strides = array<i32>} : memref<5120xf32, #tpu.memory_space<vmem>>, vector<16xf32>,
        %sub3A_1235 = arith.subf %get3A_1232, %get3A_1228 : vector<16xf32>
        %sub3A_1236 = arith.subf %get3A_1234, %get3A_1230 : vector<16xf32>
        %mul3A_1237 = arith.mulf %sub3A_1235, %sub3A_1236 : vector<16xf32>
        %min3A_1238 = arith.minimumf %get3A_1232, %gather3A_266 : vector<16xf32>
        %max3A_1239 = arith.maximumf %get3A_1228, %gather3A_264 : vector<16xf32>
        %sub3A_1240 = arith.subf %min3A_1238, %max3A_1239 : vector<16xf32>
        %max3A_1241 = arith.constant 0.000000e+00 : f32
        %max3A_1242 = vector.broadcast %max3A_1241 : f32 to vector<16xf32>
        %max3A_1243 = arith.maximumf %sub3A_1240, %max3A_1242 : vector<16xf32>
        %min3A_1244 = arith.minimumf %get3A_1234, %gather3A_267 : vector<16xf32>
        %max3A_1245 = arith.maximumf %get3A_1230, %gather3A_265 : vector<16xf32>
        %sub3A_1246 = arith.subf %min3A_1244, %max3A_1245 : vector<16xf32>
        %max3A_1247 = arith.constant 0.000000e+00 : f32
        %max3A_1248 = vector.broadcast %max3A_1247 : f32 to vector<16xf32>
        %max3A_1249 = arith.maximumf %sub3A_1246, %max3A_1248 : vector<16xf32>
        %mul3A_1250 = arith.mulf %max3A_1243, %max3A_1249 : vector<16xf32>
        %add3A_1251 = arith.addf %mul3A_1237, %mul3A_270 : vector<16xf32>
        %sub3A_1252 = arith.subf %add3A_1251, %mul3A_1250 : vector<16xf32>
        %add3A_1253 = arith.constant 9.99999971E-10 : f32
        %add3A_1254 = vector.broadcast %add3A_1253 : f32 to vector<16xf32>
        %add3A_1255 = arith.addf %sub3A_1252, %add3A_1254 : vector<16xf32>
        %div3A_1256 = arith.divf %mul3A_1250, %add3A_1255 : vector<16xf32>
        %gt3A_1257 = arith.constant 2.500000e-01 : f32
        %gt3A_1258 = vector.broadcast %gt3A_1257 : f32 to vector<16xf32>
        %gt3A_1259 = arith.cmpf ogt, %div3A_1256, %gt3A_1258 : vector<16xf32>
        %add3A_1260 = arith.constant 272 : i32
        %add3A_1261 = arith.addi %mul3A_2, %add3A_1260 : i32
        %add3A_1262 = vector.broadcast %add3A_1261 : i32 to vector<16xi32>
        %add3A_1263 = arith.addi %add3A_1262, %iota3A : vector<16xi32>
        %eq3A_1264 = vector.broadcast %min3A_247 : i32 to vector<16xi32>
        %eq3A_1265 = arith.cmpi eq, %add3A_1263, %eq3A_1264 : vector<16xi32>
        %or3A_1266 = arith.ori %gt3A_1259, %eq3A_1265 : vector<16xi1>
        %and3A_1267 = vector.broadcast %gt3A_246 : i1 to vector<16xi1>
        %and3A_1268 = arith.andi %or3A_1266, %and3A_1267 : vector<16xi1>
        %get3A_1269 = arith.constant 272 : index
        %get3A_1270 = tpu.vector_load %arg15[%get3A_1269] {strides = array<i32>} : memref<320xf32, #tpu.memory_space<vmem>>, vector<16xf32>,
        %jit3A_1271 = arith.constant -1.000000e+00 : f32
        %broadcast_in_dim3A_1272 = vector.broadcast %jit3A_1271 : f32 to vector<16xf32>
        %select_n3A_1273 = arith.select %and3A_1268, %broadcast_in_dim3A_1272, %get3A_1270 : vector<16xi1>, vector<16xf32>
        %swap3A_1274 = arith.constant 272 : index
        %swap3A_1275 = tpu.vector_load %arg15[%swap3A_1274] {strides = array<i32>} : memref<320xf32, #tpu.memory_space<vmem>>, vector<16xf32>,
        tpu.vector_store %arg15[%swap3A_1274], %select_n3A_1273 {strides = array<i32>} : memref<320xf32, #tpu.memory_space<vmem>>, vector<16xf32>,
        %gt3A_1276 = arith.cmpf ogt, %select_n3A_1273, %select_n3A_1221 : vector<16xf32>
        %select_n3A_1277 = arith.select %gt3A_1276, %select_n3A_1273, %select_n3A_1221 : vector<16xi1>, vector<16xf32>
        %jit3A_1278 = arith.constant 17 : i32
        %broadcast_in_dim3A_1279 = vector.broadcast %jit3A_1278 : i32 to vector<16xi32>
        %select_n3A_1280 = arith.select %gt3A_1276, %broadcast_in_dim3A_1279, %select_n3A_1224 : vector<16xi1>, vector<16xi32>
        %add3A_1281 = arith.constant 288 : i32
        %add3A_1282 = arith.addi %mul3A_2, %add3A_1281 : i32
        %get3A_1283 = arith.index_cast %add3A_1282 : i32 to index
        %get3A_1284 = tpu.vector_load %arg11[%get3A_1283] {strides = array<i32>} : memref<5120xf32, #tpu.memory_space<vmem>>, vector<16xf32>,
        %get3A_1285 = arith.index_cast %add3A_1282 : i32 to index
        %get3A_1286 = tpu.vector_load %arg12[%get3A_1285] {strides = array<i32>} : memref<5120xf32, #tpu.memory_space<vmem>>, vector<16xf32>,
        %get3A_1287 = arith.index_cast %add3A_1282 : i32 to index
        %get3A_1288 = tpu.vector_load %arg13[%get3A_1287] {strides = array<i32>} : memref<5120xf32, #tpu.memory_space<vmem>>, vector<16xf32>,
        %get3A_1289 = arith.index_cast %add3A_1282 : i32 to index
        %get3A_1290 = tpu.vector_load %arg14[%get3A_1289] {strides = array<i32>} : memref<5120xf32, #tpu.memory_space<vmem>>, vector<16xf32>,
        %sub3A_1291 = arith.subf %get3A_1288, %get3A_1284 : vector<16xf32>
        %sub3A_1292 = arith.subf %get3A_1290, %get3A_1286 : vector<16xf32>
        %mul3A_1293 = arith.mulf %sub3A_1291, %sub3A_1292 : vector<16xf32>
        %min3A_1294 = arith.minimumf %get3A_1288, %gather3A_266 : vector<16xf32>
        %max3A_1295 = arith.maximumf %get3A_1284, %gather3A_264 : vector<16xf32>
        %sub3A_1296 = arith.subf %min3A_1294, %max3A_1295 : vector<16xf32>
        %max3A_1297 = arith.constant 0.000000e+00 : f32
        %max3A_1298 = vector.broadcast %max3A_1297 : f32 to vector<16xf32>
        %max3A_1299 = arith.maximumf %sub3A_1296, %max3A_1298 : vector<16xf32>
        %min3A_1300 = arith.minimumf %get3A_1290, %gather3A_267 : vector<16xf32>
        %max3A_1301 = arith.maximumf %get3A_1286, %gather3A_265 : vector<16xf32>
        %sub3A_1302 = arith.subf %min3A_1300, %max3A_1301 : vector<16xf32>
        %max3A_1303 = arith.constant 0.000000e+00 : f32
        %max3A_1304 = vector.broadcast %max3A_1303 : f32 to vector<16xf32>
        %max3A_1305 = arith.maximumf %sub3A_1302, %max3A_1304 : vector<16xf32>
        %mul3A_1306 = arith.mulf %max3A_1299, %max3A_1305 : vector<16xf32>
        %add3A_1307 = arith.addf %mul3A_1293, %mul3A_270 : vector<16xf32>
        %sub3A_1308 = arith.subf %add3A_1307, %mul3A_1306 : vector<16xf32>
        %add3A_1309 = arith.constant 9.99999971E-10 : f32
        %add3A_1310 = vector.broadcast %add3A_1309 : f32 to vector<16xf32>
        %add3A_1311 = arith.addf %sub3A_1308, %add3A_1310 : vector<16xf32>
        %div3A_1312 = arith.divf %mul3A_1306, %add3A_1311 : vector<16xf32>
        %gt3A_1313 = arith.constant 2.500000e-01 : f32
        %gt3A_1314 = vector.broadcast %gt3A_1313 : f32 to vector<16xf32>
        %gt3A_1315 = arith.cmpf ogt, %div3A_1312, %gt3A_1314 : vector<16xf32>
        %add3A_1316 = arith.constant 288 : i32
        %add3A_1317 = arith.addi %mul3A_2, %add3A_1316 : i32
        %add3A_1318 = vector.broadcast %add3A_1317 : i32 to vector<16xi32>
        %add3A_1319 = arith.addi %add3A_1318, %iota3A : vector<16xi32>
        %eq3A_1320 = vector.broadcast %min3A_247 : i32 to vector<16xi32>
        %eq3A_1321 = arith.cmpi eq, %add3A_1319, %eq3A_1320 : vector<16xi32>
        %or3A_1322 = arith.ori %gt3A_1315, %eq3A_1321 : vector<16xi1>
        %and3A_1323 = vector.broadcast %gt3A_246 : i1 to vector<16xi1>
        %and3A_1324 = arith.andi %or3A_1322, %and3A_1323 : vector<16xi1>
        %get3A_1325 = arith.constant 288 : index
        %get3A_1326 = tpu.vector_load %arg15[%get3A_1325] {strides = array<i32>} : memref<320xf32, #tpu.memory_space<vmem>>, vector<16xf32>,
        %jit3A_1327 = arith.constant -1.000000e+00 : f32
        %broadcast_in_dim3A_1328 = vector.broadcast %jit3A_1327 : f32 to vector<16xf32>
        %select_n3A_1329 = arith.select %and3A_1324, %broadcast_in_dim3A_1328, %get3A_1326 : vector<16xi1>, vector<16xf32>
        %swap3A_1330 = arith.constant 288 : index
        %swap3A_1331 = tpu.vector_load %arg15[%swap3A_1330] {strides = array<i32>} : memref<320xf32, #tpu.memory_space<vmem>>, vector<16xf32>,
        tpu.vector_store %arg15[%swap3A_1330], %select_n3A_1329 {strides = array<i32>} : memref<320xf32, #tpu.memory_space<vmem>>, vector<16xf32>,
        %gt3A_1332 = arith.cmpf ogt, %select_n3A_1329, %select_n3A_1277 : vector<16xf32>
        %select_n3A_1333 = arith.select %gt3A_1332, %select_n3A_1329, %select_n3A_1277 : vector<16xi1>, vector<16xf32>
        %jit3A_1334 = arith.constant 18 : i32
        %broadcast_in_dim3A_1335 = vector.broadcast %jit3A_1334 : i32 to vector<16xi32>
        %select_n3A_1336 = arith.select %gt3A_1332, %broadcast_in_dim3A_1335, %select_n3A_1280 : vector<16xi1>, vector<16xi32>
        %add3A_1337 = arith.constant 304 : i32
        %add3A_1338 = arith.addi %mul3A_2, %add3A_1337 : i32
        %get3A_1339 = arith.index_cast %add3A_1338 : i32 to index
        %get3A_1340 = tpu.vector_load %arg11[%get3A_1339] {strides = array<i32>} : memref<5120xf32, #tpu.memory_space<vmem>>, vector<16xf32>,
        %get3A_1341 = arith.index_cast %add3A_1338 : i32 to index
        %get3A_1342 = tpu.vector_load %arg12[%get3A_1341] {strides = array<i32>} : memref<5120xf32, #tpu.memory_space<vmem>>, vector<16xf32>,
        %get3A_1343 = arith.index_cast %add3A_1338 : i32 to index
        %get3A_1344 = tpu.vector_load %arg13[%get3A_1343] {strides = array<i32>} : memref<5120xf32, #tpu.memory_space<vmem>>, vector<16xf32>,
        %get3A_1345 = arith.index_cast %add3A_1338 : i32 to index
        %get3A_1346 = tpu.vector_load %arg14[%get3A_1345] {strides = array<i32>} : memref<5120xf32, #tpu.memory_space<vmem>>, vector<16xf32>,
        %sub3A_1347 = arith.subf %get3A_1344, %get3A_1340 : vector<16xf32>
        %sub3A_1348 = arith.subf %get3A_1346, %get3A_1342 : vector<16xf32>
        %mul3A_1349 = arith.mulf %sub3A_1347, %sub3A_1348 : vector<16xf32>
        %min3A_1350 = arith.minimumf %get3A_1344, %gather3A_266 : vector<16xf32>
        %max3A_1351 = arith.maximumf %get3A_1340, %gather3A_264 : vector<16xf32>
        %sub3A_1352 = arith.subf %min3A_1350, %max3A_1351 : vector<16xf32>
        %max3A_1353 = arith.constant 0.000000e+00 : f32
        %max3A_1354 = vector.broadcast %max3A_1353 : f32 to vector<16xf32>
        %max3A_1355 = arith.maximumf %sub3A_1352, %max3A_1354 : vector<16xf32>
        %min3A_1356 = arith.minimumf %get3A_1346, %gather3A_267 : vector<16xf32>
        %max3A_1357 = arith.maximumf %get3A_1342, %gather3A_265 : vector<16xf32>
        %sub3A_1358 = arith.subf %min3A_1356, %max3A_1357 : vector<16xf32>
        %max3A_1359 = arith.constant 0.000000e+00 : f32
        %max3A_1360 = vector.broadcast %max3A_1359 : f32 to vector<16xf32>
        %max3A_1361 = arith.maximumf %sub3A_1358, %max3A_1360 : vector<16xf32>
        %mul3A_1362 = arith.mulf %max3A_1355, %max3A_1361 : vector<16xf32>
        %add3A_1363 = arith.addf %mul3A_1349, %mul3A_270 : vector<16xf32>
        %sub3A_1364 = arith.subf %add3A_1363, %mul3A_1362 : vector<16xf32>
        %add3A_1365 = arith.constant 9.99999971E-10 : f32
        %add3A_1366 = vector.broadcast %add3A_1365 : f32 to vector<16xf32>
        %add3A_1367 = arith.addf %sub3A_1364, %add3A_1366 : vector<16xf32>
        %div3A_1368 = arith.divf %mul3A_1362, %add3A_1367 : vector<16xf32>
        %gt3A_1369 = arith.constant 2.500000e-01 : f32
        %gt3A_1370 = vector.broadcast %gt3A_1369 : f32 to vector<16xf32>
        %gt3A_1371 = arith.cmpf ogt, %div3A_1368, %gt3A_1370 : vector<16xf32>
        %add3A_1372 = arith.constant 304 : i32
        %add3A_1373 = arith.addi %mul3A_2, %add3A_1372 : i32
        %add3A_1374 = vector.broadcast %add3A_1373 : i32 to vector<16xi32>
        %add3A_1375 = arith.addi %add3A_1374, %iota3A : vector<16xi32>
        %eq3A_1376 = vector.broadcast %min3A_247 : i32 to vector<16xi32>
        %eq3A_1377 = arith.cmpi eq, %add3A_1375, %eq3A_1376 : vector<16xi32>
        %or3A_1378 = arith.ori %gt3A_1371, %eq3A_1377 : vector<16xi1>
        %and3A_1379 = vector.broadcast %gt3A_246 : i1 to vector<16xi1>
        %and3A_1380 = arith.andi %or3A_1378, %and3A_1379 : vector<16xi1>
        %get3A_1381 = arith.constant 304 : index
        %get3A_1382 = tpu.vector_load %arg15[%get3A_1381] {strides = array<i32>} : memref<320xf32, #tpu.memory_space<vmem>>, vector<16xf32>,
        %jit3A_1383 = arith.constant -1.000000e+00 : f32
        %broadcast_in_dim3A_1384 = vector.broadcast %jit3A_1383 : f32 to vector<16xf32>
        %select_n3A_1385 = arith.select %and3A_1380, %broadcast_in_dim3A_1384, %get3A_1382 : vector<16xi1>, vector<16xf32>
        %swap3A_1386 = arith.constant 304 : index
        %swap3A_1387 = tpu.vector_load %arg15[%swap3A_1386] {strides = array<i32>} : memref<320xf32, #tpu.memory_space<vmem>>, vector<16xf32>,
        tpu.vector_store %arg15[%swap3A_1386], %select_n3A_1385 {strides = array<i32>} : memref<320xf32, #tpu.memory_space<vmem>>, vector<16xf32>,
        %gt3A_1388 = arith.cmpf ogt, %select_n3A_1385, %select_n3A_1333 : vector<16xf32>
        %select_n3A_1389 = arith.select %gt3A_1388, %select_n3A_1385, %select_n3A_1333 : vector<16xi1>, vector<16xf32>
        %jit3A_1390 = arith.constant 19 : i32
        %broadcast_in_dim3A_1391 = vector.broadcast %jit3A_1390 : i32 to vector<16xi32>
        %select_n3A_1392 = arith.select %gt3A_1388, %broadcast_in_dim3A_1391, %select_n3A_1336 : vector<16xi1>, vector<16xi32>
        %add3A_1393 = arith.constant 2 : i32
        %add3A_1394 = arith.addi %scan3A_242, %add3A_1393 : i32
        %ge3A_1395 = arith.constant 0.000000e+00 : f32
        %ge3A_1396 = vector.broadcast %ge3A_1395 : f32 to vector<16xf32>
        %ge3A_1397 = arith.cmpf oge, %select_n3A_1389, %ge3A_1396 : vector<16xf32>
        %bitcast3A_1398 = vector.bitcast %select_n3A_1389 : vector<16xf32> to vector<16xi32>
        %jit3A_1399 = arith.constant -1 : i32
        %broadcast_in_dim3A_1400 = vector.broadcast %jit3A_1399 : i32 to vector<16xi32>
        %select_n3A_1401 = arith.select %ge3A_1397, %bitcast3A_1398, %broadcast_in_dim3A_1400 : vector<16xi1>, vector<16xi32>
        %reduce_max3A_1402 = arith.constant true
        %reduce_max3A_1403 = vector.broadcast %reduce_max3A_1402 : i1 to vector<16xi1>
        %reduce_max3A_1404 = arith.constant -2147483648 : i32
        %reduce_max3A_1405 = vector.broadcast %reduce_max3A_1404 : i32 to vector<16xi32>
        %reduce_max3A_1406 = arith.xori %select_n3A_1401, %reduce_max3A_1405 : vector<16xi32>
        %reduce_max3A_1407 = tpu.scan <max>, %reduce_max3A_1406 masked %reduce_max3A_1403 : vector<16xi32>, vector<16xi1> -> vector<16xi32>
        %reduce_max3A_1408 = arith.xori %reduce_max3A_1407, %reduce_max3A_1405 : vector<16xi32>
        %reduce_max3A_1409 = vector.extract %reduce_max3A_1408[15] : i32 from vector<16xi32>
        %mul3A_1410 = arith.constant 16 : i32
        %mul3A_1411 = vector.broadcast %mul3A_1410 : i32 to vector<16xi32>
        %mul3A_1412 = arith.muli %select_n3A_1392, %mul3A_1411 : vector<16xi32>
        %add3A_1413 = vector.broadcast %mul3A_2 : i32 to vector<16xi32>
        %add3A_1414 = arith.addi %add3A_1413, %mul3A_1412 : vector<16xi32>
        %add3A_1415 = arith.addi %add3A_1414, %iota3A : vector<16xi32>
        %eq3A_1416 = vector.broadcast %reduce_max3A_1409 : i32 to vector<16xi32>
        %eq3A_1417 = arith.cmpi eq, %select_n3A_1401, %eq3A_1416 : vector<16xi32>
        %jit3A_1418 = arith.constant 5120 : i32
        %broadcast_in_dim3A_1419 = vector.broadcast %jit3A_1418 : i32 to vector<16xi32>
        %select_n3A_1420 = arith.select %eq3A_1417, %add3A_1415, %broadcast_in_dim3A_1419 : vector<16xi1>, vector<16xi32>
        %reduce_min3A_1421 = arith.constant true
        %reduce_min3A_1422 = vector.broadcast %reduce_min3A_1421 : i1 to vector<16xi1>
        %reduce_min3A_1423 = arith.constant -2147483648 : i32
        %reduce_min3A_1424 = vector.broadcast %reduce_min3A_1423 : i32 to vector<16xi32>
        %reduce_min3A_1425 = arith.xori %select_n3A_1420, %reduce_min3A_1424 : vector<16xi32>
        %reduce_min3A_1426 = tpu.scan <min>, %reduce_min3A_1425 masked %reduce_min3A_1422 : vector<16xi32>, vector<16xi1> -> vector<16xi32>
        %reduce_min3A_1427 = arith.xori %reduce_min3A_1426, %reduce_min3A_1424 : vector<16xi32>
        %reduce_min3A_1428 = vector.extract %reduce_min3A_1427[15] : i32 from vector<16xi32>
        %rem3A_1429 = arith.constant 2 : i32
        %rem3A_1430 = arith.remsi %add3A_1394, %rem3A_1429 : i32
        %eq3A_1431 = arith.constant 0 : i32
        %eq3A_1432 = vector.broadcast %eq3A_1431 : i32 to vector<16xi32>
        %eq3A_1433 = arith.cmpi eq, %iota3A, %eq3A_1432 : vector<16xi32>
        %eq3A_1434 = arith.constant 1 : i32
        %eq3A_1435 = vector.broadcast %eq3A_1434 : i32 to vector<16xi32>
        %eq3A_1436 = arith.cmpi eq, %iota3A, %eq3A_1435 : vector<16xi32>
        %jit3A_1437 = arith.constant 0 : i32
        %broadcast_in_dim3A_1438 = vector.broadcast %reduce_min3A_1428 : i32 to vector<16xi32>
        %broadcast_in_dim3A_1439 = vector.broadcast %jit3A_1437 : i32 to vector<16xi32>
        %select_n3A_1440 = arith.select %eq3A_1436, %broadcast_in_dim3A_1438, %broadcast_in_dim3A_1439 : vector<16xi1>, vector<16xi32>
        %broadcast_in_dim3A_1441 = vector.broadcast %reduce_max3A_1409 : i32 to vector<16xi32>
        %select_n3A_1442 = arith.select %eq3A_1433, %broadcast_in_dim3A_1441, %select_n3A_1440 : vector<16xi1>, vector<16xi32>
        %swap3A_1443 = arith.constant 0 : index
        %swap3A_1444 = tpu.vector_load %arg17[%swap3A_1443] {strides = array<i32>} : memref<16xi32, #tpu.memory_space<vmem>>, vector<16xi32>,
        tpu.vector_store %arg17[%swap3A_1443], %select_n3A_1442 {strides = array<i32>} : memref<16xi32, #tpu.memory_space<vmem>>, vector<16xi32>,
        "tpu.region"() ({
          %run_scoped3A = tpu.sem_alloc : memref<!tpu.dma_semaphore, #tpu.memory_space<semaphore_mem>>
          %dma_start3A = arith.constant 0 : i32
          %dma_start3A_1481 = tpu.memref_slice %arg19[%rem3A_1430, %arg1, %dma_start3A] : memref<2x16x16xi32, #tpu.memory_space<vmem_shared>> -> memref<1x1x16xi32, #tpu.memory_space<vmem_shared>>
          %dma_start3A_1482 = tpu.memref_squeeze %dma_start3A_1481 : memref<1x1x16xi32, #tpu.memory_space<vmem_shared>> -> memref<16xi32, #tpu.memory_space<vmem_shared>>
          %dma_start3A_1483 = arith.constant 0 : i32
          %dma_start3A_1484 = tpu.memref_slice %arg19[%rem3A_1430, %arg1, %dma_start3A_1483] : memref<2x16x16xi32, #tpu.memory_space<vmem_shared>> -> memref<1x1x16xi32, #tpu.memory_space<vmem_shared>>
          %dma_start3A_1485 = tpu.memref_squeeze %dma_start3A_1484 : memref<1x1x16xi32, #tpu.memory_space<vmem_shared>> -> memref<16xi32, #tpu.memory_space<vmem_shared>>
          tpu.enqueue_dma source(%arg17 : memref<16xi32, #tpu.memory_space<vmem>>) target(%dma_start3A_1485 : memref<16xi32, #tpu.memory_space<vmem_shared>>) target_semaphore(%run_scoped3A : memref<!tpu.dma_semaphore, #tpu.memory_space<semaphore_mem>>)
          %dma_wait3A = arith.constant 0 : i32
          %dma_wait3A_1486 = tpu.memref_slice %arg19[%rem3A_1430, %arg1, %dma_wait3A] : memref<2x16x16xi32, #tpu.memory_space<vmem_shared>> -> memref<1x1x16xi32, #tpu.memory_space<vmem_shared>>
          %dma_wait3A_1487 = tpu.memref_squeeze %dma_wait3A_1486 : memref<1x1x16xi32, #tpu.memory_space<vmem_shared>> -> memref<16xi32, #tpu.memory_space<vmem_shared>>
          %dma_wait3A_1488 = arith.constant 0 : i32
          %dma_wait3A_1489 = tpu.memref_slice %arg19[%rem3A_1430, %arg1, %dma_wait3A_1488] : memref<2x16x16xi32, #tpu.memory_space<vmem_shared>> -> memref<1x1x16xi32, #tpu.memory_space<vmem_shared>>
          %dma_wait3A_1490 = tpu.memref_squeeze %dma_wait3A_1489 : memref<1x1x16xi32, #tpu.memory_space<vmem_shared>> -> memref<16xi32, #tpu.memory_space<vmem_shared>>
          tpu.wait_dma2 semaphore(%run_scoped3A : memref<!tpu.dma_semaphore, #tpu.memory_space<semaphore_mem>>) src(%arg17 : memref<16xi32, #tpu.memory_space<vmem>>) dst(%dma_wait3A_1490 : memref<16xi32, #tpu.memory_space<vmem_shared>>)
          tpu.yield
        }) : () -> ()
        %sc_fetch_and_add3A_1445 = arith.constant 1 : i32
        %sc_fetch_and_add3A_1446 = arith.constant 0 : i32
        %sc_fetch_and_add3A_1447 = arith.constant 0 : i32
        %sc_fetch_and_add3A_1448 = tpu.fetch_and_add_sync %arg20[%sc_fetch_and_add3A_1446], %sc_fetch_and_add3A_1445, %sc_fetch_and_add3A_1447 : memref<1xi32, #tpu.memory_space<smem>>, i32 -> i32
        %while3A_1449 = arith.constant 0 : i32
        %while3A_1450 = scf.while (%while3A_1481 = %while3A_1449) : (i32) -> i32 {
          %mul3A_1482 = arith.constant 16 : i32
          %mul3A_1483 = arith.muli %add3A_1394, %mul3A_1482 : i32
          %lt3A_1484 = arith.cmpi slt, %while3A_1481, %mul3A_1483 : i32
          scf.condition(%lt3A_1484) %while3A_1481 : i32
        } do {
        ^bb0(%while3A_1481: i32):
          %sc_fetch_and_add3A_1482 = arith.constant 0 : i32
          %sc_fetch_and_add3A_1483 = arith.constant 0 : i32
          %sc_fetch_and_add3A_1484 = arith.constant 0 : i32
          %sc_fetch_and_add3A_1485 = tpu.fetch_and_add_sync %arg20[%sc_fetch_and_add3A_1483], %sc_fetch_and_add3A_1482, %sc_fetch_and_add3A_1484 : memref<1xi32, #tpu.memory_space<smem>>, i32 -> i32
          scf.yield %sc_fetch_and_add3A_1485 : i32
        }
        %rem3A_1451 = arith.constant 2 : i32
        %rem3A_1452 = arith.remsi %while3A_1450, %rem3A_1451 : i32
        "tpu.region"() ({
          %run_scoped3A = tpu.sem_alloc : memref<!tpu.dma_semaphore, #tpu.memory_space<semaphore_mem>>
          %dma_start3A = arith.constant 0 : i32
          %dma_start3A_1481 = arith.constant 0 : i32
          %dma_start3A_1482 = tpu.memref_slice %arg18[%rem3A_1452, %dma_start3A, %dma_start3A_1481] : memref<2x16x16xi32, #tpu.memory_space<vmem>> -> memref<1x16x16xi32, #tpu.memory_space<vmem>>
          %dma_start3A_1483 = tpu.memref_squeeze %dma_start3A_1482 : memref<1x16x16xi32, #tpu.memory_space<vmem>> -> memref<16x16xi32, #tpu.memory_space<vmem>>
          %dma_start3A_1484 = arith.constant 0 : i32
          %dma_start3A_1485 = arith.constant 0 : i32
          %dma_start3A_1486 = tpu.memref_slice %arg19[%rem3A_1430, %dma_start3A_1484, %dma_start3A_1485] : memref<2x16x16xi32, #tpu.memory_space<vmem_shared>> -> memref<1x16x16xi32, #tpu.memory_space<vmem_shared>>
          %dma_start3A_1487 = tpu.memref_squeeze %dma_start3A_1486 : memref<1x16x16xi32, #tpu.memory_space<vmem_shared>> -> memref<16x16xi32, #tpu.memory_space<vmem_shared>>
          %dma_start3A_1488 = arith.constant 0 : i32
          %dma_start3A_1489 = arith.constant 0 : i32
          %dma_start3A_1490 = tpu.memref_slice %arg18[%rem3A_1452, %dma_start3A_1488, %dma_start3A_1489] : memref<2x16x16xi32, #tpu.memory_space<vmem>> -> memref<1x16x16xi32, #tpu.memory_space<vmem>>
          %dma_start3A_1491 = tpu.memref_squeeze %dma_start3A_1490 : memref<1x16x16xi32, #tpu.memory_space<vmem>> -> memref<16x16xi32, #tpu.memory_space<vmem>>
          %dma_start3A_1492 = arith.constant 0 : i32
          %dma_start3A_1493 = arith.constant 0 : i32
          %dma_start3A_1494 = tpu.memref_slice %arg19[%rem3A_1430, %dma_start3A_1492, %dma_start3A_1493] : memref<2x16x16xi32, #tpu.memory_space<vmem_shared>> -> memref<1x16x16xi32, #tpu.memory_space<vmem_shared>>
          %dma_start3A_1495 = tpu.memref_squeeze %dma_start3A_1494 : memref<1x16x16xi32, #tpu.memory_space<vmem_shared>> -> memref<16x16xi32, #tpu.memory_space<vmem_shared>>
          tpu.enqueue_dma source(%dma_start3A_1495 : memref<16x16xi32, #tpu.memory_space<vmem_shared>>) target(%dma_start3A_1491 : memref<16x16xi32, #tpu.memory_space<vmem>>) target_semaphore(%run_scoped3A : memref<!tpu.dma_semaphore, #tpu.memory_space<semaphore_mem>>)
          %dma_wait3A = arith.constant 0 : i32
          %dma_wait3A_1496 = arith.constant 0 : i32
          %dma_wait3A_1497 = tpu.memref_slice %arg18[%rem3A_1452, %dma_wait3A, %dma_wait3A_1496] : memref<2x16x16xi32, #tpu.memory_space<vmem>> -> memref<1x16x16xi32, #tpu.memory_space<vmem>>
          %dma_wait3A_1498 = tpu.memref_squeeze %dma_wait3A_1497 : memref<1x16x16xi32, #tpu.memory_space<vmem>> -> memref<16x16xi32, #tpu.memory_space<vmem>>
          %dma_wait3A_1499 = arith.constant 0 : i32
          %dma_wait3A_1500 = arith.constant 0 : i32
          %dma_wait3A_1501 = tpu.memref_slice %arg19[%rem3A_1430, %dma_wait3A_1499, %dma_wait3A_1500] : memref<2x16x16xi32, #tpu.memory_space<vmem_shared>> -> memref<1x16x16xi32, #tpu.memory_space<vmem_shared>>
          %dma_wait3A_1502 = tpu.memref_squeeze %dma_wait3A_1501 : memref<1x16x16xi32, #tpu.memory_space<vmem_shared>> -> memref<16x16xi32, #tpu.memory_space<vmem_shared>>
          %dma_wait3A_1503 = arith.constant 0 : i32
          %dma_wait3A_1504 = arith.constant 0 : i32
          %dma_wait3A_1505 = tpu.memref_slice %arg18[%rem3A_1452, %dma_wait3A_1503, %dma_wait3A_1504] : memref<2x16x16xi32, #tpu.memory_space<vmem>> -> memref<1x16x16xi32, #tpu.memory_space<vmem>>
          %dma_wait3A_1506 = tpu.memref_squeeze %dma_wait3A_1505 : memref<1x16x16xi32, #tpu.memory_space<vmem>> -> memref<16x16xi32, #tpu.memory_space<vmem>>
          %dma_wait3A_1507 = arith.constant 0 : i32
          %dma_wait3A_1508 = arith.constant 0 : i32
          %dma_wait3A_1509 = tpu.memref_slice %arg19[%rem3A_1430, %dma_wait3A_1507, %dma_wait3A_1508] : memref<2x16x16xi32, #tpu.memory_space<vmem_shared>> -> memref<1x16x16xi32, #tpu.memory_space<vmem_shared>>
          %dma_wait3A_1510 = tpu.memref_squeeze %dma_wait3A_1509 : memref<1x16x16xi32, #tpu.memory_space<vmem_shared>> -> memref<16x16xi32, #tpu.memory_space<vmem_shared>>
          tpu.wait_dma2 semaphore(%run_scoped3A : memref<!tpu.dma_semaphore, #tpu.memory_space<semaphore_mem>>) src(%dma_wait3A_1510 : memref<16x16xi32, #tpu.memory_space<vmem_shared>>) dst(%dma_wait3A_1506 : memref<16x16xi32, #tpu.memory_space<vmem>>)
          tpu.yield
        }) : () -> ()
        %broadcast_in_dim3A_1453 = vector.broadcast %rem3A_1452 : i32 to vector<16xi32>
        %broadcast_in_dim3A_1454 = arith.constant 0 : i32
        %broadcast_in_dim3A_1455 = vector.broadcast %broadcast_in_dim3A_1454 : i32 to vector<16xi32>
        %gather3A_1456 = tpu.vector_load_idx %arg18[%broadcast_in_dim3A_1453, %iota3A, %broadcast_in_dim3A_1455] : memref<2x16x16xi32, #tpu.memory_space<vmem>>[vector<16xi32>, vector<16xi32>, vector<16xi32>], vector<16xi32>,
        %broadcast_in_dim3A_1457 = arith.constant 1 : i32
        %broadcast_in_dim3A_1458 = vector.broadcast %broadcast_in_dim3A_1457 : i32 to vector<16xi32>
        %gather3A_1459 = tpu.vector_load_idx %arg18[%broadcast_in_dim3A_1453, %iota3A, %broadcast_in_dim3A_1458] : memref<2x16x16xi32, #tpu.memory_space<vmem>>[vector<16xi32>, vector<16xi32>, vector<16xi32>], vector<16xi32>,
        %reduce_max3A_1460 = arith.constant true
        %reduce_max3A_1461 = vector.broadcast %reduce_max3A_1460 : i1 to vector<16xi1>
        %reduce_max3A_1462 = arith.constant -2147483648 : i32
        %reduce_max3A_1463 = vector.broadcast %reduce_max3A_1462 : i32 to vector<16xi32>
        %reduce_max3A_1464 = arith.xori %gather3A_1456, %reduce_max3A_1463 : vector<16xi32>
        %reduce_max3A_1465 = tpu.scan <max>, %reduce_max3A_1464 masked %reduce_max3A_1461 : vector<16xi32>, vector<16xi1> -> vector<16xi32>
        %reduce_max3A_1466 = arith.xori %reduce_max3A_1465, %reduce_max3A_1463 : vector<16xi32>
        %reduce_max3A_1467 = vector.extract %reduce_max3A_1466[15] : i32 from vector<16xi32>
        %eq3A_1468 = vector.broadcast %reduce_max3A_1467 : i32 to vector<16xi32>
        %eq3A_1469 = arith.cmpi eq, %gather3A_1456, %eq3A_1468 : vector<16xi32>
        %jit3A_1470 = arith.constant 5120 : i32
        %broadcast_in_dim3A_1471 = vector.broadcast %jit3A_1470 : i32 to vector<16xi32>
        %select_n3A_1472 = arith.select %eq3A_1469, %gather3A_1459, %broadcast_in_dim3A_1471 : vector<16xi1>, vector<16xi32>
        %reduce_min3A_1473 = arith.constant true
        %reduce_min3A_1474 = vector.broadcast %reduce_min3A_1473 : i1 to vector<16xi1>
        %reduce_min3A_1475 = arith.constant -2147483648 : i32
        %reduce_min3A_1476 = vector.broadcast %reduce_min3A_1475 : i32 to vector<16xi32>
        %reduce_min3A_1477 = arith.xori %select_n3A_1472, %reduce_min3A_1476 : vector<16xi32>
        %reduce_min3A_1478 = tpu.scan <min>, %reduce_min3A_1477 masked %reduce_min3A_1474 : vector<16xi32>, vector<16xi1> -> vector<16xi32>
        %reduce_min3A_1479 = arith.xori %reduce_min3A_1478, %reduce_min3A_1476 : vector<16xi32>
        %reduce_min3A_1480 = vector.extract %reduce_min3A_1479[15] : i32 from vector<16xi32>
        scf.yield %reduce_max3A_1467, %reduce_min3A_1480 : i32, i32
      }
      %scan3A_236 = arith.constant 416 : i32
      "tpu.region"() ({
        %run_scoped3A = tpu.sem_alloc : memref<!tpu.dma_semaphore, #tpu.memory_space<semaphore_mem>>
        %dma_start3A = tpu.memref_slice %arg8[%mul3A_2] : memref<5120xf32, #tpu.memory_space<hbm>> -> memref<320xf32, #tpu.memory_space<hbm>>
        %dma_start3A_242 = tpu.memref_slice %arg8[%mul3A_2] : memref<5120xf32, #tpu.memory_space<hbm>> -> memref<320xf32, #tpu.memory_space<hbm>>
        tpu.enqueue_dma source(%arg15 : memref<320xf32, #tpu.memory_space<vmem>>) target(%dma_start3A_242 : memref<320xf32, #tpu.memory_space<hbm>>) target_semaphore(%run_scoped3A : memref<!tpu.dma_semaphore, #tpu.memory_space<semaphore_mem>>)
        %dma_wait3A = tpu.memref_slice %arg8[%mul3A_2] : memref<5120xf32, #tpu.memory_space<hbm>> -> memref<320xf32, #tpu.memory_space<hbm>>
        %dma_wait3A_243 = tpu.memref_slice %arg8[%mul3A_2] : memref<5120xf32, #tpu.memory_space<hbm>> -> memref<320xf32, #tpu.memory_space<hbm>>
        tpu.wait_dma2 semaphore(%run_scoped3A : memref<!tpu.dma_semaphore, #tpu.memory_space<semaphore_mem>>) src(%arg15 : memref<320xf32, #tpu.memory_space<vmem>>) dst(%dma_wait3A_243 : memref<320xf32, #tpu.memory_space<hbm>>)
        tpu.yield
      }) : () -> ()
      "tpu.region"() ({
        %run_scoped3A = tpu.sem_alloc : memref<!tpu.dma_semaphore, #tpu.memory_space<semaphore_mem>>
        %dma_start3A = tpu.memref_slice %arg9[%mul3A_2] : memref<5120xf32, #tpu.memory_space<hbm>> -> memref<320xf32, #tpu.memory_space<hbm>>
        %dma_start3A_242 = tpu.memref_slice %arg9[%mul3A_2] : memref<5120xf32, #tpu.memory_space<hbm>> -> memref<320xf32, #tpu.memory_space<hbm>>
        tpu.enqueue_dma source(%arg16 : memref<320xf32, #tpu.memory_space<vmem>>) target(%dma_start3A_242 : memref<320xf32, #tpu.memory_space<hbm>>) target_semaphore(%run_scoped3A : memref<!tpu.dma_semaphore, #tpu.memory_space<semaphore_mem>>)
        %dma_wait3A = tpu.memref_slice %arg9[%mul3A_2] : memref<5120xf32, #tpu.memory_space<hbm>> -> memref<320xf32, #tpu.memory_space<hbm>>
        %dma_wait3A_243 = tpu.memref_slice %arg9[%mul3A_2] : memref<5120xf32, #tpu.memory_space<hbm>> -> memref<320xf32, #tpu.memory_space<hbm>>
        tpu.wait_dma2 semaphore(%run_scoped3A : memref<!tpu.dma_semaphore, #tpu.memory_space<semaphore_mem>>) src(%arg16 : memref<320xf32, #tpu.memory_space<vmem>>) dst(%dma_wait3A_243 : memref<320xf32, #tpu.memory_space<hbm>>)
        tpu.yield
      }) : () -> ()
      %eq3A_237 = arith.constant 0 : i32
      %eq3A_238 = arith.cmpi eq, %arg1, %eq3A_237 : i32
      %convert_element_type3A_239 = arith.extui %eq3A_238 : i1 to i32
      %cond3A_240 = arith.constant 0 : i32
      %cond3A_241 = arith.cmpi ne, %convert_element_type3A_239, %cond3A_240 : i32
      scf.if %cond3A_241 {
        %broadcast_in_dim3A_242 = vector.broadcast %scan3A_235#0 : i32 to vector<16xi32>
        %swap3A_243 = arith.constant 0 : index
        %swap3A_244 = tpu.vector_load %arg17[%swap3A_243] {strides = array<i32>} : memref<16xi32, #tpu.memory_space<vmem>>, vector<16xi32>,
        tpu.vector_store %arg17[%swap3A_243], %broadcast_in_dim3A_242 {strides = array<i32>} : memref<16xi32, #tpu.memory_space<vmem>>, vector<16xi32>,
        "tpu.region"() ({
          %run_scoped3A = tpu.sem_alloc : memref<!tpu.dma_semaphore, #tpu.memory_space<semaphore_mem>>
          tpu.enqueue_dma source(%arg17 : memref<16xi32, #tpu.memory_space<vmem>>) target(%arg10 : memref<16xi32, #tpu.memory_space<hbm>>) target_semaphore(%run_scoped3A : memref<!tpu.dma_semaphore, #tpu.memory_space<semaphore_mem>>)
          tpu.wait_dma2 semaphore(%run_scoped3A : memref<!tpu.dma_semaphore, #tpu.memory_space<semaphore_mem>>) src(%arg17 : memref<16xi32, #tpu.memory_space<vmem>>) dst(%arg10 : memref<16xi32, #tpu.memory_space<hbm>>)
          tpu.yield
        }) : () -> ()
      } else {
      }
    } else {
    }
    return
  }
}

module attributes {stable_mosaic.version = 14 : i64} {
  func.func @_conf_body(%arg0: memref<5120x1xf32, #tpu.memory_space<vmem>>, %arg1: memref<5120x80xf32, #tpu.memory_space<vmem>>, %arg2: memref<5120x1xf32, #tpu.memory_space<vmem>>) attributes {dimension_semantics = [], scalar_prefetch = 0 : i64, scratch_operands = 0 : i64, tpu.core_type = #tpu.core_type<tc>} {
    %get3A = arith.constant 0 : index
    %get3A_0 = arith.constant 0 : index
    %get3A_1 = vector.load %arg0[%get3A, %get3A_0] : memref<5120x1xf32, #tpu.memory_space<vmem>>, vector<5120x1xf32>
    %get3A_2 = arith.constant 0 : index
    %get3A_3 = arith.constant 0 : index
    %get3A_4 = vector.load %arg1[%get3A_2, %get3A_3] : memref<5120x80xf32, #tpu.memory_space<vmem>>, vector<5120x80xf32>
    %reduce_max3A = arith.constant dense<0xFF800000> : vector<5120xf32>
    %reduce_max3A_5 = vector.multi_reduction <maximumf>, %get3A_4, %reduce_max3A [1] : vector<5120x80xf32> to vector<5120xf32>
    %broadcast_in_dim3A = vector.shape_cast %reduce_max3A_5 : vector<5120xf32> to vector<5120x1xf32>
    %mul3A = arith.mulf %get3A_1, %broadcast_in_dim3A : vector<5120x1xf32>
    %swap3A = arith.constant 0 : index
    %swap3A_6 = arith.constant 0 : index
    %swap3A_7 = vector.load %arg2[%swap3A, %swap3A_6] : memref<5120x1xf32, #tpu.memory_space<vmem>>, vector<5120x1xf32>
    tpu.vector_store %arg2[%swap3A, %swap3A_6], %mul3A {strides = array<i32>} : memref<5120x1xf32, #tpu.memory_space<vmem>>, vector<5120x1xf32>,
    return
  }
}

module attributes {stable_mosaic.version = 14 : i64} {
  func.func @_asm_body(%arg0: memref<5000x4xf32, #tpu.memory_space<vmem>>, %arg1: memref<5000x1xf32, #tpu.memory_space<vmem>>, %arg2: memref<5000x1xf32, #tpu.memory_space<vmem>>, %arg3: memref<5000x5xf32, #tpu.memory_space<vmem>>) attributes {dimension_semantics = [], scalar_prefetch = 0 : i64, scratch_operands = 0 : i64, tpu.core_type = #tpu.core_type<tc>} {
    %get3A = arith.constant 0 : index
    %get3A_0 = arith.constant 0 : index
    %get3A_1 = vector.load %arg0[%get3A, %get3A_0] : memref<5000x4xf32, #tpu.memory_space<vmem>>, vector<5000x4xf32>
    %mul3A = arith.constant 6.400000e+02 : f32
    %mul3A_2 = vector.broadcast %mul3A : f32 to vector<5000x4xf32>
    %mul3A_3 = arith.mulf %get3A_1, %mul3A_2 : vector<5000x4xf32>
    %div3A = arith.constant 6.400000e+02 : f32
    %div3A_4 = vector.broadcast %div3A : f32 to vector<5000x4xf32>
    %div3A_5 = arith.divf %mul3A_3, %div3A_4 : vector<5000x4xf32>
    %get3A_6 = arith.constant 0 : index
    %get3A_7 = arith.constant 0 : index
    %get3A_8 = vector.load %arg2[%get3A_6, %get3A_7] : memref<5000x1xf32, #tpu.memory_space<vmem>>, vector<5000x1xf32>
    %mul3A_9 = vector.broadcast %get3A_8 : vector<5000x1xf32> to vector<5000x4xf32>
    %mul3A_10 = arith.mulf %div3A_5, %mul3A_9 : vector<5000x4xf32>
    %get3A_11 = arith.constant 0 : index
    %get3A_12 = arith.constant 0 : index
    %get3A_13 = vector.load %arg1[%get3A_11, %get3A_12] : memref<5000x1xf32, #tpu.memory_space<vmem>>, vector<5000x1xf32>
    %mul3A_14 = arith.mulf %get3A_13, %get3A_8 : vector<5000x1xf32>
    %concatenate3A = tpu.concatenate %mul3A_10, %mul3A_14 in 1 : vector<5000x4xf32>, vector<5000x1xf32> -> vector<5000x5xf32>
    %swap3A = arith.constant 0 : index
    %swap3A_15 = arith.constant 0 : index
    %swap3A_16 = vector.load %arg3[%swap3A, %swap3A_15] : memref<5000x5xf32, #tpu.memory_space<vmem>>, vector<5000x5xf32>
    tpu.vector_store %arg3[%swap3A, %swap3A_15], %concatenate3A {strides = array<i32>} : memref<5000x5xf32, #tpu.memory_space<vmem>>, vector<5000x5xf32>,
    return
  }
}

</mosaic_0001>

<sc_bundles>
// kernel: body.3.cloned.1.call-start
scs
__scs_entry_jumppad:
0x0: {  	(pc) =	sbr.rel $0x88, $3  }
0x1: {  	(tag) =	ssettag $0x0;
	lr =	simm.s32 $0x1  }
0x2: {  	[smem:$0x3F9E] =	sst lr;
	_ =	strace $0xD0000000  }
0x3: {  	_ = 	snop  }
0x4: {  	_ = 	snop  }
0x5: {  	_ = 	snop  }
0x6: {  	_ = 	snop  }
0x7: {  	_ = 	snop  }
__scs_overlays_trampoline_lowered:
0x8: {  	[smem:$0x3FAD] =	sst s0  }
0x9: {  	[smem:$0x3FAE] =	sst s1  }
0xa: {  	[smem:$0x3FAF] =	sst s2  }
0xb: {  	[smem:$0x3FB0] =	sst s3  }
0xc: {  	[smem:$0x3FB1] =	sst s4  }
0xd: {  	[smem:$0x3FB2] =	sst s5  }
0xe: {  	[smem:$0x3FB3] =	sst s6  }
0xf: {  	[smem:$0x3FB4] =	sst s7  }
0x10: {  	[smem:$0x3FB5] =	sst s8  }
0x11: {  	[smem:$0x3FB6] =	sst s9;
	s0 =	simm.s32 @!p0 $0x0  }
0x12: {  	s1 =	sld [smem:$0x3F9C];
	s0 =	simm.s32 @p0 $0x1  }
0x13: {  	[smem:$0x3FB7] =	sst s0;
	s0 =	simm.s32 @!p1 $0x0  }
0x14: {  	s2 =	sld [smem:$0x3F9B];
	s0 =	simm.s32 @p1 $0x1  }
0x15: {  	[smem:$0x3FB8] =	sst s0;
	s0 =	simm.s32 @!p2 $0x0  }
0x16: {  	s3 =	sld [smem:$0x3FDB];
	s0 =	simm.s32 @p2 $0x1  }
0x17: {  	s4 =	simm.s32 $0x1BF5;
	[smem:$0x3FBA] =	sst s0  }
0x18: {  	s0 =	sld [smem:$0x3F9D];
	_ =	swait.ge [sflag:s4], $0x0  }
0x19: {  	s7 =	sld [smem:$0x3F9E]  }
0x1a: {  	s8 =	sadd.s32 $0xFFFFE003, lr  }
0x1b: {  	s9 =	sadd.s32 $0xFFFFFEF7, lr;
	s5 =	simm.s32 $0xFFFFFFFF;
	p2 =	slt.u32 s8, $0xFFFFF086  }
0x1c: {  	p1 =	slt.u32 s9, $0xF7A;
	s5 =	simm.s32 @!p2 $0x0  }
0x1d: {  	s5 =	simm.s32 @p1 $0x1;
	p0 =	seq.s32 s7, s2  }
0x1e: {  	s7 =	smul.u32 @!p0 $0xF7A, s2;
	p2 =	seq.s32 @!p0 s5, $0x0  }
0x1f: {  	s9 =	smul.u32 $0xF7A, s1;
	s8 =	simm.s32 @!p0 $0x1BF5;
	p2 =	por !p2, p0  }
0x20: {  	[sflag:s8] =	ssyncset.s32 @!p0 $0xFFFFF086;
	s6 =	sadd.s32 @!p0 s3, s7;
	s7 =	simm.s32 @!p0 $0x108  }
0x21: {  	s3 =	sadd.s32 s3, s9;
	s6 =	sadd.s32 @!p0 $0x88, s6;
	s7 =	simm.s32 @p2 $0x1082  }
0x22: {  	[simem:s7], [sflag:s8] =	dma.local @!p0 [hbm:s6], $0xF7A  }
0x23: {  	s9 =	sor.u32 $0xD0000000, s2;
	s6 =	simm.s32 $0x108;
	_ =	swait.ge @!p0 [sflag:s8], $0x0  }
0x24: {  	s3 =	sadd.s32 $0x88, s3;
	s6 =	simm.s32 @!p1 $0x1082;
	[sflag:s4] =	ssyncset.s32 $0xFFFFF086  }
0x25: {  	[simem:s6], [sflag:s4] =	dma.local [hbm:s3], $0xF7A  }
0x26: {  	[smem:$0x3F9E] =	sst s1;
	(tag) =	ssettag s2;
	_ =	strace s9  }
0x27: {  	s1 =	sld [smem:$0x3FAE]  }
0x28: {  	s2 =	sld [smem:$0x3FAF]  }
0x29: {  	s4 =	sld [smem:$0x3FB1]  }
0x2a: {  	p0 =	seq.s32 s5, $0x0;
	s5 =	sld [smem:$0x3FB2]  }
0x2b: {  	s6 =	sld [smem:$0x3FB3]  }
0x2c: {  	s7 =	sld [smem:$0x3FB4]  }
0x2d: {  	s3 =	simm.s32 $0x108;
	s8 =	sld [smem:$0x3FB5]  }
0x2e: {  	s3 =	simm.s32 @!p0 $0x1082;
	s9 =	sld [smem:$0x3FB6]  }
0x2f: {  	lr =	sadd.s32 s0, s3;
	s0 =	sld [smem:$0x3FAD]  }
0x30: {  	s3 =	sld [smem:$0x3FB0]  }
0x31: {  	[smem:$0x3FB9] =	sst s10  }
0x32: {  	s10 =	sld [smem:$0x3FB7];
	_ =	sdelay $0x3  }
0x33: {  	p0 =	seq.s32 s10, $0x1;
	s10 =	sld [smem:$0x3FB9];
	_ =	sdelay $0x3  }
0x34: {  	[smem:$0x3FB9] =	sst s10  }
0x35: {  	s10 =	sld [smem:$0x3FB8];
	_ =	sdelay $0x3  }
0x36: {  	p1 =	seq.s32 s10, $0x1;
	s10 =	sld [smem:$0x3FB9];
	_ =	sdelay $0x3  }
0x37: {  	[smem:$0x3FB9] =	sst s10  }
0x38: {  	s10 =	sld [smem:$0x3FBA]  }
0x39: {  	_ = 	snop;
	(pc) =	sbr.ind lr, $3  }
0x3a: {  	_ = 	snop  }
0x3b: {  	_ = 	snop  }
0x3c: {  	p2 =	seq.s32 s10, $0x1;
	s10 =	sld [smem:$0x3FB9]  }
0x3d: {  	_ =	shalt  }
0x3e: {  	_ =	shalt  }
0x3f: {  	_ =	shalt  }
0x40: {  	_ =	shalt  }
0x41: {  	_ =	shalt  }
0x42: {  	_ =	shalt  }
0x43: {  	_ =	shalt  }
0x44: {  	_ =	shalt  }
0x45: {  	_ =	shalt  }
0x46: {  	_ =	shalt  }
0x47: {  	_ =	shalt  }
0x48: {  	_ =	shalt  }
0x49: {  	_ =	shalt  }
0x4a: {  	_ =	shalt  }
0x4b: {  	_ =	shalt  }
0x4c: {  	_ =	shalt  }
0x4d: {  	_ =	shalt  }
0x4e: {  	_ =	shalt  }
0x4f: {  	_ =	shalt  }
0x50: {  	_ =	shalt  }
0x51: {  	_ =	shalt  }
0x52: {  	_ =	shalt  }
0x53: {  	_ =	shalt  }
0x54: {  	_ =	shalt  }
0x55: {  	_ =	shalt  }
0x56: {  	_ =	shalt  }
0x57: {  	_ =	shalt  }
0x58: {  	_ =	shalt  }
0x59: {  	_ =	shalt  }
0x5a: {  	_ =	shalt  }
0x5b: {  	_ =	shalt  }
0x5c: {  	_ =	shalt  }
0x5d: {  	_ =	shalt  }
0x5e: {  	_ =	shalt  }
0x5f: {  	_ =	shalt  }
0x60: {  	_ =	shalt  }
0x61: {  	_ =	shalt  }
0x62: {  	_ =	shalt  }
0x63: {  	_ =	shalt  }
0x64: {  	_ =	shalt  }
0x65: {  	_ =	shalt  }
0x66: {  	_ =	shalt  }
0x67: {  	_ =	shalt  }
0x68: {  	_ =	shalt  }
0x69: {  	_ =	shalt  }
0x6a: {  	_ =	shalt  }
0x6b: {  	_ =	shalt  }
0x6c: {  	_ =	shalt  }
0x6d: {  	_ =	shalt  }
0x6e: {  	_ =	shalt  }
0x6f: {  	_ =	shalt  }
0x70: {  	_ =	shalt  }
0x71: {  	_ =	shalt  }
0x72: {  	_ =	shalt  }
0x73: {  	_ =	shalt  }
0x74: {  	_ =	shalt  }
0x75: {  	_ =	shalt  }
0x76: {  	_ =	shalt  }
0x77: {  	_ =	shalt  }
0x78: {  	_ =	shalt  }
0x79: {  	_ =	shalt  }
0x7a: {  	_ =	shalt  }
0x7b: {  	_ =	shalt  }
0x7c: {  	_ =	shalt  }
0x7d: {  	_ =	shalt  }
0x7e: {  	_ =	shalt  }
0x7f: {  	_ =	shalt  }
0x80: {  	_ =	shalt  }
0x81: {  	_ =	shalt  }
0x82: {  	_ =	shalt  }
0x83: {  	_ =	shalt  }
0x84: {  	_ =	shalt  }
0x85: {  	_ =	shalt  }
0x86: {  	_ =	shalt  }
0x87: {  	_ =	shalt  }
.Lfunc_end0:
.L_simem_size_0:
called_computation_lowered:
.L_overlay_start_0:
0x88: {  	s2 =	sld [smem:$0x3FD9]  }
0x89: {  	s3 =	sld [smem:$0x3FFE];
	_ =	sdelay $0x1  }
0x8a: {  	s1 =	srdreg.scid  }
0x8b: {  	s0 =	sand.u32 $0x1, s1  }
0x8c: {  	s17 =	sshll.u32 s0, $0xA;
	s2 =	sadd.s32 s3, s2  }
0x8d: {  	s2 =	sadd.s32 s2, s17  }
0x8e: {  	[smem:$0x3FC5] =	sst s2  }
0x8f: {  	_ = 	snop  }
0x90: {  	s2 =	sld [smem:$0x3FD0];
	(tm) =	ssettm $0x1  }
0x91: {  	s18 =	sld [smem:$0x3FFB];
	_ =	sdelay $0x3  }
0x92: {  	_ =	strace s18  }
0x93: {  	s3 =	sld [smem:$0x3FFC];
	_ =	sdelay $0x3  }
0x94: {  	_ =	strace s3  }
0x95: {  	s3 =	sld [smem:$0x3FFD];
	_ =	sdelay $0x3  }
0x96: {  	_ =	strace s3  }
0x97: {  	_ =	strace $0x8FFFFFFF  }
0x98: {  	s19 =	sld [smem:$0x3FDB];
	_ =	sdelay $0x1  }
0x99: {  	s4 =	simm.s32 $_scs_section_size  }
0x9a: {  	s5 =	simm.s32 $_size__tile_overlayer_lowered;
	s6 =	simm.s32 $_tile_overlayer_lowered  }
0x9b: {  	s22 =	simm.s32 $0x1BFF;
	s21 =	sshll.u32 s6, $0x1;
	s3 =	sadd.s32 s4, s19  }
0x9c: {  	s7 =	simm.s32 $0x0;
	s20 =	sshll.u32 s5, $0x1;
	s5 =	sadd.s32 s21, s3  }
0x9d: {  	[timem:s7], [sflag:s22] =	dma.local [hbm:s5], s20  }
0x9e: {  	_ =	swait.ge [sflag:s22], s20  }
0x9f: {  	s4 =	ssub.s32 $0x0, s20;
	[sflag:s22] =	ssyncset.done $0x0  }
0xa0: {  	[sflag:s22] =	ssyncadd.s32 s4;
	_ =	sdelay $0x1  }
0xa1: {  	s23 =	simm.s32 $0x1B8B  }
0xa2: {  	_ =	swait.ge [sflag:s23], $0x1  }
0xa3: {  	[sflag:s23] =	ssyncset.done $0x0  }
0xa4: {  	s25 =	simm.s32 $0x1B8E;
	s24 =	sld [smem:$0x3FFE];
	[sflag:s23] =	ssyncadd.s32 $0xFFFFFFFF  }
0xa5: {  	s26 =	simm.s32 $execute0_lowered;
	[smem:$0x3FD2] =	sst s25  }
0xa6: {  	s5 =	sshll.u32 s26, $0x1;
	_ =	strace $0x80000046;
	[dreg:$0x1] =	wrdreg $0xFFFFFFFF  }
0xa7: {  	s28 =	simm.s32 $_size_execute0_lowered;
	s3 =	sadd.s32 s3, s5;
	[dreg:$0x0] =	wrdreg $0x0  }
0xa8: {  	s5 =	sshll.u32 s28, $0x1;
	[dreg:$0x2] =	wrdreg s3  }
0xa9: {  	[dreg:$0x3] =	wrdreg s5  }
0xaa: {  	[dreg:$0x4] =	wrdreg $0xC0  }
0xab: {  	_ =	task [dreg:s7], $0x5FFFF  }
0xac: {  	[dreg:$0x1] =	wrdreg $0xFFFFFFFF  }
0xad: {  	[dreg:$0x0] =	wrdreg $0x60  }
0xae: {  	[dreg:$0x2] =	wrdreg s24  }
0xaf: {  	[dreg:$0x3] =	wrdreg s2  }
0xb0: {  	[dreg:$0x4] =	wrdreg $0x63800  }
0xb1: {  	[dreg:$0x5] =	wrdreg $0x9  }
0xb2: {  	_ =	task.clear_ibuf [dreg:s7], $0x6FFFF;
	_ =	strace $0x90000046  }
0xb3: {  	s29 =	simm.s32 $0x9;
	_ =	strace $0x80000048  }
0xb4: {  	_ =	swait.ge [sflag:s29], $0x1  }
0xb5: {  	[sflag:s29] =	ssyncadd.s32 $0xFFFFFFFF  }
0xb6: {  	_ =	strace $0x90000048  }
0xb7: {  	_ =	sfence  }
0xb8: {  	s30 =	sld [smem:$0x0];
	_ =	sdelay $0x2  }
0xb9: {  	s31 =	sshll.u32 s1, $0xD;
	s1 =	sshrl.u32 s1, $0x2  }
0xba: {  	s3 =	sand.u32 $0x4000, s31;
	s1 =	sadd.s32 s1, s30  }
0xbb: {  	s0 =	sor.u32 s3, s0;
	s1 =	sshll.u32 s1, $0x11  }
0xbc: {  	s0 =	sor.u32 s1, s0  }
0xbd: {  	s0 =	sadd.s32 $0x8F2B, s0  }
0xbe: {  	[sflag:s0] =	ssyncadd.remote.s32 $0x1  }
0xbf: {  	_ =	sfence.sel $0xFFFF  }
0xc0: {  	[dreg:$0x0] =	wrdreg $0xFFFFFFFF;
	(pc) =	sbr.abs _section_cstart, $3  }
0xc1: {  	[dreg:$0x1] =	wrdreg $0xFFFFFFFF  }
0xc2: {  	_ =	task.clear_ibuf [dreg:s7], $0x2FFFF;
	_ =	strace $0x9FFFFFFF  }
0xc3: {  	(tm) =	ssettm $0x7FFFFFFF  }
tec
execute0_lowered:
.L_overlay_start_1:
0x0: {  	(tag) =	ssettag $0x1  }
0x1: {  	s0 =	rddreg [dreg:$0x0]  }
0x2: {  	s4 =	rddreg [dreg:$0x1]  }
0x3: {  	s8 =	rddreg [dreg:$0x2];
	s3 =	simm.s32 $0x0  }
0x4: {  	[smem:$0x7FF] =	sst s3  }
0x5: {  	s5 =	rddreg [dreg:$0x3];
	v0 =	vimm.f32 $2.000000000e+00;
	_ =	strace $0x80000047  }
0x6: {  	(erf) = vrcp.f32 v0;
	_ =	sdelay $0x1  }
0x7: {  	s1 =	srdreg.scid  }
0x8: {  	s2 =	sand.u32 $0x1, s1  }
0x9: {  	p1 =	seq.s32 s2, $0x1  }
.Ltmp0:
0xa: {  	_ = 	snop;
	(pc) =	sbr.rel @p1 .LBB2_10-.Ltmp0, $3  }
0xb: {  	_ =	sdelay $0x1  }
0xc: {  	s1 =	stileid.u32  }
0xd: {  	p0 =	sne.s32 s1, $0x0;
	v20 =	vpop (erf)  }
0xe: {  	s2 =	sadd.s32 $0x1C00, s0;
	s5 =	simm.s32 $0x3  }
0xf: {  	[tilespmem:s3], [sflag:$0x3] =	stream.linear.gather [hbm4b:s2+s3], $0x1400, $0x38;
	[tilespmem:$0x63A0] =	vst v63  }
0x10: {  	_ =	swait.ge [sflag:s5], $0x1400  }
0x11: {  	[sflag:s5] =	ssyncset.done $0x0  }
0x12: {  	s18 =	sadd.s32 $0x1400, s0;
	s6 =	simm.s32 $0x1400;
	[sflag:s5] =	ssyncadd.s32 $0xFFFFEC00  }
0x13: {  	[tilespmem:s6], [sflag:$0x3] =	stream.linear.gather [hbm4b:s18+s3], $0x1400, $0x38;
	[tilespmem:$0x63A0] =	vst v63  }
0x14: {  	_ =	swait.ge [sflag:s5], $0x1400  }
0x15: {  	[sflag:s5] =	ssyncset.done $0x0  }
0x16: {  	s19 =	sadd.s32 $0x1800, s0;
	s20 =	simm.s32 $0x2800;
	[sflag:s5] =	ssyncadd.s32 $0xFFFFEC00  }
0x17: {  	[tilespmem:s20], [sflag:$0x3] =	stream.linear.gather [hbm4b:s19+s3], $0x1400, $0x38;
	[tilespmem:$0x63A0] =	vst v63  }
0x18: {  	_ =	swait.ge [sflag:s5], $0x1400  }
0x19: {  	[sflag:s5] =	ssyncset.done $0x0  }
0x1a: {  	s21 =	simm.s32 $0x3C00;
	s2 =	smul.u32 $0x140, s1;
	[sflag:s5] =	ssyncadd.s32 $0xFFFFEC00  }
0x1b: {  	[tilespmem:s21], [sflag:$0x3] =	stream.linear.gather [hbm4b:s4+s3], $0x1400, $0x38;
	[tilespmem:$0x63A0] =	vst v63  }
0x1c: {  	_ =	swait.ge [sflag:s5], $0x1400  }
0x1d: {  	s22 =	sadd.s32 $0x2000, s0;
	s23 =	sshrl.u32 s2, $0x3;
	[sflag:s5] =	ssyncset.done $0x0  }
0x1e: {  	s7 =	simm.s32 $0x5000;
	s4 =	sadd.s32 s22, s23;
	[sflag:s5] =	ssyncadd.s32 $0xFFFFEC00  }
0x1f: {  	[tilespmem:s7], [sflag:$0x3] =	stream.linear.gather [hbm4b:s4+s3], $0x140, $0x38;
	[tilespmem:$0x63A0] =	vst v63  }
0x20: {  	_ =	swait.ge [sflag:s5], $0x140  }
0x21: {  	s24 =	sadd.s32 $0x2400, s0;
	[sflag:s5] =	ssyncset.done $0x0  }
0x22: {  	s25 =	simm.s32 $0x5180;
	s4 =	sadd.s32 s24, s23;
	[sflag:s5] =	ssyncadd.s32 $0xFFFFFEC0  }
0x23: {  	[tilespmem:s25], [sflag:$0x3] =	stream.linear.gather [hbm4b:s4+s3], $0x140, $0x38;
	[tilespmem:$0x63A0] =	vst v63  }
0x24: {  	_ =	swait.ge [sflag:s5], $0x140  }
0x25: {  	[sflag:s5] =	ssyncset.done $0x0  }
0x26: {  	s3 =	simm.s32 @!p0 $0x0;
	[sflag:s5] =	ssyncadd.s32 $0xFFFFFEC0  }
0x27: {  	[smem:$0x0] =	sst @!p0 s3  }
0x28: {  	s3 =	simm.s32 $0x0;
	[bflag:$0x0] =	sbarrier.arrive $0xFFFF  }
0x29: {  	v2 =	vld [tilespmem:s3+$0x2800]  }
0x2a: {  	s26 =	sadd.s32 $0x3000, s0;
	v4 =	vld [tilespmem:s3+$0x3C00]  }
0x2b: {  	v19 =	vlaneseq.u32;
	s9 =	sadd.s32 $0x50, s2;
	s28 =	sadd.s32 $0x80, s2;
	s10 =	sadd.s32 $0x60, s2;
	v5 =	vld [tilespmem:s3+$0x0]  }
0x2c: {  	v0 =	vor.u32 s2, v19;
	s13 =	sadd.s32 $0x90, s2;
	s14 =	sadd.s32 $0xA0, s2;
	s15 =	sadd.s32 $0xB0, s2;
	v6 =	vld [tilespmem:s3+$0x1400]  }
0x2d: {  	s11 =	sadd.s32 $0x70, s2;
	s16 =	sadd.s32 $0xC0, s2;
	v9 =	vor.u32 s13, v19;
	v10 =	vor.u32 s14, v19;
	v11 =	vor.u32 s15, v19;
	s18 =	sadd.s32 $0xE0, s2  }
0x2e: {  	v12 =	vor.u32 s16, v19;
	v14 =	vor.u32 s18, v19;
	s24 =	sadd.s32 s23, s0;
	s7 =	sor.u32 $0x30, s2;
	s23 =	sadd.s32 $0x120, s2;
	v7 =	vmul.f32 $6.400000000e+02, v2  }
0x2f: {  	s17 =	sadd.s32 $0xD0, s2;
	s12 =	sand.u32 $0x3F80, s28;
	v3 =	vor.u32 s7, v19;
	v18 =	vor.u32 s23, v19;
	s5 =	sor.u32 $0x10, s2;
	v8 =	vmul.f32 $6.400000000e+02, v4  }
0x30: {  	s6 =	sor.u32 $0x20, s2;
	s20 =	sand.u32 $0x40, s2;
	s19 =	sadd.s32 $0xF0, s2;
	v1 =	vor.u32 s5, v19;
	v22 =	vmul.f32 $6.400000000e+02, v5;
	v23 =	vmul.f32 v7, v20  }
0x31: {  	s12 =	sor.u32 s20, s12;
	s0 =	sadd.s32 $0x800, s8;
	s8 =	sadd.s32 $0x40, s2;
	v2 =	vor.u32 s6, v19;
	v15 =	vmul.f32 $6.400000000e+02, v6;
	v16 =	vmul.f32 v8, v20  }
0x32: {  	s22 =	sadd.s32 $0x110, s2;
	s21 =	simm.s32 $0x10;
	s30 =	sadd.s32 $0x2800, s24;
	v4 =	vor.u32 s8, v19;
	v5 =	vor.u32 s9, v19;
	v13 =	vadd.f32 v23, v22  }
0x33: {  	s31 =	sadd.s32 $0x2C00, s24;
	s24 =	simm.s32 $0x80;
	s25 =	sadd.s32 $0x100, s2;
	v6 =	vor.u32 s10, v19;
	v7 =	vor.u32 s11, v19;
	v17 =	vadd.f32 v16, v15  }
0x34: {  	s4 =	sshll.u32 s1, $0x7;
	s29 =	sand.u32 $0x3F80, s25;
	[dreg:$0x4] =	wrdreg s26;
	v8 =	vor.u32 s28, v19;
	v24 =	vsub.f32 v15, v16;
	v15 =	vor.u32 s19, v19;
	[tilespmem:s3+$0x2800] =	vst v13  }
0x35: {  	s1 =	sadd.s32 s4, s0;
	[dreg:$0x6] =	wrdreg s30;
	v16 =	vor.u32 s25, v19;
	s25 =	sadd.s32 $0x130, s2;
	v22 =	vsub.f32 v22, v23;
	v13 =	vor.u32 s17, v19;
	[tilespmem:s3+$0x3C00] =	vst v17  }
0x36: {  	s20 =	sor.u32 s20, s29;
	[dreg:$0x5] =	wrdreg s31;
	s26 =	sadd.s32 $0x140, s2;
	v17 =	vor.u32 s22, v19;
	v19 =	vor.u32 s25, v19;
	v21 =	vld [tilespmem:s21+$0x2800];
	[tilespmem:s3+$0x1400] =	vst v24  }
.LBB2_2:
0x37: {  	p1 =	sne.s32 s24, $0x4FC0;
	v23 =	vld [tilespmem:s21+$0x3C00];
	[tilespmem:s3+$0x0] =	vst v22;
	s3 =	smov.u32 s21  }
0x38: {  	v22 =	vld [tilespmem:s3+$0x0]  }
0x39: {  	v24 =	vld [tilespmem:s3+$0x1400];
	_ =	sdelay $0x1  }
0x3a: {  	v21 =	vmul.f32 $6.400000000e+02, v21  }
0x3b: {  	v23 =	vmul.f32 $6.400000000e+02, v23  }
0x3c: {  	v25 =	vmul.f32 $6.400000000e+02, v22;
	v21 =	vmul.f32 v21, v20  }
0x3d: {  	v24 =	vmul.f32 $6.400000000e+02, v24;
	v23 =	vmul.f32 v23, v20  }
.Ltmp1:
0x3e: {  	v22 =	vsub.f32 v25, v21;
	v21 =	vadd.f32 v21, v25;
	(pc) =	sbr.rel @p1 .LBB2_2-.Ltmp1, $4  }
0x3f: {  	v25 =	vsub.f32 v24, v23;
	v23 =	vadd.f32 v23, v24  }
0x40: {  	[tilespmem:s3+$0x2800] =	vst v21  }
0x41: {  	s21 =	sshra.s32 s24, $0x2;
	[tilespmem:s3+$0x3C00] =	vst v23  }
0x42: {  	s24 =	sadd.s32 $0x40, s24;
	v21 =	vld [tilespmem:s21+$0x2800];
	[tilespmem:s3+$0x1400] =	vst v25  }
0x43: {  	v23 =	vld [tilespmem:s21+$0x3C00];
	[tilespmem:s3+$0x0] =	vst v22  }
0x44: {  	v22 =	vld [tilespmem:s21+$0x0];
	_ =	sdelay $0x1  }
0x45: {  	v24 =	vld [tilespmem:s21+$0x1400]  }
0x46: {  	v21 =	vmul.f32 $6.400000000e+02, v21  }
0x47: {  	v23 =	vmul.f32 $6.400000000e+02, v23  }
0x48: {  	v22 =	vmul.f32 $6.400000000e+02, v22;
	v21 =	vmul.f32 v21, v20;
	_ =	sdelay $0x1  }
0x49: {  	v24 =	vmul.f32 $6.400000000e+02, v24;
	v20 =	vmul.f32 v23, v20;
	v35 =	vadd.f32 v21, v22  }
0x4a: {  	v21 =	vsub.f32 v22, v21  }
0x4b: {  	v25 =	vadd.f32 v20, v24;
	[tilespmem:s21+$0x2800] =	vst v35  }
0x4c: {  	v20 =	vsub.f32 v24, v20;
	[tilespmem:s21+$0x0] =	vst v21  }
0x4d: {  	[tilespmem:s21+$0x3C00] =	vst v25  }
0x4e: {  	[tilespmem:s21+$0x1400] =	vst v20  }
0x4f: {  	v20 =	vld [tilespmem:$0x5000];
	_ =	sdelay $0x1  }
0x50: {  	v21 =	vld [tilespmem:$0x5010];
	_ =	sdelay $0x1  }
0x51: {  	v36 =	vld [tilespmem:$0x5020]  }
0x52: {  	vm0 =	vgt.f32 v20, $-3.000000000e+00  }
0x53: {  	v23 =	vld [tilespmem:$0x5030];
	v20 =	vnsel vm0, $0xC0400000, v20  }
0x54: {  	vm0 =	vgt.f32 v21, v20  }
0x55: {  	v37 =	vimm.s32 $0x0;
	v38 =	vld [tilespmem:$0x5040];
	v20 =	vsel vm0, v21, v20  }
0x56: {  	v24 =	vsel vm0, $0xFFFFFFFF, v37;
	vm0 =	vgt.f32 v36, v20  }
0x57: {  	v39 =	vimm.s32 $0x0;
	v40 =	vld [tilespmem:$0x5050];
	v20 =	vsel vm0, v36, v20  }
0x58: {  	[tilespmem:$0x1FFC0] =	vst v24;
	v24 =	vsel vm0, $0xFFFFFFFF, v39;
	vm0 =	vgt.f32 v23, v20  }
0x59: {  	v41 =	vimm.s32 $0x0;
	v42 =	vld [tilespmem:$0x5060];
	v20 =	vsel vm0, v23, v20  }
0x5a: {  	[tilespmem:$0x1FFD0] =	vst v24;
	v24 =	vsel vm0, $0xFFFFFFFF, v41;
	vm0 =	vgt.f32 v38, v20  }
0x5b: {  	v44 =	vld [tilespmem:$0x5070];
	v20 =	vsel vm0, v38, v20  }
0x5c: {  	vm4 =	vgt.f32 v40, v20  }
0x5d: {  	v45 =	vld [tilespmem:$0x5080];
	v20 =	vsel vm4, v40, v20  }
0x5e: {  	vm5 =	vgt.f32 v42, v20  }
0x5f: {  	v46 =	vld [tilespmem:$0x5090];
	v20 =	vsel vm5, v42, v20  }
0x60: {  	vm6 =	vgt.f32 v44, v20  }
0x61: {  	v47 =	vld [tilespmem:$0x50A0];
	v20 =	vsel vm6, v44, v20  }
0x62: {  	vm7 =	vgt.f32 v45, v20  }
0x63: {  	v48 =	vld [tilespmem:$0x50B0];
	v20 =	vsel vm7, v45, v20  }
0x64: {  	vm8 =	vgt.f32 v46, v20  }
0x65: {  	v49 =	vld [tilespmem:$0x50C0];
	v20 =	vsel vm8, v46, v20  }
0x66: {  	vm9 =	vgt.f32 v47, v20  }
0x67: {  	v50 =	vld [tilespmem:$0x50D0];
	v20 =	vsel vm9, v47, v20  }
0x68: {  	vm10 =	vgt.f32 v48, v20  }
0x69: {  	v51 =	vld [tilespmem:$0x50E0];
	v20 =	vsel vm10, v48, v20  }
0x6a: {  	vm11 =	vgt.f32 v49, v20  }
0x6b: {  	v52 =	vld [tilespmem:$0x50F0];
	v20 =	vsel vm11, v49, v20  }
0x6c: {  	vm12 =	vgt.f32 v50, v20  }
0x6d: {  	v53 =	vld [tilespmem:$0x5100];
	v20 =	vsel vm12, v50, v20  }
0x6e: {  	vm13 =	vgt.f32 v51, v20  }
0x6f: {  	v54 =	vld [tilespmem:$0x5110];
	v20 =	vsel vm13, v51, v20  }
0x70: {  	vm14 =	vgt.f32 v52, v20  }
0x71: {  	v55 =	vld [tilespmem:$0x5120];
	v20 =	vsel vm14, v52, v20  }
0x72: {  	vm15 =	vgt.f32 v53, v20  }
0x73: {  	v56 =	vld [tilespmem:$0x5130];
	v20 =	vsel vm15, v53, v20  }
0x74: {  	vm2 =	vgt.f32 v54, v20  }
0x75: {  	v43 =	vimm.s32 $0x0;
	v20 =	vsel vm2, v54, v20  }
0x76: {  	[tilespmem:$0x1FFE0] =	vst v24;
	v24 =	vsel vm0, $0xFFFFFFFF, v43;
	vm0 =	vgt.f32 v55, v20  }
0x77: {  	v20 =	vsel vm0, v55, v20  }
0x78: {  	vm1 =	vgt.f32 v56, v20  }
0x79: {  	v20 =	vsel vm1, v56, v20  }
0x7a: {  	vm3 =	vge.f32 v20, $0.0e+00  }
0x7b: {  	v59 =	vld [tilespmem:$0x1FFC0];
	v20 =	vnsel vm3, $0xFFFFFFFF, v20  }
0x7c: {  	v60 =	vld [tilespmem:$0x1FFD0];
	v57 =	vxor.u32 $0x80000000, v20  }
0x7d: {  	v61 =	vld [tilespmem:$0x1FFE0];
	[tilespmem:$0x1FFF0] =	vst v24;
	(xrf0) =	vmax.scan.msk.u32 $0xffff, v57  }
0x7e: {  	v63 =	vld [tilespmem:$0x1FFF0];
	_ =	sdelay $0x1  }
0x7f: {  	v58 =	vimm.s32 $0x0;
	vm3 =	vnez.u8 v59  }
0x80: {  	v21 =	vsel vm3, $0x10, v58;
	vm3 =	vnez.u8 v60  }
0x81: {  	v21 =	vsel vm3, $0x20, v21;
	vm3 =	vnez.u8 v61  }
0x82: {  	v21 =	vsel vm3, $0x30, v21;
	vm3 =	vnez.u8 v63;
	v62, _, _ =	vpop (xrf0)  }
0x83: {  	v21 =	vsel vm3, $0x40, v21;
	(v2sf) =	vpush v62, $0xF  }
0x84: {  	v21 =	vsel vm4, $0x50, v21  }
0x85: {  	v21 =	vsel vm5, $0x60, v21  }
0x86: {  	v21 =	vsel vm6, $0x70, v21  }
0x87: {  	v21 =	vsel vm7, $0x80, v21  }
0x88: {  	v21 =	vsel vm8, $0x90, v21  }
0x89: {  	v21 =	vsel vm9, $0xA0, v21  }
0x8a: {  	v21 =	vsel vm10, $0xB0, v21  }
0x8b: {  	v21 =	vsel vm11, $0xC0, v21  }
0x8c: {  	v21 =	vsel vm12, $0xD0, v21  }
0x8d: {  	v21 =	vsel vm13, $0xE0, v21  }
0x8e: {  	v21 =	vsel vm14, $0xF0, v21  }
0x8f: {  	v21 =	vsel vm15, $0x100, v21  }
0x90: {  	v21 =	vsel vm2, $0x110, v21  }
0x91: {  	v21 =	vsel vm0, $0x120, v21  }
0x92: {  	v21 =	vsel vm1, $0x130, v21;
	s21 =	spop (v2sf)  }
0x93: {  	v21 =	vadd.s32 v21, v0;
	s3 =	sxor.u32 $0x80000000, s21  }
0x94: {  	vm13 =	veq.s32 v20, s3;
	v20 =	vxor.u32 $0x80000000, v21  }
0x95: {  	v20 =	vnsel vm13, $0x80001400, v20  }
0x96: {  	(xrf0) =	vmin.scan.msk.u32 $0xffff, v20;
	_ =	sdelay $0x5  }
0x97: {  	v20, _, _ =	vpop (xrf0)  }
0x98: {  	(v2sf) =	vpush v20, $0xF;
	_ =	sdelay $0xe  }
0x99: {  	vm14 =	vcmask $0x300;
	v20 =	vmov s3;
	s24 =	spop (v2sf)  }
0x9a: {  	vm15 =	vcmask $0x704;
	v20 =	vnsel vm14, $0x0, v20;
	s28 =	sxor.u32 $0x80000000, s24  }
0x9b: {  	v20 =	vsel vm15, s28, v20  }
0x9c: {  	s29 =	simm.s32 $0x5300;
	s30 =	simm.s32 $0x3;
	[tilespmem:$0x5300] =	vst v20  }
0x9d: {  	[spmem:s1] =	stream.linear.scatter [tilespmem:s29], [sflag:$0x3], $0x80, $0x38;
	[tilespmem:$0x63A0] =	vst v63  }
0x9e: {  	_ =	swait.ge [sflag:s30], $0x80  }
0x9f: {  	[sflag:s30] =	ssyncset.done $0x0  }
0xa0: {  	s31 =	simm.s32 $0x1;
	[sflag:s30] =	ssyncadd.s32 $0xFFFFFF80  }
0xa1: {  	s1 =	simm.s32 $0x0;
	[sflag:s31] =	ssyncset.done $0x0  }
0xa2: {  	[smem:s1], [sflag:$0x1] =	smem.add.s32 $0x1  }
0xa3: {  	_ =	swait.done [sflag:s31]  }
0xa4: {  	[sflag:s31] =	ssyncset.s32 $0x0  }
0xa5: {  	s3 =	simm.s32 $0x2;
	[sflag:s31] =	ssyncset.done $0x0  }
.LBB2_4:
0xa6: {  	[sflag:s3] =	ssyncset.done $0x0  }
0xa7: {  	[smem:s1], [sflag:$0x2] =	smem.add.s32 $0x0  }
0xa8: {  	_ =	swait.done [sflag:s3]  }
0xa9: {  	s21 =	ssyncread [sflag:$0x2];
	_ =	sdelay $0x2  }
0xaa: {  	p1 =	slt.s32 s21, $0x10  }
.Ltmp2:
0xab: {  	_ = 	snop;
	(pc) =	sbr.rel @p1 .LBB2_4-.Ltmp2, $3  }
0xac: {  	_ =	sdelay $0x1  }
0xad: {  	[sflag:s3] =	ssyncset.s32 $0x0  }
0xae: {  	[sflag:s3] =	ssyncset.done $0x0  }
0xaf: {  	v20 =	vlaneseq.u32  }
0xb0: {  	s1 =	sshll.u32 s21, $0xB;
	v20 =	vmul.u32 $0x80, v20  }
0xb1: {  	s1 =	sand.u32 $0x800, s1  }
0xb2: {  	s28 =	simm.s32 $0x3;
	s3 =	sor.u32 $0x5380, s1;
	v21 =	vor.u32 s1, v20  }
0xb3: {  	[tilespmem:s3], [sflag:$0x3] =	stream.linear.gather [spmem:s0], $0x800, $0x38;
	[tilespmem:$0x63A0] =	vst v63  }
0xb4: {  	_ =	swait.ge [sflag:s28], $0x800  }
0xb5: {  	[sflag:s28] =	ssyncset.done $0x0  }
0xb6: {  	s29 =	simm.s32 $0x5380;
	[sflag:s28] =	ssyncadd.s32 $0xFFFFF800  }
0xb7: {  	v22 =	vld.idx.msk [tilespmem:v21+s29+$0x0], $0xffff;
	_ =	sdelay $0x4  }
0xb8: {  	v21 =	vxor.u32 $0x80000000, v22  }
0xb9: {  	(xrf0) =	vmax.scan.msk.u32 $0xffff, v21;
	_ =	sdelay $0x5  }
0xba: {  	v21, _, _ =	vpop (xrf0)  }
0xbb: {  	(v2sf) =	vpush v21, $0xF;
	_ =	sdelay $0x5  }
0xbc: {  	v21 =	vor.u32 $0x1, v20  }
0xbd: {  	v23 =	vor.u32 s1, v21;
	_ =	sdelay $0x4  }
0xbe: {  	v23 =	vld.idx.msk [tilespmem:v23+s29+$0x0], $0xffff;
	_ =	sdelay $0x2  }
0xbf: {  	s24 =	spop (v2sf)  }
0xc0: {  	s21 =	sxor.u32 $0x80000000, s24  }
0xc1: {  	vm0 =	veq.s32 v22, s21;
	v22 =	vxor.u32 $0x80000000, v23  }
0xc2: {  	v22 =	vnsel vm0, $0x80001400, v22  }
0xc3: {  	(xrf0) =	vmin.scan.msk.u32 $0xffff, v22;
	_ =	sdelay $0x5  }
0xc4: {  	v22, _, _ =	vpop (xrf0)  }
0xc5: {  	(v2sf) =	vpush v22, $0xF;
	_ =	sdelay $0xc  }
0xc6: {  	vm15 =	vmmov $0x1;
	v22 =	vimm.s32 $0x0  }
0xc7: {  	s30 =	simm.s32 $0x0;
	s31 =	simm.s32 $0x4;
	v22 =	vsel vm15, $0xFFFFFFFF, v22  }
0xc8: {  	s0 =	simm.s32 $0x0;
	s1 =	simm.s32 $0x5;
	v23 =	vimm.s32 $0x0;
	[tilespmem:$0x1FFB0] =	vst v22;
	v22 =	vimm.f32 $1.000000000e+00;
	s3 =	spop (v2sf)  }
.LBB2_6:
0xc9: {  	s3 =	sxor.u32 $0x80000000, s3  }
0xca: {  	p1 =	slt.s32 s3, $0x13FF  }
0xcb: {  	s3 =	simm.s32 @!p1 $0x13FF  }
0xcc: {  	v25 =	vld [tilespmem:$0x1FFB0];
	p1 =	sge.s32 s3, s2;
	p2 =	slt.s32 s3, s26  }
0xcd: {  	s24 =	ssub.s32 s3, s2;
	p2 =	por !p1, !p2  }
0xce: {  	p1 =	sgt.s32 s21, $0x3E99999A;
	p3 =	sgt.s32 s24, $0x0;
	p2 =	por !p2, !p2  }
0xcf: {  	vm7 =	vmxor vm7, vm7;
	s24 =	simm.s32 @!p3 $0x0;
	p2 =	por !p1, !p2  }
0xd0: {  	vm0 =	vmmov vm7;
	s24 =	smin.u32 s24, $0x13F;
	p2 =	por !p2, !p2  }
0xd1: {  	vm1 =	vnez.u8 v25;
	v24 =	vmov s24;
	vm0 =	vmneg @p2 vm0  }
0xd2: {  	v24 =	vbroadcast v24, $0x0;
	vm0 =	vmand vm0, vm1;
	_ =	sdelay $0x1  }
0xd3: {  	v26 =	vmov s3;
	_ =	sdelay $0x2  }
0xd4: {  	s24 =	simm.s32 $0x5180  }
0xd5: {  	[tilespmem:v24+s24+$0x0] =	vst.idx.msk vm0, v22  }
0xd6: {  	s24 =	simm.s32 $0x1400;
	v25 =	vld.idx.msk [tilespmem:v26+s30+$0x0], $0xffff  }
0xd7: {  	v24 =	vld.idx.msk [tilespmem:v26+s24+$0x0], $0xffff  }
0xd8: {  	v28 =	vld [tilespmem:s2+$0x0]  }
0xd9: {  	v29 =	vld [tilespmem:s2+$0x1400]  }
0xda: {  	v30 =	vld [tilespmem:s2+$0x2800]  }
0xdb: {  	s24 =	simm.s32 $0x2800;
	v31 =	vld [tilespmem:s2+$0x3C00]  }
0xdc: {  	v27 =	vld.idx.msk [tilespmem:v26+s24+$0x0], $0xffff;
	s24 =	simm.s32 $0x3C00  }
0xdd: {  	v26 =	vld.idx.msk [tilespmem:v26+s24+$0x0], $0xffff;
	_ =	sdelay $0x2  }
0xde: {  	v34 =	vsub.f32 v30, v28;
	v35 =	vsub.f32 v31, v29  }
0xdf: {  	v28 =	vmax.f32 v28, v25;
	v29 =	vmax.f32 v29, v24;
	v32 =	vsub.f32 v27, v25  }
0xe0: {  	v30 =	vmin.f32 v30, v27;
	v33 =	vsub.f32 v26, v24;
	v31 =	vmin.f32 v31, v26  }
0xe1: {  	v30 =	vsub.f32 v30, v28;
	v29 =	vsub.f32 v31, v29  }
0xe2: {  	v59 =	vmul.f32 v35, v34;
	v28 =	vmul.f32 v33, v32  }
0xe3: {  	v30 =	vmax.f32 v30, $0.0e+00;
	v29 =	vmax.f32 v29, $0.0e+00  }
0xe4: {  	v29 =	vmul.f32 v29, v30;
	v60 =	vadd.f32 v59, v28;
	_ =	sdelay $0x1  }
0xe5: {  	v30 =	vsub.f32 v60, v29;
	_ =	sdelay $0x1  }
0xe6: {  	v30 =	vadd.f32 $9.999999710e-10, v30;
	_ =	sdelay $0x1  }
0xe7: {  	(erf) = vrcp.f32 v30;
	_ =	sdelay $0x8  }
0xe8: {  	v30 =	vpop (erf)  }
0xe9: {  	v61 =	vld [tilespmem:$0x5000];
	v29 =	vmul.f32 v30, v29;
	_ =	sdelay $0x1  }
0xea: {  	vm5 =	veq.s32 v0, s3;
	vm4 =	vgt.f32 v29, $2.500000000e-01  }
0xeb: {  	vm7 =	vmneg @p1 vm7;
	vm0 =	vmor vm5, vm4  }
0xec: {  	vm0 =	vmand vm7, vm0  }
0xed: {  	v29 =	vsel vm0, $0xBF800000, v61  }
0xee: {  	[tilespmem:$0x5000] =	vst v29  }
0xef: {  	v62 =	vld [tilespmem:s5+$0x0]  }
0xf0: {  	v63 =	vld [tilespmem:s5+$0x1400]  }
0xf1: {  	v36 =	vld [tilespmem:s5+$0x2800]  }
0xf2: {  	v37 =	vld [tilespmem:s5+$0x3C00];
	_ =	sdelay $0x4  }
0xf3: {  	v38 =	vsub.f32 v36, v62;
	v39 =	vsub.f32 v37, v63;
	v32 =	vmin.f32 v36, v27  }
0xf4: {  	v30 =	vmax.f32 v62, v25;
	v33 =	vmin.f32 v37, v26;
	v31 =	vmax.f32 v63, v24  }
0xf5: {  	v30 =	vsub.f32 v32, v30;
	v31 =	vsub.f32 v33, v31  }
0xf6: {  	v40 =	vmul.f32 v39, v38  }
0xf7: {  	v30 =	vmax.f32 v30, $0.0e+00;
	v31 =	vmax.f32 v31, $0.0e+00  }
0xf8: {  	v30 =	vmul.f32 v31, v30;
	v41 =	vadd.f32 v40, v28;
	_ =	sdelay $0x1  }
0xf9: {  	v31 =	vsub.f32 v41, v30;
	_ =	sdelay $0x1  }
0xfa: {  	v31 =	vadd.f32 $9.999999710e-10, v31;
	_ =	sdelay $0x1  }
0xfb: {  	(erf) = vrcp.f32 v31;
	_ =	sdelay $0x8  }
0xfc: {  	v31 =	vpop (erf)  }
0xfd: {  	v42 =	vld [tilespmem:$0x5010];
	v30 =	vmul.f32 v31, v30;
	_ =	sdelay $0x1  }
0xfe: {  	vm8 =	veq.s32 v1, s3;
	vm6 =	vgt.f32 v30, $2.500000000e-01  }
0xff: {  	vm0 =	vmor vm8, vm6  }
0x100: {  	vm0 =	vmand vm7, vm0  }
0x101: {  	v30 =	vsel vm0, $0xBF800000, v42  }
0x102: {  	[tilespmem:$0x5010] =	vst v30  }
0x103: {  	v43 =	vld [tilespmem:s6+$0x0]  }
0x104: {  	v44 =	vld [tilespmem:s6+$0x1400]  }
0x105: {  	v45 =	vld [tilespmem:s6+$0x2800]  }
0x106: {  	v46 =	vld [tilespmem:s6+$0x3C00];
	_ =	sdelay $0x4  }
0x107: {  	v47 =	vsub.f32 v45, v43;
	v36 =	vsub.f32 v46, v44;
	v33 =	vmin.f32 v45, v27  }
0x108: {  	v31 =	vmax.f32 v43, v25;
	v34 =	vmin.f32 v46, v26;
	v32 =	vmax.f32 v44, v24  }
0x109: {  	v31 =	vsub.f32 v33, v31;
	v32 =	vsub.f32 v34, v32  }
0x10a: {  	v48 =	vmul.f32 v36, v47  }
0x10b: {  	v31 =	vmax.f32 v31, $0.0e+00;
	v32 =	vmax.f32 v32, $0.0e+00  }
0x10c: {  	v31 =	vmul.f32 v32, v31;
	v49 =	vadd.f32 v48, v28;
	_ =	sdelay $0x1  }
0x10d: {  	v32 =	vsub.f32 v49, v31;
	_ =	sdelay $0x1  }
0x10e: {  	v32 =	vadd.f32 $9.999999710e-10, v32;
	_ =	sdelay $0x1  }
0x10f: {  	(erf) = vrcp.f32 v32;
	_ =	sdelay $0x8  }
0x110: {  	v32 =	vpop (erf)  }
0x111: {  	v50 =	vld [tilespmem:$0x5020];
	v31 =	vmul.f32 v32, v31;
	_ =	sdelay $0x1  }
0x112: {  	vm10 =	veq.s32 v2, s3;
	vm9 =	vgt.f32 v31, $2.500000000e-01  }
0x113: {  	vm0 =	vmor vm10, vm9  }
0x114: {  	vm0 =	vmand vm7, vm0  }
0x115: {  	v31 =	vsel vm0, $0xBF800000, v50  }
0x116: {  	[tilespmem:$0x5020] =	vst v31  }
0x117: {  	v51 =	vld [tilespmem:s7+$0x0]  }
0x118: {  	v52 =	vld [tilespmem:s7+$0x1400]  }
0x119: {  	v53 =	vld [tilespmem:s7+$0x2800]  }
0x11a: {  	v54 =	vld [tilespmem:s7+$0x3C00];
	_ =	sdelay $0x4  }
0x11b: {  	v55 =	vsub.f32 v53, v51;
	v37 =	vsub.f32 v54, v52;
	v34 =	vmin.f32 v53, v27  }
0x11c: {  	v32 =	vmax.f32 v51, v25;
	v35 =	vmin.f32 v54, v26;
	v33 =	vmax.f32 v52, v24  }
0x11d: {  	v32 =	vsub.f32 v34, v32;
	v33 =	vsub.f32 v35, v33  }
0x11e: {  	v56 =	vmul.f32 v37, v55  }
0x11f: {  	v32 =	vmax.f32 v32, $0.0e+00;
	v33 =	vmax.f32 v33, $0.0e+00  }
0x120: {  	v32 =	vmul.f32 v33, v32;
	v57 =	vadd.f32 v56, v28;
	_ =	sdelay $0x1  }
0x121: {  	v33 =	vsub.f32 v57, v32;
	_ =	sdelay $0x1  }
0x122: {  	v33 =	vadd.f32 $9.999999710e-10, v33;
	_ =	sdelay $0x1  }
0x123: {  	(erf) = vrcp.f32 v33;
	_ =	sdelay $0x8  }
0x124: {  	v33 =	vpop (erf)  }
0x125: {  	v58 =	vld [tilespmem:$0x5030];
	v32 =	vmul.f32 v33, v32;
	_ =	sdelay $0x1  }
0x126: {  	vm12 =	veq.s32 v3, s3;
	vm11 =	vgt.f32 v32, $2.500000000e-01  }
0x127: {  	vm0 =	vmor vm12, vm11  }
0x128: {  	vm0 =	vmand vm7, vm0  }
0x129: {  	v32 =	vsel vm0, $0xBF800000, v58  }
0x12a: {  	[tilespmem:$0x5030] =	vst v32  }
0x12b: {  	v59 =	vld [tilespmem:s2+$0x40]  }
0x12c: {  	v60 =	vld [tilespmem:s8+$0x1400]  }
0x12d: {  	v61 =	vld [tilespmem:s8+$0x2800]  }
0x12e: {  	v62 =	vld [tilespmem:s8+$0x3C00];
	_ =	sdelay $0x4  }
0x12f: {  	v63 =	vsub.f32 v61, v59;
	v38 =	vsub.f32 v62, v60;
	v35 =	vmin.f32 v61, v27  }
0x130: {  	v33 =	vmax.f32 v59, v25;
	v36 =	vmin.f32 v62, v26;
	v34 =	vmax.f32 v60, v24  }
0x131: {  	v33 =	vsub.f32 v35, v33;
	v34 =	vsub.f32 v36, v34  }
0x132: {  	v40 =	vmul.f32 v38, v63  }
0x133: {  	v33 =	vmax.f32 v33, $0.0e+00;
	v34 =	vmax.f32 v34, $0.0e+00  }
0x134: {  	v33 =	vmul.f32 v34, v33;
	v41 =	vadd.f32 v40, v28;
	_ =	sdelay $0x1  }
0x135: {  	v34 =	vsub.f32 v41, v33;
	_ =	sdelay $0x1  }
0x136: {  	v34 =	vadd.f32 $9.999999710e-10, v34;
	_ =	sdelay $0x1  }
0x137: {  	(erf) = vrcp.f32 v34;
	_ =	sdelay $0x8  }
0x138: {  	v34 =	vpop (erf)  }
0x139: {  	v42 =	vld [tilespmem:$0x5040];
	v33 =	vmul.f32 v34, v33;
	_ =	sdelay $0x1  }
0x13a: {  	vm14 =	veq.s32 v4, s3;
	vm13 =	vgt.f32 v33, $2.500000000e-01  }
0x13b: {  	vm0 =	vmor vm14, vm13  }
0x13c: {  	vm0 =	vmand vm7, vm0  }
0x13d: {  	v33 =	vsel vm0, $0xBF800000, v42  }
0x13e: {  	[tilespmem:$0x5040] =	vst v33  }
0x13f: {  	v43 =	vld [tilespmem:s2+$0x50]  }
0x140: {  	v44 =	vld [tilespmem:s9+$0x1400]  }
0x141: {  	v45 =	vld [tilespmem:s9+$0x2800]  }
0x142: {  	v46 =	vld [tilespmem:s9+$0x3C00];
	_ =	sdelay $0x4  }
0x143: {  	v47 =	vsub.f32 v45, v43;
	v39 =	vsub.f32 v46, v44;
	v36 =	vmin.f32 v45, v27  }
0x144: {  	v34 =	vmax.f32 v43, v25;
	v37 =	vmin.f32 v46, v26;
	v35 =	vmax.f32 v44, v24  }
0x145: {  	v34 =	vsub.f32 v36, v34;
	v35 =	vsub.f32 v37, v35  }
0x146: {  	v48 =	vmul.f32 v39, v47  }
0x147: {  	v34 =	vmax.f32 v34, $0.0e+00;
	v35 =	vmax.f32 v35, $0.0e+00  }
0x148: {  	v34 =	vmul.f32 v35, v34;
	v49 =	vadd.f32 v48, v28;
	_ =	sdelay $0x1  }
0x149: {  	v35 =	vsub.f32 v49, v34;
	_ =	sdelay $0x1  }
0x14a: {  	v35 =	vadd.f32 $9.999999710e-10, v35;
	_ =	sdelay $0x1  }
0x14b: {  	(erf) = vrcp.f32 v35;
	_ =	sdelay $0x8  }
0x14c: {  	v35 =	vpop (erf)  }
0x14d: {  	v50 =	vld [tilespmem:$0x5050];
	v34 =	vmul.f32 v35, v34;
	_ =	sdelay $0x1  }
0x14e: {  	vm4 =	veq.s32 v5, s3;
	vm15 =	vgt.f32 v34, $2.500000000e-01  }
0x14f: {  	vm0 =	vmor vm4, vm15  }
0x150: {  	vm0 =	vmand vm7, vm0  }
0x151: {  	v34 =	vsel vm0, $0xBF800000, v50  }
0x152: {  	[tilespmem:$0x5050] =	vst v34  }
0x153: {  	v51 =	vld [tilespmem:s2+$0x60]  }
0x154: {  	v52 =	vld [tilespmem:s10+$0x1400]  }
0x155: {  	v53 =	vld [tilespmem:s10+$0x2800]  }
0x156: {  	v54 =	vld [tilespmem:s10+$0x3C00];
	_ =	sdelay $0x4  }
0x157: {  	v55 =	vsub.f32 v53, v51;
	v40 =	vsub.f32 v54, v52;
	v37 =	vmin.f32 v53, v27  }
0x158: {  	v35 =	vmax.f32 v51, v25;
	v38 =	vmin.f32 v54, v26;
	v36 =	vmax.f32 v52, v24  }
0x159: {  	v35 =	vsub.f32 v37, v35;
	v36 =	vsub.f32 v38, v36  }
0x15a: {  	v56 =	vmul.f32 v40, v55  }
0x15b: {  	v35 =	vmax.f32 v35, $0.0e+00;
	v36 =	vmax.f32 v36, $0.0e+00  }
0x15c: {  	v35 =	vmul.f32 v36, v35;
	v57 =	vadd.f32 v56, v28;
	_ =	sdelay $0x1  }
0x15d: {  	v36 =	vsub.f32 v57, v35;
	_ =	sdelay $0x1  }
0x15e: {  	v36 =	vadd.f32 $9.999999710e-10, v36;
	_ =	sdelay $0x1  }
0x15f: {  	(erf) = vrcp.f32 v36;
	_ =	sdelay $0x8  }
0x160: {  	v36 =	vpop (erf)  }
0x161: {  	v58 =	vld [tilespmem:$0x5060];
	v35 =	vmul.f32 v36, v35;
	_ =	sdelay $0x1  }
0x162: {  	vm6 =	veq.s32 v6, s3;
	vm5 =	vgt.f32 v35, $2.500000000e-01  }
0x163: {  	vm0 =	vmor vm6, vm5  }
0x164: {  	vm0 =	vmand vm7, vm0  }
0x165: {  	v35 =	vsel vm0, $0xBF800000, v58  }
0x166: {  	[tilespmem:$0x5060] =	vst v35  }
0x167: {  	v59 =	vld [tilespmem:s2+$0x70]  }
0x168: {  	v60 =	vld [tilespmem:s11+$0x1400]  }
0x169: {  	v61 =	vld [tilespmem:s11+$0x2800]  }
0x16a: {  	v62 =	vld [tilespmem:s11+$0x3C00];
	_ =	sdelay $0x4  }
0x16b: {  	v63 =	vsub.f32 v61, v59;
	v41 =	vsub.f32 v62, v60;
	v38 =	vmin.f32 v61, v27  }
0x16c: {  	v36 =	vmax.f32 v59, v25;
	v39 =	vmin.f32 v62, v26;
	v37 =	vmax.f32 v60, v24  }
0x16d: {  	v36 =	vsub.f32 v38, v36;
	v37 =	vsub.f32 v39, v37  }
0x16e: {  	v44 =	vmul.f32 v41, v63  }
0x16f: {  	v36 =	vmax.f32 v36, $0.0e+00;
	v37 =	vmax.f32 v37, $0.0e+00  }
0x170: {  	v36 =	vmul.f32 v37, v36;
	v45 =	vadd.f32 v44, v28;
	_ =	sdelay $0x1  }
0x171: {  	v37 =	vsub.f32 v45, v36;
	_ =	sdelay $0x1  }
0x172: {  	v37 =	vadd.f32 $9.999999710e-10, v37;
	_ =	sdelay $0x1  }
0x173: {  	(erf) = vrcp.f32 v37;
	_ =	sdelay $0x8  }
0x174: {  	v37 =	vpop (erf)  }
0x175: {  	v46 =	vld [tilespmem:$0x5070];
	v36 =	vmul.f32 v37, v36;
	_ =	sdelay $0x1  }
0x176: {  	vm9 =	veq.s32 v7, s3;
	vm8 =	vgt.f32 v36, $2.500000000e-01  }
0x177: {  	vm0 =	vmor vm9, vm8  }
0x178: {  	vm0 =	vmand vm7, vm0  }
0x179: {  	v36 =	vsel vm0, $0xBF800000, v46  }
0x17a: {  	[tilespmem:$0x5070] =	vst v36  }
0x17b: {  	v47 =	vld [tilespmem:s12+$0x0]  }
0x17c: {  	v48 =	vld [tilespmem:s12+$0x1400]  }
0x17d: {  	v49 =	vld [tilespmem:s12+$0x2800]  }
0x17e: {  	v50 =	vld [tilespmem:s12+$0x3C00];
	_ =	sdelay $0x4  }
0x17f: {  	v51 =	vsub.f32 v49, v47;
	v42 =	vsub.f32 v50, v48;
	v39 =	vmin.f32 v49, v27  }
0x180: {  	v37 =	vmax.f32 v47, v25;
	v40 =	vmin.f32 v50, v26;
	v38 =	vmax.f32 v48, v24  }
0x181: {  	v37 =	vsub.f32 v39, v37;
	v38 =	vsub.f32 v40, v38  }
0x182: {  	v52 =	vmul.f32 v42, v51  }
0x183: {  	v37 =	vmax.f32 v37, $0.0e+00;
	v38 =	vmax.f32 v38, $0.0e+00  }
0x184: {  	v37 =	vmul.f32 v38, v37;
	v53 =	vadd.f32 v52, v28;
	_ =	sdelay $0x1  }
0x185: {  	v38 =	vsub.f32 v53, v37;
	_ =	sdelay $0x1  }
0x186: {  	v38 =	vadd.f32 $9.999999710e-10, v38;
	_ =	sdelay $0x1  }
0x187: {  	(erf) = vrcp.f32 v38;
	_ =	sdelay $0x8  }
0x188: {  	v38 =	vpop (erf)  }
0x189: {  	v54 =	vld [tilespmem:$0x5080];
	v37 =	vmul.f32 v38, v37;
	_ =	sdelay $0x1  }
0x18a: {  	vm11 =	veq.s32 v8, s3;
	vm10 =	vgt.f32 v37, $2.500000000e-01  }
0x18b: {  	vm0 =	vmor vm11, vm10  }
0x18c: {  	vm0 =	vmand vm7, vm0  }
0x18d: {  	v37 =	vsel vm0, $0xBF800000, v54  }
0x18e: {  	[tilespmem:$0x5080] =	vst v37  }
0x18f: {  	v55 =	vld [tilespmem:s2+$0x90]  }
0x190: {  	v56 =	vld [tilespmem:s13+$0x1400]  }
0x191: {  	v57 =	vld [tilespmem:s13+$0x2800]  }
0x192: {  	v58 =	vld [tilespmem:s13+$0x3C00];
	_ =	sdelay $0x4  }
0x193: {  	v59 =	vsub.f32 v57, v55;
	v43 =	vsub.f32 v58, v56;
	v40 =	vmin.f32 v57, v27  }
0x194: {  	v38 =	vmax.f32 v55, v25;
	v41 =	vmin.f32 v58, v26;
	v39 =	vmax.f32 v56, v24  }
0x195: {  	v38 =	vsub.f32 v40, v38;
	v39 =	vsub.f32 v41, v39  }
0x196: {  	v60 =	vmul.f32 v43, v59  }
0x197: {  	v38 =	vmax.f32 v38, $0.0e+00;
	v39 =	vmax.f32 v39, $0.0e+00  }
0x198: {  	v38 =	vmul.f32 v39, v38;
	v61 =	vadd.f32 v60, v28;
	_ =	sdelay $0x1  }
0x199: {  	v39 =	vsub.f32 v61, v38;
	_ =	sdelay $0x1  }
0x19a: {  	v39 =	vadd.f32 $9.999999710e-10, v39;
	_ =	sdelay $0x1  }
0x19b: {  	(erf) = vrcp.f32 v39;
	_ =	sdelay $0x8  }
0x19c: {  	v39 =	vpop (erf)  }
0x19d: {  	v62 =	vld [tilespmem:$0x5090];
	v38 =	vmul.f32 v39, v38;
	_ =	sdelay $0x1  }
0x19e: {  	vm13 =	veq.s32 v9, s3;
	vm12 =	vgt.f32 v38, $2.500000000e-01  }
0x19f: {  	vm0 =	vmor vm13, vm12  }
0x1a0: {  	vm0 =	vmand vm7, vm0  }
0x1a1: {  	v38 =	vsel vm0, $0xBF800000, v62  }
0x1a2: {  	[tilespmem:$0x5090] =	vst v38  }
0x1a3: {  	v63 =	vld [tilespmem:s2+$0xA0]  }
0x1a4: {  	v48 =	vld [tilespmem:s14+$0x1400]  }
0x1a5: {  	v49 =	vld [tilespmem:s14+$0x2800]  }
0x1a6: {  	v50 =	vld [tilespmem:s14+$0x3C00];
	_ =	sdelay $0x4  }
0x1a7: {  	v51 =	vsub.f32 v49, v63;
	v44 =	vsub.f32 v50, v48;
	v41 =	vmin.f32 v49, v27  }
0x1a8: {  	v39 =	vmax.f32 v63, v25;
	v42 =	vmin.f32 v50, v26;
	v40 =	vmax.f32 v48, v24  }
0x1a9: {  	v39 =	vsub.f32 v41, v39;
	v40 =	vsub.f32 v42, v40  }
0x1aa: {  	v52 =	vmul.f32 v44, v51  }
0x1ab: {  	v39 =	vmax.f32 v39, $0.0e+00;
	v40 =	vmax.f32 v40, $0.0e+00  }
0x1ac: {  	v39 =	vmul.f32 v40, v39;
	v53 =	vadd.f32 v52, v28;
	_ =	sdelay $0x1  }
0x1ad: {  	v40 =	vsub.f32 v53, v39;
	_ =	sdelay $0x1  }
0x1ae: {  	v40 =	vadd.f32 $9.999999710e-10, v40;
	_ =	sdelay $0x1  }
0x1af: {  	(erf) = vrcp.f32 v40;
	_ =	sdelay $0x8  }
0x1b0: {  	v40 =	vpop (erf)  }
0x1b1: {  	v54 =	vld [tilespmem:$0x50A0];
	v39 =	vmul.f32 v40, v39;
	_ =	sdelay $0x1  }
0x1b2: {  	vm15 =	veq.s32 v10, s3;
	vm14 =	vgt.f32 v39, $2.500000000e-01  }
0x1b3: {  	vm0 =	vmor vm15, vm14  }
0x1b4: {  	vm0 =	vmand vm7, vm0  }
0x1b5: {  	v39 =	vsel vm0, $0xBF800000, v54  }
0x1b6: {  	[tilespmem:$0x50A0] =	vst v39  }
0x1b7: {  	v55 =	vld [tilespmem:s2+$0xB0]  }
0x1b8: {  	v56 =	vld [tilespmem:s15+$0x1400]  }
0x1b9: {  	v57 =	vld [tilespmem:s15+$0x2800]  }
0x1ba: {  	v58 =	vld [tilespmem:s15+$0x3C00];
	_ =	sdelay $0x4  }
0x1bb: {  	v59 =	vsub.f32 v57, v55;
	v45 =	vsub.f32 v58, v56;
	v42 =	vmin.f32 v57, v27  }
0x1bc: {  	v40 =	vmax.f32 v55, v25;
	v43 =	vmin.f32 v58, v26;
	v41 =	vmax.f32 v56, v24  }
0x1bd: {  	v40 =	vsub.f32 v42, v40;
	v41 =	vsub.f32 v43, v41  }
0x1be: {  	v60 =	vmul.f32 v45, v59  }
0x1bf: {  	v40 =	vmax.f32 v40, $0.0e+00;
	v41 =	vmax.f32 v41, $0.0e+00  }
0x1c0: {  	v40 =	vmul.f32 v41, v40;
	v61 =	vadd.f32 v60, v28;
	_ =	sdelay $0x1  }
0x1c1: {  	v41 =	vsub.f32 v61, v40;
	_ =	sdelay $0x1  }
0x1c2: {  	v41 =	vadd.f32 $9.999999710e-10, v41;
	_ =	sdelay $0x1  }
0x1c3: {  	(erf) = vrcp.f32 v41;
	_ =	sdelay $0x8  }
0x1c4: {  	v41 =	vpop (erf)  }
0x1c5: {  	v62 =	vld [tilespmem:$0x50B0];
	v40 =	vmul.f32 v41, v40;
	_ =	sdelay $0x1  }
0x1c6: {  	vm5 =	veq.s32 v11, s3;
	vm4 =	vgt.f32 v40, $2.500000000e-01  }
0x1c7: {  	vm0 =	vmor vm5, vm4  }
0x1c8: {  	vm0 =	vmand vm7, vm0  }
0x1c9: {  	v40 =	vsel vm0, $0xBF800000, v62  }
0x1ca: {  	[tilespmem:$0x50B0] =	vst v40  }
0x1cb: {  	v63 =	vld [tilespmem:s2+$0xC0]  }
0x1cc: {  	v48 =	vld [tilespmem:s16+$0x1400]  }
0x1cd: {  	v49 =	vld [tilespmem:s16+$0x2800]  }
0x1ce: {  	v50 =	vld [tilespmem:s16+$0x3C00];
	_ =	sdelay $0x4  }
0x1cf: {  	v51 =	vsub.f32 v49, v63;
	v46 =	vsub.f32 v50, v48;
	v43 =	vmin.f32 v49, v27  }
0x1d0: {  	v41 =	vmax.f32 v63, v25;
	v44 =	vmin.f32 v50, v26;
	v42 =	vmax.f32 v48, v24  }
0x1d1: {  	v41 =	vsub.f32 v43, v41;
	v42 =	vsub.f32 v44, v42  }
0x1d2: {  	v52 =	vmul.f32 v46, v51  }
0x1d3: {  	v41 =	vmax.f32 v41, $0.0e+00;
	v42 =	vmax.f32 v42, $0.0e+00  }
0x1d4: {  	v41 =	vmul.f32 v42, v41;
	v53 =	vadd.f32 v52, v28;
	_ =	sdelay $0x1  }
0x1d5: {  	v42 =	vsub.f32 v53, v41;
	_ =	sdelay $0x1  }
0x1d6: {  	v42 =	vadd.f32 $9.999999710e-10, v42;
	_ =	sdelay $0x1  }
0x1d7: {  	(erf) = vrcp.f32 v42;
	_ =	sdelay $0x8  }
0x1d8: {  	v42 =	vpop (erf)  }
0x1d9: {  	v54 =	vld [tilespmem:$0x50C0];
	v41 =	vmul.f32 v42, v41;
	_ =	sdelay $0x1  }
0x1da: {  	vm8 =	veq.s32 v12, s3;
	vm6 =	vgt.f32 v41, $2.500000000e-01  }
0x1db: {  	vm0 =	vmor vm8, vm6  }
0x1dc: {  	vm0 =	vmand vm7, vm0  }
0x1dd: {  	v41 =	vsel vm0, $0xBF800000, v54  }
0x1de: {  	[tilespmem:$0x50C0] =	vst v41  }
0x1df: {  	v55 =	vld [tilespmem:s2+$0xD0]  }
0x1e0: {  	v56 =	vld [tilespmem:s17+$0x1400]  }
0x1e1: {  	v57 =	vld [tilespmem:s17+$0x2800]  }
0x1e2: {  	v58 =	vld [tilespmem:s17+$0x3C00];
	_ =	sdelay $0x4  }
0x1e3: {  	v59 =	vsub.f32 v57, v55;
	v47 =	vsub.f32 v58, v56;
	v44 =	vmin.f32 v57, v27  }
0x1e4: {  	v42 =	vmax.f32 v55, v25;
	v45 =	vmin.f32 v58, v26;
	v43 =	vmax.f32 v56, v24  }
0x1e5: {  	v42 =	vsub.f32 v44, v42;
	v43 =	vsub.f32 v45, v43  }
0x1e6: {  	v60 =	vmul.f32 v47, v59  }
0x1e7: {  	v42 =	vmax.f32 v42, $0.0e+00;
	v43 =	vmax.f32 v43, $0.0e+00  }
0x1e8: {  	v42 =	vmul.f32 v43, v42;
	v61 =	vadd.f32 v60, v28;
	_ =	sdelay $0x1  }
0x1e9: {  	v43 =	vsub.f32 v61, v42;
	_ =	sdelay $0x1  }
0x1ea: {  	v43 =	vadd.f32 $9.999999710e-10, v43;
	_ =	sdelay $0x1  }
0x1eb: {  	(erf) = vrcp.f32 v43;
	_ =	sdelay $0x8  }
0x1ec: {  	v43 =	vpop (erf)  }
0x1ed: {  	v62 =	vld [tilespmem:$0x50D0];
	v42 =	vmul.f32 v43, v42;
	_ =	sdelay $0x1  }
0x1ee: {  	vm10 =	veq.s32 v13, s3;
	vm9 =	vgt.f32 v42, $2.500000000e-01  }
0x1ef: {  	vm0 =	vmor vm10, vm9  }
0x1f0: {  	vm0 =	vmand vm7, vm0  }
0x1f1: {  	v42 =	vsel vm0, $0xBF800000, v62  }
0x1f2: {  	[tilespmem:$0x50D0] =	vst v42  }
0x1f3: {  	v63 =	vld [tilespmem:s2+$0xE0]  }
0x1f4: {  	v52 =	vld [tilespmem:s18+$0x1400]  }
0x1f5: {  	v53 =	vld [tilespmem:s18+$0x2800]  }
0x1f6: {  	v54 =	vld [tilespmem:s18+$0x3C00];
	_ =	sdelay $0x4  }
0x1f7: {  	v55 =	vsub.f32 v53, v63;
	v48 =	vsub.f32 v54, v52;
	v45 =	vmin.f32 v53, v27  }
0x1f8: {  	v43 =	vmax.f32 v63, v25;
	v46 =	vmin.f32 v54, v26;
	v44 =	vmax.f32 v52, v24  }
0x1f9: {  	v43 =	vsub.f32 v45, v43;
	v44 =	vsub.f32 v46, v44  }
0x1fa: {  	v56 =	vmul.f32 v48, v55  }
0x1fb: {  	v43 =	vmax.f32 v43, $0.0e+00;
	v44 =	vmax.f32 v44, $0.0e+00  }
0x1fc: {  	v43 =	vmul.f32 v44, v43;
	v57 =	vadd.f32 v56, v28;
	_ =	sdelay $0x1  }
0x1fd: {  	v44 =	vsub.f32 v57, v43;
	_ =	sdelay $0x1  }
0x1fe: {  	v44 =	vadd.f32 $9.999999710e-10, v44;
	_ =	sdelay $0x1  }
0x1ff: {  	(erf) = vrcp.f32 v44;
	_ =	sdelay $0x8  }
0x200: {  	v44 =	vpop (erf)  }
0x201: {  	v58 =	vld [tilespmem:$0x50E0];
	v43 =	vmul.f32 v44, v43;
	_ =	sdelay $0x1  }
0x202: {  	vm12 =	veq.s32 v14, s3;
	vm11 =	vgt.f32 v43, $2.500000000e-01  }
0x203: {  	vm0 =	vmor vm12, vm11  }
0x204: {  	vm0 =	vmand vm7, vm0  }
0x205: {  	v43 =	vsel vm0, $0xBF800000, v58  }
0x206: {  	[tilespmem:$0x50E0] =	vst v43  }
0x207: {  	v59 =	vld [tilespmem:s2+$0xF0]  }
0x208: {  	v60 =	vld [tilespmem:s19+$0x1400]  }
0x209: {  	v61 =	vld [tilespmem:s19+$0x2800]  }
0x20a: {  	v62 =	vld [tilespmem:s19+$0x3C00];
	_ =	sdelay $0x4  }
0x20b: {  	v63 =	vsub.f32 v61, v59;
	v49 =	vsub.f32 v62, v60;
	v46 =	vmin.f32 v61, v27  }
0x20c: {  	v44 =	vmax.f32 v59, v25;
	v47 =	vmin.f32 v62, v26;
	v45 =	vmax.f32 v60, v24  }
0x20d: {  	v44 =	vsub.f32 v46, v44;
	v45 =	vsub.f32 v47, v45  }
0x20e: {  	v50 =	vmul.f32 v49, v63  }
0x20f: {  	v44 =	vmax.f32 v44, $0.0e+00;
	v45 =	vmax.f32 v45, $0.0e+00  }
0x210: {  	v44 =	vmul.f32 v45, v44;
	v51 =	vadd.f32 v50, v28;
	_ =	sdelay $0x1  }
0x211: {  	v45 =	vsub.f32 v51, v44;
	_ =	sdelay $0x1  }
0x212: {  	v45 =	vadd.f32 $9.999999710e-10, v45;
	_ =	sdelay $0x1  }
0x213: {  	(erf) = vrcp.f32 v45;
	_ =	sdelay $0x8  }
0x214: {  	v45 =	vpop (erf)  }
0x215: {  	v52 =	vld [tilespmem:$0x50F0];
	v44 =	vmul.f32 v45, v44;
	_ =	sdelay $0x1  }
0x216: {  	vm14 =	veq.s32 v15, s3;
	vm13 =	vgt.f32 v44, $2.500000000e-01  }
0x217: {  	vm0 =	vmor vm14, vm13  }
0x218: {  	vm0 =	vmand vm7, vm0  }
0x219: {  	v44 =	vsel vm0, $0xBF800000, v52  }
0x21a: {  	[tilespmem:$0x50F0] =	vst v44  }
0x21b: {  	v53 =	vld [tilespmem:s20+$0x0]  }
0x21c: {  	v54 =	vld [tilespmem:s20+$0x1400]  }
0x21d: {  	v55 =	vld [tilespmem:s20+$0x2800]  }
0x21e: {  	v56 =	vld [tilespmem:s20+$0x3C00];
	_ =	sdelay $0x4  }
0x21f: {  	v57 =	vsub.f32 v55, v53;
	v50 =	vsub.f32 v56, v54;
	v47 =	vmin.f32 v55, v27  }
0x220: {  	v45 =	vmax.f32 v53, v25;
	v48 =	vmin.f32 v56, v26;
	v46 =	vmax.f32 v54, v24  }
0x221: {  	v45 =	vsub.f32 v47, v45;
	v46 =	vsub.f32 v48, v46  }
0x222: {  	v58 =	vmul.f32 v50, v57  }
0x223: {  	v45 =	vmax.f32 v45, $0.0e+00;
	v46 =	vmax.f32 v46, $0.0e+00  }
0x224: {  	v45 =	vmul.f32 v46, v45;
	v59 =	vadd.f32 v58, v28;
	_ =	sdelay $0x1  }
0x225: {  	v46 =	vsub.f32 v59, v45;
	_ =	sdelay $0x1  }
0x226: {  	v46 =	vadd.f32 $9.999999710e-10, v46;
	_ =	sdelay $0x1  }
0x227: {  	(erf) = vrcp.f32 v46;
	_ =	sdelay $0x8  }
0x228: {  	v46 =	vpop (erf)  }
0x229: {  	v60 =	vld [tilespmem:$0x5100];
	v45 =	vmul.f32 v46, v45;
	_ =	sdelay $0x1  }
0x22a: {  	vm4 =	veq.s32 v16, s3;
	vm15 =	vgt.f32 v45, $2.500000000e-01  }
0x22b: {  	vm0 =	vmor vm4, vm15  }
0x22c: {  	vm0 =	vmand vm7, vm0  }
0x22d: {  	v45 =	vsel vm0, $0xBF800000, v60  }
0x22e: {  	[tilespmem:$0x5100] =	vst v45  }
0x22f: {  	v61 =	vld [tilespmem:s2+$0x110]  }
0x230: {  	v62 =	vld [tilespmem:s22+$0x1400]  }
0x231: {  	v63 =	vld [tilespmem:s22+$0x2800]  }
0x232: {  	v54 =	vld [tilespmem:s22+$0x3C00];
	_ =	sdelay $0x4  }
0x233: {  	v55 =	vsub.f32 v63, v61;
	v51 =	vsub.f32 v54, v62;
	v48 =	vmin.f32 v63, v27  }
0x234: {  	v46 =	vmax.f32 v61, v25;
	v49 =	vmin.f32 v54, v26;
	v47 =	vmax.f32 v62, v24  }
0x235: {  	v46 =	vsub.f32 v48, v46;
	v47 =	vsub.f32 v49, v47  }
0x236: {  	v56 =	vmul.f32 v51, v55  }
0x237: {  	v46 =	vmax.f32 v46, $0.0e+00;
	v47 =	vmax.f32 v47, $0.0e+00  }
0x238: {  	v46 =	vmul.f32 v47, v46;
	v57 =	vadd.f32 v56, v28;
	_ =	sdelay $0x1  }
0x239: {  	v47 =	vsub.f32 v57, v46;
	_ =	sdelay $0x1  }
0x23a: {  	v47 =	vadd.f32 $9.999999710e-10, v47;
	_ =	sdelay $0x1  }
0x23b: {  	(erf) = vrcp.f32 v47;
	_ =	sdelay $0x8  }
0x23c: {  	v47 =	vpop (erf)  }
0x23d: {  	v58 =	vld [tilespmem:$0x5110];
	v46 =	vmul.f32 v47, v46;
	_ =	sdelay $0x1  }
0x23e: {  	vm6 =	veq.s32 v17, s3;
	vm5 =	vgt.f32 v46, $2.500000000e-01  }
0x23f: {  	vm0 =	vmor vm6, vm5  }
0x240: {  	vm0 =	vmand vm7, vm0  }
0x241: {  	v46 =	vsel vm0, $0xBF800000, v58  }
0x242: {  	[tilespmem:$0x5110] =	vst v46  }
0x243: {  	v59 =	vld [tilespmem:s2+$0x120]  }
0x244: {  	v60 =	vld [tilespmem:s23+$0x1400]  }
0x245: {  	v61 =	vld [tilespmem:s23+$0x2800]  }
0x246: {  	v62 =	vld [tilespmem:s23+$0x3C00];
	_ =	sdelay $0x4  }
0x247: {  	v63 =	vsub.f32 v61, v59;
	v52 =	vsub.f32 v62, v60;
	v49 =	vmin.f32 v61, v27  }
0x248: {  	v47 =	vmax.f32 v59, v25;
	v50 =	vmin.f32 v62, v26;
	v48 =	vmax.f32 v60, v24  }
0x249: {  	v47 =	vsub.f32 v49, v47;
	v48 =	vsub.f32 v50, v48  }
0x24a: {  	v52 =	vmul.f32 v52, v63  }
0x24b: {  	v47 =	vmax.f32 v47, $0.0e+00;
	v48 =	vmax.f32 v48, $0.0e+00  }
0x24c: {  	v47 =	vmul.f32 v48, v47;
	v53 =	vadd.f32 v52, v28;
	_ =	sdelay $0x1  }
0x24d: {  	v48 =	vsub.f32 v53, v47;
	_ =	sdelay $0x1  }
0x24e: {  	v48 =	vadd.f32 $9.999999710e-10, v48;
	_ =	sdelay $0x1  }
0x24f: {  	(erf) = vrcp.f32 v48;
	_ =	sdelay $0x8  }
0x250: {  	v48 =	vpop (erf)  }
0x251: {  	v54 =	vld [tilespmem:$0x5120];
	v47 =	vmul.f32 v48, v47  }
0x252: {  	vm8 =	vgt.f32 v29, $-3.000000000e+00  }
0x253: {  	vm2 =	veq.s32 v18, s3;
	v29 =	vnsel vm8, $0xC0400000, v29;
	vm9 =	vgt.f32 v47, $2.500000000e-01  }
0x254: {  	vm11 =	vgt.f32 v30, v29;
	vm10 =	vmor vm2, vm9  }
0x255: {  	v29 =	vsel vm11, v30, v29;
	vm0 =	vmand vm7, vm10  }
0x256: {  	vm12 =	vgt.f32 v31, v29;
	v30 =	vsel vm0, $0xBF800000, v54  }
0x257: {  	v29 =	vsel vm12, v31, v29;
	v55 =	vimm.s32 $0x0;
	[tilespmem:$0x5120] =	vst v30  }
0x258: {  	v56 =	vimm.s32 $0x0;
	v47 =	vsel vm11, $0xFFFFFFFF, v55;
	vm0 =	vgt.f32 v32, v29;
	v57 =	vld [tilespmem:s2+$0x130]  }
0x259: {  	v58 =	vimm.s32 $0x0;
	[tilespmem:$0x1FF70] =	vst v47;
	v47 =	vsel vm12, $0xFFFFFFFF, v56;
	v29 =	vsel vm0, v32, v29;
	v59 =	vld [tilespmem:s25+$0x2800]  }
0x25a: {  	[tilespmem:$0x1FF80] =	vst v47;
	v47 =	vsel vm0, $0xFFFFFFFF, v58;
	v60 =	vld [tilespmem:s25+$0x3C00];
	vm0 =	vgt.f32 v33, v29  }
0x25b: {  	v62 =	vld [tilespmem:s25+$0x1400];
	v29 =	vsel vm0, v33, v29  }
0x25c: {  	vm9 =	vgt.f32 v34, v29  }
0x25d: {  	v29 =	vsel vm9, v34, v29  }
0x25e: {  	v61 =	vimm.s32 $0x0;
	vm10 =	vgt.f32 v35, v29  }
0x25f: {  	v27 =	vmin.f32 v59, v27;
	v63 =	vsub.f32 v59, v57;
	v25 =	vmax.f32 v57, v25  }
0x260: {  	v26 =	vmin.f32 v60, v26;
	v34 =	vsub.f32 v60, v62;
	v24 =	vmax.f32 v62, v24  }
0x261: {  	v29 =	vsel vm10, v35, v29;
	v25 =	vsub.f32 v27, v25;
	v24 =	vsub.f32 v26, v24  }
0x262: {  	[tilespmem:$0x1FF90] =	vst v47;
	v48 =	vsel vm0, $0xFFFFFFFF, v61;
	vm11 =	vgt.f32 v36, v29;
	v47 =	vmul.f32 v34, v63  }
0x263: {  	[tilespmem:$0x1FFA0] =	vst v48;
	v48 =	vsel vm11, v36, v29;
	v25 =	vmax.f32 v25, $0.0e+00;
	v24 =	vmax.f32 v24, $0.0e+00  }
0x264: {  	vm12 =	vgt.f32 v37, v48;
	v24 =	vmul.f32 v24, v25;
	v49 =	vadd.f32 v47, v28  }
0x265: {  	v50 =	vsel vm12, v37, v48  }
0x266: {  	vm13 =	vgt.f32 v38, v50;
	v25 =	vsub.f32 v49, v24  }
0x267: {  	v26 =	vsel vm13, v38, v50  }
0x268: {  	vm14 =	vgt.f32 v39, v26;
	v25 =	vadd.f32 $9.999999710e-10, v25  }
0x269: {  	v26 =	vsel vm14, v39, v26  }
0x26a: {  	vm15 =	vgt.f32 v40, v26;
	(erf) = vrcp.f32 v25  }
0x26b: {  	v51 =	vsel vm15, v40, v26  }
0x26c: {  	vm6 =	vgt.f32 v41, v51  }
0x26d: {  	v25 =	vsel vm6, v41, v51  }
0x26e: {  	vm5 =	vgt.f32 v42, v25  }
0x26f: {  	v25 =	vsel vm5, v42, v25  }
0x270: {  	vm4 =	vgt.f32 v43, v25  }
0x271: {  	v25 =	vsel vm4, v43, v25  }
0x272: {  	vm3 =	vgt.f32 v44, v25  }
0x273: {  	v25 =	vsel vm3, v44, v25;
	v52 =	vpop (erf)  }
0x274: {  	v53 =	vld [tilespmem:$0x5130];
	vm2 =	vgt.f32 v45, v25;
	v24 =	vmul.f32 v52, v24  }
0x275: {  	v25 =	vsel vm2, v45, v25  }
0x276: {  	vm8 =	veq.s32 v19, s3;
	vm1 =	vgt.f32 v46, v25;
	vm0 =	vgt.f32 v24, $2.500000000e-01  }
0x277: {  	v54 =	vsel vm1, v46, v25;
	vm0 =	vmor vm8, vm0  }
0x278: {  	vm0 =	vmand vm7, vm0;
	vm7 =	vgt.f32 v30, v54  }
0x279: {  	v55 =	vsel vm0, $0xBF800000, v53;
	v24 =	vsel vm7, v30, v54  }
0x27a: {  	vm0 =	vgt.f32 v55, v24  }
0x27b: {  	v24 =	vsel vm0, v55, v24  }
0x27c: {  	vm8 =	vge.f32 v24, $0.0e+00  }
0x27d: {  	v57 =	vld [tilespmem:$0x1FF70];
	v24 =	vnsel vm8, $0xFFFFFFFF, v24  }
0x27e: {  	v58 =	vld [tilespmem:$0x1FF80];
	v56 =	vxor.u32 $0x80000000, v24  }
0x27f: {  	v59 =	vld [tilespmem:$0x1FF90];
	(xrf0) =	vmax.scan.msk.u32 $0xffff, v56  }
0x280: {  	v61 =	vld [tilespmem:$0x1FFA0];
	_ =	sdelay $0x1  }
0x281: {  	vm8 =	vnez.u8 v57  }
0x282: {  	v26 =	vsel vm8, $0x10, v23;
	vm8 =	vnez.u8 v58  }
0x283: {  	v26 =	vsel vm8, $0x20, v26;
	vm8 =	vnez.u8 v59  }
0x284: {  	v26 =	vsel vm8, $0x30, v26;
	vm8 =	vnez.u8 v61;
	v60, _, _ =	vpop (xrf0)  }
0x285: {  	v26 =	vsel vm8, $0x40, v26;
	(v2sf) =	vpush v60, $0xF  }
0x286: {  	v26 =	vsel vm9, $0x50, v26  }
0x287: {  	v26 =	vsel vm10, $0x60, v26  }
0x288: {  	v26 =	vsel vm11, $0x70, v26  }
0x289: {  	v26 =	vsel vm12, $0x80, v26  }
0x28a: {  	v26 =	vsel vm13, $0x90, v26  }
0x28b: {  	v26 =	vsel vm14, $0xA0, v26  }
0x28c: {  	v26 =	vsel vm15, $0xB0, v26  }
0x28d: {  	v26 =	vsel vm6, $0xC0, v26  }
0x28e: {  	v26 =	vsel vm5, $0xD0, v26  }
0x28f: {  	v26 =	vsel vm4, $0xE0, v26  }
0x290: {  	v26 =	vsel vm3, $0xF0, v26  }
0x291: {  	v26 =	vsel vm2, $0x100, v26  }
0x292: {  	v26 =	vsel vm1, $0x110, v26  }
0x293: {  	v26 =	vsel vm7, $0x120, v26  }
0x294: {  	v26 =	vsel vm0, $0x130, v26;
	s21 =	spop (v2sf)  }
0x295: {  	v26 =	vadd.s32 v26, v0;
	s3 =	sxor.u32 $0x80000000, s21  }
0x296: {  	v62 =	vxor.u32 $0x80000000, v26;
	vm13 =	veq.s32 v24, s3  }
0x297: {  	v24 =	vnsel vm13, $0x80001400, v62  }
0x298: {  	(xrf0) =	vmin.scan.msk.u32 $0xffff, v24;
	_ =	sdelay $0x5  }
0x299: {  	v24, _, _ =	vpop (xrf0)  }
0x29a: {  	(v2sf) =	vpush v24, $0xF;
	_ =	sdelay $0xe  }
0x29b: {  	s24 =	sshll.u32 s0, $0xB;
	vm14 =	vcmask $0x300;
	v63 =	vmov s3;
	s21 =	spop (v2sf)  }
0x29c: {  	vm15 =	vcmask $0x704;
	s3 =	sand.u32 $0x800, s24;
	s24 =	rddreg [dreg:$0x2];
	v24 =	vnsel vm14, $0x0, v63;
	s21 =	sxor.u32 $0x80000000, s21  }
0x29d: {  	[tilespmem:$0x5130] =	vst v55;
	s3 =	sadd.s32 s3, s24;
	v24 =	vsel vm15, s21, v24  }
0x29e: {  	s24 =	simm.s32 $0x5300;
	s21 =	sadd.s32 s4, s3;
	[tilespmem:$0x5300] =	vst v24  }
0x29f: {  	[spmem:s21] =	stream.linear.scatter [tilespmem:s24], [sflag:$0x5], $0x80, $0x38;
	[tilespmem:$0x63A0] =	vst v63  }
0x2a0: {  	_ =	swait.ge [sflag:s1], $0x80  }
0x2a1: {  	[sflag:s1] =	ssyncset.done $0x0  }
0x2a2: {  	[sflag:s1] =	ssyncadd.s32 $0xFFFFFF80  }
0x2a3: {  	[sflag:s28] =	ssyncset.done $0x0  }
0x2a4: {  	[smem:s30], [sflag:$0x3] =	smem.add.s32 $0x1  }
0x2a5: {  	_ =	swait.done [sflag:s28]  }
0x2a6: {  	s24 =	sshll.u32 s0, $0x4;
	[sflag:s28] =	ssyncset.s32 $0x0  }
0x2a7: {  	s21 =	sadd.s32 $0x20, s24;
	[sflag:s28] =	ssyncset.done $0x0  }
.LBB2_7:
0x2a8: {  	[sflag:s31] =	ssyncset.done $0x0  }
0x2a9: {  	[smem:s30], [sflag:$0x4] =	smem.add.s32 $0x0  }
0x2aa: {  	_ =	swait.done [sflag:s31]  }
0x2ab: {  	s24 =	ssyncread [sflag:$0x4];
	_ =	sdelay $0x2  }
0x2ac: {  	p1 =	slt.s32 s24, s21  }
.Ltmp3:
0x2ad: {  	_ = 	snop;
	(pc) =	sbr.rel @p1 .LBB2_7-.Ltmp3, $3  }
0x2ae: {  	_ =	sdelay $0x1  }
0x2af: {  	[sflag:s31] =	ssyncset.s32 $0x0  }
0x2b0: {  	[sflag:s31] =	ssyncset.done $0x0  }
0x2b1: {  	s21 =	sshrl.u32 s24, $0x1F  }
0x2b2: {  	s21 =	sadd.s32 s21, s24  }
0x2b3: {  	s21 =	sand.u32 $0xFFFFFFFE, s21  }
0x2b4: {  	s21 =	ssub.s32 s24, s21  }
0x2b5: {  	s24 =	sshll.u32 s21, $0xD  }
0x2b6: {  	s21 =	sshll.u32 s21, $0xB;
	s24 =	sshra.s32 s24, $0x2  }
0x2b7: {  	v24 =	vor.u32 s21, v20;
	s24 =	sadd.s32 $0x5380, s24  }
0x2b8: {  	[tilespmem:s24], [sflag:$0x5] =	stream.linear.gather [spmem:s3], $0x800, $0x38;
	[tilespmem:$0x63A0] =	vst v63  }
0x2b9: {  	_ =	swait.ge [sflag:s1], $0x800  }
0x2ba: {  	[sflag:s1] =	ssyncset.done $0x0  }
0x2bb: {  	[sflag:s1] =	ssyncadd.s32 $0xFFFFF800  }
0x2bc: {  	v24 =	vld.idx.msk [tilespmem:v24+s29+$0x0], $0xffff;
	_ =	sdelay $0x4  }
0x2bd: {  	v25 =	vxor.u32 $0x80000000, v24  }
0x2be: {  	(xrf0) =	vmax.scan.msk.u32 $0xffff, v25;
	_ =	sdelay $0x5  }
0x2bf: {  	v25, _, _ =	vpop (xrf0)  }
0x2c0: {  	(v2sf) =	vpush v25, $0xF;
	_ =	sdelay $0x6  }
0x2c1: {  	v62 =	vor.u32 s21, v21;
	_ =	sdelay $0x4  }
0x2c2: {  	v25 =	vld.idx.msk [tilespmem:v62+s29+$0x0], $0xffff;
	_ =	sdelay $0x2  }
0x2c3: {  	s24 =	spop (v2sf)  }
0x2c4: {  	s21 =	sxor.u32 $0x80000000, s24  }
0x2c5: {  	v63 =	vxor.u32 $0x80000000, v25;
	vm0 =	veq.s32 v24, s21  }
0x2c6: {  	v24 =	vnsel vm0, $0x80001400, v63  }
0x2c7: {  	(xrf0) =	vmin.scan.msk.u32 $0xffff, v24;
	_ =	sdelay $0x5  }
0x2c8: {  	v24, _, _ =	vpop (xrf0)  }
0x2c9: {  	(v2sf) =	vpush v24, $0xF;
	_ =	sdelay $0x8  }
0x2ca: {  	s0 =	sadd.s32 $0x1, s0  }
0x2cb: {  	p1 =	sne.s32 s0, $0x1A0  }
.Ltmp4:
0x2cc: {  	_ = 	snop;
	(pc) =	sbr.rel @p1 .LBB2_6-.Ltmp4, $2  }
0x2cd: {  	_ =	sdelay $0x2  }
0x2ce: {  	s3 =	spop (v2sf)  }
0x2cf: {  	s0 =	simm.s32 $0x0  }
0x2d0: {  	s1 =	simm.s32 $0x5000;
	s2 =	rddreg [dreg:$0x6];
	s30 =	simm.s32 $0x3  }
0x2d1: {  	[hbm4b:s2+s0] =	stream.linear.scatter [tilespmem:s1], [sflag:$0x3], $0x140, $0x38;
	[tilespmem:$0x63A0] =	vst v63  }
0x2d2: {  	_ =	swait.ge [sflag:s30], $0x140  }
0x2d3: {  	[sflag:s30] =	ssyncset.done $0x0  }
0x2d4: {  	s31 =	simm.s32 $0x5180;
	s3 =	rddreg [dreg:$0x5];
	[sflag:s30] =	ssyncadd.s32 $0xFFFFFEC0  }
0x2d5: {  	[hbm4b:s3+s0] =	stream.linear.scatter [tilespmem:s31], [sflag:$0x3], $0x140, $0x38;
	[tilespmem:$0x63A0] =	vst v63  }
0x2d6: {  	_ =	swait.ge [sflag:s30], $0x140  }
0x2d7: {  	[sflag:s30] =	ssyncset.done $0x0  }
0x2d8: {  	v0 =	vmov s21;
	[sflag:s30] =	ssyncadd.s32 $0xFFFFFEC0  }
0x2d9: {  	s1 =	simm.s32 @!p0 $0x5300;
	s0 =	simm.s32 @!p0 $0x0;
	s2 =	rddreg [dreg:$0x4];
	[tilespmem:$0x5300] =	vst @!p0 v0  }
0x2da: {  	[hbm4b:s2+s0] =	stream.linear.scatter @!p0 [tilespmem:s1], [sflag:$0x3], $0x80, $0x38;
	[tilespmem:$0x63A0] =	vst v63  }
0x2db: {  	s0 =	simm.s32 @!p0 $0x3  }
0x2dc: {  	_ =	swait.ge @!p0 [sflag:s0], $0x80  }
0x2dd: {  	[sflag:s0] =	ssyncset.done @!p0 $0x0  }
0x2de: {  	[sflag:s0] =	ssyncadd.s32 @!p0 $0xFFFFFF80  }
0x2df: {  	s5 =	rddreg [dreg:$0x3]  }
.LBB2_10:
0x2e0: {  	_ =	sfence.sel $0x180000  }
0x2e1: {  	[bflag:$0x0] =	sbarrier.arrive $0xFFFF  }
0x2e2: {  	_ =	strace $0x90000047  }
0x2e3: {  	s0 =	sadd.s32 @!p0 $0x100000, s5;
	[bflag:$0x2] =	sbarrier.arrive $0xFFFF  }
0x2e4: {  	[sflag:s0] =	ssyncadd.tile.s32 @!p0 $0x1;
	_ =	shalt  }
.Lfunc_end2:
_tile_overlayer_lowered:
.L_overlay_start_2:
0x2e5: {  	(tag) =	ssettag $0x2  }
0x2e6: {  	s0 =	rddreg [dreg:$0x0];
	s2 =	stileid.u32  }
0x2e7: {  	s1 =	rddreg [dreg:$0x1];
	p0 =	sne.s32 s2, $0x0  }
0x2e8: {  	s3 =	rddreg [dreg:$0x2];
	[bflag:$0x3] =	sbarrier.arrive $0xFFFF;
	s2 =	simm.s32 @!p0 $0x1C01  }
0x2e9: {  	[timem:s3], [sflag:s2] =	dma.local @!p0 [hbm:s0], s1  }
0x2ea: {  	s0 =	simm.s32 @!p0 $0x1  }
0x2eb: {  	_ =	swait.ge @!p0 [sflag:s0], s1  }
0x2ec: {  	s1 =	ssub.s32 @!p0 $0x0, s1;
	[sflag:s0] =	ssyncset.done @!p0 $0x0  }
0x2ed: {  	[sflag:s0] =	ssyncadd.s32 @!p0 s1  }
0x2ee: {  	[bflag:$0x3] =	sbarrier.arrive $0xFFFF  }
0x2ef: {  	_ =	shalt  }

// kernel: kernel.5.cloned.1.call-start
scs
__scs_entry_jumppad:
0x0: {  	(pc) =	sbr.rel $0x88, $3  }
0x1: {  	(tag) =	ssettag $0x0;
	lr =	simm.s32 $0x1  }
0x2: {  	[smem:$0x3F9E] =	sst lr;
	_ =	strace $0xD0000000  }
0x3: {  	_ = 	snop  }
0x4: {  	_ = 	snop  }
0x5: {  	_ = 	snop  }
0x6: {  	_ = 	snop  }
0x7: {  	_ = 	snop  }
__scs_overlays_trampoline_lowered:
0x8: {  	[smem:$0x3FAD] =	sst s0  }
0x9: {  	[smem:$0x3FAE] =	sst s1  }
0xa: {  	[smem:$0x3FAF] =	sst s2  }
0xb: {  	[smem:$0x3FB0] =	sst s3  }
0xc: {  	[smem:$0x3FB1] =	sst s4  }
0xd: {  	[smem:$0x3FB2] =	sst s5  }
0xe: {  	[smem:$0x3FB3] =	sst s6  }
0xf: {  	[smem:$0x3FB4] =	sst s7  }
0x10: {  	[smem:$0x3FB5] =	sst s8  }
0x11: {  	[smem:$0x3FB6] =	sst s9;
	s0 =	simm.s32 @!p0 $0x0  }
0x12: {  	s1 =	sld [smem:$0x3F9C];
	s0 =	simm.s32 @p0 $0x1  }
0x13: {  	[smem:$0x3FB7] =	sst s0;
	s0 =	simm.s32 @!p1 $0x0  }
0x14: {  	s2 =	sld [smem:$0x3F9B];
	s0 =	simm.s32 @p1 $0x1  }
0x15: {  	[smem:$0x3FB8] =	sst s0;
	s0 =	simm.s32 @!p2 $0x0  }
0x16: {  	s3 =	sld [smem:$0x3FDB];
	s0 =	simm.s32 @p2 $0x1  }
0x17: {  	s4 =	simm.s32 $0x1BF5;
	[smem:$0x3FBA] =	sst s0  }
0x18: {  	s0 =	sld [smem:$0x3F9D];
	_ =	swait.ge [sflag:s4], $0x0  }
0x19: {  	s7 =	sld [smem:$0x3F9E]  }
0x1a: {  	s8 =	sadd.s32 $0xFFFFE003, lr  }
0x1b: {  	s9 =	sadd.s32 $0xFFFFFEF7, lr;
	s5 =	simm.s32 $0xFFFFFFFF;
	p2 =	slt.u32 s8, $0xFFFFF086  }
0x1c: {  	p1 =	slt.u32 s9, $0xF7A;
	s5 =	simm.s32 @!p2 $0x0  }
0x1d: {  	s5 =	simm.s32 @p1 $0x1;
	p0 =	seq.s32 s7, s2  }
0x1e: {  	s7 =	smul.u32 @!p0 $0xF7A, s2;
	p2 =	seq.s32 @!p0 s5, $0x0  }
0x1f: {  	s9 =	smul.u32 $0xF7A, s1;
	s8 =	simm.s32 @!p0 $0x1BF5;
	p2 =	por !p2, p0  }
0x20: {  	[sflag:s8] =	ssyncset.s32 @!p0 $0xFFFFF086;
	s6 =	sadd.s32 @!p0 s3, s7;
	s7 =	simm.s32 @!p0 $0x108  }
0x21: {  	s3 =	sadd.s32 s3, s9;
	s6 =	sadd.s32 @!p0 $0x88, s6;
	s7 =	simm.s32 @p2 $0x1082  }
0x22: {  	[simem:s7], [sflag:s8] =	dma.local @!p0 [hbm:s6], $0xF7A  }
0x23: {  	s9 =	sor.u32 $0xD0000000, s2;
	s6 =	simm.s32 $0x108;
	_ =	swait.ge @!p0 [sflag:s8], $0x0  }
0x24: {  	s3 =	sadd.s32 $0x88, s3;
	s6 =	simm.s32 @!p1 $0x1082;
	[sflag:s4] =	ssyncset.s32 $0xFFFFF086  }
0x25: {  	[simem:s6], [sflag:s4] =	dma.local [hbm:s3], $0xF7A  }
0x26: {  	[smem:$0x3F9E] =	sst s1;
	(tag) =	ssettag s2;
	_ =	strace s9  }
0x27: {  	s1 =	sld [smem:$0x3FAE]  }
0x28: {  	s2 =	sld [smem:$0x3FAF]  }
0x29: {  	s4 =	sld [smem:$0x3FB1]  }
0x2a: {  	p0 =	seq.s32 s5, $0x0;
	s5 =	sld [smem:$0x3FB2]  }
0x2b: {  	s6 =	sld [smem:$0x3FB3]  }
0x2c: {  	s7 =	sld [smem:$0x3FB4]  }
0x2d: {  	s3 =	simm.s32 $0x108;
	s8 =	sld [smem:$0x3FB5]  }
0x2e: {  	s3 =	simm.s32 @!p0 $0x1082;
	s9 =	sld [smem:$0x3FB6]  }
0x2f: {  	lr =	sadd.s32 s0, s3;
	s0 =	sld [smem:$0x3FAD]  }
0x30: {  	s3 =	sld [smem:$0x3FB0]  }
0x31: {  	[smem:$0x3FB9] =	sst s10  }
0x32: {  	s10 =	sld [smem:$0x3FB7];
	_ =	sdelay $0x3  }
0x33: {  	p0 =	seq.s32 s10, $0x1;
	s10 =	sld [smem:$0x3FB9];
	_ =	sdelay $0x3  }
0x34: {  	[smem:$0x3FB9] =	sst s10  }
0x35: {  	s10 =	sld [smem:$0x3FB8];
	_ =	sdelay $0x3  }
0x36: {  	p1 =	seq.s32 s10, $0x1;
	s10 =	sld [smem:$0x3FB9];
	_ =	sdelay $0x3  }
0x37: {  	[smem:$0x3FB9] =	sst s10  }
0x38: {  	s10 =	sld [smem:$0x3FBA]  }
0x39: {  	_ = 	snop;
	(pc) =	sbr.ind lr, $3  }
0x3a: {  	_ = 	snop  }
0x3b: {  	_ = 	snop  }
0x3c: {  	p2 =	seq.s32 s10, $0x1;
	s10 =	sld [smem:$0x3FB9]  }
0x3d: {  	_ =	shalt  }
0x3e: {  	_ =	shalt  }
0x3f: {  	_ =	shalt  }
0x40: {  	_ =	shalt  }
0x41: {  	_ =	shalt  }
0x42: {  	_ =	shalt  }
0x43: {  	_ =	shalt  }
0x44: {  	_ =	shalt  }
0x45: {  	_ =	shalt  }
0x46: {  	_ =	shalt  }
0x47: {  	_ =	shalt  }
0x48: {  	_ =	shalt  }
0x49: {  	_ =	shalt  }
0x4a: {  	_ =	shalt  }
0x4b: {  	_ =	shalt  }
0x4c: {  	_ =	shalt  }
0x4d: {  	_ =	shalt  }
0x4e: {  	_ =	shalt  }
0x4f: {  	_ =	shalt  }
0x50: {  	_ =	shalt  }
0x51: {  	_ =	shalt  }
0x52: {  	_ =	shalt  }
0x53: {  	_ =	shalt  }
0x54: {  	_ =	shalt  }
0x55: {  	_ =	shalt  }
0x56: {  	_ =	shalt  }
0x57: {  	_ =	shalt  }
0x58: {  	_ =	shalt  }
0x59: {  	_ =	shalt  }
0x5a: {  	_ =	shalt  }
0x5b: {  	_ =	shalt  }
0x5c: {  	_ =	shalt  }
0x5d: {  	_ =	shalt  }
0x5e: {  	_ =	shalt  }
0x5f: {  	_ =	shalt  }
0x60: {  	_ =	shalt  }
0x61: {  	_ =	shalt  }
0x62: {  	_ =	shalt  }
0x63: {  	_ =	shalt  }
0x64: {  	_ =	shalt  }
0x65: {  	_ =	shalt  }
0x66: {  	_ =	shalt  }
0x67: {  	_ =	shalt  }
0x68: {  	_ =	shalt  }
0x69: {  	_ =	shalt  }
0x6a: {  	_ =	shalt  }
0x6b: {  	_ =	shalt  }
0x6c: {  	_ =	shalt  }
0x6d: {  	_ =	shalt  }
0x6e: {  	_ =	shalt  }
0x6f: {  	_ =	shalt  }
0x70: {  	_ =	shalt  }
0x71: {  	_ =	shalt  }
0x72: {  	_ =	shalt  }
0x73: {  	_ =	shalt  }
0x74: {  	_ =	shalt  }
0x75: {  	_ =	shalt  }
0x76: {  	_ =	shalt  }
0x77: {  	_ =	shalt  }
0x78: {  	_ =	shalt  }
0x79: {  	_ =	shalt  }
0x7a: {  	_ =	shalt  }
0x7b: {  	_ =	shalt  }
0x7c: {  	_ =	shalt  }
0x7d: {  	_ =	shalt  }
0x7e: {  	_ =	shalt  }
0x7f: {  	_ =	shalt  }
0x80: {  	_ =	shalt  }
0x81: {  	_ =	shalt  }
0x82: {  	_ =	shalt  }
0x83: {  	_ =	shalt  }
0x84: {  	_ =	shalt  }
0x85: {  	_ =	shalt  }
0x86: {  	_ =	shalt  }
0x87: {  	_ =	shalt  }
.Lfunc_end0:
.L_simem_size_0:
called_computation.1_lowered:
.L_overlay_start_0:
0x88: {  	s2 =	sld [smem:$0x3FD9]  }
0x89: {  	s3 =	sld [smem:$0x3FFE];
	_ =	sdelay $0x1  }
0x8a: {  	s1 =	srdreg.scid  }
0x8b: {  	s0 =	sand.u32 $0x1, s1  }
0x8c: {  	s17 =	sshll.u32 s0, $0xA;
	s2 =	sadd.s32 s3, s2  }
0x8d: {  	s2 =	sadd.s32 s2, s17  }
0x8e: {  	[smem:$0x3FC5] =	sst s2  }
0x8f: {  	_ = 	snop  }
0x90: {  	s2 =	sld [smem:$0x3FD0];
	(tm) =	ssettm $0x1  }
0x91: {  	s18 =	sld [smem:$0x3FFB];
	_ =	sdelay $0x3  }
0x92: {  	_ =	strace s18  }
0x93: {  	s3 =	sld [smem:$0x3FFC];
	_ =	sdelay $0x3  }
0x94: {  	_ =	strace s3  }
0x95: {  	s3 =	sld [smem:$0x3FFD];
	_ =	sdelay $0x3  }
0x96: {  	_ =	strace s3  }
0x97: {  	_ =	strace $0x8FFFFFFF  }
0x98: {  	s19 =	sld [smem:$0x3FDB];
	_ =	sdelay $0x1  }
0x99: {  	s4 =	simm.s32 $_scs_section_size  }
0x9a: {  	s5 =	simm.s32 $_size__tile_overlayer_lowered;
	s6 =	simm.s32 $_tile_overlayer_lowered  }
0x9b: {  	s22 =	simm.s32 $0x1BFF;
	s21 =	sshll.u32 s6, $0x1;
	s3 =	sadd.s32 s4, s19  }
0x9c: {  	s7 =	simm.s32 $0x0;
	s20 =	sshll.u32 s5, $0x1;
	s5 =	sadd.s32 s21, s3  }
0x9d: {  	[timem:s7], [sflag:s22] =	dma.local [hbm:s5], s20  }
0x9e: {  	_ =	swait.ge [sflag:s22], s20  }
0x9f: {  	s4 =	ssub.s32 $0x0, s20;
	[sflag:s22] =	ssyncset.done $0x0  }
0xa0: {  	[sflag:s22] =	ssyncadd.s32 s4;
	_ =	sdelay $0x1  }
0xa1: {  	s23 =	simm.s32 $0x1B8B  }
0xa2: {  	_ =	swait.ge [sflag:s23], $0x1  }
0xa3: {  	[sflag:s23] =	ssyncset.done $0x0  }
0xa4: {  	s25 =	simm.s32 $0x1B8E;
	s24 =	sld [smem:$0x3FFE];
	[sflag:s23] =	ssyncadd.s32 $0xFFFFFFFF  }
0xa5: {  	s26 =	simm.s32 $execute0_lowered;
	[smem:$0x3FD2] =	sst s25  }
0xa6: {  	s5 =	sshll.u32 s26, $0x1;
	_ =	strace $0x80000049;
	[dreg:$0x1] =	wrdreg $0xFFFFFFFF  }
0xa7: {  	s28 =	simm.s32 $_size_execute0_lowered;
	s3 =	sadd.s32 s3, s5;
	[dreg:$0x0] =	wrdreg $0x0  }
0xa8: {  	s5 =	sshll.u32 s28, $0x1;
	[dreg:$0x2] =	wrdreg s3  }
0xa9: {  	[dreg:$0x3] =	wrdreg s5  }
0xaa: {  	[dreg:$0x4] =	wrdreg $0xC0  }
0xab: {  	_ =	task [dreg:s7], $0x5FFFF  }
0xac: {  	[dreg:$0x1] =	wrdreg $0xFFFFFFFF  }
0xad: {  	[dreg:$0x0] =	wrdreg $0x60  }
0xae: {  	[dreg:$0x2] =	wrdreg s24  }
0xaf: {  	[dreg:$0x3] =	wrdreg s2  }
0xb0: {  	[dreg:$0x4] =	wrdreg $0x63800  }
0xb1: {  	[dreg:$0x5] =	wrdreg $0x9  }
0xb2: {  	_ =	task.clear_ibuf [dreg:s7], $0x6FFFF;
	_ =	strace $0x90000049  }
0xb3: {  	s29 =	simm.s32 $0x9;
	_ =	strace $0x8000004B  }
0xb4: {  	_ =	swait.ge [sflag:s29], $0x1  }
0xb5: {  	[sflag:s29] =	ssyncadd.s32 $0xFFFFFFFF  }
0xb6: {  	_ =	strace $0x9000004B  }
0xb7: {  	_ =	sfence  }
0xb8: {  	s30 =	sld [smem:$0x0];
	_ =	sdelay $0x2  }
0xb9: {  	s31 =	sshll.u32 s1, $0xD;
	s1 =	sshrl.u32 s1, $0x2  }
0xba: {  	s3 =	sand.u32 $0x4000, s31;
	s1 =	sadd.s32 s1, s30  }
0xbb: {  	s0 =	sor.u32 s3, s0;
	s1 =	sshll.u32 s1, $0x11  }
0xbc: {  	s0 =	sor.u32 s1, s0  }
0xbd: {  	s0 =	sadd.s32 $0x8F2B, s0  }
0xbe: {  	[sflag:s0] =	ssyncadd.remote.s32 $0x1  }
0xbf: {  	_ =	sfence.sel $0xFFFF  }
0xc0: {  	[dreg:$0x0] =	wrdreg $0xFFFFFFFF;
	(pc) =	sbr.abs _section_cstart, $3  }
0xc1: {  	[dreg:$0x1] =	wrdreg $0xFFFFFFFF  }
0xc2: {  	_ =	task.clear_ibuf [dreg:s7], $0x2FFFF;
	_ =	strace $0x9FFFFFFF  }
0xc3: {  	(tm) =	ssettm $0x7FFFFFFF  }
tec
execute0_lowered:
.L_overlay_start_1:
0x0: {  	(tag) =	ssettag $0x1  }
0x1: {  	s0 =	rddreg [dreg:$0x0]  }
0x2: {  	s4 =	rddreg [dreg:$0x1]  }
0x3: {  	s8 =	rddreg [dreg:$0x2];
	s3 =	simm.s32 $0x0  }
0x4: {  	[smem:$0x7FF] =	sst s3  }
0x5: {  	s5 =	rddreg [dreg:$0x3];
	v0 =	vimm.f32 $2.000000000e+00;
	_ =	strace $0x8000004A  }
0x6: {  	(erf) = vrcp.f32 v0;
	_ =	sdelay $0x1  }
0x7: {  	s1 =	srdreg.scid  }
0x8: {  	s2 =	sand.u32 $0x1, s1  }
0x9: {  	p1 =	seq.s32 s2, $0x1  }
.Ltmp0:
0xa: {  	_ = 	snop;
	(pc) =	sbr.rel @p1 .LBB2_10-.Ltmp0, $3  }
0xb: {  	_ =	sdelay $0x1  }
0xc: {  	s1 =	stileid.u32  }
0xd: {  	p0 =	sne.s32 s1, $0x0;
	v20 =	vpop (erf)  }
0xe: {  	s2 =	sadd.s32 $0x1C00, s0;
	s5 =	simm.s32 $0x3  }
0xf: {  	[tilespmem:s3], [sflag:$0x3] =	stream.linear.gather [hbm4b:s2+s3], $0x1400, $0x38;
	[tilespmem:$0x63A0] =	vst v63  }
0x10: {  	_ =	swait.ge [sflag:s5], $0x1400  }
0x11: {  	[sflag:s5] =	ssyncset.done $0x0  }
0x12: {  	s18 =	sadd.s32 $0x1400, s0;
	s6 =	simm.s32 $0x1400;
	[sflag:s5] =	ssyncadd.s32 $0xFFFFEC00  }
0x13: {  	[tilespmem:s6], [sflag:$0x3] =	stream.linear.gather [hbm4b:s18+s3], $0x1400, $0x38;
	[tilespmem:$0x63A0] =	vst v63  }
0x14: {  	_ =	swait.ge [sflag:s5], $0x1400  }
0x15: {  	[sflag:s5] =	ssyncset.done $0x0  }
0x16: {  	s19 =	sadd.s32 $0x1800, s0;
	s20 =	simm.s32 $0x2800;
	[sflag:s5] =	ssyncadd.s32 $0xFFFFEC00  }
0x17: {  	[tilespmem:s20], [sflag:$0x3] =	stream.linear.gather [hbm4b:s19+s3], $0x1400, $0x38;
	[tilespmem:$0x63A0] =	vst v63  }
0x18: {  	_ =	swait.ge [sflag:s5], $0x1400  }
0x19: {  	[sflag:s5] =	ssyncset.done $0x0  }
0x1a: {  	s21 =	simm.s32 $0x3C00;
	s2 =	smul.u32 $0x140, s1;
	[sflag:s5] =	ssyncadd.s32 $0xFFFFEC00  }
0x1b: {  	[tilespmem:s21], [sflag:$0x3] =	stream.linear.gather [hbm4b:s4+s3], $0x1400, $0x38;
	[tilespmem:$0x63A0] =	vst v63  }
0x1c: {  	_ =	swait.ge [sflag:s5], $0x1400  }
0x1d: {  	s22 =	sadd.s32 $0x2000, s0;
	s23 =	sshrl.u32 s2, $0x3;
	[sflag:s5] =	ssyncset.done $0x0  }
0x1e: {  	s7 =	simm.s32 $0x5000;
	s4 =	sadd.s32 s22, s23;
	[sflag:s5] =	ssyncadd.s32 $0xFFFFEC00  }
0x1f: {  	[tilespmem:s7], [sflag:$0x3] =	stream.linear.gather [hbm4b:s4+s3], $0x140, $0x38;
	[tilespmem:$0x63A0] =	vst v63  }
0x20: {  	_ =	swait.ge [sflag:s5], $0x140  }
0x21: {  	s24 =	sadd.s32 $0x2400, s0;
	[sflag:s5] =	ssyncset.done $0x0  }
0x22: {  	s25 =	simm.s32 $0x5180;
	s4 =	sadd.s32 s24, s23;
	[sflag:s5] =	ssyncadd.s32 $0xFFFFFEC0  }
0x23: {  	[tilespmem:s25], [sflag:$0x3] =	stream.linear.gather [hbm4b:s4+s3], $0x140, $0x38;
	[tilespmem:$0x63A0] =	vst v63  }
0x24: {  	_ =	swait.ge [sflag:s5], $0x140  }
0x25: {  	[sflag:s5] =	ssyncset.done $0x0  }
0x26: {  	s3 =	simm.s32 @!p0 $0x0;
	[sflag:s5] =	ssyncadd.s32 $0xFFFFFEC0  }
0x27: {  	[smem:$0x0] =	sst @!p0 s3  }
0x28: {  	s3 =	simm.s32 $0x0;
	[bflag:$0x0] =	sbarrier.arrive $0xFFFF  }
0x29: {  	v2 =	vld [tilespmem:s3+$0x2800]  }
0x2a: {  	s26 =	sadd.s32 $0x3000, s0;
	v4 =	vld [tilespmem:s3+$0x3C00]  }
0x2b: {  	v19 =	vlaneseq.u32;
	s9 =	sadd.s32 $0x50, s2;
	s28 =	sadd.s32 $0x80, s2;
	s10 =	sadd.s32 $0x60, s2;
	v5 =	vld [tilespmem:s3+$0x0]  }
0x2c: {  	v0 =	vor.u32 s2, v19;
	s13 =	sadd.s32 $0x90, s2;
	s14 =	sadd.s32 $0xA0, s2;
	s15 =	sadd.s32 $0xB0, s2;
	v6 =	vld [tilespmem:s3+$0x1400]  }
0x2d: {  	s11 =	sadd.s32 $0x70, s2;
	s16 =	sadd.s32 $0xC0, s2;
	v9 =	vor.u32 s13, v19;
	v10 =	vor.u32 s14, v19;
	v11 =	vor.u32 s15, v19;
	s18 =	sadd.s32 $0xE0, s2  }
0x2e: {  	v12 =	vor.u32 s16, v19;
	v14 =	vor.u32 s18, v19;
	s24 =	sadd.s32 s23, s0;
	s7 =	sor.u32 $0x30, s2;
	s23 =	sadd.s32 $0x120, s2;
	v7 =	vmul.f32 $6.400000000e+02, v2  }
0x2f: {  	s17 =	sadd.s32 $0xD0, s2;
	s12 =	sand.u32 $0x3F80, s28;
	v3 =	vor.u32 s7, v19;
	v18 =	vor.u32 s23, v19;
	s5 =	sor.u32 $0x10, s2;
	v8 =	vmul.f32 $6.400000000e+02, v4  }
0x30: {  	s6 =	sor.u32 $0x20, s2;
	s20 =	sand.u32 $0x40, s2;
	s19 =	sadd.s32 $0xF0, s2;
	v1 =	vor.u32 s5, v19;
	v22 =	vmul.f32 $6.400000000e+02, v5;
	v23 =	vmul.f32 v7, v20  }
0x31: {  	s12 =	sor.u32 s20, s12;
	s0 =	sadd.s32 $0x800, s8;
	s8 =	sadd.s32 $0x40, s2;
	v2 =	vor.u32 s6, v19;
	v15 =	vmul.f32 $6.400000000e+02, v6;
	v16 =	vmul.f32 v8, v20  }
0x32: {  	s22 =	sadd.s32 $0x110, s2;
	s21 =	simm.s32 $0x10;
	s30 =	sadd.s32 $0x2800, s24;
	v4 =	vor.u32 s8, v19;
	v5 =	vor.u32 s9, v19;
	v13 =	vadd.f32 v23, v22  }
0x33: {  	s31 =	sadd.s32 $0x2C00, s24;
	s24 =	simm.s32 $0x80;
	s25 =	sadd.s32 $0x100, s2;
	v6 =	vor.u32 s10, v19;
	v7 =	vor.u32 s11, v19;
	v17 =	vadd.f32 v16, v15  }
0x34: {  	s4 =	sshll.u32 s1, $0x7;
	s29 =	sand.u32 $0x3F80, s25;
	[dreg:$0x4] =	wrdreg s26;
	v8 =	vor.u32 s28, v19;
	v24 =	vsub.f32 v15, v16;
	v15 =	vor.u32 s19, v19;
	[tilespmem:s3+$0x2800] =	vst v13  }
0x35: {  	s1 =	sadd.s32 s4, s0;
	[dreg:$0x6] =	wrdreg s30;
	v16 =	vor.u32 s25, v19;
	s25 =	sadd.s32 $0x130, s2;
	v22 =	vsub.f32 v22, v23;
	v13 =	vor.u32 s17, v19;
	[tilespmem:s3+$0x3C00] =	vst v17  }
0x36: {  	s20 =	sor.u32 s20, s29;
	[dreg:$0x5] =	wrdreg s31;
	s26 =	sadd.s32 $0x140, s2;
	v17 =	vor.u32 s22, v19;
	v19 =	vor.u32 s25, v19;
	v21 =	vld [tilespmem:s21+$0x2800];
	[tilespmem:s3+$0x1400] =	vst v24  }
.LBB2_2:
0x37: {  	p1 =	sne.s32 s24, $0x4FC0;
	v23 =	vld [tilespmem:s21+$0x3C00];
	[tilespmem:s3+$0x0] =	vst v22;
	s3 =	smov.u32 s21  }
0x38: {  	v22 =	vld [tilespmem:s3+$0x0]  }
0x39: {  	v24 =	vld [tilespmem:s3+$0x1400];
	_ =	sdelay $0x1  }
0x3a: {  	v21 =	vmul.f32 $6.400000000e+02, v21  }
0x3b: {  	v23 =	vmul.f32 $6.400000000e+02, v23  }
0x3c: {  	v25 =	vmul.f32 $6.400000000e+02, v22;
	v21 =	vmul.f32 v21, v20  }
0x3d: {  	v24 =	vmul.f32 $6.400000000e+02, v24;
	v23 =	vmul.f32 v23, v20  }
.Ltmp1:
0x3e: {  	v22 =	vsub.f32 v25, v21;
	v21 =	vadd.f32 v21, v25;
	(pc) =	sbr.rel @p1 .LBB2_2-.Ltmp1, $4  }
0x3f: {  	v25 =	vsub.f32 v24, v23;
	v23 =	vadd.f32 v23, v24  }
0x40: {  	[tilespmem:s3+$0x2800] =	vst v21  }
0x41: {  	s21 =	sshra.s32 s24, $0x2;
	[tilespmem:s3+$0x3C00] =	vst v23  }
0x42: {  	s24 =	sadd.s32 $0x40, s24;
	v21 =	vld [tilespmem:s21+$0x2800];
	[tilespmem:s3+$0x1400] =	vst v25  }
0x43: {  	v23 =	vld [tilespmem:s21+$0x3C00];
	[tilespmem:s3+$0x0] =	vst v22  }
0x44: {  	v22 =	vld [tilespmem:s21+$0x0];
	_ =	sdelay $0x1  }
0x45: {  	v24 =	vld [tilespmem:s21+$0x1400]  }
0x46: {  	v21 =	vmul.f32 $6.400000000e+02, v21  }
0x47: {  	v23 =	vmul.f32 $6.400000000e+02, v23  }
0x48: {  	v22 =	vmul.f32 $6.400000000e+02, v22;
	v21 =	vmul.f32 v21, v20;
	_ =	sdelay $0x1  }
0x49: {  	v24 =	vmul.f32 $6.400000000e+02, v24;
	v20 =	vmul.f32 v23, v20;
	v35 =	vadd.f32 v21, v22  }
0x4a: {  	v21 =	vsub.f32 v22, v21  }
0x4b: {  	v25 =	vadd.f32 v20, v24;
	[tilespmem:s21+$0x2800] =	vst v35  }
0x4c: {  	v20 =	vsub.f32 v24, v20;
	[tilespmem:s21+$0x0] =	vst v21  }
0x4d: {  	[tilespmem:s21+$0x3C00] =	vst v25  }
0x4e: {  	[tilespmem:s21+$0x1400] =	vst v20  }
0x4f: {  	v20 =	vld [tilespmem:$0x5000];
	_ =	sdelay $0x1  }
0x50: {  	v21 =	vld [tilespmem:$0x5010];
	_ =	sdelay $0x1  }
0x51: {  	v36 =	vld [tilespmem:$0x5020]  }
0x52: {  	vm0 =	vgt.f32 v20, $-3.000000000e+00  }
0x53: {  	v23 =	vld [tilespmem:$0x5030];
	v20 =	vnsel vm0, $0xC0400000, v20  }
0x54: {  	vm0 =	vgt.f32 v21, v20  }
0x55: {  	v37 =	vimm.s32 $0x0;
	v38 =	vld [tilespmem:$0x5040];
	v20 =	vsel vm0, v21, v20  }
0x56: {  	v24 =	vsel vm0, $0xFFFFFFFF, v37;
	vm0 =	vgt.f32 v36, v20  }
0x57: {  	v39 =	vimm.s32 $0x0;
	v40 =	vld [tilespmem:$0x5050];
	v20 =	vsel vm0, v36, v20  }
0x58: {  	[tilespmem:$0x1FFC0] =	vst v24;
	v24 =	vsel vm0, $0xFFFFFFFF, v39;
	vm0 =	vgt.f32 v23, v20  }
0x59: {  	v41 =	vimm.s32 $0x0;
	v42 =	vld [tilespmem:$0x5060];
	v20 =	vsel vm0, v23, v20  }
0x5a: {  	[tilespmem:$0x1FFD0] =	vst v24;
	v24 =	vsel vm0, $0xFFFFFFFF, v41;
	vm0 =	vgt.f32 v38, v20  }
0x5b: {  	v44 =	vld [tilespmem:$0x5070];
	v20 =	vsel vm0, v38, v20  }
0x5c: {  	vm4 =	vgt.f32 v40, v20  }
0x5d: {  	v45 =	vld [tilespmem:$0x5080];
	v20 =	vsel vm4, v40, v20  }
0x5e: {  	vm5 =	vgt.f32 v42, v20  }
0x5f: {  	v46 =	vld [tilespmem:$0x5090];
	v20 =	vsel vm5, v42, v20  }
0x60: {  	vm6 =	vgt.f32 v44, v20  }
0x61: {  	v47 =	vld [tilespmem:$0x50A0];
	v20 =	vsel vm6, v44, v20  }
0x62: {  	vm7 =	vgt.f32 v45, v20  }
0x63: {  	v48 =	vld [tilespmem:$0x50B0];
	v20 =	vsel vm7, v45, v20  }
0x64: {  	vm8 =	vgt.f32 v46, v20  }
0x65: {  	v49 =	vld [tilespmem:$0x50C0];
	v20 =	vsel vm8, v46, v20  }
0x66: {  	vm9 =	vgt.f32 v47, v20  }
0x67: {  	v50 =	vld [tilespmem:$0x50D0];
	v20 =	vsel vm9, v47, v20  }
0x68: {  	vm10 =	vgt.f32 v48, v20  }
0x69: {  	v51 =	vld [tilespmem:$0x50E0];
	v20 =	vsel vm10, v48, v20  }
0x6a: {  	vm11 =	vgt.f32 v49, v20  }
0x6b: {  	v52 =	vld [tilespmem:$0x50F0];
	v20 =	vsel vm11, v49, v20  }
0x6c: {  	vm12 =	vgt.f32 v50, v20  }
0x6d: {  	v53 =	vld [tilespmem:$0x5100];
	v20 =	vsel vm12, v50, v20  }
0x6e: {  	vm13 =	vgt.f32 v51, v20  }
0x6f: {  	v54 =	vld [tilespmem:$0x5110];
	v20 =	vsel vm13, v51, v20  }
0x70: {  	vm14 =	vgt.f32 v52, v20  }
0x71: {  	v55 =	vld [tilespmem:$0x5120];
	v20 =	vsel vm14, v52, v20  }
0x72: {  	vm15 =	vgt.f32 v53, v20  }
0x73: {  	v56 =	vld [tilespmem:$0x5130];
	v20 =	vsel vm15, v53, v20  }
0x74: {  	vm2 =	vgt.f32 v54, v20  }
0x75: {  	v43 =	vimm.s32 $0x0;
	v20 =	vsel vm2, v54, v20  }
0x76: {  	[tilespmem:$0x1FFE0] =	vst v24;
	v24 =	vsel vm0, $0xFFFFFFFF, v43;
	vm0 =	vgt.f32 v55, v20  }
0x77: {  	v20 =	vsel vm0, v55, v20  }
0x78: {  	vm1 =	vgt.f32 v56, v20  }
0x79: {  	v20 =	vsel vm1, v56, v20  }
0x7a: {  	vm3 =	vge.f32 v20, $0.0e+00  }
0x7b: {  	v59 =	vld [tilespmem:$0x1FFC0];
	v20 =	vnsel vm3, $0xFFFFFFFF, v20  }
0x7c: {  	v60 =	vld [tilespmem:$0x1FFD0];
	v57 =	vxor.u32 $0x80000000, v20  }
0x7d: {  	v61 =	vld [tilespmem:$0x1FFE0];
	[tilespmem:$0x1FFF0] =	vst v24;
	(xrf0) =	vmax.scan.msk.u32 $0xffff, v57  }
0x7e: {  	v63 =	vld [tilespmem:$0x1FFF0];
	_ =	sdelay $0x1  }
0x7f: {  	v58 =	vimm.s32 $0x0;
	vm3 =	vnez.u8 v59  }
0x80: {  	v21 =	vsel vm3, $0x10, v58;
	vm3 =	vnez.u8 v60  }
0x81: {  	v21 =	vsel vm3, $0x20, v21;
	vm3 =	vnez.u8 v61  }
0x82: {  	v21 =	vsel vm3, $0x30, v21;
	vm3 =	vnez.u8 v63;
	v62, _, _ =	vpop (xrf0)  }
0x83: {  	v21 =	vsel vm3, $0x40, v21;
	(v2sf) =	vpush v62, $0xF  }
0x84: {  	v21 =	vsel vm4, $0x50, v21  }
0x85: {  	v21 =	vsel vm5, $0x60, v21  }
0x86: {  	v21 =	vsel vm6, $0x70, v21  }
0x87: {  	v21 =	vsel vm7, $0x80, v21  }
0x88: {  	v21 =	vsel vm8, $0x90, v21  }
0x89: {  	v21 =	vsel vm9, $0xA0, v21  }
0x8a: {  	v21 =	vsel vm10, $0xB0, v21  }
0x8b: {  	v21 =	vsel vm11, $0xC0, v21  }
0x8c: {  	v21 =	vsel vm12, $0xD0, v21  }
0x8d: {  	v21 =	vsel vm13, $0xE0, v21  }
0x8e: {  	v21 =	vsel vm14, $0xF0, v21  }
0x8f: {  	v21 =	vsel vm15, $0x100, v21  }
0x90: {  	v21 =	vsel vm2, $0x110, v21  }
0x91: {  	v21 =	vsel vm0, $0x120, v21  }
0x92: {  	v21 =	vsel vm1, $0x130, v21;
	s21 =	spop (v2sf)  }
0x93: {  	v21 =	vadd.s32 v21, v0;
	s3 =	sxor.u32 $0x80000000, s21  }
0x94: {  	vm13 =	veq.s32 v20, s3;
	v20 =	vxor.u32 $0x80000000, v21  }
0x95: {  	v20 =	vnsel vm13, $0x80001400, v20  }
0x96: {  	(xrf0) =	vmin.scan.msk.u32 $0xffff, v20;
	_ =	sdelay $0x5  }
0x97: {  	v20, _, _ =	vpop (xrf0)  }
0x98: {  	(v2sf) =	vpush v20, $0xF;
	_ =	sdelay $0xe  }
0x99: {  	vm14 =	vcmask $0x300;
	v20 =	vmov s3;
	s24 =	spop (v2sf)  }
0x9a: {  	vm15 =	vcmask $0x704;
	v20 =	vnsel vm14, $0x0, v20;
	s28 =	sxor.u32 $0x80000000, s24  }
0x9b: {  	v20 =	vsel vm15, s28, v20  }
0x9c: {  	s29 =	simm.s32 $0x5300;
	s30 =	simm.s32 $0x3;
	[tilespmem:$0x5300] =	vst v20  }
0x9d: {  	[spmem:s1] =	stream.linear.scatter [tilespmem:s29], [sflag:$0x3], $0x80, $0x38;
	[tilespmem:$0x63A0] =	vst v63  }
0x9e: {  	_ =	swait.ge [sflag:s30], $0x80  }
0x9f: {  	[sflag:s30] =	ssyncset.done $0x0  }
0xa0: {  	s31 =	simm.s32 $0x1;
	[sflag:s30] =	ssyncadd.s32 $0xFFFFFF80  }
0xa1: {  	s1 =	simm.s32 $0x0;
	[sflag:s31] =	ssyncset.done $0x0  }
0xa2: {  	[smem:s1], [sflag:$0x1] =	smem.add.s32 $0x1  }
0xa3: {  	_ =	swait.done [sflag:s31]  }
0xa4: {  	[sflag:s31] =	ssyncset.s32 $0x0  }
0xa5: {  	s3 =	simm.s32 $0x2;
	[sflag:s31] =	ssyncset.done $0x0  }
.LBB2_4:
0xa6: {  	[sflag:s3] =	ssyncset.done $0x0  }
0xa7: {  	[smem:s1], [sflag:$0x2] =	smem.add.s32 $0x0  }
0xa8: {  	_ =	swait.done [sflag:s3]  }
0xa9: {  	s21 =	ssyncread [sflag:$0x2];
	_ =	sdelay $0x2  }
0xaa: {  	p1 =	slt.s32 s21, $0x10  }
.Ltmp2:
0xab: {  	_ = 	snop;
	(pc) =	sbr.rel @p1 .LBB2_4-.Ltmp2, $3  }
0xac: {  	_ =	sdelay $0x1  }
0xad: {  	[sflag:s3] =	ssyncset.s32 $0x0  }
0xae: {  	[sflag:s3] =	ssyncset.done $0x0  }
0xaf: {  	v20 =	vlaneseq.u32  }
0xb0: {  	s1 =	sshll.u32 s21, $0xB;
	v20 =	vmul.u32 $0x80, v20  }
0xb1: {  	s1 =	sand.u32 $0x800, s1  }
0xb2: {  	s28 =	simm.s32 $0x3;
	s3 =	sor.u32 $0x5380, s1;
	v21 =	vor.u32 s1, v20  }
0xb3: {  	[tilespmem:s3], [sflag:$0x3] =	stream.linear.gather [spmem:s0], $0x800, $0x38;
	[tilespmem:$0x63A0] =	vst v63  }
0xb4: {  	_ =	swait.ge [sflag:s28], $0x800  }
0xb5: {  	[sflag:s28] =	ssyncset.done $0x0  }
0xb6: {  	s29 =	simm.s32 $0x5380;
	[sflag:s28] =	ssyncadd.s32 $0xFFFFF800  }
0xb7: {  	v22 =	vld.idx.msk [tilespmem:v21+s29+$0x0], $0xffff;
	_ =	sdelay $0x4  }
0xb8: {  	v21 =	vxor.u32 $0x80000000, v22  }
0xb9: {  	(xrf0) =	vmax.scan.msk.u32 $0xffff, v21;
	_ =	sdelay $0x5  }
0xba: {  	v21, _, _ =	vpop (xrf0)  }
0xbb: {  	(v2sf) =	vpush v21, $0xF;
	_ =	sdelay $0x5  }
0xbc: {  	v21 =	vor.u32 $0x1, v20  }
0xbd: {  	v23 =	vor.u32 s1, v21;
	_ =	sdelay $0x4  }
0xbe: {  	v23 =	vld.idx.msk [tilespmem:v23+s29+$0x0], $0xffff;
	_ =	sdelay $0x2  }
0xbf: {  	s24 =	spop (v2sf)  }
0xc0: {  	s21 =	sxor.u32 $0x80000000, s24  }
0xc1: {  	vm0 =	veq.s32 v22, s21;
	v22 =	vxor.u32 $0x80000000, v23  }
0xc2: {  	v22 =	vnsel vm0, $0x80001400, v22  }
0xc3: {  	(xrf0) =	vmin.scan.msk.u32 $0xffff, v22;
	_ =	sdelay $0x5  }
0xc4: {  	v22, _, _ =	vpop (xrf0)  }
0xc5: {  	(v2sf) =	vpush v22, $0xF;
	_ =	sdelay $0xc  }
0xc6: {  	vm15 =	vmmov $0x1;
	v22 =	vimm.s32 $0x0  }
0xc7: {  	s30 =	simm.s32 $0x0;
	s31 =	simm.s32 $0x4;
	v22 =	vsel vm15, $0xFFFFFFFF, v22  }
0xc8: {  	s0 =	simm.s32 $0x0;
	s1 =	simm.s32 $0x5;
	v23 =	vimm.s32 $0x0;
	[tilespmem:$0x1FFB0] =	vst v22;
	v22 =	vimm.f32 $1.000000000e+00;
	s3 =	spop (v2sf)  }
.LBB2_6:
0xc9: {  	s3 =	sxor.u32 $0x80000000, s3  }
0xca: {  	p1 =	slt.s32 s3, $0x13FF  }
0xcb: {  	s3 =	simm.s32 @!p1 $0x13FF  }
0xcc: {  	v25 =	vld [tilespmem:$0x1FFB0];
	p1 =	sge.s32 s3, s2;
	p2 =	slt.s32 s3, s26  }
0xcd: {  	s24 =	ssub.s32 s3, s2;
	p2 =	por !p1, !p2  }
0xce: {  	p1 =	sgt.s32 s21, $0x3E99999A;
	p3 =	sgt.s32 s24, $0x0;
	p2 =	por !p2, !p2  }
0xcf: {  	vm7 =	vmxor vm7, vm7;
	s24 =	simm.s32 @!p3 $0x0;
	p2 =	por !p1, !p2  }
0xd0: {  	vm0 =	vmmov vm7;
	s24 =	smin.u32 s24, $0x13F;
	p2 =	por !p2, !p2  }
0xd1: {  	vm1 =	vnez.u8 v25;
	v24 =	vmov s24;
	vm0 =	vmneg @p2 vm0  }
0xd2: {  	v24 =	vbroadcast v24, $0x0;
	vm0 =	vmand vm0, vm1;
	_ =	sdelay $0x1  }
0xd3: {  	v26 =	vmov s3;
	_ =	sdelay $0x2  }
0xd4: {  	s24 =	simm.s32 $0x5180  }
0xd5: {  	[tilespmem:v24+s24+$0x0] =	vst.idx.msk vm0, v22  }
0xd6: {  	s24 =	simm.s32 $0x1400;
	v25 =	vld.idx.msk [tilespmem:v26+s30+$0x0], $0xffff  }
0xd7: {  	v24 =	vld.idx.msk [tilespmem:v26+s24+$0x0], $0xffff  }
0xd8: {  	v28 =	vld [tilespmem:s2+$0x0]  }
0xd9: {  	v29 =	vld [tilespmem:s2+$0x1400]  }
0xda: {  	v30 =	vld [tilespmem:s2+$0x2800]  }
0xdb: {  	s24 =	simm.s32 $0x2800;
	v31 =	vld [tilespmem:s2+$0x3C00]  }
0xdc: {  	v27 =	vld.idx.msk [tilespmem:v26+s24+$0x0], $0xffff;
	s24 =	simm.s32 $0x3C00  }
0xdd: {  	v26 =	vld.idx.msk [tilespmem:v26+s24+$0x0], $0xffff;
	_ =	sdelay $0x2  }
0xde: {  	v34 =	vsub.f32 v30, v28;
	v35 =	vsub.f32 v31, v29  }
0xdf: {  	v28 =	vmax.f32 v28, v25;
	v29 =	vmax.f32 v29, v24;
	v32 =	vsub.f32 v27, v25  }
0xe0: {  	v30 =	vmin.f32 v30, v27;
	v33 =	vsub.f32 v26, v24;
	v31 =	vmin.f32 v31, v26  }
0xe1: {  	v30 =	vsub.f32 v30, v28;
	v29 =	vsub.f32 v31, v29  }
0xe2: {  	v59 =	vmul.f32 v35, v34;
	v28 =	vmul.f32 v33, v32  }
0xe3: {  	v30 =	vmax.f32 v30, $0.0e+00;
	v29 =	vmax.f32 v29, $0.0e+00  }
0xe4: {  	v29 =	vmul.f32 v29, v30;
	v60 =	vadd.f32 v59, v28;
	_ =	sdelay $0x1  }
0xe5: {  	v30 =	vsub.f32 v60, v29;
	_ =	sdelay $0x1  }
0xe6: {  	v30 =	vadd.f32 $9.999999710e-10, v30;
	_ =	sdelay $0x1  }
0xe7: {  	(erf) = vrcp.f32 v30;
	_ =	sdelay $0x8  }
0xe8: {  	v30 =	vpop (erf)  }
0xe9: {  	v61 =	vld [tilespmem:$0x5000];
	v29 =	vmul.f32 v30, v29;
	_ =	sdelay $0x1  }
0xea: {  	vm5 =	veq.s32 v0, s3;
	vm4 =	vgt.f32 v29, $2.500000000e-01  }
0xeb: {  	vm7 =	vmneg @p1 vm7;
	vm0 =	vmor vm5, vm4  }
0xec: {  	vm0 =	vmand vm7, vm0  }
0xed: {  	v29 =	vsel vm0, $0xBF800000, v61  }
0xee: {  	[tilespmem:$0x5000] =	vst v29  }
0xef: {  	v62 =	vld [tilespmem:s5+$0x0]  }
0xf0: {  	v63 =	vld [tilespmem:s5+$0x1400]  }
0xf1: {  	v36 =	vld [tilespmem:s5+$0x2800]  }
0xf2: {  	v37 =	vld [tilespmem:s5+$0x3C00];
	_ =	sdelay $0x4  }
0xf3: {  	v38 =	vsub.f32 v36, v62;
	v39 =	vsub.f32 v37, v63;
	v32 =	vmin.f32 v36, v27  }
0xf4: {  	v30 =	vmax.f32 v62, v25;
	v33 =	vmin.f32 v37, v26;
	v31 =	vmax.f32 v63, v24  }
0xf5: {  	v30 =	vsub.f32 v32, v30;
	v31 =	vsub.f32 v33, v31  }
0xf6: {  	v40 =	vmul.f32 v39, v38  }
0xf7: {  	v30 =	vmax.f32 v30, $0.0e+00;
	v31 =	vmax.f32 v31, $0.0e+00  }
0xf8: {  	v30 =	vmul.f32 v31, v30;
	v41 =	vadd.f32 v40, v28;
	_ =	sdelay $0x1  }
0xf9: {  	v31 =	vsub.f32 v41, v30;
	_ =	sdelay $0x1  }
0xfa: {  	v31 =	vadd.f32 $9.999999710e-10, v31;
	_ =	sdelay $0x1  }
0xfb: {  	(erf) = vrcp.f32 v31;
	_ =	sdelay $0x8  }
0xfc: {  	v31 =	vpop (erf)  }
0xfd: {  	v42 =	vld [tilespmem:$0x5010];
	v30 =	vmul.f32 v31, v30;
	_ =	sdelay $0x1  }
0xfe: {  	vm8 =	veq.s32 v1, s3;
	vm6 =	vgt.f32 v30, $2.500000000e-01  }
0xff: {  	vm0 =	vmor vm8, vm6  }
0x100: {  	vm0 =	vmand vm7, vm0  }
0x101: {  	v30 =	vsel vm0, $0xBF800000, v42  }
0x102: {  	[tilespmem:$0x5010] =	vst v30  }
0x103: {  	v43 =	vld [tilespmem:s6+$0x0]  }
0x104: {  	v44 =	vld [tilespmem:s6+$0x1400]  }
0x105: {  	v45 =	vld [tilespmem:s6+$0x2800]  }
0x106: {  	v46 =	vld [tilespmem:s6+$0x3C00];
	_ =	sdelay $0x4  }
0x107: {  	v47 =	vsub.f32 v45, v43;
	v36 =	vsub.f32 v46, v44;
	v33 =	vmin.f32 v45, v27  }
0x108: {  	v31 =	vmax.f32 v43, v25;
	v34 =	vmin.f32 v46, v26;
	v32 =	vmax.f32 v44, v24  }
0x109: {  	v31 =	vsub.f32 v33, v31;
	v32 =	vsub.f32 v34, v32  }
0x10a: {  	v48 =	vmul.f32 v36, v47  }
0x10b: {  	v31 =	vmax.f32 v31, $0.0e+00;
	v32 =	vmax.f32 v32, $0.0e+00  }
0x10c: {  	v31 =	vmul.f32 v32, v31;
	v49 =	vadd.f32 v48, v28;
	_ =	sdelay $0x1  }
0x10d: {  	v32 =	vsub.f32 v49, v31;
	_ =	sdelay $0x1  }
0x10e: {  	v32 =	vadd.f32 $9.999999710e-10, v32;
	_ =	sdelay $0x1  }
0x10f: {  	(erf) = vrcp.f32 v32;
	_ =	sdelay $0x8  }
0x110: {  	v32 =	vpop (erf)  }
0x111: {  	v50 =	vld [tilespmem:$0x5020];
	v31 =	vmul.f32 v32, v31;
	_ =	sdelay $0x1  }
0x112: {  	vm10 =	veq.s32 v2, s3;
	vm9 =	vgt.f32 v31, $2.500000000e-01  }
0x113: {  	vm0 =	vmor vm10, vm9  }
0x114: {  	vm0 =	vmand vm7, vm0  }
0x115: {  	v31 =	vsel vm0, $0xBF800000, v50  }
0x116: {  	[tilespmem:$0x5020] =	vst v31  }
0x117: {  	v51 =	vld [tilespmem:s7+$0x0]  }
0x118: {  	v52 =	vld [tilespmem:s7+$0x1400]  }
0x119: {  	v53 =	vld [tilespmem:s7+$0x2800]  }
0x11a: {  	v54 =	vld [tilespmem:s7+$0x3C00];
	_ =	sdelay $0x4  }
0x11b: {  	v55 =	vsub.f32 v53, v51;
	v37 =	vsub.f32 v54, v52;
	v34 =	vmin.f32 v53, v27  }
0x11c: {  	v32 =	vmax.f32 v51, v25;
	v35 =	vmin.f32 v54, v26;
	v33 =	vmax.f32 v52, v24  }
0x11d: {  	v32 =	vsub.f32 v34, v32;
	v33 =	vsub.f32 v35, v33  }
0x11e: {  	v56 =	vmul.f32 v37, v55  }
0x11f: {  	v32 =	vmax.f32 v32, $0.0e+00;
	v33 =	vmax.f32 v33, $0.0e+00  }
0x120: {  	v32 =	vmul.f32 v33, v32;
	v57 =	vadd.f32 v56, v28;
	_ =	sdelay $0x1  }
0x121: {  	v33 =	vsub.f32 v57, v32;
	_ =	sdelay $0x1  }
0x122: {  	v33 =	vadd.f32 $9.999999710e-10, v33;
	_ =	sdelay $0x1  }
0x123: {  	(erf) = vrcp.f32 v33;
	_ =	sdelay $0x8  }
0x124: {  	v33 =	vpop (erf)  }
0x125: {  	v58 =	vld [tilespmem:$0x5030];
	v32 =	vmul.f32 v33, v32;
	_ =	sdelay $0x1  }
0x126: {  	vm12 =	veq.s32 v3, s3;
	vm11 =	vgt.f32 v32, $2.500000000e-01  }
0x127: {  	vm0 =	vmor vm12, vm11  }
0x128: {  	vm0 =	vmand vm7, vm0  }
0x129: {  	v32 =	vsel vm0, $0xBF800000, v58  }
0x12a: {  	[tilespmem:$0x5030] =	vst v32  }
0x12b: {  	v59 =	vld [tilespmem:s2+$0x40]  }
0x12c: {  	v60 =	vld [tilespmem:s8+$0x1400]  }
0x12d: {  	v61 =	vld [tilespmem:s8+$0x2800]  }
0x12e: {  	v62 =	vld [tilespmem:s8+$0x3C00];
	_ =	sdelay $0x4  }
0x12f: {  	v63 =	vsub.f32 v61, v59;
	v38 =	vsub.f32 v62, v60;
	v35 =	vmin.f32 v61, v27  }
0x130: {  	v33 =	vmax.f32 v59, v25;
	v36 =	vmin.f32 v62, v26;
	v34 =	vmax.f32 v60, v24  }
0x131: {  	v33 =	vsub.f32 v35, v33;
	v34 =	vsub.f32 v36, v34  }
0x132: {  	v40 =	vmul.f32 v38, v63  }
0x133: {  	v33 =	vmax.f32 v33, $0.0e+00;
	v34 =	vmax.f32 v34, $0.0e+00  }
0x134: {  	v33 =	vmul.f32 v34, v33;
	v41 =	vadd.f32 v40, v28;
	_ =	sdelay $0x1  }
0x135: {  	v34 =	vsub.f32 v41, v33;
	_ =	sdelay $0x1  }
0x136: {  	v34 =	vadd.f32 $9.999999710e-10, v34;
	_ =	sdelay $0x1  }
0x137: {  	(erf) = vrcp.f32 v34;
	_ =	sdelay $0x8  }
0x138: {  	v34 =	vpop (erf)  }
0x139: {  	v42 =	vld [tilespmem:$0x5040];
	v33 =	vmul.f32 v34, v33;
	_ =	sdelay $0x1  }
0x13a: {  	vm14 =	veq.s32 v4, s3;
	vm13 =	vgt.f32 v33, $2.500000000e-01  }
0x13b: {  	vm0 =	vmor vm14, vm13  }
0x13c: {  	vm0 =	vmand vm7, vm0  }
0x13d: {  	v33 =	vsel vm0, $0xBF800000, v42  }
0x13e: {  	[tilespmem:$0x5040] =	vst v33  }
0x13f: {  	v43 =	vld [tilespmem:s2+$0x50]  }
0x140: {  	v44 =	vld [tilespmem:s9+$0x1400]  }
0x141: {  	v45 =	vld [tilespmem:s9+$0x2800]  }
0x142: {  	v46 =	vld [tilespmem:s9+$0x3C00];
	_ =	sdelay $0x4  }
0x143: {  	v47 =	vsub.f32 v45, v43;
	v39 =	vsub.f32 v46, v44;
	v36 =	vmin.f32 v45, v27  }
0x144: {  	v34 =	vmax.f32 v43, v25;
	v37 =	vmin.f32 v46, v26;
	v35 =	vmax.f32 v44, v24  }
0x145: {  	v34 =	vsub.f32 v36, v34;
	v35 =	vsub.f32 v37, v35  }
0x146: {  	v48 =	vmul.f32 v39, v47  }
0x147: {  	v34 =	vmax.f32 v34, $0.0e+00;
	v35 =	vmax.f32 v35, $0.0e+00  }
0x148: {  	v34 =	vmul.f32 v35, v34;
	v49 =	vadd.f32 v48, v28;
	_ =	sdelay $0x1  }
0x149: {  	v35 =	vsub.f32 v49, v34;
	_ =	sdelay $0x1  }
0x14a: {  	v35 =	vadd.f32 $9.999999710e-10, v35;
	_ =	sdelay $0x1  }
0x14b: {  	(erf) = vrcp.f32 v35;
	_ =	sdelay $0x8  }
0x14c: {  	v35 =	vpop (erf)  }
0x14d: {  	v50 =	vld [tilespmem:$0x5050];
	v34 =	vmul.f32 v35, v34;
	_ =	sdelay $0x1  }
0x14e: {  	vm4 =	veq.s32 v5, s3;
	vm15 =	vgt.f32 v34, $2.500000000e-01  }
0x14f: {  	vm0 =	vmor vm4, vm15  }
0x150: {  	vm0 =	vmand vm7, vm0  }
0x151: {  	v34 =	vsel vm0, $0xBF800000, v50  }
0x152: {  	[tilespmem:$0x5050] =	vst v34  }
0x153: {  	v51 =	vld [tilespmem:s2+$0x60]  }
0x154: {  	v52 =	vld [tilespmem:s10+$0x1400]  }
0x155: {  	v53 =	vld [tilespmem:s10+$0x2800]  }
0x156: {  	v54 =	vld [tilespmem:s10+$0x3C00];
	_ =	sdelay $0x4  }
0x157: {  	v55 =	vsub.f32 v53, v51;
	v40 =	vsub.f32 v54, v52;
	v37 =	vmin.f32 v53, v27  }
0x158: {  	v35 =	vmax.f32 v51, v25;
	v38 =	vmin.f32 v54, v26;
	v36 =	vmax.f32 v52, v24  }
0x159: {  	v35 =	vsub.f32 v37, v35;
	v36 =	vsub.f32 v38, v36  }
0x15a: {  	v56 =	vmul.f32 v40, v55  }
0x15b: {  	v35 =	vmax.f32 v35, $0.0e+00;
	v36 =	vmax.f32 v36, $0.0e+00  }
0x15c: {  	v35 =	vmul.f32 v36, v35;
	v57 =	vadd.f32 v56, v28;
	_ =	sdelay $0x1  }
0x15d: {  	v36 =	vsub.f32 v57, v35;
	_ =	sdelay $0x1  }
0x15e: {  	v36 =	vadd.f32 $9.999999710e-10, v36;
	_ =	sdelay $0x1  }
0x15f: {  	(erf) = vrcp.f32 v36;
	_ =	sdelay $0x8  }
0x160: {  	v36 =	vpop (erf)  }
0x161: {  	v58 =	vld [tilespmem:$0x5060];
	v35 =	vmul.f32 v36, v35;
	_ =	sdelay $0x1  }
0x162: {  	vm6 =	veq.s32 v6, s3;
	vm5 =	vgt.f32 v35, $2.500000000e-01  }
0x163: {  	vm0 =	vmor vm6, vm5  }
0x164: {  	vm0 =	vmand vm7, vm0  }
0x165: {  	v35 =	vsel vm0, $0xBF800000, v58  }
0x166: {  	[tilespmem:$0x5060] =	vst v35  }
0x167: {  	v59 =	vld [tilespmem:s2+$0x70]  }
0x168: {  	v60 =	vld [tilespmem:s11+$0x1400]  }
0x169: {  	v61 =	vld [tilespmem:s11+$0x2800]  }
0x16a: {  	v62 =	vld [tilespmem:s11+$0x3C00];
	_ =	sdelay $0x4  }
0x16b: {  	v63 =	vsub.f32 v61, v59;
	v41 =	vsub.f32 v62, v60;
	v38 =	vmin.f32 v61, v27  }
0x16c: {  	v36 =	vmax.f32 v59, v25;
	v39 =	vmin.f32 v62, v26;
	v37 =	vmax.f32 v60, v24  }
0x16d: {  	v36 =	vsub.f32 v38, v36;
	v37 =	vsub.f32 v39, v37  }
0x16e: {  	v44 =	vmul.f32 v41, v63  }
0x16f: {  	v36 =	vmax.f32 v36, $0.0e+00;
	v37 =	vmax.f32 v37, $0.0e+00  }
0x170: {  	v36 =	vmul.f32 v37, v36;
	v45 =	vadd.f32 v44, v28;
	_ =	sdelay $0x1  }
0x171: {  	v37 =	vsub.f32 v45, v36;
	_ =	sdelay $0x1  }
0x172: {  	v37 =	vadd.f32 $9.999999710e-10, v37;
	_ =	sdelay $0x1  }
0x173: {  	(erf) = vrcp.f32 v37;
	_ =	sdelay $0x8  }
0x174: {  	v37 =	vpop (erf)  }
0x175: {  	v46 =	vld [tilespmem:$0x5070];
	v36 =	vmul.f32 v37, v36;
	_ =	sdelay $0x1  }
0x176: {  	vm9 =	veq.s32 v7, s3;
	vm8 =	vgt.f32 v36, $2.500000000e-01  }
0x177: {  	vm0 =	vmor vm9, vm8  }
0x178: {  	vm0 =	vmand vm7, vm0  }
0x179: {  	v36 =	vsel vm0, $0xBF800000, v46  }
0x17a: {  	[tilespmem:$0x5070] =	vst v36  }
0x17b: {  	v47 =	vld [tilespmem:s12+$0x0]  }
0x17c: {  	v48 =	vld [tilespmem:s12+$0x1400]  }
0x17d: {  	v49 =	vld [tilespmem:s12+$0x2800]  }
0x17e: {  	v50 =	vld [tilespmem:s12+$0x3C00];
	_ =	sdelay $0x4  }
0x17f: {  	v51 =	vsub.f32 v49, v47;
	v42 =	vsub.f32 v50, v48;
	v39 =	vmin.f32 v49, v27  }
0x180: {  	v37 =	vmax.f32 v47, v25;
	v40 =	vmin.f32 v50, v26;
	v38 =	vmax.f32 v48, v24  }
0x181: {  	v37 =	vsub.f32 v39, v37;
	v38 =	vsub.f32 v40, v38  }
0x182: {  	v52 =	vmul.f32 v42, v51  }
0x183: {  	v37 =	vmax.f32 v37, $0.0e+00;
	v38 =	vmax.f32 v38, $0.0e+00  }
0x184: {  	v37 =	vmul.f32 v38, v37;
	v53 =	vadd.f32 v52, v28;
	_ =	sdelay $0x1  }
0x185: {  	v38 =	vsub.f32 v53, v37;
	_ =	sdelay $0x1  }
0x186: {  	v38 =	vadd.f32 $9.999999710e-10, v38;
	_ =	sdelay $0x1  }
0x187: {  	(erf) = vrcp.f32 v38;
	_ =	sdelay $0x8  }
0x188: {  	v38 =	vpop (erf)  }
0x189: {  	v54 =	vld [tilespmem:$0x5080];
	v37 =	vmul.f32 v38, v37;
	_ =	sdelay $0x1  }
0x18a: {  	vm11 =	veq.s32 v8, s3;
	vm10 =	vgt.f32 v37, $2.500000000e-01  }
0x18b: {  	vm0 =	vmor vm11, vm10  }
0x18c: {  	vm0 =	vmand vm7, vm0  }
0x18d: {  	v37 =	vsel vm0, $0xBF800000, v54  }
0x18e: {  	[tilespmem:$0x5080] =	vst v37  }
0x18f: {  	v55 =	vld [tilespmem:s2+$0x90]  }
0x190: {  	v56 =	vld [tilespmem:s13+$0x1400]  }
0x191: {  	v57 =	vld [tilespmem:s13+$0x2800]  }
0x192: {  	v58 =	vld [tilespmem:s13+$0x3C00];
	_ =	sdelay $0x4  }
0x193: {  	v59 =	vsub.f32 v57, v55;
	v43 =	vsub.f32 v58, v56;
	v40 =	vmin.f32 v57, v27  }
0x194: {  	v38 =	vmax.f32 v55, v25;
	v41 =	vmin.f32 v58, v26;
	v39 =	vmax.f32 v56, v24  }
0x195: {  	v38 =	vsub.f32 v40, v38;
	v39 =	vsub.f32 v41, v39  }
0x196: {  	v60 =	vmul.f32 v43, v59  }
0x197: {  	v38 =	vmax.f32 v38, $0.0e+00;
	v39 =	vmax.f32 v39, $0.0e+00  }
0x198: {  	v38 =	vmul.f32 v39, v38;
	v61 =	vadd.f32 v60, v28;
	_ =	sdelay $0x1  }
0x199: {  	v39 =	vsub.f32 v61, v38;
	_ =	sdelay $0x1  }
0x19a: {  	v39 =	vadd.f32 $9.999999710e-10, v39;
	_ =	sdelay $0x1  }
0x19b: {  	(erf) = vrcp.f32 v39;
	_ =	sdelay $0x8  }
0x19c: {  	v39 =	vpop (erf)  }
0x19d: {  	v62 =	vld [tilespmem:$0x5090];
	v38 =	vmul.f32 v39, v38;
	_ =	sdelay $0x1  }
0x19e: {  	vm13 =	veq.s32 v9, s3;
	vm12 =	vgt.f32 v38, $2.500000000e-01  }
0x19f: {  	vm0 =	vmor vm13, vm12  }
0x1a0: {  	vm0 =	vmand vm7, vm0  }
0x1a1: {  	v38 =	vsel vm0, $0xBF800000, v62  }
0x1a2: {  	[tilespmem:$0x5090] =	vst v38  }
0x1a3: {  	v63 =	vld [tilespmem:s2+$0xA0]  }
0x1a4: {  	v48 =	vld [tilespmem:s14+$0x1400]  }
0x1a5: {  	v49 =	vld [tilespmem:s14+$0x2800]  }
0x1a6: {  	v50 =	vld [tilespmem:s14+$0x3C00];
	_ =	sdelay $0x4  }
0x1a7: {  	v51 =	vsub.f32 v49, v63;
	v44 =	vsub.f32 v50, v48;
	v41 =	vmin.f32 v49, v27  }
0x1a8: {  	v39 =	vmax.f32 v63, v25;
	v42 =	vmin.f32 v50, v26;
	v40 =	vmax.f32 v48, v24  }
0x1a9: {  	v39 =	vsub.f32 v41, v39;
	v40 =	vsub.f32 v42, v40  }
0x1aa: {  	v52 =	vmul.f32 v44, v51  }
0x1ab: {  	v39 =	vmax.f32 v39, $0.0e+00;
	v40 =	vmax.f32 v40, $0.0e+00  }
0x1ac: {  	v39 =	vmul.f32 v40, v39;
	v53 =	vadd.f32 v52, v28;
	_ =	sdelay $0x1  }
0x1ad: {  	v40 =	vsub.f32 v53, v39;
	_ =	sdelay $0x1  }
0x1ae: {  	v40 =	vadd.f32 $9.999999710e-10, v40;
	_ =	sdelay $0x1  }
0x1af: {  	(erf) = vrcp.f32 v40;
	_ =	sdelay $0x8  }
0x1b0: {  	v40 =	vpop (erf)  }
0x1b1: {  	v54 =	vld [tilespmem:$0x50A0];
	v39 =	vmul.f32 v40, v39;
	_ =	sdelay $0x1  }
0x1b2: {  	vm15 =	veq.s32 v10, s3;
	vm14 =	vgt.f32 v39, $2.500000000e-01  }
0x1b3: {  	vm0 =	vmor vm15, vm14  }
0x1b4: {  	vm0 =	vmand vm7, vm0  }
0x1b5: {  	v39 =	vsel vm0, $0xBF800000, v54  }
0x1b6: {  	[tilespmem:$0x50A0] =	vst v39  }
0x1b7: {  	v55 =	vld [tilespmem:s2+$0xB0]  }
0x1b8: {  	v56 =	vld [tilespmem:s15+$0x1400]  }
0x1b9: {  	v57 =	vld [tilespmem:s15+$0x2800]  }
0x1ba: {  	v58 =	vld [tilespmem:s15+$0x3C00];
	_ =	sdelay $0x4  }
0x1bb: {  	v59 =	vsub.f32 v57, v55;
	v45 =	vsub.f32 v58, v56;
	v42 =	vmin.f32 v57, v27  }
0x1bc: {  	v40 =	vmax.f32 v55, v25;
	v43 =	vmin.f32 v58, v26;
	v41 =	vmax.f32 v56, v24  }
0x1bd: {  	v40 =	vsub.f32 v42, v40;
	v41 =	vsub.f32 v43, v41  }
0x1be: {  	v60 =	vmul.f32 v45, v59  }
0x1bf: {  	v40 =	vmax.f32 v40, $0.0e+00;
	v41 =	vmax.f32 v41, $0.0e+00  }
0x1c0: {  	v40 =	vmul.f32 v41, v40;
	v61 =	vadd.f32 v60, v28;
	_ =	sdelay $0x1  }
0x1c1: {  	v41 =	vsub.f32 v61, v40;
	_ =	sdelay $0x1  }
0x1c2: {  	v41 =	vadd.f32 $9.999999710e-10, v41;
	_ =	sdelay $0x1  }
0x1c3: {  	(erf) = vrcp.f32 v41;
	_ =	sdelay $0x8  }
0x1c4: {  	v41 =	vpop (erf)  }
0x1c5: {  	v62 =	vld [tilespmem:$0x50B0];
	v40 =	vmul.f32 v41, v40;
	_ =	sdelay $0x1  }
0x1c6: {  	vm5 =	veq.s32 v11, s3;
	vm4 =	vgt.f32 v40, $2.500000000e-01  }
0x1c7: {  	vm0 =	vmor vm5, vm4  }
0x1c8: {  	vm0 =	vmand vm7, vm0  }
0x1c9: {  	v40 =	vsel vm0, $0xBF800000, v62  }
0x1ca: {  	[tilespmem:$0x50B0] =	vst v40  }
0x1cb: {  	v63 =	vld [tilespmem:s2+$0xC0]  }
0x1cc: {  	v48 =	vld [tilespmem:s16+$0x1400]  }
0x1cd: {  	v49 =	vld [tilespmem:s16+$0x2800]  }
0x1ce: {  	v50 =	vld [tilespmem:s16+$0x3C00];
	_ =	sdelay $0x4  }
0x1cf: {  	v51 =	vsub.f32 v49, v63;
	v46 =	vsub.f32 v50, v48;
	v43 =	vmin.f32 v49, v27  }
0x1d0: {  	v41 =	vmax.f32 v63, v25;
	v44 =	vmin.f32 v50, v26;
	v42 =	vmax.f32 v48, v24  }
0x1d1: {  	v41 =	vsub.f32 v43, v41;
	v42 =	vsub.f32 v44, v42  }
0x1d2: {  	v52 =	vmul.f32 v46, v51  }
0x1d3: {  	v41 =	vmax.f32 v41, $0.0e+00;
	v42 =	vmax.f32 v42, $0.0e+00  }
0x1d4: {  	v41 =	vmul.f32 v42, v41;
	v53 =	vadd.f32 v52, v28;
	_ =	sdelay $0x1  }
0x1d5: {  	v42 =	vsub.f32 v53, v41;
	_ =	sdelay $0x1  }
0x1d6: {  	v42 =	vadd.f32 $9.999999710e-10, v42;
	_ =	sdelay $0x1  }
0x1d7: {  	(erf) = vrcp.f32 v42;
	_ =	sdelay $0x8  }
0x1d8: {  	v42 =	vpop (erf)  }
0x1d9: {  	v54 =	vld [tilespmem:$0x50C0];
	v41 =	vmul.f32 v42, v41;
	_ =	sdelay $0x1  }
0x1da: {  	vm8 =	veq.s32 v12, s3;
	vm6 =	vgt.f32 v41, $2.500000000e-01  }
0x1db: {  	vm0 =	vmor vm8, vm6  }
0x1dc: {  	vm0 =	vmand vm7, vm0  }
0x1dd: {  	v41 =	vsel vm0, $0xBF800000, v54  }
0x1de: {  	[tilespmem:$0x50C0] =	vst v41  }
0x1df: {  	v55 =	vld [tilespmem:s2+$0xD0]  }
0x1e0: {  	v56 =	vld [tilespmem:s17+$0x1400]  }
0x1e1: {  	v57 =	vld [tilespmem:s17+$0x2800]  }
0x1e2: {  	v58 =	vld [tilespmem:s17+$0x3C00];
	_ =	sdelay $0x4  }
0x1e3: {  	v59 =	vsub.f32 v57, v55;
	v47 =	vsub.f32 v58, v56;
	v44 =	vmin.f32 v57, v27  }
0x1e4: {  	v42 =	vmax.f32 v55, v25;
	v45 =	vmin.f32 v58, v26;
	v43 =	vmax.f32 v56, v24  }
0x1e5: {  	v42 =	vsub.f32 v44, v42;
	v43 =	vsub.f32 v45, v43  }
0x1e6: {  	v60 =	vmul.f32 v47, v59  }
0x1e7: {  	v42 =	vmax.f32 v42, $0.0e+00;
	v43 =	vmax.f32 v43, $0.0e+00  }
0x1e8: {  	v42 =	vmul.f32 v43, v42;
	v61 =	vadd.f32 v60, v28;
	_ =	sdelay $0x1  }
0x1e9: {  	v43 =	vsub.f32 v61, v42;
	_ =	sdelay $0x1  }
0x1ea: {  	v43 =	vadd.f32 $9.999999710e-10, v43;
	_ =	sdelay $0x1  }
0x1eb: {  	(erf) = vrcp.f32 v43;
	_ =	sdelay $0x8  }
0x1ec: {  	v43 =	vpop (erf)  }
0x1ed: {  	v62 =	vld [tilespmem:$0x50D0];
	v42 =	vmul.f32 v43, v42;
	_ =	sdelay $0x1  }
0x1ee: {  	vm10 =	veq.s32 v13, s3;
	vm9 =	vgt.f32 v42, $2.500000000e-01  }
0x1ef: {  	vm0 =	vmor vm10, vm9  }
0x1f0: {  	vm0 =	vmand vm7, vm0  }
0x1f1: {  	v42 =	vsel vm0, $0xBF800000, v62  }
0x1f2: {  	[tilespmem:$0x50D0] =	vst v42  }
0x1f3: {  	v63 =	vld [tilespmem:s2+$0xE0]  }
0x1f4: {  	v52 =	vld [tilespmem:s18+$0x1400]  }
0x1f5: {  	v53 =	vld [tilespmem:s18+$0x2800]  }
0x1f6: {  	v54 =	vld [tilespmem:s18+$0x3C00];
	_ =	sdelay $0x4  }
0x1f7: {  	v55 =	vsub.f32 v53, v63;
	v48 =	vsub.f32 v54, v52;
	v45 =	vmin.f32 v53, v27  }
0x1f8: {  	v43 =	vmax.f32 v63, v25;
	v46 =	vmin.f32 v54, v26;
	v44 =	vmax.f32 v52, v24  }
0x1f9: {  	v43 =	vsub.f32 v45, v43;
	v44 =	vsub.f32 v46, v44  }
0x1fa: {  	v56 =	vmul.f32 v48, v55  }
0x1fb: {  	v43 =	vmax.f32 v43, $0.0e+00;
	v44 =	vmax.f32 v44, $0.0e+00  }
0x1fc: {  	v43 =	vmul.f32 v44, v43;
	v57 =	vadd.f32 v56, v28;
	_ =	sdelay $0x1  }
0x1fd: {  	v44 =	vsub.f32 v57, v43;
	_ =	sdelay $0x1  }
0x1fe: {  	v44 =	vadd.f32 $9.999999710e-10, v44;
	_ =	sdelay $0x1  }
0x1ff: {  	(erf) = vrcp.f32 v44;
	_ =	sdelay $0x8  }
0x200: {  	v44 =	vpop (erf)  }
0x201: {  	v58 =	vld [tilespmem:$0x50E0];
	v43 =	vmul.f32 v44, v43;
	_ =	sdelay $0x1  }
0x202: {  	vm12 =	veq.s32 v14, s3;
	vm11 =	vgt.f32 v43, $2.500000000e-01  }
0x203: {  	vm0 =	vmor vm12, vm11  }
0x204: {  	vm0 =	vmand vm7, vm0  }
0x205: {  	v43 =	vsel vm0, $0xBF800000, v58  }
0x206: {  	[tilespmem:$0x50E0] =	vst v43  }
0x207: {  	v59 =	vld [tilespmem:s2+$0xF0]  }
0x208: {  	v60 =	vld [tilespmem:s19+$0x1400]  }
0x209: {  	v61 =	vld [tilespmem:s19+$0x2800]  }
0x20a: {  	v62 =	vld [tilespmem:s19+$0x3C00];
	_ =	sdelay $0x4  }
0x20b: {  	v63 =	vsub.f32 v61, v59;
	v49 =	vsub.f32 v62, v60;
	v46 =	vmin.f32 v61, v27  }
0x20c: {  	v44 =	vmax.f32 v59, v25;
	v47 =	vmin.f32 v62, v26;
	v45 =	vmax.f32 v60, v24  }
0x20d: {  	v44 =	vsub.f32 v46, v44;
	v45 =	vsub.f32 v47, v45  }
0x20e: {  	v50 =	vmul.f32 v49, v63  }
0x20f: {  	v44 =	vmax.f32 v44, $0.0e+00;
	v45 =	vmax.f32 v45, $0.0e+00  }
0x210: {  	v44 =	vmul.f32 v45, v44;
	v51 =	vadd.f32 v50, v28;
	_ =	sdelay $0x1  }
0x211: {  	v45 =	vsub.f32 v51, v44;
	_ =	sdelay $0x1  }
0x212: {  	v45 =	vadd.f32 $9.999999710e-10, v45;
	_ =	sdelay $0x1  }
0x213: {  	(erf) = vrcp.f32 v45;
	_ =	sdelay $0x8  }
0x214: {  	v45 =	vpop (erf)  }
0x215: {  	v52 =	vld [tilespmem:$0x50F0];
	v44 =	vmul.f32 v45, v44;
	_ =	sdelay $0x1  }
0x216: {  	vm14 =	veq.s32 v15, s3;
	vm13 =	vgt.f32 v44, $2.500000000e-01  }
0x217: {  	vm0 =	vmor vm14, vm13  }
0x218: {  	vm0 =	vmand vm7, vm0  }
0x219: {  	v44 =	vsel vm0, $0xBF800000, v52  }
0x21a: {  	[tilespmem:$0x50F0] =	vst v44  }
0x21b: {  	v53 =	vld [tilespmem:s20+$0x0]  }
0x21c: {  	v54 =	vld [tilespmem:s20+$0x1400]  }
0x21d: {  	v55 =	vld [tilespmem:s20+$0x2800]  }
0x21e: {  	v56 =	vld [tilespmem:s20+$0x3C00];
	_ =	sdelay $0x4  }
0x21f: {  	v57 =	vsub.f32 v55, v53;
	v50 =	vsub.f32 v56, v54;
	v47 =	vmin.f32 v55, v27  }
0x220: {  	v45 =	vmax.f32 v53, v25;
	v48 =	vmin.f32 v56, v26;
	v46 =	vmax.f32 v54, v24  }
0x221: {  	v45 =	vsub.f32 v47, v45;
	v46 =	vsub.f32 v48, v46  }
0x222: {  	v58 =	vmul.f32 v50, v57  }
0x223: {  	v45 =	vmax.f32 v45, $0.0e+00;
	v46 =	vmax.f32 v46, $0.0e+00  }
0x224: {  	v45 =	vmul.f32 v46, v45;
	v59 =	vadd.f32 v58, v28;
	_ =	sdelay $0x1  }
0x225: {  	v46 =	vsub.f32 v59, v45;
	_ =	sdelay $0x1  }
0x226: {  	v46 =	vadd.f32 $9.999999710e-10, v46;
	_ =	sdelay $0x1  }
0x227: {  	(erf) = vrcp.f32 v46;
	_ =	sdelay $0x8  }
0x228: {  	v46 =	vpop (erf)  }
0x229: {  	v60 =	vld [tilespmem:$0x5100];
	v45 =	vmul.f32 v46, v45;
	_ =	sdelay $0x1  }
0x22a: {  	vm4 =	veq.s32 v16, s3;
	vm15 =	vgt.f32 v45, $2.500000000e-01  }
0x22b: {  	vm0 =	vmor vm4, vm15  }
0x22c: {  	vm0 =	vmand vm7, vm0  }
0x22d: {  	v45 =	vsel vm0, $0xBF800000, v60  }
0x22e: {  	[tilespmem:$0x5100] =	vst v45  }
0x22f: {  	v61 =	vld [tilespmem:s2+$0x110]  }
0x230: {  	v62 =	vld [tilespmem:s22+$0x1400]  }
0x231: {  	v63 =	vld [tilespmem:s22+$0x2800]  }
0x232: {  	v54 =	vld [tilespmem:s22+$0x3C00];
	_ =	sdelay $0x4  }
0x233: {  	v55 =	vsub.f32 v63, v61;
	v51 =	vsub.f32 v54, v62;
	v48 =	vmin.f32 v63, v27  }
0x234: {  	v46 =	vmax.f32 v61, v25;
	v49 =	vmin.f32 v54, v26;
	v47 =	vmax.f32 v62, v24  }
0x235: {  	v46 =	vsub.f32 v48, v46;
	v47 =	vsub.f32 v49, v47  }
0x236: {  	v56 =	vmul.f32 v51, v55  }
0x237: {  	v46 =	vmax.f32 v46, $0.0e+00;
	v47 =	vmax.f32 v47, $0.0e+00  }
0x238: {  	v46 =	vmul.f32 v47, v46;
	v57 =	vadd.f32 v56, v28;
	_ =	sdelay $0x1  }
0x239: {  	v47 =	vsub.f32 v57, v46;
	_ =	sdelay $0x1  }
0x23a: {  	v47 =	vadd.f32 $9.999999710e-10, v47;
	_ =	sdelay $0x1  }
0x23b: {  	(erf) = vrcp.f32 v47;
	_ =	sdelay $0x8  }
0x23c: {  	v47 =	vpop (erf)  }
0x23d: {  	v58 =	vld [tilespmem:$0x5110];
	v46 =	vmul.f32 v47, v46;
	_ =	sdelay $0x1  }
0x23e: {  	vm6 =	veq.s32 v17, s3;
	vm5 =	vgt.f32 v46, $2.500000000e-01  }
0x23f: {  	vm0 =	vmor vm6, vm5  }
0x240: {  	vm0 =	vmand vm7, vm0  }
0x241: {  	v46 =	vsel vm0, $0xBF800000, v58  }
0x242: {  	[tilespmem:$0x5110] =	vst v46  }
0x243: {  	v59 =	vld [tilespmem:s2+$0x120]  }
0x244: {  	v60 =	vld [tilespmem:s23+$0x1400]  }
0x245: {  	v61 =	vld [tilespmem:s23+$0x2800]  }
0x246: {  	v62 =	vld [tilespmem:s23+$0x3C00];
	_ =	sdelay $0x4  }
0x247: {  	v63 =	vsub.f32 v61, v59;
	v52 =	vsub.f32 v62, v60;
	v49 =	vmin.f32 v61, v27  }
0x248: {  	v47 =	vmax.f32 v59, v25;
	v50 =	vmin.f32 v62, v26;
	v48 =	vmax.f32 v60, v24  }
0x249: {  	v47 =	vsub.f32 v49, v47;
	v48 =	vsub.f32 v50, v48  }
0x24a: {  	v52 =	vmul.f32 v52, v63  }
0x24b: {  	v47 =	vmax.f32 v47, $0.0e+00;
	v48 =	vmax.f32 v48, $0.0e+00  }
0x24c: {  	v47 =	vmul.f32 v48, v47;
	v53 =	vadd.f32 v52, v28;
	_ =	sdelay $0x1  }
0x24d: {  	v48 =	vsub.f32 v53, v47;
	_ =	sdelay $0x1  }
0x24e: {  	v48 =	vadd.f32 $9.999999710e-10, v48;
	_ =	sdelay $0x1  }
0x24f: {  	(erf) = vrcp.f32 v48;
	_ =	sdelay $0x8  }
0x250: {  	v48 =	vpop (erf)  }
0x251: {  	v54 =	vld [tilespmem:$0x5120];
	v47 =	vmul.f32 v48, v47  }
0x252: {  	vm8 =	vgt.f32 v29, $-3.000000000e+00  }
0x253: {  	vm2 =	veq.s32 v18, s3;
	v29 =	vnsel vm8, $0xC0400000, v29;
	vm9 =	vgt.f32 v47, $2.500000000e-01  }
0x254: {  	vm11 =	vgt.f32 v30, v29;
	vm10 =	vmor vm2, vm9  }
0x255: {  	v29 =	vsel vm11, v30, v29;
	vm0 =	vmand vm7, vm10  }
0x256: {  	vm12 =	vgt.f32 v31, v29;
	v30 =	vsel vm0, $0xBF800000, v54  }
0x257: {  	v29 =	vsel vm12, v31, v29;
	v55 =	vimm.s32 $0x0;
	[tilespmem:$0x5120] =	vst v30  }
0x258: {  	v56 =	vimm.s32 $0x0;
	v47 =	vsel vm11, $0xFFFFFFFF, v55;
	vm0 =	vgt.f32 v32, v29;
	v57 =	vld [tilespmem:s2+$0x130]  }
0x259: {  	v58 =	vimm.s32 $0x0;
	[tilespmem:$0x1FF70] =	vst v47;
	v47 =	vsel vm12, $0xFFFFFFFF, v56;
	v29 =	vsel vm0, v32, v29;
	v59 =	vld [tilespmem:s25+$0x2800]  }
0x25a: {  	[tilespmem:$0x1FF80] =	vst v47;
	v47 =	vsel vm0, $0xFFFFFFFF, v58;
	v60 =	vld [tilespmem:s25+$0x3C00];
	vm0 =	vgt.f32 v33, v29  }
0x25b: {  	v62 =	vld [tilespmem:s25+$0x1400];
	v29 =	vsel vm0, v33, v29  }
0x25c: {  	vm9 =	vgt.f32 v34, v29  }
0x25d: {  	v29 =	vsel vm9, v34, v29  }
0x25e: {  	v61 =	vimm.s32 $0x0;
	vm10 =	vgt.f32 v35, v29  }
0x25f: {  	v27 =	vmin.f32 v59, v27;
	v63 =	vsub.f32 v59, v57;
	v25 =	vmax.f32 v57, v25  }
0x260: {  	v26 =	vmin.f32 v60, v26;
	v34 =	vsub.f32 v60, v62;
	v24 =	vmax.f32 v62, v24  }
0x261: {  	v29 =	vsel vm10, v35, v29;
	v25 =	vsub.f32 v27, v25;
	v24 =	vsub.f32 v26, v24  }
0x262: {  	[tilespmem:$0x1FF90] =	vst v47;
	v48 =	vsel vm0, $0xFFFFFFFF, v61;
	vm11 =	vgt.f32 v36, v29;
	v47 =	vmul.f32 v34, v63  }
0x263: {  	[tilespmem:$0x1FFA0] =	vst v48;
	v48 =	vsel vm11, v36, v29;
	v25 =	vmax.f32 v25, $0.0e+00;
	v24 =	vmax.f32 v24, $0.0e+00  }
0x264: {  	vm12 =	vgt.f32 v37, v48;
	v24 =	vmul.f32 v24, v25;
	v49 =	vadd.f32 v47, v28  }
0x265: {  	v50 =	vsel vm12, v37, v48  }
0x266: {  	vm13 =	vgt.f32 v38, v50;
	v25 =	vsub.f32 v49, v24  }
0x267: {  	v26 =	vsel vm13, v38, v50  }
0x268: {  	vm14 =	vgt.f32 v39, v26;
	v25 =	vadd.f32 $9.999999710e-10, v25  }
0x269: {  	v26 =	vsel vm14, v39, v26  }
0x26a: {  	vm15 =	vgt.f32 v40, v26;
	(erf) = vrcp.f32 v25  }
0x26b: {  	v51 =	vsel vm15, v40, v26  }
0x26c: {  	vm6 =	vgt.f32 v41, v51  }
0x26d: {  	v25 =	vsel vm6, v41, v51  }
0x26e: {  	vm5 =	vgt.f32 v42, v25  }
0x26f: {  	v25 =	vsel vm5, v42, v25  }
0x270: {  	vm4 =	vgt.f32 v43, v25  }
0x271: {  	v25 =	vsel vm4, v43, v25  }
0x272: {  	vm3 =	vgt.f32 v44, v25  }
0x273: {  	v25 =	vsel vm3, v44, v25;
	v52 =	vpop (erf)  }
0x274: {  	v53 =	vld [tilespmem:$0x5130];
	vm2 =	vgt.f32 v45, v25;
	v24 =	vmul.f32 v52, v24  }
0x275: {  	v25 =	vsel vm2, v45, v25  }
0x276: {  	vm8 =	veq.s32 v19, s3;
	vm1 =	vgt.f32 v46, v25;
	vm0 =	vgt.f32 v24, $2.500000000e-01  }
0x277: {  	v54 =	vsel vm1, v46, v25;
	vm0 =	vmor vm8, vm0  }
0x278: {  	vm0 =	vmand vm7, vm0;
	vm7 =	vgt.f32 v30, v54  }
0x279: {  	v55 =	vsel vm0, $0xBF800000, v53;
	v24 =	vsel vm7, v30, v54  }
0x27a: {  	vm0 =	vgt.f32 v55, v24  }
0x27b: {  	v24 =	vsel vm0, v55, v24  }
0x27c: {  	vm8 =	vge.f32 v24, $0.0e+00  }
0x27d: {  	v57 =	vld [tilespmem:$0x1FF70];
	v24 =	vnsel vm8, $0xFFFFFFFF, v24  }
0x27e: {  	v58 =	vld [tilespmem:$0x1FF80];
	v56 =	vxor.u32 $0x80000000, v24  }
0x27f: {  	v59 =	vld [tilespmem:$0x1FF90];
	(xrf0) =	vmax.scan.msk.u32 $0xffff, v56  }
0x280: {  	v61 =	vld [tilespmem:$0x1FFA0];
	_ =	sdelay $0x1  }
0x281: {  	vm8 =	vnez.u8 v57  }
0x282: {  	v26 =	vsel vm8, $0x10, v23;
	vm8 =	vnez.u8 v58  }
0x283: {  	v26 =	vsel vm8, $0x20, v26;
	vm8 =	vnez.u8 v59  }
0x284: {  	v26 =	vsel vm8, $0x30, v26;
	vm8 =	vnez.u8 v61;
	v60, _, _ =	vpop (xrf0)  }
0x285: {  	v26 =	vsel vm8, $0x40, v26;
	(v2sf) =	vpush v60, $0xF  }
0x286: {  	v26 =	vsel vm9, $0x50, v26  }
0x287: {  	v26 =	vsel vm10, $0x60, v26  }
0x288: {  	v26 =	vsel vm11, $0x70, v26  }
0x289: {  	v26 =	vsel vm12, $0x80, v26  }
0x28a: {  	v26 =	vsel vm13, $0x90, v26  }
0x28b: {  	v26 =	vsel vm14, $0xA0, v26  }
0x28c: {  	v26 =	vsel vm15, $0xB0, v26  }
0x28d: {  	v26 =	vsel vm6, $0xC0, v26  }
0x28e: {  	v26 =	vsel vm5, $0xD0, v26  }
0x28f: {  	v26 =	vsel vm4, $0xE0, v26  }
0x290: {  	v26 =	vsel vm3, $0xF0, v26  }
0x291: {  	v26 =	vsel vm2, $0x100, v26  }
0x292: {  	v26 =	vsel vm1, $0x110, v26  }
0x293: {  	v26 =	vsel vm7, $0x120, v26  }
0x294: {  	v26 =	vsel vm0, $0x130, v26;
	s21 =	spop (v2sf)  }
0x295: {  	v26 =	vadd.s32 v26, v0;
	s3 =	sxor.u32 $0x80000000, s21  }
0x296: {  	v62 =	vxor.u32 $0x80000000, v26;
	vm13 =	veq.s32 v24, s3  }
0x297: {  	v24 =	vnsel vm13, $0x80001400, v62  }
0x298: {  	(xrf0) =	vmin.scan.msk.u32 $0xffff, v24;
	_ =	sdelay $0x5  }
0x299: {  	v24, _, _ =	vpop (xrf0)  }
0x29a: {  	(v2sf) =	vpush v24, $0xF;
	_ =	sdelay $0xe  }
0x29b: {  	s24 =	sshll.u32 s0, $0xB;
	vm14 =	vcmask $0x300;
	v63 =	vmov s3;
	s21 =	spop (v2sf)  }
0x29c: {  	vm15 =	vcmask $0x704;
	s3 =	sand.u32 $0x800, s24;
	s24 =	rddreg [dreg:$0x2];
	v24 =	vnsel vm14, $0x0, v63;
	s21 =	sxor.u32 $0x80000000, s21  }
0x29d: {  	[tilespmem:$0x5130] =	vst v55;
	s3 =	sadd.s32 s3, s24;
	v24 =	vsel vm15, s21, v24  }
0x29e: {  	s24 =	simm.s32 $0x5300;
	s21 =	sadd.s32 s4, s3;
	[tilespmem:$0x5300] =	vst v24  }
0x29f: {  	[spmem:s21] =	stream.linear.scatter [tilespmem:s24], [sflag:$0x5], $0x80, $0x38;
	[tilespmem:$0x63A0] =	vst v63  }
0x2a0: {  	_ =	swait.ge [sflag:s1], $0x80  }
0x2a1: {  	[sflag:s1] =	ssyncset.done $0x0  }
0x2a2: {  	[sflag:s1] =	ssyncadd.s32 $0xFFFFFF80  }
0x2a3: {  	[sflag:s28] =	ssyncset.done $0x0  }
0x2a4: {  	[smem:s30], [sflag:$0x3] =	smem.add.s32 $0x1  }
0x2a5: {  	_ =	swait.done [sflag:s28]  }
0x2a6: {  	s24 =	sshll.u32 s0, $0x4;
	[sflag:s28] =	ssyncset.s32 $0x0  }
0x2a7: {  	s21 =	sadd.s32 $0x20, s24;
	[sflag:s28] =	ssyncset.done $0x0  }
.LBB2_7:
0x2a8: {  	[sflag:s31] =	ssyncset.done $0x0  }
0x2a9: {  	[smem:s30], [sflag:$0x4] =	smem.add.s32 $0x0  }
0x2aa: {  	_ =	swait.done [sflag:s31]  }
0x2ab: {  	s24 =	ssyncread [sflag:$0x4];
	_ =	sdelay $0x2  }
0x2ac: {  	p1 =	slt.s32 s24, s21  }
.Ltmp3:
0x2ad: {  	_ = 	snop;
	(pc) =	sbr.rel @p1 .LBB2_7-.Ltmp3, $3  }
0x2ae: {  	_ =	sdelay $0x1  }
0x2af: {  	[sflag:s31] =	ssyncset.s32 $0x0  }
0x2b0: {  	[sflag:s31] =	ssyncset.done $0x0  }
0x2b1: {  	s21 =	sshrl.u32 s24, $0x1F  }
0x2b2: {  	s21 =	sadd.s32 s21, s24  }
0x2b3: {  	s21 =	sand.u32 $0xFFFFFFFE, s21  }
0x2b4: {  	s21 =	ssub.s32 s24, s21  }
0x2b5: {  	s24 =	sshll.u32 s21, $0xD  }
0x2b6: {  	s21 =	sshll.u32 s21, $0xB;
	s24 =	sshra.s32 s24, $0x2  }
0x2b7: {  	v24 =	vor.u32 s21, v20;
	s24 =	sadd.s32 $0x5380, s24  }
0x2b8: {  	[tilespmem:s24], [sflag:$0x5] =	stream.linear.gather [spmem:s3], $0x800, $0x38;
	[tilespmem:$0x63A0] =	vst v63  }
0x2b9: {  	_ =	swait.ge [sflag:s1], $0x800  }
0x2ba: {  	[sflag:s1] =	ssyncset.done $0x0  }
0x2bb: {  	[sflag:s1] =	ssyncadd.s32 $0xFFFFF800  }
0x2bc: {  	v24 =	vld.idx.msk [tilespmem:v24+s29+$0x0], $0xffff;
	_ =	sdelay $0x4  }
0x2bd: {  	v25 =	vxor.u32 $0x80000000, v24  }
0x2be: {  	(xrf0) =	vmax.scan.msk.u32 $0xffff, v25;
	_ =	sdelay $0x5  }
0x2bf: {  	v25, _, _ =	vpop (xrf0)  }
0x2c0: {  	(v2sf) =	vpush v25, $0xF;
	_ =	sdelay $0x6  }
0x2c1: {  	v62 =	vor.u32 s21, v21;
	_ =	sdelay $0x4  }
0x2c2: {  	v25 =	vld.idx.msk [tilespmem:v62+s29+$0x0], $0xffff;
	_ =	sdelay $0x2  }
0x2c3: {  	s24 =	spop (v2sf)  }
0x2c4: {  	s21 =	sxor.u32 $0x80000000, s24  }
0x2c5: {  	v63 =	vxor.u32 $0x80000000, v25;
	vm0 =	veq.s32 v24, s21  }
0x2c6: {  	v24 =	vnsel vm0, $0x80001400, v63  }
0x2c7: {  	(xrf0) =	vmin.scan.msk.u32 $0xffff, v24;
	_ =	sdelay $0x5  }
0x2c8: {  	v24, _, _ =	vpop (xrf0)  }
0x2c9: {  	(v2sf) =	vpush v24, $0xF;
	_ =	sdelay $0x8  }
0x2ca: {  	s0 =	sadd.s32 $0x1, s0  }
0x2cb: {  	p1 =	sne.s32 s0, $0x1A0  }
.Ltmp4:
0x2cc: {  	_ = 	snop;
	(pc) =	sbr.rel @p1 .LBB2_6-.Ltmp4, $2  }
0x2cd: {  	_ =	sdelay $0x2  }
0x2ce: {  	s3 =	spop (v2sf)  }
0x2cf: {  	s0 =	simm.s32 $0x0  }
0x2d0: {  	s1 =	simm.s32 $0x5000;
	s2 =	rddreg [dreg:$0x6];
	s30 =	simm.s32 $0x3  }
0x2d1: {  	[hbm4b:s2+s0] =	stream.linear.scatter [tilespmem:s1], [sflag:$0x3], $0x140, $0x38;
	[tilespmem:$0x63A0] =	vst v63  }
0x2d2: {  	_ =	swait.ge [sflag:s30], $0x140  }
0x2d3: {  	[sflag:s30] =	ssyncset.done $0x0  }
0x2d4: {  	s31 =	simm.s32 $0x5180;
	s3 =	rddreg [dreg:$0x5];
	[sflag:s30] =	ssyncadd.s32 $0xFFFFFEC0  }
0x2d5: {  	[hbm4b:s3+s0] =	stream.linear.scatter [tilespmem:s31], [sflag:$0x3], $0x140, $0x38;
	[tilespmem:$0x63A0] =	vst v63  }
0x2d6: {  	_ =	swait.ge [sflag:s30], $0x140  }
0x2d7: {  	[sflag:s30] =	ssyncset.done $0x0  }
0x2d8: {  	v0 =	vmov s21;
	[sflag:s30] =	ssyncadd.s32 $0xFFFFFEC0  }
0x2d9: {  	s1 =	simm.s32 @!p0 $0x5300;
	s0 =	simm.s32 @!p0 $0x0;
	s2 =	rddreg [dreg:$0x4];
	[tilespmem:$0x5300] =	vst @!p0 v0  }
0x2da: {  	[hbm4b:s2+s0] =	stream.linear.scatter @!p0 [tilespmem:s1], [sflag:$0x3], $0x80, $0x38;
	[tilespmem:$0x63A0] =	vst v63  }
0x2db: {  	s0 =	simm.s32 @!p0 $0x3  }
0x2dc: {  	_ =	swait.ge @!p0 [sflag:s0], $0x80  }
0x2dd: {  	[sflag:s0] =	ssyncset.done @!p0 $0x0  }
0x2de: {  	[sflag:s0] =	ssyncadd.s32 @!p0 $0xFFFFFF80  }
0x2df: {  	s5 =	rddreg [dreg:$0x3]  }
.LBB2_10:
0x2e0: {  	_ =	sfence.sel $0x180000  }
0x2e1: {  	[bflag:$0x0] =	sbarrier.arrive $0xFFFF  }
0x2e2: {  	_ =	strace $0x9000004A  }
0x2e3: {  	s0 =	sadd.s32 @!p0 $0x100000, s5;
	[bflag:$0x2] =	sbarrier.arrive $0xFFFF  }
0x2e4: {  	[sflag:s0] =	ssyncadd.tile.s32 @!p0 $0x1;
	_ =	shalt  }
.Lfunc_end2:
_tile_overlayer_lowered:
.L_overlay_start_2:
0x2e5: {  	(tag) =	ssettag $0x2  }
0x2e6: {  	s0 =	rddreg [dreg:$0x0];
	s2 =	stileid.u32  }
0x2e7: {  	s1 =	rddreg [dreg:$0x1];
	p0 =	sne.s32 s2, $0x0  }
0x2e8: {  	s3 =	rddreg [dreg:$0x2];
	[bflag:$0x3] =	sbarrier.arrive $0xFFFF;
	s2 =	simm.s32 @!p0 $0x1C01  }
0x2e9: {  	[timem:s3], [sflag:s2] =	dma.local @!p0 [hbm:s0], s1  }
0x2ea: {  	s0 =	simm.s32 @!p0 $0x1  }
0x2eb: {  	_ =	swait.ge @!p0 [sflag:s0], s1  }
0x2ec: {  	s1 =	ssub.s32 @!p0 $0x0, s1;
	[sflag:s0] =	ssyncset.done @!p0 $0x0  }
0x2ed: {  	[sflag:s0] =	ssyncadd.s32 @!p0 s1  }
0x2ee: {  	[bflag:$0x3] =	sbarrier.arrive $0xFFFF  }
0x2ef: {  	_ =	shalt  }

</sc_bundles>
